<compile_context>
chip_gen: v7x
topology: tpu7x:2x2x1
jax: 0.10.2.dev20260603
libtpu: 0.0.44.dev20260713+nightly
codegen_flags: <defaults>
</compile_context>

<pallas_src>
import jax
import jax.numpy as jnp
from jax import lax
from jax.experimental import pallas as pl
from jax.experimental.pallas import tpu as pltpu
from jax.experimental.pallas import tpu_sc as plsc

NIN = 50000
NOUT = 100000
HID = 128

L = 16
NC = 2
NS = 16
NW = NC * NS

G_TOTAL = NOUT // L
RANKS = 16
RG_BASE = 195
RG_EXTRA = 10
SC_SPAN = 8 * (RG_BASE + 1) * L
HALF_G = 98
HALF_ROWS = HALF_G * L
BLK = 64
EG = 128
LIST_PAD = HALF_ROWS + BLK
GIDX_PAD = HALF_ROWS + EG

N_VECS = NIN // L
SV_BASE = 195
SV_EXTRA = 5

UZ_START = RANKS * RG_BASE + RG_EXTRA
UZ_BASE = 97
UZ_EXTRA = 16

NB = 4
SEG = HALF_ROWS
SPM_RAW = NS * SC_SPAN
SPM_TOTAL = SPM_RAW + SC_SPAN


def _rank_base_g(r):
  return r * RG_BASE + jnp.minimum(r, RG_EXTRA)


def _body(feat_hbm, flat_hbm, out_hbm,
          dst_sl, win_big, win_v, vidx_v, gidx_v, gval_v, zidx_v,
          zrow_v, gbuf_v, spm,
          usem, srcsem, psem, zsem, gsem, ssem):
  cid = lax.axis_index("c")
  sid = lax.axis_index("s")

  iota = lax.iota(jnp.int32, L)
  zeros_f = jnp.zeros((L,), jnp.float32)
  neg1 = jnp.full((L,), -1, jnp.int32)
  zeros_i = jnp.zeros((L,), jnp.int32)

  def zb_body(r, carry):
    for c in range(HID // L):
      zrow_v[r, pl.ds(c * L, L)] = zeros_f
    return carry
  lax.fori_loop(0, BLK, zb_body, 0)

  uk = cid * NS + sid
  ubase_g = UZ_START + uk * UZ_BASE + jnp.minimum(uk, UZ_EXTRA)
  un_g = UZ_BASE + jnp.where(uk < UZ_EXTRA, 1, 0)

  un_rows = un_g * L
  ub_big = un_rows // BLK
  ub_rem = (un_rows - ub_big * BLK) // L

  def uz_body(k, carry):
    rb = ubase_g * L + k * BLK
    pltpu.async_copy(zrow_v, out_hbm.at[pl.ds(rb, BLK), :], usem)
    return carry
  lax.fori_loop(0, ub_big, uz_body, 0)

  def uz_rem(k, carry):
    rb = ubase_g * L + ub_big * BLK + k * L
    pltpu.async_copy(zrow_v.at[pl.ds(0, L), :],
                     out_hbm.at[pl.ds(rb, L), :], usem)
    return carry
  lax.fori_loop(0, ub_rem, uz_rem, 0)

  def init_gidx(v, carry):
    gidx_v[pl.ds(v * L, L)] = zeros_i
    return carry
  lax.fori_loop(0, GIDX_PAD // L, init_gidx, 0)

  def init_win(v, carry):
    for u in range(8):
      win_big[pl.ds((v * 8 + u) * L, L)] = neg1
    return carry
  lax.fori_loop(0, SC_SPAN // (8 * L), init_win, 0)

  vstart = sid * SV_BASE + jnp.minimum(sid, SV_EXTRA)
  vcount = SV_BASE + jnp.where(sid < SV_EXTRA, 1, 0)
  coff = jnp.minimum(vstart * L, NIN - SV_BASE * L - L)
  delta = vstart * L - coff
  pltpu.sync_copy(flat_hbm.at[pl.ds(NIN + coff, (SV_BASE + 1) * L)], dst_sl)

  sc_base = cid * SC_SPAN

  def scan_one(v):
    d = dst_sl[pl.ds(delta + v * L, L)]
    inr = (d >= sc_base) & (d < sc_base + SC_SPAN)
    _, last = plsc.scan_count(d, mask=inr)
    m = last & inr
    loc = jnp.where(m, d - sc_base, 0)
    ivec = (vstart + v) * L + iota
    plsc.store_scatter(win_big, [loc], ivec, mask=m)

  def scan_body(v, carry):
    for u in range(4):
      scan_one(4 * v + u)
    return carry
  lax.fori_loop(0, vcount // 4, scan_body, 0)

  def scan_tail(v, carry):
    scan_one(v)
    return carry
  lax.fori_loop((vcount // 4) * 4, vcount, scan_tail, 0)

  pltpu.sync_copy(win_big, spm.at[pl.ds(sid * SC_SPAN, SC_SPAN)])
  plsc.subcore_barrier()

  for s in range(NS):
    pltpu.async_copy(
        spm.at[pl.ds(s * SC_SPAN + sid * SEG, SEG)],
        win_big.at[pl.ds(s * SEG, SEG)], psem)
  for s in range(NS):
    pltpu.make_async_copy(
        spm.at[pl.ds(sid * SEG, SEG)],
        win_big.at[pl.ds(0, SEG)], psem).wait()

  def merge_vec(v, carry):
    acc = win_big[pl.ds(v * L, L)]
    for s in range(1, NS):
      ws = win_big[pl.ds(s * SEG + v * L, L)]
      acc = jnp.where(ws >= 0, ws, acc)
    dst_sl[pl.ds(v * L, L)] = acc
    return carry
  lax.fori_loop(0, SEG // L, merge_vec, 0)

  pltpu.sync_copy(dst_sl.at[pl.ds(0, SEG)],
                  spm.at[pl.ds(SPM_RAW + sid * SEG, SEG)])
  plsc.subcore_barrier()

  rank = cid * 8 + jnp.where(sid < 8, sid, sid - 8)
  rbase_g = _rank_base_g(rank)
  rn_g = RG_BASE + jnp.where(rank < RG_EXTRA, 1, 0)
  h = rn_g // 2
  is_owner = sid < 8
  my_g0 = jnp.where(is_owner, 0, h)
  ng_me = jnp.where(is_owner, h, rn_g - h)
  my_base_row = (rbase_g + my_g0) * L
  span_off = rbase_g * L - sc_base + my_g0 * L

  pltpu.sync_copy(spm.at[pl.ds(SPM_RAW + span_off, HALF_ROWS)], win_v)

  def compact_body(g, carry):
    nvo, nzo = carry
    w16 = win_v[pl.ds(g * L, L)]
    valid = w16 >= 0
    oid = my_base_row + g * L + iota
    cs_v = plsc.cumsum(jnp.where(valid, 1, 0))
    cs_z = (iota + 1) - cs_v
    pv = jnp.max(cs_v)
    plsc.store_scatter(vidx_v, [nvo + cs_v - 1], oid, mask=valid)
    plsc.store_scatter(gidx_v, [nvo + cs_v - 1], w16, mask=valid)
    plsc.store_scatter(zidx_v, [nzo + cs_z - 1], oid,
                       mask=jnp.logical_not(valid))
    return nvo + pv, nzo + (L - pv)
  nvo, nzo = lax.fori_loop(0, ng_me, compact_body, (0, 0))

  for j in range(BLK // L):
    plsc.store_scatter(vidx_v, [nvo + j * L + iota],
                       plsc.load_gather(vidx_v, [zeros_i]))
    plsc.store_scatter(gidx_v, [nvo + j * L + iota],
                       plsc.load_gather(gidx_v, [zeros_i]))
    plsc.store_scatter(zidx_v, [nzo + j * L + iota],
                       plsc.load_gather(zidx_v, [zeros_i]))

  nvg = (nvo + BLK - 1) // BLK
  mg = (nvg * BLK + EG - 1) // EG

  def eg_fire(m, carry):
    pltpu.async_copy(flat_hbm.at[gidx_v.at[pl.ds(m * EG, EG)]],
                     gval_v.at[pl.ds(m * EG, EG)], srcsem)
    return carry
  lax.fori_loop(0, mg, eg_fire, 0)

  def eg_drain(m, carry):
    pltpu.make_async_copy(flat_hbm.at[pl.ds(0, EG)],
                          gval_v.at[pl.ds(0, EG)], srcsem).wait()
    return carry
  lax.fori_loop(0, mg, eg_drain, 0)

  nzb = (nzo + L - 1) // L

  def zfire(k, carry):
    zI = zidx_v[pl.ds(k * L, L)]
    pltpu.async_copy(zrow_v.at[pl.ds(0, L), :], out_hbm.at[zI], zsem)
    return carry
  lax.fori_loop(0, nzb, zfire, 0)

  full = nvg // NB

  def blk_body(blk, carry):
    for b in range(NB):
      @pl.when(blk > 0)
      def _():
        for j in range(BLK // L):
          pltpu.make_async_copy(
              gbuf_v.at[b, pl.ds(0, L), :], out_hbm.at[pl.ds(0, L), :],
              ssem[b]).wait()
      k = blk * NB + b
      pltpu.async_copy(
          feat_hbm.at[gval_v.at[pl.ds(k * BLK, BLK)]], gbuf_v.at[b],
          gsem[b])
    for b in range(NB):
      pltpu.make_async_copy(
          feat_hbm.at[pl.ds(0, BLK), :], gbuf_v.at[b], gsem[b]).wait()
      k = blk * NB + b
      for j in range(BLK // L):
        oI = vidx_v[pl.ds(k * BLK + j * L, L)]
        pltpu.async_copy(gbuf_v.at[b, pl.ds(j * L, L), :],
                         out_hbm.at[oI], ssem[b])
    return carry
  lax.fori_loop(0, full, blk_body, 0)

  for b in range(NB):
    @pl.when(full > 0)
    def _():
      for j in range(BLK // L):
        pltpu.make_async_copy(
            gbuf_v.at[b, pl.ds(0, L), :], out_hbm.at[pl.ds(0, L), :],
            ssem[b]).wait()

  def tail_body(k, carry):
    pltpu.async_copy(
        feat_hbm.at[gval_v.at[pl.ds(k * BLK, BLK)]], gbuf_v.at[0],
        gsem[0]).wait()
    for j in range(BLK // L):
      oI = vidx_v[pl.ds(k * BLK + j * L, L)]
      pltpu.async_copy(gbuf_v.at[0, pl.ds(j * L, L), :],
                       out_hbm.at[oI], ssem[0])
    for j in range(BLK // L):
      pltpu.make_async_copy(
          gbuf_v.at[0, pl.ds(0, L), :], out_hbm.at[pl.ds(0, L), :],
          ssem[0]).wait()
    return carry
  lax.fori_loop(full * NB, nvg, tail_body, 0)

  def zdrain(k, carry):
    pltpu.make_async_copy(
        out_hbm.at[pl.ds(0, L), :], gbuf_v.at[0, pl.ds(0, L), :],
        zsem).wait()
    return carry
  lax.fori_loop(0, nzb, zdrain, 0)

  def udrain(k, carry):
    pltpu.make_async_copy(
        out_hbm.at[pl.ds(0, BLK), :], gbuf_v.at[0], usem).wait()
    return carry
  lax.fori_loop(0, ub_big, udrain, 0)

  def udrain_rem(k, carry):
    pltpu.make_async_copy(
        out_hbm.at[pl.ds(0, L), :], gbuf_v.at[0, pl.ds(0, L), :],
        usem).wait()
    return carry
  lax.fori_loop(0, ub_rem, udrain_rem, 0)


@jax.jit
def kernel(feat, idxs):
  flat = idxs.reshape(-1)
  mesh = plsc.VectorSubcoreMesh(core_axis_name="c", subcore_axis_name="s")
  run = pl.kernel(
      _body,
      out_type=jax.ShapeDtypeStruct((NOUT, HID), jnp.float32),
      mesh=mesh,
      compiler_params=pltpu.CompilerParams(needs_layout_passes=False),
      scratch_types=[
          pltpu.VMEM(((SV_BASE + 1) * L,), jnp.int32),
          pltpu.VMEM((NS * SEG,), jnp.int32),
          pltpu.VMEM((HALF_ROWS,), jnp.int32),
          pltpu.VMEM((LIST_PAD,), jnp.int32),
          pltpu.VMEM((GIDX_PAD,), jnp.int32),
          pltpu.VMEM((GIDX_PAD,), jnp.int32),
          pltpu.VMEM((LIST_PAD,), jnp.int32),
          pltpu.VMEM((BLK, HID), jnp.float32),
          pltpu.VMEM((NB, BLK, HID), jnp.float32),
          pltpu.VMEM_SHARED((SPM_TOTAL,), jnp.int32),
          pltpu.SemaphoreType.DMA,
          pltpu.SemaphoreType.DMA,
          pltpu.SemaphoreType.DMA,
          pltpu.SemaphoreType.DMA,
          [pltpu.SemaphoreType.DMA] * NB,
          [pltpu.SemaphoreType.DMA] * NB,
      ],
  )
  return run(feat, flat)

# --- scband reference (transcript-rebuilt; emitter-appended) ---
"""Pipeline reference for scband-ioarch-37460704755890 (READ-ONLY COPY).

The authoritative reference and input builder live on the scoring server;
editing this copy changes nothing except your own understanding.
"""

import jax, jax.numpy as jnp
import numpy as np

NIN = 50000
NOUT = 100000
HID = 128

def setup_inputs(seed: int = 0) -> dict:
    key = jax.random.key(seed)
    k1, k2, k3 = jax.random.split(key, 3)
    feat = jax.random.normal(k1, (NIN, HID), dtype=jnp.float32)
    src = jax.random.randint(k2, (NIN,), 0, NIN, dtype=jnp.int32)
    dst = jax.random.randint(k3, (NIN,), 0, NIN, dtype=jnp.int32)
    idxs = jnp.stack([src, dst], axis=0)
    return {"feat": feat, "idxs": idxs}

def reference(feat, idxs):
    # arch_X has n_layers == 0, so Z = feat (identity).
    Z = feat
    # method == 'common': scatter-overwrite Zy[idxs[1], :] = Z[idxs[0], :]
    Zy = jnp.zeros((NOUT, Z.shape[1]), dtype=Z.dtype)
    Zy = Zy.at[idxs[1], :].set(Z[idxs[0], :])
    # arch_Y treated as identity passthrough on graph2.
    return Zy

if __name__ == "__main__":
    import jax
    _d = setup_inputs()
    print(jax.jit(kernel)(*tuple(_d.values())))

</pallas_src>

<mosaic_0001>
#map = affine_map<(d0, d1) -> (0, 0)>
#map1 = affine_map<(d0, d1) -> (0)>
module attributes {stable_mosaic.version = 14 : i64} {
  func.func @_body(%arg0: i32, %arg1: i32, %arg2: memref<50000x128xf32, #tpu.memory_space<hbm>>, %arg3: memref<100000xi32, #tpu.memory_space<hbm>>, %arg4: memref<100000x128xf32, #tpu.memory_space<hbm>>, %arg5: memref<3136xi32, #tpu.memory_space<vmem>>, %arg6: memref<25088xi32, #tpu.memory_space<vmem>>, %arg7: memref<1568xi32, #tpu.memory_space<vmem>>, %arg8: memref<1632xi32, #tpu.memory_space<vmem>>, %arg9: memref<1696xi32, #tpu.memory_space<vmem>>, %arg10: memref<1696xi32, #tpu.memory_space<vmem>>, %arg11: memref<1632xi32, #tpu.memory_space<vmem>>, %arg12: memref<64x128xf32, #tpu.memory_space<vmem>>, %arg13: memref<4x64x128xf32, #tpu.memory_space<vmem>>, %arg14: memref<426496xi32, #tpu.memory_space<vmem_shared>>, %arg15: memref<!tpu.dma_semaphore, #tpu.memory_space<semaphore_mem>>, %arg16: memref<!tpu.dma_semaphore, #tpu.memory_space<semaphore_mem>>, %arg17: memref<!tpu.dma_semaphore, #tpu.memory_space<semaphore_mem>>, %arg18: memref<!tpu.dma_semaphore, #tpu.memory_space<semaphore_mem>>, %arg19: memref<!tpu.dma_semaphore, #tpu.memory_space<semaphore_mem>>, %arg20: memref<!tpu.dma_semaphore, #tpu.memory_space<semaphore_mem>>, %arg21: memref<!tpu.dma_semaphore, #tpu.memory_space<semaphore_mem>>, %arg22: memref<!tpu.dma_semaphore, #tpu.memory_space<semaphore_mem>>, %arg23: memref<!tpu.dma_semaphore, #tpu.memory_space<semaphore_mem>>, %arg24: memref<!tpu.dma_semaphore, #tpu.memory_space<semaphore_mem>>, %arg25: memref<!tpu.dma_semaphore, #tpu.memory_space<semaphore_mem>>, %arg26: memref<!tpu.dma_semaphore, #tpu.memory_space<semaphore_mem>>) attributes {dimension_semantics = [#tpu.dimension_semantics<core_parallel>, #tpu.dimension_semantics<subcore_parallel>], iteration_bounds = array<i64: 2, 16>, scalar_prefetch = 0 : i64, scratch_operands = 22 : i64, tpu.core_type = #tpu.core_type<sc_vector_subcore>, window_params = [{transform_indices = #map}, {transform_indices = #map1}, {transform_indices = #map}]} {
    %iota3A = tpu.iota {dimensions = array<i32: 0>} : vector<16xi32>
    %broadcast_in_dim3A = arith.constant 0.000000e+00 : f32
    %broadcast_in_dim3A_0 = vector.broadcast %broadcast_in_dim3A : f32 to vector<16xf32>
    %broadcast_in_dim3A_1 = arith.constant -1 : i32
    %broadcast_in_dim3A_2 = vector.broadcast %broadcast_in_dim3A_1 : i32 to vector<16xi32>
    %broadcast_in_dim3A_3 = arith.constant 0 : i32
    %broadcast_in_dim3A_4 = vector.broadcast %broadcast_in_dim3A_3 : i32 to vector<16xi32>
    %scan3A = arith.constant 0 : i32
    %scan3A_5 = arith.constant 0 : i32
    %scan3A_6 = arith.constant 64 : i32
    %scan3A_7 = arith.addi %scan3A_5, %scan3A_6 : i32
    %scan3A_8 = arith.constant 1 : i32
    scf.for %scan3A_831 = %scan3A_5 to %scan3A_7 step %scan3A_8  : i32 {
      %swap3A = arith.index_cast %scan3A_831 : i32 to index
      %swap3A_832 = arith.constant 0 : index
      %swap3A_833 = tpu.vector_load %arg12[%swap3A, %swap3A_832] {strides = array<i32>} : memref<64x128xf32, #tpu.memory_space<vmem>>, vector<16xf32>,
      tpu.vector_store %arg12[%swap3A, %swap3A_832], %broadcast_in_dim3A_0 {strides = array<i32>} : memref<64x128xf32, #tpu.memory_space<vmem>>, vector<16xf32>,
      %swap3A_834 = arith.index_cast %scan3A_831 : i32 to index
      %swap3A_835 = arith.constant 16 : index
      %swap3A_836 = tpu.vector_load %arg12[%swap3A_834, %swap3A_835] {strides = array<i32>} : memref<64x128xf32, #tpu.memory_space<vmem>>, vector<16xf32>,
      tpu.vector_store %arg12[%swap3A_834, %swap3A_835], %broadcast_in_dim3A_0 {strides = array<i32>} : memref<64x128xf32, #tpu.memory_space<vmem>>, vector<16xf32>,
      %swap3A_837 = arith.index_cast %scan3A_831 : i32 to index
      %swap3A_838 = arith.constant 32 : index
      %swap3A_839 = tpu.vector_load %arg12[%swap3A_837, %swap3A_838] {strides = array<i32>} : memref<64x128xf32, #tpu.memory_space<vmem>>, vector<16xf32>,
      tpu.vector_store %arg12[%swap3A_837, %swap3A_838], %broadcast_in_dim3A_0 {strides = array<i32>} : memref<64x128xf32, #tpu.memory_space<vmem>>, vector<16xf32>,
      %swap3A_840 = arith.index_cast %scan3A_831 : i32 to index
      %swap3A_841 = arith.constant 48 : index
      %swap3A_842 = tpu.vector_load %arg12[%swap3A_840, %swap3A_841] {strides = array<i32>} : memref<64x128xf32, #tpu.memory_space<vmem>>, vector<16xf32>,
      tpu.vector_store %arg12[%swap3A_840, %swap3A_841], %broadcast_in_dim3A_0 {strides = array<i32>} : memref<64x128xf32, #tpu.memory_space<vmem>>, vector<16xf32>,
      %swap3A_843 = arith.index_cast %scan3A_831 : i32 to index
      %swap3A_844 = arith.constant 64 : index
      %swap3A_845 = tpu.vector_load %arg12[%swap3A_843, %swap3A_844] {strides = array<i32>} : memref<64x128xf32, #tpu.memory_space<vmem>>, vector<16xf32>,
      tpu.vector_store %arg12[%swap3A_843, %swap3A_844], %broadcast_in_dim3A_0 {strides = array<i32>} : memref<64x128xf32, #tpu.memory_space<vmem>>, vector<16xf32>,
      %swap3A_846 = arith.index_cast %scan3A_831 : i32 to index
      %swap3A_847 = arith.constant 80 : index
      %swap3A_848 = tpu.vector_load %arg12[%swap3A_846, %swap3A_847] {strides = array<i32>} : memref<64x128xf32, #tpu.memory_space<vmem>>, vector<16xf32>,
      tpu.vector_store %arg12[%swap3A_846, %swap3A_847], %broadcast_in_dim3A_0 {strides = array<i32>} : memref<64x128xf32, #tpu.memory_space<vmem>>, vector<16xf32>,
      %swap3A_849 = arith.index_cast %scan3A_831 : i32 to index
      %swap3A_850 = arith.constant 96 : index
      %swap3A_851 = tpu.vector_load %arg12[%swap3A_849, %swap3A_850] {strides = array<i32>} : memref<64x128xf32, #tpu.memory_space<vmem>>, vector<16xf32>,
      tpu.vector_store %arg12[%swap3A_849, %swap3A_850], %broadcast_in_dim3A_0 {strides = array<i32>} : memref<64x128xf32, #tpu.memory_space<vmem>>, vector<16xf32>,
      %swap3A_852 = arith.index_cast %scan3A_831 : i32 to index
      %swap3A_853 = arith.constant 112 : index
      %swap3A_854 = tpu.vector_load %arg12[%swap3A_852, %swap3A_853] {strides = array<i32>} : memref<64x128xf32, #tpu.memory_space<vmem>>, vector<16xf32>,
      tpu.vector_store %arg12[%swap3A_852, %swap3A_853], %broadcast_in_dim3A_0 {strides = array<i32>} : memref<64x128xf32, #tpu.memory_space<vmem>>, vector<16xf32>,
    }
    %scan3A_9 = arith.constant 64 : i32
    %mul3A = arith.constant 16 : i32
    %mul3A_10 = arith.muli %arg0, %mul3A : i32
    %add3A = arith.addi %mul3A_10, %arg1 : i32
    %mul3A_11 = arith.constant 97 : i32
    %mul3A_12 = arith.muli %add3A, %mul3A_11 : i32
    %add3A_13 = arith.constant 3130 : i32
    %add3A_14 = arith.addi %add3A_13, %mul3A_12 : i32
    %min3A = arith.constant 16 : i32
    %min3A_15 = arith.minsi %add3A, %min3A : i32
    %add3A_16 = arith.addi %add3A_14, %min3A_15 : i32
    %lt3A = arith.constant 16 : i32
    %lt3A_17 = arith.cmpi slt, %add3A, %lt3A : i32
    %jit3A = arith.constant 1 : i32
    %jit3A_18 = arith.constant 0 : i32
    %select_n3A = arith.select %lt3A_17, %jit3A, %jit3A_18 : i32
    %add3A_19 = arith.constant 97 : i32
    %add3A_20 = arith.addi %add3A_19, %select_n3A : i32
    %mul3A_21 = arith.constant 16 : i32
    %mul3A_22 = arith.muli %add3A_20, %mul3A_21 : i32
    %jit3A_23 = arith.constant 64 : i32
    %div3A = arith.divsi %mul3A_22, %jit3A_23 : i32
    %sign3A = arith.constant 0 : i32
    %sign3A_24 = arith.cmpi sgt, %mul3A_22, %sign3A : i32
    %sign3A_25 = arith.extui %sign3A_24 : i1 to i32
    %sign3A_26 = arith.constant 0 : i32
    %sign3A_27 = arith.cmpi slt, %mul3A_22, %sign3A_26 : i32
    %sign3A_28 = arith.extui %sign3A_27 : i1 to i32
    %sign3A_29 = arith.subi %sign3A_25, %sign3A_28 : i32
    %sign3A_30 = arith.constant 0 : i32
    %sign3A_31 = arith.cmpi sgt, %jit3A_23, %sign3A_30 : i32
    %sign3A_32 = arith.extui %sign3A_31 : i1 to i32
    %sign3A_33 = arith.constant 0 : i32
    %sign3A_34 = arith.cmpi slt, %jit3A_23, %sign3A_33 : i32
    %sign3A_35 = arith.extui %sign3A_34 : i1 to i32
    %sign3A_36 = arith.subi %sign3A_32, %sign3A_35 : i32
    %ne3A = arith.cmpi ne, %sign3A_29, %sign3A_36 : i32
    %rem3A = arith.remsi %mul3A_22, %jit3A_23 : i32
    %ne3A_37 = arith.constant 0 : i32
    %ne3A_38 = arith.cmpi ne, %rem3A, %ne3A_37 : i32
    %and3A = arith.andi %ne3A, %ne3A_38 : i1
    %sub3A = arith.constant 1 : i32
    %sub3A_39 = arith.subi %div3A, %sub3A : i32
    %select_n3A_40 = arith.select %and3A, %sub3A_39, %div3A : i32
    %mul3A_41 = arith.constant 64 : i32
    %mul3A_42 = arith.muli %select_n3A_40, %mul3A_41 : i32
    %sub3A_43 = arith.subi %mul3A_22, %mul3A_42 : i32
    %jit3A_44 = arith.constant 16 : i32
    %div3A_45 = arith.divsi %sub3A_43, %jit3A_44 : i32
    %sign3A_46 = arith.constant 0 : i32
    %sign3A_47 = arith.cmpi sgt, %sub3A_43, %sign3A_46 : i32
    %sign3A_48 = arith.extui %sign3A_47 : i1 to i32
    %sign3A_49 = arith.constant 0 : i32
    %sign3A_50 = arith.cmpi slt, %sub3A_43, %sign3A_49 : i32
    %sign3A_51 = arith.extui %sign3A_50 : i1 to i32
    %sign3A_52 = arith.subi %sign3A_48, %sign3A_51 : i32
    %sign3A_53 = arith.constant 0 : i32
    %sign3A_54 = arith.cmpi sgt, %jit3A_44, %sign3A_53 : i32
    %sign3A_55 = arith.extui %sign3A_54 : i1 to i32
    %sign3A_56 = arith.constant 0 : i32
    %sign3A_57 = arith.cmpi slt, %jit3A_44, %sign3A_56 : i32
    %sign3A_58 = arith.extui %sign3A_57 : i1 to i32
    %sign3A_59 = arith.subi %sign3A_55, %sign3A_58 : i32
    %ne3A_60 = arith.cmpi ne, %sign3A_52, %sign3A_59 : i32
    %rem3A_61 = arith.remsi %sub3A_43, %jit3A_44 : i32
    %ne3A_62 = arith.constant 0 : i32
    %ne3A_63 = arith.cmpi ne, %rem3A_61, %ne3A_62 : i32
    %and3A_64 = arith.andi %ne3A_60, %ne3A_63 : i1
    %sub3A_65 = arith.constant 1 : i32
    %sub3A_66 = arith.subi %div3A_45, %sub3A_65 : i32
    %select_n3A_67 = arith.select %and3A_64, %sub3A_66, %div3A_45 : i32
    %while3A = arith.constant 0 : i32
    %while3A_68 = arith.constant 0 : i32
    %while3A_69 = arith.subi %select_n3A_40, %while3A_68 : i32
    %while3A_70 = arith.addi %while3A_68, %while3A_69 : i32
    %while3A_71 = arith.constant 1 : i32
    %while3A_72 = arith.divsi %while3A_69, %while3A_71 : i32
    %while3A_73 = arith.muli %while3A_72, %while3A_71 : i32
    %while3A_74 = arith.addi %while3A_68, %while3A_73 : i32
    %while3A_75 = arith.constant 1 : i32
    scf.for %while3A_831 = %while3A_68 to %while3A_74 step %while3A_75  : i32 {
      %mul3A_832 = arith.constant 16 : i32
      %mul3A_833 = arith.muli %add3A_16, %mul3A_832 : i32
      %mul3A_834 = arith.constant 64 : i32
      %mul3A_835 = arith.muli %while3A_831, %mul3A_834 : i32
      %add3A_836 = arith.addi %mul3A_833, %mul3A_835 : i32
      %dma_start3A_837 = arith.constant 0 : i32
      %dma_start3A_838 = tpu.memref_slice %arg4[%add3A_836, %dma_start3A_837] : memref<100000x128xf32, #tpu.memory_space<hbm>> -> memref<64x128xf32, #tpu.memory_space<hbm>>
      %dma_start3A_839 = arith.constant 0 : i32
      %dma_start3A_840 = tpu.memref_slice %arg4[%add3A_836, %dma_start3A_839] : memref<100000x128xf32, #tpu.memory_space<hbm>> -> memref<64x128xf32, #tpu.memory_space<hbm>>
      tpu.enqueue_dma source(%arg12 : memref<64x128xf32, #tpu.memory_space<vmem>>) target(%dma_start3A_840 : memref<64x128xf32, #tpu.memory_space<hbm>>) target_semaphore(%arg15 : memref<!tpu.dma_semaphore, #tpu.memory_space<semaphore_mem>>)
    }
    %while3A_76 = arith.constant 1 : i32
    scf.for %while3A_831 = %while3A_74 to %while3A_70 step %while3A_76  : i32 {
      %mul3A_832 = arith.constant 16 : i32
      %mul3A_833 = arith.muli %add3A_16, %mul3A_832 : i32
      %mul3A_834 = arith.constant 64 : i32
      %mul3A_835 = arith.muli %while3A_831, %mul3A_834 : i32
      %add3A_836 = arith.addi %mul3A_833, %mul3A_835 : i32
      %dma_start3A_837 = arith.constant 0 : i32
      %dma_start3A_838 = tpu.memref_slice %arg4[%add3A_836, %dma_start3A_837] : memref<100000x128xf32, #tpu.memory_space<hbm>> -> memref<64x128xf32, #tpu.memory_space<hbm>>
      %dma_start3A_839 = arith.constant 0 : i32
      %dma_start3A_840 = tpu.memref_slice %arg4[%add3A_836, %dma_start3A_839] : memref<100000x128xf32, #tpu.memory_space<hbm>> -> memref<64x128xf32, #tpu.memory_space<hbm>>
      tpu.enqueue_dma source(%arg12 : memref<64x128xf32, #tpu.memory_space<vmem>>) target(%dma_start3A_840 : memref<64x128xf32, #tpu.memory_space<hbm>>) target_semaphore(%arg15 : memref<!tpu.dma_semaphore, #tpu.memory_space<semaphore_mem>>)
    }
    %while3A_77 = arith.constant 0 : i32
    %while3A_78 = arith.constant 0 : i32
    %while3A_79 = arith.subi %select_n3A_67, %while3A_78 : i32
    %while3A_80 = arith.addi %while3A_78, %while3A_79 : i32
    %while3A_81 = arith.constant 1 : i32
    %while3A_82 = arith.divsi %while3A_79, %while3A_81 : i32
    %while3A_83 = arith.muli %while3A_82, %while3A_81 : i32
    %while3A_84 = arith.addi %while3A_78, %while3A_83 : i32
    %while3A_85 = arith.constant 1 : i32
    scf.for %while3A_831 = %while3A_78 to %while3A_84 step %while3A_85  : i32 {
      %mul3A_832 = arith.constant 16 : i32
      %mul3A_833 = arith.muli %add3A_16, %mul3A_832 : i32
      %mul3A_834 = arith.constant 64 : i32
      %mul3A_835 = arith.muli %select_n3A_40, %mul3A_834 : i32
      %add3A_836 = arith.addi %mul3A_833, %mul3A_835 : i32
      %mul3A_837 = arith.constant 16 : i32
      %mul3A_838 = arith.muli %while3A_831, %mul3A_837 : i32
      %add3A_839 = arith.addi %add3A_836, %mul3A_838 : i32
      %dma_start3A_840 = arith.constant 0 : i32
      %dma_start3A_841 = arith.constant 0 : i32
      %dma_start3A_842 = tpu.memref_slice %arg12[%dma_start3A_840, %dma_start3A_841] : memref<64x128xf32, #tpu.memory_space<vmem>> -> memref<16x128xf32, #tpu.memory_space<vmem>>
      %dma_start3A_843 = arith.constant 0 : i32
      %dma_start3A_844 = tpu.memref_slice %arg4[%add3A_839, %dma_start3A_843] : memref<100000x128xf32, #tpu.memory_space<hbm>> -> memref<16x128xf32, #tpu.memory_space<hbm>>
      %dma_start3A_845 = arith.constant 0 : i32
      %dma_start3A_846 = tpu.memref_slice %arg4[%add3A_839, %dma_start3A_845] : memref<100000x128xf32, #tpu.memory_space<hbm>> -> memref<16x128xf32, #tpu.memory_space<hbm>>
      %dma_start3A_847 = arith.constant 0 : i32
      %dma_start3A_848 = arith.constant 0 : i32
      %dma_start3A_849 = tpu.memref_slice %arg12[%dma_start3A_847, %dma_start3A_848] : memref<64x128xf32, #tpu.memory_space<vmem>> -> memref<16x128xf32, #tpu.memory_space<vmem>>
      tpu.enqueue_dma source(%dma_start3A_849 : memref<16x128xf32, #tpu.memory_space<vmem>>) target(%dma_start3A_846 : memref<16x128xf32, #tpu.memory_space<hbm>>) target_semaphore(%arg15 : memref<!tpu.dma_semaphore, #tpu.memory_space<semaphore_mem>>)
    }
    %while3A_86 = arith.constant 1 : i32
    scf.for %while3A_831 = %while3A_84 to %while3A_80 step %while3A_86  : i32 {
      %mul3A_832 = arith.constant 16 : i32
      %mul3A_833 = arith.muli %add3A_16, %mul3A_832 : i32
      %mul3A_834 = arith.constant 64 : i32
      %mul3A_835 = arith.muli %select_n3A_40, %mul3A_834 : i32
      %add3A_836 = arith.addi %mul3A_833, %mul3A_835 : i32
      %mul3A_837 = arith.constant 16 : i32
      %mul3A_838 = arith.muli %while3A_831, %mul3A_837 : i32
      %add3A_839 = arith.addi %add3A_836, %mul3A_838 : i32
      %dma_start3A_840 = arith.constant 0 : i32
      %dma_start3A_841 = arith.constant 0 : i32
      %dma_start3A_842 = tpu.memref_slice %arg12[%dma_start3A_840, %dma_start3A_841] : memref<64x128xf32, #tpu.memory_space<vmem>> -> memref<16x128xf32, #tpu.memory_space<vmem>>
      %dma_start3A_843 = arith.constant 0 : i32
      %dma_start3A_844 = tpu.memref_slice %arg4[%add3A_839, %dma_start3A_843] : memref<100000x128xf32, #tpu.memory_space<hbm>> -> memref<16x128xf32, #tpu.memory_space<hbm>>
      %dma_start3A_845 = arith.constant 0 : i32
      %dma_start3A_846 = tpu.memref_slice %arg4[%add3A_839, %dma_start3A_845] : memref<100000x128xf32, #tpu.memory_space<hbm>> -> memref<16x128xf32, #tpu.memory_space<hbm>>
      %dma_start3A_847 = arith.constant 0 : i32
      %dma_start3A_848 = arith.constant 0 : i32
      %dma_start3A_849 = tpu.memref_slice %arg12[%dma_start3A_847, %dma_start3A_848] : memref<64x128xf32, #tpu.memory_space<vmem>> -> memref<16x128xf32, #tpu.memory_space<vmem>>
      tpu.enqueue_dma source(%dma_start3A_849 : memref<16x128xf32, #tpu.memory_space<vmem>>) target(%dma_start3A_846 : memref<16x128xf32, #tpu.memory_space<hbm>>) target_semaphore(%arg15 : memref<!tpu.dma_semaphore, #tpu.memory_space<semaphore_mem>>)
    }
    %scan3A_87 = arith.constant 0 : i32
    %scan3A_88 = arith.constant 0 : i32
    %scan3A_89 = arith.constant 106 : i32
    %scan3A_90 = arith.addi %scan3A_88, %scan3A_89 : i32
    %scan3A_91 = arith.constant 1 : i32
    scf.for %scan3A_831 = %scan3A_88 to %scan3A_90 step %scan3A_91  : i32 {
      %mul3A_832 = arith.constant 16 : i32
      %mul3A_833 = arith.muli %scan3A_831, %mul3A_832 : i32
      %swap3A = arith.index_cast %mul3A_833 : i32 to index
      %swap3A_834 = tpu.vector_load %arg9[%swap3A] {strides = array<i32>} : memref<1696xi32, #tpu.memory_space<vmem>>, vector<16xi32>,
      tpu.vector_store %arg9[%swap3A], %broadcast_in_dim3A_4 {strides = array<i32>} : memref<1696xi32, #tpu.memory_space<vmem>>, vector<16xi32>,
    }
    %scan3A_92 = arith.constant 106 : i32
    %scan3A_93 = arith.constant 0 : i32
    %scan3A_94 = arith.constant 0 : i32
    %scan3A_95 = arith.constant 196 : i32
    %scan3A_96 = arith.addi %scan3A_94, %scan3A_95 : i32
    %scan3A_97 = arith.constant 1 : i32
    scf.for %scan3A_831 = %scan3A_94 to %scan3A_96 step %scan3A_97  : i32 {
      %mul3A_832 = arith.constant 8 : i32
      %mul3A_833 = arith.muli %scan3A_831, %mul3A_832 : i32
      %add3A_834 = arith.constant 0 : i32
      %add3A_835 = arith.addi %mul3A_833, %add3A_834 : i32
      %mul3A_836 = arith.constant 16 : i32
      %mul3A_837 = arith.muli %add3A_835, %mul3A_836 : i32
      %swap3A = arith.index_cast %mul3A_837 : i32 to index
      %swap3A_838 = tpu.vector_load %arg6[%swap3A] {strides = array<i32>} : memref<25088xi32, #tpu.memory_space<vmem>>, vector<16xi32>,
      tpu.vector_store %arg6[%swap3A], %broadcast_in_dim3A_2 {strides = array<i32>} : memref<25088xi32, #tpu.memory_space<vmem>>, vector<16xi32>,
      %mul3A_839 = arith.constant 8 : i32
      %mul3A_840 = arith.muli %scan3A_831, %mul3A_839 : i32
      %add3A_841 = arith.constant 1 : i32
      %add3A_842 = arith.addi %mul3A_840, %add3A_841 : i32
      %mul3A_843 = arith.constant 16 : i32
      %mul3A_844 = arith.muli %add3A_842, %mul3A_843 : i32
      %swap3A_845 = arith.index_cast %mul3A_844 : i32 to index
      %swap3A_846 = tpu.vector_load %arg6[%swap3A_845] {strides = array<i32>} : memref<25088xi32, #tpu.memory_space<vmem>>, vector<16xi32>,
      tpu.vector_store %arg6[%swap3A_845], %broadcast_in_dim3A_2 {strides = array<i32>} : memref<25088xi32, #tpu.memory_space<vmem>>, vector<16xi32>,
      %mul3A_847 = arith.constant 8 : i32
      %mul3A_848 = arith.muli %scan3A_831, %mul3A_847 : i32
      %add3A_849 = arith.constant 2 : i32
      %add3A_850 = arith.addi %mul3A_848, %add3A_849 : i32
      %mul3A_851 = arith.constant 16 : i32
      %mul3A_852 = arith.muli %add3A_850, %mul3A_851 : i32
      %swap3A_853 = arith.index_cast %mul3A_852 : i32 to index
      %swap3A_854 = tpu.vector_load %arg6[%swap3A_853] {strides = array<i32>} : memref<25088xi32, #tpu.memory_space<vmem>>, vector<16xi32>,
      tpu.vector_store %arg6[%swap3A_853], %broadcast_in_dim3A_2 {strides = array<i32>} : memref<25088xi32, #tpu.memory_space<vmem>>, vector<16xi32>,
      %mul3A_855 = arith.constant 8 : i32
      %mul3A_856 = arith.muli %scan3A_831, %mul3A_855 : i32
      %add3A_857 = arith.constant 3 : i32
      %add3A_858 = arith.addi %mul3A_856, %add3A_857 : i32
      %mul3A_859 = arith.constant 16 : i32
      %mul3A_860 = arith.muli %add3A_858, %mul3A_859 : i32
      %swap3A_861 = arith.index_cast %mul3A_860 : i32 to index
      %swap3A_862 = tpu.vector_load %arg6[%swap3A_861] {strides = array<i32>} : memref<25088xi32, #tpu.memory_space<vmem>>, vector<16xi32>,
      tpu.vector_store %arg6[%swap3A_861], %broadcast_in_dim3A_2 {strides = array<i32>} : memref<25088xi32, #tpu.memory_space<vmem>>, vector<16xi32>,
      %mul3A_863 = arith.constant 8 : i32
      %mul3A_864 = arith.muli %scan3A_831, %mul3A_863 : i32
      %add3A_865 = arith.constant 4 : i32
      %add3A_866 = arith.addi %mul3A_864, %add3A_865 : i32
      %mul3A_867 = arith.constant 16 : i32
      %mul3A_868 = arith.muli %add3A_866, %mul3A_867 : i32
      %swap3A_869 = arith.index_cast %mul3A_868 : i32 to index
      %swap3A_870 = tpu.vector_load %arg6[%swap3A_869] {strides = array<i32>} : memref<25088xi32, #tpu.memory_space<vmem>>, vector<16xi32>,
      tpu.vector_store %arg6[%swap3A_869], %broadcast_in_dim3A_2 {strides = array<i32>} : memref<25088xi32, #tpu.memory_space<vmem>>, vector<16xi32>,
      %mul3A_871 = arith.constant 8 : i32
      %mul3A_872 = arith.muli %scan3A_831, %mul3A_871 : i32
      %add3A_873 = arith.constant 5 : i32
      %add3A_874 = arith.addi %mul3A_872, %add3A_873 : i32
      %mul3A_875 = arith.constant 16 : i32
      %mul3A_876 = arith.muli %add3A_874, %mul3A_875 : i32
      %swap3A_877 = arith.index_cast %mul3A_876 : i32 to index
      %swap3A_878 = tpu.vector_load %arg6[%swap3A_877] {strides = array<i32>} : memref<25088xi32, #tpu.memory_space<vmem>>, vector<16xi32>,
      tpu.vector_store %arg6[%swap3A_877], %broadcast_in_dim3A_2 {strides = array<i32>} : memref<25088xi32, #tpu.memory_space<vmem>>, vector<16xi32>,
      %mul3A_879 = arith.constant 8 : i32
      %mul3A_880 = arith.muli %scan3A_831, %mul3A_879 : i32
      %add3A_881 = arith.constant 6 : i32
      %add3A_882 = arith.addi %mul3A_880, %add3A_881 : i32
      %mul3A_883 = arith.constant 16 : i32
      %mul3A_884 = arith.muli %add3A_882, %mul3A_883 : i32
      %swap3A_885 = arith.index_cast %mul3A_884 : i32 to index
      %swap3A_886 = tpu.vector_load %arg6[%swap3A_885] {strides = array<i32>} : memref<25088xi32, #tpu.memory_space<vmem>>, vector<16xi32>,
      tpu.vector_store %arg6[%swap3A_885], %broadcast_in_dim3A_2 {strides = array<i32>} : memref<25088xi32, #tpu.memory_space<vmem>>, vector<16xi32>,
      %mul3A_887 = arith.constant 8 : i32
      %mul3A_888 = arith.muli %scan3A_831, %mul3A_887 : i32
      %add3A_889 = arith.constant 7 : i32
      %add3A_890 = arith.addi %mul3A_888, %add3A_889 : i32
      %mul3A_891 = arith.constant 16 : i32
      %mul3A_892 = arith.muli %add3A_890, %mul3A_891 : i32
      %swap3A_893 = arith.index_cast %mul3A_892 : i32 to index
      %swap3A_894 = tpu.vector_load %arg6[%swap3A_893] {strides = array<i32>} : memref<25088xi32, #tpu.memory_space<vmem>>, vector<16xi32>,
      tpu.vector_store %arg6[%swap3A_893], %broadcast_in_dim3A_2 {strides = array<i32>} : memref<25088xi32, #tpu.memory_space<vmem>>, vector<16xi32>,
    }
    %scan3A_98 = arith.constant 196 : i32
    %mul3A_99 = arith.constant 195 : i32
    %mul3A_100 = arith.muli %arg1, %mul3A_99 : i32
    %min3A_101 = arith.constant 5 : i32
    %min3A_102 = arith.minsi %arg1, %min3A_101 : i32
    %add3A_103 = arith.addi %mul3A_100, %min3A_102 : i32
    %lt3A_104 = arith.constant 5 : i32
    %lt3A_105 = arith.cmpi slt, %arg1, %lt3A_104 : i32
    %jit3A_106 = arith.constant 1 : i32
    %jit3A_107 = arith.constant 0 : i32
    %select_n3A_108 = arith.select %lt3A_105, %jit3A_106, %jit3A_107 : i32
    %add3A_109 = arith.constant 195 : i32
    %add3A_110 = arith.addi %add3A_109, %select_n3A_108 : i32
    %mul3A_111 = arith.constant 16 : i32
    %mul3A_112 = arith.muli %add3A_103, %mul3A_111 : i32
    %min3A_113 = arith.constant 46864 : i32
    %min3A_114 = arith.minsi %mul3A_112, %min3A_113 : i32
    %mul3A_115 = arith.constant 16 : i32
    %mul3A_116 = arith.muli %add3A_103, %mul3A_115 : i32
    %sub3A_117 = arith.subi %mul3A_116, %min3A_114 : i32
    %add3A_118 = arith.constant 50000 : i32
    %add3A_119 = arith.addi %add3A_118, %min3A_114 : i32
    "tpu.region"() ({
      %run_scoped3A = tpu.sem_alloc : memref<!tpu.dma_semaphore, #tpu.memory_space<semaphore_mem>>
      %dma_start3A_831 = tpu.memref_slice %arg3[%add3A_119] : memref<100000xi32, #tpu.memory_space<hbm>> -> memref<3136xi32, #tpu.memory_space<hbm>>
      %dma_start3A_832 = tpu.memref_slice %arg3[%add3A_119] : memref<100000xi32, #tpu.memory_space<hbm>> -> memref<3136xi32, #tpu.memory_space<hbm>>
      tpu.enqueue_dma source(%dma_start3A_832 : memref<3136xi32, #tpu.memory_space<hbm>>) target(%arg5 : memref<3136xi32, #tpu.memory_space<vmem>>) target_semaphore(%run_scoped3A : memref<!tpu.dma_semaphore, #tpu.memory_space<semaphore_mem>>)
      %dma_wait3A_833 = tpu.memref_slice %arg3[%add3A_119] : memref<100000xi32, #tpu.memory_space<hbm>> -> memref<3136xi32, #tpu.memory_space<hbm>>
      %dma_wait3A_834 = tpu.memref_slice %arg3[%add3A_119] : memref<100000xi32, #tpu.memory_space<hbm>> -> memref<3136xi32, #tpu.memory_space<hbm>>
      tpu.wait_dma2 semaphore(%run_scoped3A : memref<!tpu.dma_semaphore, #tpu.memory_space<semaphore_mem>>) src(%dma_wait3A_834 : memref<3136xi32, #tpu.memory_space<hbm>>) dst(%arg5 : memref<3136xi32, #tpu.memory_space<vmem>>)
      tpu.yield
    }) : () -> ()
    %mul3A_120 = arith.constant 25088 : i32
    %mul3A_121 = arith.muli %arg0, %mul3A_120 : i32
    %jit3A_122 = arith.constant 4 : i32
    %div3A_123 = arith.divsi %add3A_110, %jit3A_122 : i32
    %sign3A_124 = arith.constant 0 : i32
    %sign3A_125 = arith.cmpi sgt, %add3A_110, %sign3A_124 : i32
    %sign3A_126 = arith.extui %sign3A_125 : i1 to i32
    %sign3A_127 = arith.constant 0 : i32
    %sign3A_128 = arith.cmpi slt, %add3A_110, %sign3A_127 : i32
    %sign3A_129 = arith.extui %sign3A_128 : i1 to i32
    %sign3A_130 = arith.subi %sign3A_126, %sign3A_129 : i32
    %sign3A_131 = arith.constant 0 : i32
    %sign3A_132 = arith.cmpi sgt, %jit3A_122, %sign3A_131 : i32
    %sign3A_133 = arith.extui %sign3A_132 : i1 to i32
    %sign3A_134 = arith.constant 0 : i32
    %sign3A_135 = arith.cmpi slt, %jit3A_122, %sign3A_134 : i32
    %sign3A_136 = arith.extui %sign3A_135 : i1 to i32
    %sign3A_137 = arith.subi %sign3A_133, %sign3A_136 : i32
    %ne3A_138 = arith.cmpi ne, %sign3A_130, %sign3A_137 : i32
    %rem3A_139 = arith.remsi %add3A_110, %jit3A_122 : i32
    %ne3A_140 = arith.constant 0 : i32
    %ne3A_141 = arith.cmpi ne, %rem3A_139, %ne3A_140 : i32
    %and3A_142 = arith.andi %ne3A_138, %ne3A_141 : i1
    %sub3A_143 = arith.constant 1 : i32
    %sub3A_144 = arith.subi %div3A_123, %sub3A_143 : i32
    %select_n3A_145 = arith.select %and3A_142, %sub3A_144, %div3A_123 : i32
    %while3A_146 = arith.constant 0 : i32
    %while3A_147 = arith.constant 0 : i32
    %while3A_148 = arith.subi %select_n3A_145, %while3A_147 : i32
    %while3A_149 = arith.addi %while3A_147, %while3A_148 : i32
    %while3A_150 = arith.constant 1 : i32
    %while3A_151 = arith.divsi %while3A_148, %while3A_150 : i32
    %while3A_152 = arith.muli %while3A_151, %while3A_150 : i32
    %while3A_153 = arith.addi %while3A_147, %while3A_152 : i32
    %while3A_154 = arith.constant 1 : i32
    scf.for %while3A_831 = %while3A_147 to %while3A_153 step %while3A_154  : i32 {
      %mul3A_832 = arith.constant 4 : i32
      %mul3A_833 = arith.muli %mul3A_832, %while3A_831 : i32
      %add3A_834 = arith.constant 0 : i32
      %add3A_835 = arith.addi %mul3A_833, %add3A_834 : i32
      %mul3A_836 = arith.constant 16 : i32
      %mul3A_837 = arith.muli %add3A_835, %mul3A_836 : i32
      %add3A_838 = arith.addi %sub3A_117, %mul3A_837 : i32
      %get3A = arith.index_cast %add3A_838 : i32 to index
      %get3A_839 = tpu.vector_load %arg5[%get3A] {strides = array<i32>} : memref<3136xi32, #tpu.memory_space<vmem>>, vector<16xi32>,
      %ge3A = vector.broadcast %mul3A_121 : i32 to vector<16xi32>
      %ge3A_840 = arith.cmpi sge, %get3A_839, %ge3A : vector<16xi32>
      %add3A_841 = arith.constant 25088 : i32
      %add3A_842 = arith.addi %mul3A_121, %add3A_841 : i32
      %lt3A_843 = vector.broadcast %add3A_842 : i32 to vector<16xi32>
      %lt3A_844 = arith.cmpi slt, %get3A_839, %lt3A_843 : vector<16xi32>
      %and3A_845 = arith.andi %ge3A_840, %lt3A_844 : vector<16xi1>
      %unique3A, %unique3A_846 = tpu.scan_count mask(%and3A_845 : vector<16xi1>) value(%get3A_839 : vector<16xi32>) : vector<16xi1>, vector<16xi32>
      %and3A_847 = arith.andi %unique3A, %and3A_845 : vector<16xi1>
      %sub3A_848 = vector.broadcast %mul3A_121 : i32 to vector<16xi32>
      %sub3A_849 = arith.subi %get3A_839, %sub3A_848 : vector<16xi32>
      %jit3A_850 = arith.constant 0 : i32
      %broadcast_in_dim3A_851 = vector.broadcast %jit3A_850 : i32 to vector<16xi32>
      %select_n3A_852 = arith.select %and3A_847, %sub3A_849, %broadcast_in_dim3A_851 : vector<16xi1>, vector<16xi32>
      %add3A_853 = arith.addi %add3A_103, %add3A_835 : i32
      %mul3A_854 = arith.constant 16 : i32
      %mul3A_855 = arith.muli %add3A_853, %mul3A_854 : i32
      %add3A_856 = vector.broadcast %mul3A_855 : i32 to vector<16xi32>
      %add3A_857 = arith.addi %add3A_856, %iota3A : vector<16xi32>
      tpu.vector_store_idx %arg6[%select_n3A_852], %add3A_857 masked %and3A_847 : memref<25088xi32, #tpu.memory_space<vmem>>[vector<16xi32>], vector<16xi32>, vector<16xi1>
      %mul3A_858 = arith.constant 4 : i32
      %mul3A_859 = arith.muli %mul3A_858, %while3A_831 : i32
      %add3A_860 = arith.constant 1 : i32
      %add3A_861 = arith.addi %mul3A_859, %add3A_860 : i32
      %mul3A_862 = arith.constant 16 : i32
      %mul3A_863 = arith.muli %add3A_861, %mul3A_862 : i32
      %add3A_864 = arith.addi %sub3A_117, %mul3A_863 : i32
      %get3A_865 = arith.index_cast %add3A_864 : i32 to index
      %get3A_866 = tpu.vector_load %arg5[%get3A_865] {strides = array<i32>} : memref<3136xi32, #tpu.memory_space<vmem>>, vector<16xi32>,
      %ge3A_867 = vector.broadcast %mul3A_121 : i32 to vector<16xi32>
      %ge3A_868 = arith.cmpi sge, %get3A_866, %ge3A_867 : vector<16xi32>
      %add3A_869 = arith.constant 25088 : i32
      %add3A_870 = arith.addi %mul3A_121, %add3A_869 : i32
      %lt3A_871 = vector.broadcast %add3A_870 : i32 to vector<16xi32>
      %lt3A_872 = arith.cmpi slt, %get3A_866, %lt3A_871 : vector<16xi32>
      %and3A_873 = arith.andi %ge3A_868, %lt3A_872 : vector<16xi1>
      %unique3A_874, %unique3A_875 = tpu.scan_count mask(%and3A_873 : vector<16xi1>) value(%get3A_866 : vector<16xi32>) : vector<16xi1>, vector<16xi32>
      %and3A_876 = arith.andi %unique3A_874, %and3A_873 : vector<16xi1>
      %sub3A_877 = vector.broadcast %mul3A_121 : i32 to vector<16xi32>
      %sub3A_878 = arith.subi %get3A_866, %sub3A_877 : vector<16xi32>
      %jit3A_879 = arith.constant 0 : i32
      %broadcast_in_dim3A_880 = vector.broadcast %jit3A_879 : i32 to vector<16xi32>
      %select_n3A_881 = arith.select %and3A_876, %sub3A_878, %broadcast_in_dim3A_880 : vector<16xi1>, vector<16xi32>
      %add3A_882 = arith.addi %add3A_103, %add3A_861 : i32
      %mul3A_883 = arith.constant 16 : i32
      %mul3A_884 = arith.muli %add3A_882, %mul3A_883 : i32
      %add3A_885 = vector.broadcast %mul3A_884 : i32 to vector<16xi32>
      %add3A_886 = arith.addi %add3A_885, %iota3A : vector<16xi32>
      tpu.vector_store_idx %arg6[%select_n3A_881], %add3A_886 masked %and3A_876 : memref<25088xi32, #tpu.memory_space<vmem>>[vector<16xi32>], vector<16xi32>, vector<16xi1>
      %mul3A_887 = arith.constant 4 : i32
      %mul3A_888 = arith.muli %mul3A_887, %while3A_831 : i32
      %add3A_889 = arith.constant 2 : i32
      %add3A_890 = arith.addi %mul3A_888, %add3A_889 : i32
      %mul3A_891 = arith.constant 16 : i32
      %mul3A_892 = arith.muli %add3A_890, %mul3A_891 : i32
      %add3A_893 = arith.addi %sub3A_117, %mul3A_892 : i32
      %get3A_894 = arith.index_cast %add3A_893 : i32 to index
      %get3A_895 = tpu.vector_load %arg5[%get3A_894] {strides = array<i32>} : memref<3136xi32, #tpu.memory_space<vmem>>, vector<16xi32>,
      %ge3A_896 = vector.broadcast %mul3A_121 : i32 to vector<16xi32>
      %ge3A_897 = arith.cmpi sge, %get3A_895, %ge3A_896 : vector<16xi32>
      %add3A_898 = arith.constant 25088 : i32
      %add3A_899 = arith.addi %mul3A_121, %add3A_898 : i32
      %lt3A_900 = vector.broadcast %add3A_899 : i32 to vector<16xi32>
      %lt3A_901 = arith.cmpi slt, %get3A_895, %lt3A_900 : vector<16xi32>
      %and3A_902 = arith.andi %ge3A_897, %lt3A_901 : vector<16xi1>
      %unique3A_903, %unique3A_904 = tpu.scan_count mask(%and3A_902 : vector<16xi1>) value(%get3A_895 : vector<16xi32>) : vector<16xi1>, vector<16xi32>
      %and3A_905 = arith.andi %unique3A_903, %and3A_902 : vector<16xi1>
      %sub3A_906 = vector.broadcast %mul3A_121 : i32 to vector<16xi32>
      %sub3A_907 = arith.subi %get3A_895, %sub3A_906 : vector<16xi32>
      %jit3A_908 = arith.constant 0 : i32
      %broadcast_in_dim3A_909 = vector.broadcast %jit3A_908 : i32 to vector<16xi32>
      %select_n3A_910 = arith.select %and3A_905, %sub3A_907, %broadcast_in_dim3A_909 : vector<16xi1>, vector<16xi32>
      %add3A_911 = arith.addi %add3A_103, %add3A_890 : i32
      %mul3A_912 = arith.constant 16 : i32
      %mul3A_913 = arith.muli %add3A_911, %mul3A_912 : i32
      %add3A_914 = vector.broadcast %mul3A_913 : i32 to vector<16xi32>
      %add3A_915 = arith.addi %add3A_914, %iota3A : vector<16xi32>
      tpu.vector_store_idx %arg6[%select_n3A_910], %add3A_915 masked %and3A_905 : memref<25088xi32, #tpu.memory_space<vmem>>[vector<16xi32>], vector<16xi32>, vector<16xi1>
      %mul3A_916 = arith.constant 4 : i32
      %mul3A_917 = arith.muli %mul3A_916, %while3A_831 : i32
      %add3A_918 = arith.constant 3 : i32
      %add3A_919 = arith.addi %mul3A_917, %add3A_918 : i32
      %mul3A_920 = arith.constant 16 : i32
      %mul3A_921 = arith.muli %add3A_919, %mul3A_920 : i32
      %add3A_922 = arith.addi %sub3A_117, %mul3A_921 : i32
      %get3A_923 = arith.index_cast %add3A_922 : i32 to index
      %get3A_924 = tpu.vector_load %arg5[%get3A_923] {strides = array<i32>} : memref<3136xi32, #tpu.memory_space<vmem>>, vector<16xi32>,
      %ge3A_925 = vector.broadcast %mul3A_121 : i32 to vector<16xi32>
      %ge3A_926 = arith.cmpi sge, %get3A_924, %ge3A_925 : vector<16xi32>
      %add3A_927 = arith.constant 25088 : i32
      %add3A_928 = arith.addi %mul3A_121, %add3A_927 : i32
      %lt3A_929 = vector.broadcast %add3A_928 : i32 to vector<16xi32>
      %lt3A_930 = arith.cmpi slt, %get3A_924, %lt3A_929 : vector<16xi32>
      %and3A_931 = arith.andi %ge3A_926, %lt3A_930 : vector<16xi1>
      %unique3A_932, %unique3A_933 = tpu.scan_count mask(%and3A_931 : vector<16xi1>) value(%get3A_924 : vector<16xi32>) : vector<16xi1>, vector<16xi32>
      %and3A_934 = arith.andi %unique3A_932, %and3A_931 : vector<16xi1>
      %sub3A_935 = vector.broadcast %mul3A_121 : i32 to vector<16xi32>
      %sub3A_936 = arith.subi %get3A_924, %sub3A_935 : vector<16xi32>
      %jit3A_937 = arith.constant 0 : i32
      %broadcast_in_dim3A_938 = vector.broadcast %jit3A_937 : i32 to vector<16xi32>
      %select_n3A_939 = arith.select %and3A_934, %sub3A_936, %broadcast_in_dim3A_938 : vector<16xi1>, vector<16xi32>
      %add3A_940 = arith.addi %add3A_103, %add3A_919 : i32
      %mul3A_941 = arith.constant 16 : i32
      %mul3A_942 = arith.muli %add3A_940, %mul3A_941 : i32
      %add3A_943 = vector.broadcast %mul3A_942 : i32 to vector<16xi32>
      %add3A_944 = arith.addi %add3A_943, %iota3A : vector<16xi32>
      tpu.vector_store_idx %arg6[%select_n3A_939], %add3A_944 masked %and3A_934 : memref<25088xi32, #tpu.memory_space<vmem>>[vector<16xi32>], vector<16xi32>, vector<16xi1>
    }
    %while3A_155 = arith.constant 1 : i32
    scf.for %while3A_831 = %while3A_153 to %while3A_149 step %while3A_155  : i32 {
      %mul3A_832 = arith.constant 4 : i32
      %mul3A_833 = arith.muli %mul3A_832, %while3A_831 : i32
      %add3A_834 = arith.constant 0 : i32
      %add3A_835 = arith.addi %mul3A_833, %add3A_834 : i32
      %mul3A_836 = arith.constant 16 : i32
      %mul3A_837 = arith.muli %add3A_835, %mul3A_836 : i32
      %add3A_838 = arith.addi %sub3A_117, %mul3A_837 : i32
      %get3A = arith.index_cast %add3A_838 : i32 to index
      %get3A_839 = tpu.vector_load %arg5[%get3A] {strides = array<i32>} : memref<3136xi32, #tpu.memory_space<vmem>>, vector<16xi32>,
      %ge3A = vector.broadcast %mul3A_121 : i32 to vector<16xi32>
      %ge3A_840 = arith.cmpi sge, %get3A_839, %ge3A : vector<16xi32>
      %add3A_841 = arith.constant 25088 : i32
      %add3A_842 = arith.addi %mul3A_121, %add3A_841 : i32
      %lt3A_843 = vector.broadcast %add3A_842 : i32 to vector<16xi32>
      %lt3A_844 = arith.cmpi slt, %get3A_839, %lt3A_843 : vector<16xi32>
      %and3A_845 = arith.andi %ge3A_840, %lt3A_844 : vector<16xi1>
      %unique3A, %unique3A_846 = tpu.scan_count mask(%and3A_845 : vector<16xi1>) value(%get3A_839 : vector<16xi32>) : vector<16xi1>, vector<16xi32>
      %and3A_847 = arith.andi %unique3A, %and3A_845 : vector<16xi1>
      %sub3A_848 = vector.broadcast %mul3A_121 : i32 to vector<16xi32>
      %sub3A_849 = arith.subi %get3A_839, %sub3A_848 : vector<16xi32>
      %jit3A_850 = arith.constant 0 : i32
      %broadcast_in_dim3A_851 = vector.broadcast %jit3A_850 : i32 to vector<16xi32>
      %select_n3A_852 = arith.select %and3A_847, %sub3A_849, %broadcast_in_dim3A_851 : vector<16xi1>, vector<16xi32>
      %add3A_853 = arith.addi %add3A_103, %add3A_835 : i32
      %mul3A_854 = arith.constant 16 : i32
      %mul3A_855 = arith.muli %add3A_853, %mul3A_854 : i32
      %add3A_856 = vector.broadcast %mul3A_855 : i32 to vector<16xi32>
      %add3A_857 = arith.addi %add3A_856, %iota3A : vector<16xi32>
      tpu.vector_store_idx %arg6[%select_n3A_852], %add3A_857 masked %and3A_847 : memref<25088xi32, #tpu.memory_space<vmem>>[vector<16xi32>], vector<16xi32>, vector<16xi1>
      %mul3A_858 = arith.constant 4 : i32
      %mul3A_859 = arith.muli %mul3A_858, %while3A_831 : i32
      %add3A_860 = arith.constant 1 : i32
      %add3A_861 = arith.addi %mul3A_859, %add3A_860 : i32
      %mul3A_862 = arith.constant 16 : i32
      %mul3A_863 = arith.muli %add3A_861, %mul3A_862 : i32
      %add3A_864 = arith.addi %sub3A_117, %mul3A_863 : i32
      %get3A_865 = arith.index_cast %add3A_864 : i32 to index
      %get3A_866 = tpu.vector_load %arg5[%get3A_865] {strides = array<i32>} : memref<3136xi32, #tpu.memory_space<vmem>>, vector<16xi32>,
      %ge3A_867 = vector.broadcast %mul3A_121 : i32 to vector<16xi32>
      %ge3A_868 = arith.cmpi sge, %get3A_866, %ge3A_867 : vector<16xi32>
      %add3A_869 = arith.constant 25088 : i32
      %add3A_870 = arith.addi %mul3A_121, %add3A_869 : i32
      %lt3A_871 = vector.broadcast %add3A_870 : i32 to vector<16xi32>
      %lt3A_872 = arith.cmpi slt, %get3A_866, %lt3A_871 : vector<16xi32>
      %and3A_873 = arith.andi %ge3A_868, %lt3A_872 : vector<16xi1>
      %unique3A_874, %unique3A_875 = tpu.scan_count mask(%and3A_873 : vector<16xi1>) value(%get3A_866 : vector<16xi32>) : vector<16xi1>, vector<16xi32>
      %and3A_876 = arith.andi %unique3A_874, %and3A_873 : vector<16xi1>
      %sub3A_877 = vector.broadcast %mul3A_121 : i32 to vector<16xi32>
      %sub3A_878 = arith.subi %get3A_866, %sub3A_877 : vector<16xi32>
      %jit3A_879 = arith.constant 0 : i32
      %broadcast_in_dim3A_880 = vector.broadcast %jit3A_879 : i32 to vector<16xi32>
      %select_n3A_881 = arith.select %and3A_876, %sub3A_878, %broadcast_in_dim3A_880 : vector<16xi1>, vector<16xi32>
      %add3A_882 = arith.addi %add3A_103, %add3A_861 : i32
      %mul3A_883 = arith.constant 16 : i32
      %mul3A_884 = arith.muli %add3A_882, %mul3A_883 : i32
      %add3A_885 = vector.broadcast %mul3A_884 : i32 to vector<16xi32>
      %add3A_886 = arith.addi %add3A_885, %iota3A : vector<16xi32>
      tpu.vector_store_idx %arg6[%select_n3A_881], %add3A_886 masked %and3A_876 : memref<25088xi32, #tpu.memory_space<vmem>>[vector<16xi32>], vector<16xi32>, vector<16xi1>
      %mul3A_887 = arith.constant 4 : i32
      %mul3A_888 = arith.muli %mul3A_887, %while3A_831 : i32
      %add3A_889 = arith.constant 2 : i32
      %add3A_890 = arith.addi %mul3A_888, %add3A_889 : i32
      %mul3A_891 = arith.constant 16 : i32
      %mul3A_892 = arith.muli %add3A_890, %mul3A_891 : i32
      %add3A_893 = arith.addi %sub3A_117, %mul3A_892 : i32
      %get3A_894 = arith.index_cast %add3A_893 : i32 to index
      %get3A_895 = tpu.vector_load %arg5[%get3A_894] {strides = array<i32>} : memref<3136xi32, #tpu.memory_space<vmem>>, vector<16xi32>,
      %ge3A_896 = vector.broadcast %mul3A_121 : i32 to vector<16xi32>
      %ge3A_897 = arith.cmpi sge, %get3A_895, %ge3A_896 : vector<16xi32>
      %add3A_898 = arith.constant 25088 : i32
      %add3A_899 = arith.addi %mul3A_121, %add3A_898 : i32
      %lt3A_900 = vector.broadcast %add3A_899 : i32 to vector<16xi32>
      %lt3A_901 = arith.cmpi slt, %get3A_895, %lt3A_900 : vector<16xi32>
      %and3A_902 = arith.andi %ge3A_897, %lt3A_901 : vector<16xi1>
      %unique3A_903, %unique3A_904 = tpu.scan_count mask(%and3A_902 : vector<16xi1>) value(%get3A_895 : vector<16xi32>) : vector<16xi1>, vector<16xi32>
      %and3A_905 = arith.andi %unique3A_903, %and3A_902 : vector<16xi1>
      %sub3A_906 = vector.broadcast %mul3A_121 : i32 to vector<16xi32>
      %sub3A_907 = arith.subi %get3A_895, %sub3A_906 : vector<16xi32>
      %jit3A_908 = arith.constant 0 : i32
      %broadcast_in_dim3A_909 = vector.broadcast %jit3A_908 : i32 to vector<16xi32>
      %select_n3A_910 = arith.select %and3A_905, %sub3A_907, %broadcast_in_dim3A_909 : vector<16xi1>, vector<16xi32>
      %add3A_911 = arith.addi %add3A_103, %add3A_890 : i32
      %mul3A_912 = arith.constant 16 : i32
      %mul3A_913 = arith.muli %add3A_911, %mul3A_912 : i32
      %add3A_914 = vector.broadcast %mul3A_913 : i32 to vector<16xi32>
      %add3A_915 = arith.addi %add3A_914, %iota3A : vector<16xi32>
      tpu.vector_store_idx %arg6[%select_n3A_910], %add3A_915 masked %and3A_905 : memref<25088xi32, #tpu.memory_space<vmem>>[vector<16xi32>], vector<16xi32>, vector<16xi1>
      %mul3A_916 = arith.constant 4 : i32
      %mul3A_917 = arith.muli %mul3A_916, %while3A_831 : i32
      %add3A_918 = arith.constant 3 : i32
      %add3A_919 = arith.addi %mul3A_917, %add3A_918 : i32
      %mul3A_920 = arith.constant 16 : i32
      %mul3A_921 = arith.muli %add3A_919, %mul3A_920 : i32
      %add3A_922 = arith.addi %sub3A_117, %mul3A_921 : i32
      %get3A_923 = arith.index_cast %add3A_922 : i32 to index
      %get3A_924 = tpu.vector_load %arg5[%get3A_923] {strides = array<i32>} : memref<3136xi32, #tpu.memory_space<vmem>>, vector<16xi32>,
      %ge3A_925 = vector.broadcast %mul3A_121 : i32 to vector<16xi32>
      %ge3A_926 = arith.cmpi sge, %get3A_924, %ge3A_925 : vector<16xi32>
      %add3A_927 = arith.constant 25088 : i32
      %add3A_928 = arith.addi %mul3A_121, %add3A_927 : i32
      %lt3A_929 = vector.broadcast %add3A_928 : i32 to vector<16xi32>
      %lt3A_930 = arith.cmpi slt, %get3A_924, %lt3A_929 : vector<16xi32>
      %and3A_931 = arith.andi %ge3A_926, %lt3A_930 : vector<16xi1>
      %unique3A_932, %unique3A_933 = tpu.scan_count mask(%and3A_931 : vector<16xi1>) value(%get3A_924 : vector<16xi32>) : vector<16xi1>, vector<16xi32>
      %and3A_934 = arith.andi %unique3A_932, %and3A_931 : vector<16xi1>
      %sub3A_935 = vector.broadcast %mul3A_121 : i32 to vector<16xi32>
      %sub3A_936 = arith.subi %get3A_924, %sub3A_935 : vector<16xi32>
      %jit3A_937 = arith.constant 0 : i32
      %broadcast_in_dim3A_938 = vector.broadcast %jit3A_937 : i32 to vector<16xi32>
      %select_n3A_939 = arith.select %and3A_934, %sub3A_936, %broadcast_in_dim3A_938 : vector<16xi1>, vector<16xi32>
      %add3A_940 = arith.addi %add3A_103, %add3A_919 : i32
      %mul3A_941 = arith.constant 16 : i32
      %mul3A_942 = arith.muli %add3A_940, %mul3A_941 : i32
      %add3A_943 = vector.broadcast %mul3A_942 : i32 to vector<16xi32>
      %add3A_944 = arith.addi %add3A_943, %iota3A : vector<16xi32>
      tpu.vector_store_idx %arg6[%select_n3A_939], %add3A_944 masked %and3A_934 : memref<25088xi32, #tpu.memory_space<vmem>>[vector<16xi32>], vector<16xi32>, vector<16xi1>
    }
    %jit3A_156 = arith.constant 4 : i32
    %div3A_157 = arith.divsi %add3A_110, %jit3A_156 : i32
    %sign3A_158 = arith.constant 0 : i32
    %sign3A_159 = arith.cmpi sgt, %add3A_110, %sign3A_158 : i32
    %sign3A_160 = arith.extui %sign3A_159 : i1 to i32
    %sign3A_161 = arith.constant 0 : i32
    %sign3A_162 = arith.cmpi slt, %add3A_110, %sign3A_161 : i32
    %sign3A_163 = arith.extui %sign3A_162 : i1 to i32
    %sign3A_164 = arith.subi %sign3A_160, %sign3A_163 : i32
    %sign3A_165 = arith.constant 0 : i32
    %sign3A_166 = arith.cmpi sgt, %jit3A_156, %sign3A_165 : i32
    %sign3A_167 = arith.extui %sign3A_166 : i1 to i32
    %sign3A_168 = arith.constant 0 : i32
    %sign3A_169 = arith.cmpi slt, %jit3A_156, %sign3A_168 : i32
    %sign3A_170 = arith.extui %sign3A_169 : i1 to i32
    %sign3A_171 = arith.subi %sign3A_167, %sign3A_170 : i32
    %ne3A_172 = arith.cmpi ne, %sign3A_164, %sign3A_171 : i32
    %rem3A_173 = arith.remsi %add3A_110, %jit3A_156 : i32
    %ne3A_174 = arith.constant 0 : i32
    %ne3A_175 = arith.cmpi ne, %rem3A_173, %ne3A_174 : i32
    %and3A_176 = arith.andi %ne3A_172, %ne3A_175 : i1
    %sub3A_177 = arith.constant 1 : i32
    %sub3A_178 = arith.subi %div3A_157, %sub3A_177 : i32
    %select_n3A_179 = arith.select %and3A_176, %sub3A_178, %div3A_157 : i32
    %mul3A_180 = arith.constant 4 : i32
    %mul3A_181 = arith.muli %select_n3A_179, %mul3A_180 : i32
    %while3A_182 = arith.constant 0 : i32
    %while3A_183 = arith.subi %add3A_110, %mul3A_181 : i32
    %while3A_184 = arith.addi %mul3A_181, %while3A_183 : i32
    %while3A_185 = arith.constant 1 : i32
    %while3A_186 = arith.divsi %while3A_183, %while3A_185 : i32
    %while3A_187 = arith.muli %while3A_186, %while3A_185 : i32
    %while3A_188 = arith.addi %mul3A_181, %while3A_187 : i32
    %while3A_189 = arith.constant 1 : i32
    scf.for %while3A_831 = %mul3A_181 to %while3A_188 step %while3A_189  : i32 {
      %mul3A_832 = arith.constant 16 : i32
      %mul3A_833 = arith.muli %while3A_831, %mul3A_832 : i32
      %add3A_834 = arith.addi %sub3A_117, %mul3A_833 : i32
      %get3A = arith.index_cast %add3A_834 : i32 to index
      %get3A_835 = tpu.vector_load %arg5[%get3A] {strides = array<i32>} : memref<3136xi32, #tpu.memory_space<vmem>>, vector<16xi32>,
      %ge3A = vector.broadcast %mul3A_121 : i32 to vector<16xi32>
      %ge3A_836 = arith.cmpi sge, %get3A_835, %ge3A : vector<16xi32>
      %add3A_837 = arith.constant 25088 : i32
      %add3A_838 = arith.addi %mul3A_121, %add3A_837 : i32
      %lt3A_839 = vector.broadcast %add3A_838 : i32 to vector<16xi32>
      %lt3A_840 = arith.cmpi slt, %get3A_835, %lt3A_839 : vector<16xi32>
      %and3A_841 = arith.andi %ge3A_836, %lt3A_840 : vector<16xi1>
      %unique3A, %unique3A_842 = tpu.scan_count mask(%and3A_841 : vector<16xi1>) value(%get3A_835 : vector<16xi32>) : vector<16xi1>, vector<16xi32>
      %and3A_843 = arith.andi %unique3A, %and3A_841 : vector<16xi1>
      %sub3A_844 = vector.broadcast %mul3A_121 : i32 to vector<16xi32>
      %sub3A_845 = arith.subi %get3A_835, %sub3A_844 : vector<16xi32>
      %jit3A_846 = arith.constant 0 : i32
      %broadcast_in_dim3A_847 = vector.broadcast %jit3A_846 : i32 to vector<16xi32>
      %select_n3A_848 = arith.select %and3A_843, %sub3A_845, %broadcast_in_dim3A_847 : vector<16xi1>, vector<16xi32>
      %add3A_849 = arith.addi %add3A_103, %while3A_831 : i32
      %mul3A_850 = arith.constant 16 : i32
      %mul3A_851 = arith.muli %add3A_849, %mul3A_850 : i32
      %add3A_852 = vector.broadcast %mul3A_851 : i32 to vector<16xi32>
      %add3A_853 = arith.addi %add3A_852, %iota3A : vector<16xi32>
      tpu.vector_store_idx %arg6[%select_n3A_848], %add3A_853 masked %and3A_843 : memref<25088xi32, #tpu.memory_space<vmem>>[vector<16xi32>], vector<16xi32>, vector<16xi1>
    }
    %while3A_190 = arith.constant 1 : i32
    scf.for %while3A_831 = %while3A_188 to %while3A_184 step %while3A_190  : i32 {
      %mul3A_832 = arith.constant 16 : i32
      %mul3A_833 = arith.muli %while3A_831, %mul3A_832 : i32
      %add3A_834 = arith.addi %sub3A_117, %mul3A_833 : i32
      %get3A = arith.index_cast %add3A_834 : i32 to index
      %get3A_835 = tpu.vector_load %arg5[%get3A] {strides = array<i32>} : memref<3136xi32, #tpu.memory_space<vmem>>, vector<16xi32>,
      %ge3A = vector.broadcast %mul3A_121 : i32 to vector<16xi32>
      %ge3A_836 = arith.cmpi sge, %get3A_835, %ge3A : vector<16xi32>
      %add3A_837 = arith.constant 25088 : i32
      %add3A_838 = arith.addi %mul3A_121, %add3A_837 : i32
      %lt3A_839 = vector.broadcast %add3A_838 : i32 to vector<16xi32>
      %lt3A_840 = arith.cmpi slt, %get3A_835, %lt3A_839 : vector<16xi32>
      %and3A_841 = arith.andi %ge3A_836, %lt3A_840 : vector<16xi1>
      %unique3A, %unique3A_842 = tpu.scan_count mask(%and3A_841 : vector<16xi1>) value(%get3A_835 : vector<16xi32>) : vector<16xi1>, vector<16xi32>
      %and3A_843 = arith.andi %unique3A, %and3A_841 : vector<16xi1>
      %sub3A_844 = vector.broadcast %mul3A_121 : i32 to vector<16xi32>
      %sub3A_845 = arith.subi %get3A_835, %sub3A_844 : vector<16xi32>
      %jit3A_846 = arith.constant 0 : i32
      %broadcast_in_dim3A_847 = vector.broadcast %jit3A_846 : i32 to vector<16xi32>
      %select_n3A_848 = arith.select %and3A_843, %sub3A_845, %broadcast_in_dim3A_847 : vector<16xi1>, vector<16xi32>
      %add3A_849 = arith.addi %add3A_103, %while3A_831 : i32
      %mul3A_850 = arith.constant 16 : i32
      %mul3A_851 = arith.muli %add3A_849, %mul3A_850 : i32
      %add3A_852 = vector.broadcast %mul3A_851 : i32 to vector<16xi32>
      %add3A_853 = arith.addi %add3A_852, %iota3A : vector<16xi32>
      tpu.vector_store_idx %arg6[%select_n3A_848], %add3A_853 masked %and3A_843 : memref<25088xi32, #tpu.memory_space<vmem>>[vector<16xi32>], vector<16xi32>, vector<16xi1>
    }
    %mul3A_191 = arith.constant 25088 : i32
    %mul3A_192 = arith.muli %arg1, %mul3A_191 : i32
    "tpu.region"() ({
      %run_scoped3A = tpu.sem_alloc : memref<!tpu.dma_semaphore, #tpu.memory_space<semaphore_mem>>
      %dma_start3A_831 = tpu.memref_slice %arg14[%mul3A_192] : memref<426496xi32, #tpu.memory_space<vmem_shared>> -> memref<25088xi32, #tpu.memory_space<vmem_shared>>
      %dma_start3A_832 = tpu.memref_slice %arg14[%mul3A_192] : memref<426496xi32, #tpu.memory_space<vmem_shared>> -> memref<25088xi32, #tpu.memory_space<vmem_shared>>
      tpu.enqueue_dma source(%arg6 : memref<25088xi32, #tpu.memory_space<vmem>>) target(%dma_start3A_832 : memref<25088xi32, #tpu.memory_space<vmem_shared>>) target_semaphore(%run_scoped3A : memref<!tpu.dma_semaphore, #tpu.memory_space<semaphore_mem>>)
      %dma_wait3A_833 = tpu.memref_slice %arg14[%mul3A_192] : memref<426496xi32, #tpu.memory_space<vmem_shared>> -> memref<25088xi32, #tpu.memory_space<vmem_shared>>
      %dma_wait3A_834 = tpu.memref_slice %arg14[%mul3A_192] : memref<426496xi32, #tpu.memory_space<vmem_shared>> -> memref<25088xi32, #tpu.memory_space<vmem_shared>>
      tpu.wait_dma2 semaphore(%run_scoped3A : memref<!tpu.dma_semaphore, #tpu.memory_space<semaphore_mem>>) src(%arg6 : memref<25088xi32, #tpu.memory_space<vmem>>) dst(%dma_wait3A_834 : memref<25088xi32, #tpu.memory_space<vmem_shared>>)
      tpu.yield
    }) : () -> ()
    %barrier3A = arith.constant 0 : index
    tpu.barrier barrier_id(%barrier3A)
    %mul3A_193 = arith.constant 1568 : i32
    %mul3A_194 = arith.muli %arg1, %mul3A_193 : i32
    %add3A_195 = arith.constant 0 : i32
    %add3A_196 = arith.addi %add3A_195, %mul3A_194 : i32
    %dma_start3A = arith.constant 0 : i32
    %dma_start3A_197 = tpu.memref_slice %arg6[%dma_start3A] : memref<25088xi32, #tpu.memory_space<vmem>> -> memref<1568xi32, #tpu.memory_space<vmem>>
    %dma_start3A_198 = tpu.memref_slice %arg14[%add3A_196] : memref<426496xi32, #tpu.memory_space<vmem_shared>> -> memref<1568xi32, #tpu.memory_space<vmem_shared>>
    %dma_start3A_199 = arith.constant 0 : i32
    %dma_start3A_200 = tpu.memref_slice %arg6[%dma_start3A_199] : memref<25088xi32, #tpu.memory_space<vmem>> -> memref<1568xi32, #tpu.memory_space<vmem>>
    %dma_start3A_201 = tpu.memref_slice %arg14[%add3A_196] : memref<426496xi32, #tpu.memory_space<vmem_shared>> -> memref<1568xi32, #tpu.memory_space<vmem_shared>>
    tpu.enqueue_dma source(%dma_start3A_201 : memref<1568xi32, #tpu.memory_space<vmem_shared>>) target(%dma_start3A_200 : memref<1568xi32, #tpu.memory_space<vmem>>) target_semaphore(%arg17 : memref<!tpu.dma_semaphore, #tpu.memory_space<semaphore_mem>>)
    %mul3A_202 = arith.constant 1568 : i32
    %mul3A_203 = arith.muli %arg1, %mul3A_202 : i32
    %add3A_204 = arith.constant 25088 : i32
    %add3A_205 = arith.addi %add3A_204, %mul3A_203 : i32
    %dma_start3A_206 = arith.constant 1568 : i32
    %dma_start3A_207 = tpu.memref_slice %arg6[%dma_start3A_206] : memref<25088xi32, #tpu.memory_space<vmem>> -> memref<1568xi32, #tpu.memory_space<vmem>>
    %dma_start3A_208 = tpu.memref_slice %arg14[%add3A_205] : memref<426496xi32, #tpu.memory_space<vmem_shared>> -> memref<1568xi32, #tpu.memory_space<vmem_shared>>
    %dma_start3A_209 = arith.constant 1568 : i32
    %dma_start3A_210 = tpu.memref_slice %arg6[%dma_start3A_209] : memref<25088xi32, #tpu.memory_space<vmem>> -> memref<1568xi32, #tpu.memory_space<vmem>>
    %dma_start3A_211 = tpu.memref_slice %arg14[%add3A_205] : memref<426496xi32, #tpu.memory_space<vmem_shared>> -> memref<1568xi32, #tpu.memory_space<vmem_shared>>
    tpu.enqueue_dma source(%dma_start3A_211 : memref<1568xi32, #tpu.memory_space<vmem_shared>>) target(%dma_start3A_210 : memref<1568xi32, #tpu.memory_space<vmem>>) target_semaphore(%arg17 : memref<!tpu.dma_semaphore, #tpu.memory_space<semaphore_mem>>)
    %mul3A_212 = arith.constant 1568 : i32
    %mul3A_213 = arith.muli %arg1, %mul3A_212 : i32
    %add3A_214 = arith.constant 50176 : i32
    %add3A_215 = arith.addi %add3A_214, %mul3A_213 : i32
    %dma_start3A_216 = arith.constant 3136 : i32
    %dma_start3A_217 = tpu.memref_slice %arg6[%dma_start3A_216] : memref<25088xi32, #tpu.memory_space<vmem>> -> memref<1568xi32, #tpu.memory_space<vmem>>
    %dma_start3A_218 = tpu.memref_slice %arg14[%add3A_215] : memref<426496xi32, #tpu.memory_space<vmem_shared>> -> memref<1568xi32, #tpu.memory_space<vmem_shared>>
    %dma_start3A_219 = arith.constant 3136 : i32
    %dma_start3A_220 = tpu.memref_slice %arg6[%dma_start3A_219] : memref<25088xi32, #tpu.memory_space<vmem>> -> memref<1568xi32, #tpu.memory_space<vmem>>
    %dma_start3A_221 = tpu.memref_slice %arg14[%add3A_215] : memref<426496xi32, #tpu.memory_space<vmem_shared>> -> memref<1568xi32, #tpu.memory_space<vmem_shared>>
    tpu.enqueue_dma source(%dma_start3A_221 : memref<1568xi32, #tpu.memory_space<vmem_shared>>) target(%dma_start3A_220 : memref<1568xi32, #tpu.memory_space<vmem>>) target_semaphore(%arg17 : memref<!tpu.dma_semaphore, #tpu.memory_space<semaphore_mem>>)
    %mul3A_222 = arith.constant 1568 : i32
    %mul3A_223 = arith.muli %arg1, %mul3A_222 : i32
    %add3A_224 = arith.constant 75264 : i32
    %add3A_225 = arith.addi %add3A_224, %mul3A_223 : i32
    %dma_start3A_226 = arith.constant 4704 : i32
    %dma_start3A_227 = tpu.memref_slice %arg6[%dma_start3A_226] : memref<25088xi32, #tpu.memory_space<vmem>> -> memref<1568xi32, #tpu.memory_space<vmem>>
    %dma_start3A_228 = tpu.memref_slice %arg14[%add3A_225] : memref<426496xi32, #tpu.memory_space<vmem_shared>> -> memref<1568xi32, #tpu.memory_space<vmem_shared>>
    %dma_start3A_229 = arith.constant 4704 : i32
    %dma_start3A_230 = tpu.memref_slice %arg6[%dma_start3A_229] : memref<25088xi32, #tpu.memory_space<vmem>> -> memref<1568xi32, #tpu.memory_space<vmem>>
    %dma_start3A_231 = tpu.memref_slice %arg14[%add3A_225] : memref<426496xi32, #tpu.memory_space<vmem_shared>> -> memref<1568xi32, #tpu.memory_space<vmem_shared>>
    tpu.enqueue_dma source(%dma_start3A_231 : memref<1568xi32, #tpu.memory_space<vmem_shared>>) target(%dma_start3A_230 : memref<1568xi32, #tpu.memory_space<vmem>>) target_semaphore(%arg17 : memref<!tpu.dma_semaphore, #tpu.memory_space<semaphore_mem>>)
    %mul3A_232 = arith.constant 1568 : i32
    %mul3A_233 = arith.muli %arg1, %mul3A_232 : i32
    %add3A_234 = arith.constant 100352 : i32
    %add3A_235 = arith.addi %add3A_234, %mul3A_233 : i32
    %dma_start3A_236 = arith.constant 6272 : i32
    %dma_start3A_237 = tpu.memref_slice %arg6[%dma_start3A_236] : memref<25088xi32, #tpu.memory_space<vmem>> -> memref<1568xi32, #tpu.memory_space<vmem>>
    %dma_start3A_238 = tpu.memref_slice %arg14[%add3A_235] : memref<426496xi32, #tpu.memory_space<vmem_shared>> -> memref<1568xi32, #tpu.memory_space<vmem_shared>>
    %dma_start3A_239 = arith.constant 6272 : i32
    %dma_start3A_240 = tpu.memref_slice %arg6[%dma_start3A_239] : memref<25088xi32, #tpu.memory_space<vmem>> -> memref<1568xi32, #tpu.memory_space<vmem>>
    %dma_start3A_241 = tpu.memref_slice %arg14[%add3A_235] : memref<426496xi32, #tpu.memory_space<vmem_shared>> -> memref<1568xi32, #tpu.memory_space<vmem_shared>>
    tpu.enqueue_dma source(%dma_start3A_241 : memref<1568xi32, #tpu.memory_space<vmem_shared>>) target(%dma_start3A_240 : memref<1568xi32, #tpu.memory_space<vmem>>) target_semaphore(%arg17 : memref<!tpu.dma_semaphore, #tpu.memory_space<semaphore_mem>>)
    %mul3A_242 = arith.constant 1568 : i32
    %mul3A_243 = arith.muli %arg1, %mul3A_242 : i32
    %add3A_244 = arith.constant 125440 : i32
    %add3A_245 = arith.addi %add3A_244, %mul3A_243 : i32
    %dma_start3A_246 = arith.constant 7840 : i32
    %dma_start3A_247 = tpu.memref_slice %arg6[%dma_start3A_246] : memref<25088xi32, #tpu.memory_space<vmem>> -> memref<1568xi32, #tpu.memory_space<vmem>>
    %dma_start3A_248 = tpu.memref_slice %arg14[%add3A_245] : memref<426496xi32, #tpu.memory_space<vmem_shared>> -> memref<1568xi32, #tpu.memory_space<vmem_shared>>
    %dma_start3A_249 = arith.constant 7840 : i32
    %dma_start3A_250 = tpu.memref_slice %arg6[%dma_start3A_249] : memref<25088xi32, #tpu.memory_space<vmem>> -> memref<1568xi32, #tpu.memory_space<vmem>>
    %dma_start3A_251 = tpu.memref_slice %arg14[%add3A_245] : memref<426496xi32, #tpu.memory_space<vmem_shared>> -> memref<1568xi32, #tpu.memory_space<vmem_shared>>
    tpu.enqueue_dma source(%dma_start3A_251 : memref<1568xi32, #tpu.memory_space<vmem_shared>>) target(%dma_start3A_250 : memref<1568xi32, #tpu.memory_space<vmem>>) target_semaphore(%arg17 : memref<!tpu.dma_semaphore, #tpu.memory_space<semaphore_mem>>)
    %mul3A_252 = arith.constant 1568 : i32
    %mul3A_253 = arith.muli %arg1, %mul3A_252 : i32
    %add3A_254 = arith.constant 150528 : i32
    %add3A_255 = arith.addi %add3A_254, %mul3A_253 : i32
    %dma_start3A_256 = arith.constant 9408 : i32
    %dma_start3A_257 = tpu.memref_slice %arg6[%dma_start3A_256] : memref<25088xi32, #tpu.memory_space<vmem>> -> memref<1568xi32, #tpu.memory_space<vmem>>
    %dma_start3A_258 = tpu.memref_slice %arg14[%add3A_255] : memref<426496xi32, #tpu.memory_space<vmem_shared>> -> memref<1568xi32, #tpu.memory_space<vmem_shared>>
    %dma_start3A_259 = arith.constant 9408 : i32
    %dma_start3A_260 = tpu.memref_slice %arg6[%dma_start3A_259] : memref<25088xi32, #tpu.memory_space<vmem>> -> memref<1568xi32, #tpu.memory_space<vmem>>
    %dma_start3A_261 = tpu.memref_slice %arg14[%add3A_255] : memref<426496xi32, #tpu.memory_space<vmem_shared>> -> memref<1568xi32, #tpu.memory_space<vmem_shared>>
    tpu.enqueue_dma source(%dma_start3A_261 : memref<1568xi32, #tpu.memory_space<vmem_shared>>) target(%dma_start3A_260 : memref<1568xi32, #tpu.memory_space<vmem>>) target_semaphore(%arg17 : memref<!tpu.dma_semaphore, #tpu.memory_space<semaphore_mem>>)
    %mul3A_262 = arith.constant 1568 : i32
    %mul3A_263 = arith.muli %arg1, %mul3A_262 : i32
    %add3A_264 = arith.constant 175616 : i32
    %add3A_265 = arith.addi %add3A_264, %mul3A_263 : i32
    %dma_start3A_266 = arith.constant 10976 : i32
    %dma_start3A_267 = tpu.memref_slice %arg6[%dma_start3A_266] : memref<25088xi32, #tpu.memory_space<vmem>> -> memref<1568xi32, #tpu.memory_space<vmem>>
    %dma_start3A_268 = tpu.memref_slice %arg14[%add3A_265] : memref<426496xi32, #tpu.memory_space<vmem_shared>> -> memref<1568xi32, #tpu.memory_space<vmem_shared>>
    %dma_start3A_269 = arith.constant 10976 : i32
    %dma_start3A_270 = tpu.memref_slice %arg6[%dma_start3A_269] : memref<25088xi32, #tpu.memory_space<vmem>> -> memref<1568xi32, #tpu.memory_space<vmem>>
    %dma_start3A_271 = tpu.memref_slice %arg14[%add3A_265] : memref<426496xi32, #tpu.memory_space<vmem_shared>> -> memref<1568xi32, #tpu.memory_space<vmem_shared>>
    tpu.enqueue_dma source(%dma_start3A_271 : memref<1568xi32, #tpu.memory_space<vmem_shared>>) target(%dma_start3A_270 : memref<1568xi32, #tpu.memory_space<vmem>>) target_semaphore(%arg17 : memref<!tpu.dma_semaphore, #tpu.memory_space<semaphore_mem>>)
    %mul3A_272 = arith.constant 1568 : i32
    %mul3A_273 = arith.muli %arg1, %mul3A_272 : i32
    %add3A_274 = arith.constant 200704 : i32
    %add3A_275 = arith.addi %add3A_274, %mul3A_273 : i32
    %dma_start3A_276 = arith.constant 12544 : i32
    %dma_start3A_277 = tpu.memref_slice %arg6[%dma_start3A_276] : memref<25088xi32, #tpu.memory_space<vmem>> -> memref<1568xi32, #tpu.memory_space<vmem>>
    %dma_start3A_278 = tpu.memref_slice %arg14[%add3A_275] : memref<426496xi32, #tpu.memory_space<vmem_shared>> -> memref<1568xi32, #tpu.memory_space<vmem_shared>>
    %dma_start3A_279 = arith.constant 12544 : i32
    %dma_start3A_280 = tpu.memref_slice %arg6[%dma_start3A_279] : memref<25088xi32, #tpu.memory_space<vmem>> -> memref<1568xi32, #tpu.memory_space<vmem>>
    %dma_start3A_281 = tpu.memref_slice %arg14[%add3A_275] : memref<426496xi32, #tpu.memory_space<vmem_shared>> -> memref<1568xi32, #tpu.memory_space<vmem_shared>>
    tpu.enqueue_dma source(%dma_start3A_281 : memref<1568xi32, #tpu.memory_space<vmem_shared>>) target(%dma_start3A_280 : memref<1568xi32, #tpu.memory_space<vmem>>) target_semaphore(%arg17 : memref<!tpu.dma_semaphore, #tpu.memory_space<semaphore_mem>>)
    %mul3A_282 = arith.constant 1568 : i32
    %mul3A_283 = arith.muli %arg1, %mul3A_282 : i32
    %add3A_284 = arith.constant 225792 : i32
    %add3A_285 = arith.addi %add3A_284, %mul3A_283 : i32
    %dma_start3A_286 = arith.constant 14112 : i32
    %dma_start3A_287 = tpu.memref_slice %arg6[%dma_start3A_286] : memref<25088xi32, #tpu.memory_space<vmem>> -> memref<1568xi32, #tpu.memory_space<vmem>>
    %dma_start3A_288 = tpu.memref_slice %arg14[%add3A_285] : memref<426496xi32, #tpu.memory_space<vmem_shared>> -> memref<1568xi32, #tpu.memory_space<vmem_shared>>
    %dma_start3A_289 = arith.constant 14112 : i32
    %dma_start3A_290 = tpu.memref_slice %arg6[%dma_start3A_289] : memref<25088xi32, #tpu.memory_space<vmem>> -> memref<1568xi32, #tpu.memory_space<vmem>>
    %dma_start3A_291 = tpu.memref_slice %arg14[%add3A_285] : memref<426496xi32, #tpu.memory_space<vmem_shared>> -> memref<1568xi32, #tpu.memory_space<vmem_shared>>
    tpu.enqueue_dma source(%dma_start3A_291 : memref<1568xi32, #tpu.memory_space<vmem_shared>>) target(%dma_start3A_290 : memref<1568xi32, #tpu.memory_space<vmem>>) target_semaphore(%arg17 : memref<!tpu.dma_semaphore, #tpu.memory_space<semaphore_mem>>)
    %mul3A_292 = arith.constant 1568 : i32
    %mul3A_293 = arith.muli %arg1, %mul3A_292 : i32
    %add3A_294 = arith.constant 250880 : i32
    %add3A_295 = arith.addi %add3A_294, %mul3A_293 : i32
    %dma_start3A_296 = arith.constant 15680 : i32
    %dma_start3A_297 = tpu.memref_slice %arg6[%dma_start3A_296] : memref<25088xi32, #tpu.memory_space<vmem>> -> memref<1568xi32, #tpu.memory_space<vmem>>
    %dma_start3A_298 = tpu.memref_slice %arg14[%add3A_295] : memref<426496xi32, #tpu.memory_space<vmem_shared>> -> memref<1568xi32, #tpu.memory_space<vmem_shared>>
    %dma_start3A_299 = arith.constant 15680 : i32
    %dma_start3A_300 = tpu.memref_slice %arg6[%dma_start3A_299] : memref<25088xi32, #tpu.memory_space<vmem>> -> memref<1568xi32, #tpu.memory_space<vmem>>
    %dma_start3A_301 = tpu.memref_slice %arg14[%add3A_295] : memref<426496xi32, #tpu.memory_space<vmem_shared>> -> memref<1568xi32, #tpu.memory_space<vmem_shared>>
    tpu.enqueue_dma source(%dma_start3A_301 : memref<1568xi32, #tpu.memory_space<vmem_shared>>) target(%dma_start3A_300 : memref<1568xi32, #tpu.memory_space<vmem>>) target_semaphore(%arg17 : memref<!tpu.dma_semaphore, #tpu.memory_space<semaphore_mem>>)
    %mul3A_302 = arith.constant 1568 : i32
    %mul3A_303 = arith.muli %arg1, %mul3A_302 : i32
    %add3A_304 = arith.constant 275968 : i32
    %add3A_305 = arith.addi %add3A_304, %mul3A_303 : i32
    %dma_start3A_306 = arith.constant 17248 : i32
    %dma_start3A_307 = tpu.memref_slice %arg6[%dma_start3A_306] : memref<25088xi32, #tpu.memory_space<vmem>> -> memref<1568xi32, #tpu.memory_space<vmem>>
    %dma_start3A_308 = tpu.memref_slice %arg14[%add3A_305] : memref<426496xi32, #tpu.memory_space<vmem_shared>> -> memref<1568xi32, #tpu.memory_space<vmem_shared>>
    %dma_start3A_309 = arith.constant 17248 : i32
    %dma_start3A_310 = tpu.memref_slice %arg6[%dma_start3A_309] : memref<25088xi32, #tpu.memory_space<vmem>> -> memref<1568xi32, #tpu.memory_space<vmem>>
    %dma_start3A_311 = tpu.memref_slice %arg14[%add3A_305] : memref<426496xi32, #tpu.memory_space<vmem_shared>> -> memref<1568xi32, #tpu.memory_space<vmem_shared>>
    tpu.enqueue_dma source(%dma_start3A_311 : memref<1568xi32, #tpu.memory_space<vmem_shared>>) target(%dma_start3A_310 : memref<1568xi32, #tpu.memory_space<vmem>>) target_semaphore(%arg17 : memref<!tpu.dma_semaphore, #tpu.memory_space<semaphore_mem>>)
    %mul3A_312 = arith.constant 1568 : i32
    %mul3A_313 = arith.muli %arg1, %mul3A_312 : i32
    %add3A_314 = arith.constant 301056 : i32
    %add3A_315 = arith.addi %add3A_314, %mul3A_313 : i32
    %dma_start3A_316 = arith.constant 18816 : i32
    %dma_start3A_317 = tpu.memref_slice %arg6[%dma_start3A_316] : memref<25088xi32, #tpu.memory_space<vmem>> -> memref<1568xi32, #tpu.memory_space<vmem>>
    %dma_start3A_318 = tpu.memref_slice %arg14[%add3A_315] : memref<426496xi32, #tpu.memory_space<vmem_shared>> -> memref<1568xi32, #tpu.memory_space<vmem_shared>>
    %dma_start3A_319 = arith.constant 18816 : i32
    %dma_start3A_320 = tpu.memref_slice %arg6[%dma_start3A_319] : memref<25088xi32, #tpu.memory_space<vmem>> -> memref<1568xi32, #tpu.memory_space<vmem>>
    %dma_start3A_321 = tpu.memref_slice %arg14[%add3A_315] : memref<426496xi32, #tpu.memory_space<vmem_shared>> -> memref<1568xi32, #tpu.memory_space<vmem_shared>>
    tpu.enqueue_dma source(%dma_start3A_321 : memref<1568xi32, #tpu.memory_space<vmem_shared>>) target(%dma_start3A_320 : memref<1568xi32, #tpu.memory_space<vmem>>) target_semaphore(%arg17 : memref<!tpu.dma_semaphore, #tpu.memory_space<semaphore_mem>>)
    %mul3A_322 = arith.constant 1568 : i32
    %mul3A_323 = arith.muli %arg1, %mul3A_322 : i32
    %add3A_324 = arith.constant 326144 : i32
    %add3A_325 = arith.addi %add3A_324, %mul3A_323 : i32
    %dma_start3A_326 = arith.constant 20384 : i32
    %dma_start3A_327 = tpu.memref_slice %arg6[%dma_start3A_326] : memref<25088xi32, #tpu.memory_space<vmem>> -> memref<1568xi32, #tpu.memory_space<vmem>>
    %dma_start3A_328 = tpu.memref_slice %arg14[%add3A_325] : memref<426496xi32, #tpu.memory_space<vmem_shared>> -> memref<1568xi32, #tpu.memory_space<vmem_shared>>
    %dma_start3A_329 = arith.constant 20384 : i32
    %dma_start3A_330 = tpu.memref_slice %arg6[%dma_start3A_329] : memref<25088xi32, #tpu.memory_space<vmem>> -> memref<1568xi32, #tpu.memory_space<vmem>>
    %dma_start3A_331 = tpu.memref_slice %arg14[%add3A_325] : memref<426496xi32, #tpu.memory_space<vmem_shared>> -> memref<1568xi32, #tpu.memory_space<vmem_shared>>
    tpu.enqueue_dma source(%dma_start3A_331 : memref<1568xi32, #tpu.memory_space<vmem_shared>>) target(%dma_start3A_330 : memref<1568xi32, #tpu.memory_space<vmem>>) target_semaphore(%arg17 : memref<!tpu.dma_semaphore, #tpu.memory_space<semaphore_mem>>)
    %mul3A_332 = arith.constant 1568 : i32
    %mul3A_333 = arith.muli %arg1, %mul3A_332 : i32
    %add3A_334 = arith.constant 351232 : i32
    %add3A_335 = arith.addi %add3A_334, %mul3A_333 : i32
    %dma_start3A_336 = arith.constant 21952 : i32
    %dma_start3A_337 = tpu.memref_slice %arg6[%dma_start3A_336] : memref<25088xi32, #tpu.memory_space<vmem>> -> memref<1568xi32, #tpu.memory_space<vmem>>
    %dma_start3A_338 = tpu.memref_slice %arg14[%add3A_335] : memref<426496xi32, #tpu.memory_space<vmem_shared>> -> memref<1568xi32, #tpu.memory_space<vmem_shared>>
    %dma_start3A_339 = arith.constant 21952 : i32
    %dma_start3A_340 = tpu.memref_slice %arg6[%dma_start3A_339] : memref<25088xi32, #tpu.memory_space<vmem>> -> memref<1568xi32, #tpu.memory_space<vmem>>
    %dma_start3A_341 = tpu.memref_slice %arg14[%add3A_335] : memref<426496xi32, #tpu.memory_space<vmem_shared>> -> memref<1568xi32, #tpu.memory_space<vmem_shared>>
    tpu.enqueue_dma source(%dma_start3A_341 : memref<1568xi32, #tpu.memory_space<vmem_shared>>) target(%dma_start3A_340 : memref<1568xi32, #tpu.memory_space<vmem>>) target_semaphore(%arg17 : memref<!tpu.dma_semaphore, #tpu.memory_space<semaphore_mem>>)
    %mul3A_342 = arith.constant 1568 : i32
    %mul3A_343 = arith.muli %arg1, %mul3A_342 : i32
    %add3A_344 = arith.constant 376320 : i32
    %add3A_345 = arith.addi %add3A_344, %mul3A_343 : i32
    %dma_start3A_346 = arith.constant 23520 : i32
    %dma_start3A_347 = tpu.memref_slice %arg6[%dma_start3A_346] : memref<25088xi32, #tpu.memory_space<vmem>> -> memref<1568xi32, #tpu.memory_space<vmem>>
    %dma_start3A_348 = tpu.memref_slice %arg14[%add3A_345] : memref<426496xi32, #tpu.memory_space<vmem_shared>> -> memref<1568xi32, #tpu.memory_space<vmem_shared>>
    %dma_start3A_349 = arith.constant 23520 : i32
    %dma_start3A_350 = tpu.memref_slice %arg6[%dma_start3A_349] : memref<25088xi32, #tpu.memory_space<vmem>> -> memref<1568xi32, #tpu.memory_space<vmem>>
    %dma_start3A_351 = tpu.memref_slice %arg14[%add3A_345] : memref<426496xi32, #tpu.memory_space<vmem_shared>> -> memref<1568xi32, #tpu.memory_space<vmem_shared>>
    tpu.enqueue_dma source(%dma_start3A_351 : memref<1568xi32, #tpu.memory_space<vmem_shared>>) target(%dma_start3A_350 : memref<1568xi32, #tpu.memory_space<vmem>>) target_semaphore(%arg17 : memref<!tpu.dma_semaphore, #tpu.memory_space<semaphore_mem>>)
    %mul3A_352 = arith.constant 1568 : i32
    %mul3A_353 = arith.muli %arg1, %mul3A_352 : i32
    %dma_wait3A = arith.constant 0 : i32
    %dma_wait3A_354 = tpu.memref_slice %arg6[%dma_wait3A] : memref<25088xi32, #tpu.memory_space<vmem>> -> memref<1568xi32, #tpu.memory_space<vmem>>
    %dma_wait3A_355 = tpu.memref_slice %arg14[%mul3A_353] : memref<426496xi32, #tpu.memory_space<vmem_shared>> -> memref<1568xi32, #tpu.memory_space<vmem_shared>>
    %dma_wait3A_356 = arith.constant 0 : i32
    %dma_wait3A_357 = tpu.memref_slice %arg6[%dma_wait3A_356] : memref<25088xi32, #tpu.memory_space<vmem>> -> memref<1568xi32, #tpu.memory_space<vmem>>
    %dma_wait3A_358 = tpu.memref_slice %arg14[%mul3A_353] : memref<426496xi32, #tpu.memory_space<vmem_shared>> -> memref<1568xi32, #tpu.memory_space<vmem_shared>>
    tpu.wait_dma2 semaphore(%arg17 : memref<!tpu.dma_semaphore, #tpu.memory_space<semaphore_mem>>) src(%dma_wait3A_358 : memref<1568xi32, #tpu.memory_space<vmem_shared>>) dst(%dma_wait3A_357 : memref<1568xi32, #tpu.memory_space<vmem>>)
    %mul3A_359 = arith.constant 1568 : i32
    %mul3A_360 = arith.muli %arg1, %mul3A_359 : i32
    %dma_wait3A_361 = arith.constant 0 : i32
    %dma_wait3A_362 = tpu.memref_slice %arg6[%dma_wait3A_361] : memref<25088xi32, #tpu.memory_space<vmem>> -> memref<1568xi32, #tpu.memory_space<vmem>>
    %dma_wait3A_363 = tpu.memref_slice %arg14[%mul3A_360] : memref<426496xi32, #tpu.memory_space<vmem_shared>> -> memref<1568xi32, #tpu.memory_space<vmem_shared>>
    %dma_wait3A_364 = arith.constant 0 : i32
    %dma_wait3A_365 = tpu.memref_slice %arg6[%dma_wait3A_364] : memref<25088xi32, #tpu.memory_space<vmem>> -> memref<1568xi32, #tpu.memory_space<vmem>>
    %dma_wait3A_366 = tpu.memref_slice %arg14[%mul3A_360] : memref<426496xi32, #tpu.memory_space<vmem_shared>> -> memref<1568xi32, #tpu.memory_space<vmem_shared>>
    tpu.wait_dma2 semaphore(%arg17 : memref<!tpu.dma_semaphore, #tpu.memory_space<semaphore_mem>>) src(%dma_wait3A_366 : memref<1568xi32, #tpu.memory_space<vmem_shared>>) dst(%dma_wait3A_365 : memref<1568xi32, #tpu.memory_space<vmem>>)
    %mul3A_367 = arith.constant 1568 : i32
    %mul3A_368 = arith.muli %arg1, %mul3A_367 : i32
    %dma_wait3A_369 = arith.constant 0 : i32
    %dma_wait3A_370 = tpu.memref_slice %arg6[%dma_wait3A_369] : memref<25088xi32, #tpu.memory_space<vmem>> -> memref<1568xi32, #tpu.memory_space<vmem>>
    %dma_wait3A_371 = tpu.memref_slice %arg14[%mul3A_368] : memref<426496xi32, #tpu.memory_space<vmem_shared>> -> memref<1568xi32, #tpu.memory_space<vmem_shared>>
    %dma_wait3A_372 = arith.constant 0 : i32
    %dma_wait3A_373 = tpu.memref_slice %arg6[%dma_wait3A_372] : memref<25088xi32, #tpu.memory_space<vmem>> -> memref<1568xi32, #tpu.memory_space<vmem>>
    %dma_wait3A_374 = tpu.memref_slice %arg14[%mul3A_368] : memref<426496xi32, #tpu.memory_space<vmem_shared>> -> memref<1568xi32, #tpu.memory_space<vmem_shared>>
    tpu.wait_dma2 semaphore(%arg17 : memref<!tpu.dma_semaphore, #tpu.memory_space<semaphore_mem>>) src(%dma_wait3A_374 : memref<1568xi32, #tpu.memory_space<vmem_shared>>) dst(%dma_wait3A_373 : memref<1568xi32, #tpu.memory_space<vmem>>)
    %mul3A_375 = arith.constant 1568 : i32
    %mul3A_376 = arith.muli %arg1, %mul3A_375 : i32
    %dma_wait3A_377 = arith.constant 0 : i32
    %dma_wait3A_378 = tpu.memref_slice %arg6[%dma_wait3A_377] : memref<25088xi32, #tpu.memory_space<vmem>> -> memref<1568xi32, #tpu.memory_space<vmem>>
    %dma_wait3A_379 = tpu.memref_slice %arg14[%mul3A_376] : memref<426496xi32, #tpu.memory_space<vmem_shared>> -> memref<1568xi32, #tpu.memory_space<vmem_shared>>
    %dma_wait3A_380 = arith.constant 0 : i32
    %dma_wait3A_381 = tpu.memref_slice %arg6[%dma_wait3A_380] : memref<25088xi32, #tpu.memory_space<vmem>> -> memref<1568xi32, #tpu.memory_space<vmem>>
    %dma_wait3A_382 = tpu.memref_slice %arg14[%mul3A_376] : memref<426496xi32, #tpu.memory_space<vmem_shared>> -> memref<1568xi32, #tpu.memory_space<vmem_shared>>
    tpu.wait_dma2 semaphore(%arg17 : memref<!tpu.dma_semaphore, #tpu.memory_space<semaphore_mem>>) src(%dma_wait3A_382 : memref<1568xi32, #tpu.memory_space<vmem_shared>>) dst(%dma_wait3A_381 : memref<1568xi32, #tpu.memory_space<vmem>>)
    %mul3A_383 = arith.constant 1568 : i32
    %mul3A_384 = arith.muli %arg1, %mul3A_383 : i32
    %dma_wait3A_385 = arith.constant 0 : i32
    %dma_wait3A_386 = tpu.memref_slice %arg6[%dma_wait3A_385] : memref<25088xi32, #tpu.memory_space<vmem>> -> memref<1568xi32, #tpu.memory_space<vmem>>
    %dma_wait3A_387 = tpu.memref_slice %arg14[%mul3A_384] : memref<426496xi32, #tpu.memory_space<vmem_shared>> -> memref<1568xi32, #tpu.memory_space<vmem_shared>>
    %dma_wait3A_388 = arith.constant 0 : i32
    %dma_wait3A_389 = tpu.memref_slice %arg6[%dma_wait3A_388] : memref<25088xi32, #tpu.memory_space<vmem>> -> memref<1568xi32, #tpu.memory_space<vmem>>
    %dma_wait3A_390 = tpu.memref_slice %arg14[%mul3A_384] : memref<426496xi32, #tpu.memory_space<vmem_shared>> -> memref<1568xi32, #tpu.memory_space<vmem_shared>>
    tpu.wait_dma2 semaphore(%arg17 : memref<!tpu.dma_semaphore, #tpu.memory_space<semaphore_mem>>) src(%dma_wait3A_390 : memref<1568xi32, #tpu.memory_space<vmem_shared>>) dst(%dma_wait3A_389 : memref<1568xi32, #tpu.memory_space<vmem>>)
    %mul3A_391 = arith.constant 1568 : i32
    %mul3A_392 = arith.muli %arg1, %mul3A_391 : i32
    %dma_wait3A_393 = arith.constant 0 : i32
    %dma_wait3A_394 = tpu.memref_slice %arg6[%dma_wait3A_393] : memref<25088xi32, #tpu.memory_space<vmem>> -> memref<1568xi32, #tpu.memory_space<vmem>>
    %dma_wait3A_395 = tpu.memref_slice %arg14[%mul3A_392] : memref<426496xi32, #tpu.memory_space<vmem_shared>> -> memref<1568xi32, #tpu.memory_space<vmem_shared>>
    %dma_wait3A_396 = arith.constant 0 : i32
    %dma_wait3A_397 = tpu.memref_slice %arg6[%dma_wait3A_396] : memref<25088xi32, #tpu.memory_space<vmem>> -> memref<1568xi32, #tpu.memory_space<vmem>>
    %dma_wait3A_398 = tpu.memref_slice %arg14[%mul3A_392] : memref<426496xi32, #tpu.memory_space<vmem_shared>> -> memref<1568xi32, #tpu.memory_space<vmem_shared>>
    tpu.wait_dma2 semaphore(%arg17 : memref<!tpu.dma_semaphore, #tpu.memory_space<semaphore_mem>>) src(%dma_wait3A_398 : memref<1568xi32, #tpu.memory_space<vmem_shared>>) dst(%dma_wait3A_397 : memref<1568xi32, #tpu.memory_space<vmem>>)
    %mul3A_399 = arith.constant 1568 : i32
    %mul3A_400 = arith.muli %arg1, %mul3A_399 : i32
    %dma_wait3A_401 = arith.constant 0 : i32
    %dma_wait3A_402 = tpu.memref_slice %arg6[%dma_wait3A_401] : memref<25088xi32, #tpu.memory_space<vmem>> -> memref<1568xi32, #tpu.memory_space<vmem>>
    %dma_wait3A_403 = tpu.memref_slice %arg14[%mul3A_400] : memref<426496xi32, #tpu.memory_space<vmem_shared>> -> memref<1568xi32, #tpu.memory_space<vmem_shared>>
    %dma_wait3A_404 = arith.constant 0 : i32
    %dma_wait3A_405 = tpu.memref_slice %arg6[%dma_wait3A_404] : memref<25088xi32, #tpu.memory_space<vmem>> -> memref<1568xi32, #tpu.memory_space<vmem>>
    %dma_wait3A_406 = tpu.memref_slice %arg14[%mul3A_400] : memref<426496xi32, #tpu.memory_space<vmem_shared>> -> memref<1568xi32, #tpu.memory_space<vmem_shared>>
    tpu.wait_dma2 semaphore(%arg17 : memref<!tpu.dma_semaphore, #tpu.memory_space<semaphore_mem>>) src(%dma_wait3A_406 : memref<1568xi32, #tpu.memory_space<vmem_shared>>) dst(%dma_wait3A_405 : memref<1568xi32, #tpu.memory_space<vmem>>)
    %mul3A_407 = arith.constant 1568 : i32
    %mul3A_408 = arith.muli %arg1, %mul3A_407 : i32
    %dma_wait3A_409 = arith.constant 0 : i32
    %dma_wait3A_410 = tpu.memref_slice %arg6[%dma_wait3A_409] : memref<25088xi32, #tpu.memory_space<vmem>> -> memref<1568xi32, #tpu.memory_space<vmem>>
    %dma_wait3A_411 = tpu.memref_slice %arg14[%mul3A_408] : memref<426496xi32, #tpu.memory_space<vmem_shared>> -> memref<1568xi32, #tpu.memory_space<vmem_shared>>
    %dma_wait3A_412 = arith.constant 0 : i32
    %dma_wait3A_413 = tpu.memref_slice %arg6[%dma_wait3A_412] : memref<25088xi32, #tpu.memory_space<vmem>> -> memref<1568xi32, #tpu.memory_space<vmem>>
    %dma_wait3A_414 = tpu.memref_slice %arg14[%mul3A_408] : memref<426496xi32, #tpu.memory_space<vmem_shared>> -> memref<1568xi32, #tpu.memory_space<vmem_shared>>
    tpu.wait_dma2 semaphore(%arg17 : memref<!tpu.dma_semaphore, #tpu.memory_space<semaphore_mem>>) src(%dma_wait3A_414 : memref<1568xi32, #tpu.memory_space<vmem_shared>>) dst(%dma_wait3A_413 : memref<1568xi32, #tpu.memory_space<vmem>>)
    %mul3A_415 = arith.constant 1568 : i32
    %mul3A_416 = arith.muli %arg1, %mul3A_415 : i32
    %dma_wait3A_417 = arith.constant 0 : i32
    %dma_wait3A_418 = tpu.memref_slice %arg6[%dma_wait3A_417] : memref<25088xi32, #tpu.memory_space<vmem>> -> memref<1568xi32, #tpu.memory_space<vmem>>
    %dma_wait3A_419 = tpu.memref_slice %arg14[%mul3A_416] : memref<426496xi32, #tpu.memory_space<vmem_shared>> -> memref<1568xi32, #tpu.memory_space<vmem_shared>>
    %dma_wait3A_420 = arith.constant 0 : i32
    %dma_wait3A_421 = tpu.memref_slice %arg6[%dma_wait3A_420] : memref<25088xi32, #tpu.memory_space<vmem>> -> memref<1568xi32, #tpu.memory_space<vmem>>
    %dma_wait3A_422 = tpu.memref_slice %arg14[%mul3A_416] : memref<426496xi32, #tpu.memory_space<vmem_shared>> -> memref<1568xi32, #tpu.memory_space<vmem_shared>>
    tpu.wait_dma2 semaphore(%arg17 : memref<!tpu.dma_semaphore, #tpu.memory_space<semaphore_mem>>) src(%dma_wait3A_422 : memref<1568xi32, #tpu.memory_space<vmem_shared>>) dst(%dma_wait3A_421 : memref<1568xi32, #tpu.memory_space<vmem>>)
    %mul3A_423 = arith.constant 1568 : i32
    %mul3A_424 = arith.muli %arg1, %mul3A_423 : i32
    %dma_wait3A_425 = arith.constant 0 : i32
    %dma_wait3A_426 = tpu.memref_slice %arg6[%dma_wait3A_425] : memref<25088xi32, #tpu.memory_space<vmem>> -> memref<1568xi32, #tpu.memory_space<vmem>>
    %dma_wait3A_427 = tpu.memref_slice %arg14[%mul3A_424] : memref<426496xi32, #tpu.memory_space<vmem_shared>> -> memref<1568xi32, #tpu.memory_space<vmem_shared>>
    %dma_wait3A_428 = arith.constant 0 : i32
    %dma_wait3A_429 = tpu.memref_slice %arg6[%dma_wait3A_428] : memref<25088xi32, #tpu.memory_space<vmem>> -> memref<1568xi32, #tpu.memory_space<vmem>>
    %dma_wait3A_430 = tpu.memref_slice %arg14[%mul3A_424] : memref<426496xi32, #tpu.memory_space<vmem_shared>> -> memref<1568xi32, #tpu.memory_space<vmem_shared>>
    tpu.wait_dma2 semaphore(%arg17 : memref<!tpu.dma_semaphore, #tpu.memory_space<semaphore_mem>>) src(%dma_wait3A_430 : memref<1568xi32, #tpu.memory_space<vmem_shared>>) dst(%dma_wait3A_429 : memref<1568xi32, #tpu.memory_space<vmem>>)
    %mul3A_431 = arith.constant 1568 : i32
    %mul3A_432 = arith.muli %arg1, %mul3A_431 : i32
    %dma_wait3A_433 = arith.constant 0 : i32
    %dma_wait3A_434 = tpu.memref_slice %arg6[%dma_wait3A_433] : memref<25088xi32, #tpu.memory_space<vmem>> -> memref<1568xi32, #tpu.memory_space<vmem>>
    %dma_wait3A_435 = tpu.memref_slice %arg14[%mul3A_432] : memref<426496xi32, #tpu.memory_space<vmem_shared>> -> memref<1568xi32, #tpu.memory_space<vmem_shared>>
    %dma_wait3A_436 = arith.constant 0 : i32
    %dma_wait3A_437 = tpu.memref_slice %arg6[%dma_wait3A_436] : memref<25088xi32, #tpu.memory_space<vmem>> -> memref<1568xi32, #tpu.memory_space<vmem>>
    %dma_wait3A_438 = tpu.memref_slice %arg14[%mul3A_432] : memref<426496xi32, #tpu.memory_space<vmem_shared>> -> memref<1568xi32, #tpu.memory_space<vmem_shared>>
    tpu.wait_dma2 semaphore(%arg17 : memref<!tpu.dma_semaphore, #tpu.memory_space<semaphore_mem>>) src(%dma_wait3A_438 : memref<1568xi32, #tpu.memory_space<vmem_shared>>) dst(%dma_wait3A_437 : memref<1568xi32, #tpu.memory_space<vmem>>)
    %mul3A_439 = arith.constant 1568 : i32
    %mul3A_440 = arith.muli %arg1, %mul3A_439 : i32
    %dma_wait3A_441 = arith.constant 0 : i32
    %dma_wait3A_442 = tpu.memref_slice %arg6[%dma_wait3A_441] : memref<25088xi32, #tpu.memory_space<vmem>> -> memref<1568xi32, #tpu.memory_space<vmem>>
    %dma_wait3A_443 = tpu.memref_slice %arg14[%mul3A_440] : memref<426496xi32, #tpu.memory_space<vmem_shared>> -> memref<1568xi32, #tpu.memory_space<vmem_shared>>
    %dma_wait3A_444 = arith.constant 0 : i32
    %dma_wait3A_445 = tpu.memref_slice %arg6[%dma_wait3A_444] : memref<25088xi32, #tpu.memory_space<vmem>> -> memref<1568xi32, #tpu.memory_space<vmem>>
    %dma_wait3A_446 = tpu.memref_slice %arg14[%mul3A_440] : memref<426496xi32, #tpu.memory_space<vmem_shared>> -> memref<1568xi32, #tpu.memory_space<vmem_shared>>
    tpu.wait_dma2 semaphore(%arg17 : memref<!tpu.dma_semaphore, #tpu.memory_space<semaphore_mem>>) src(%dma_wait3A_446 : memref<1568xi32, #tpu.memory_space<vmem_shared>>) dst(%dma_wait3A_445 : memref<1568xi32, #tpu.memory_space<vmem>>)
    %mul3A_447 = arith.constant 1568 : i32
    %mul3A_448 = arith.muli %arg1, %mul3A_447 : i32
    %dma_wait3A_449 = arith.constant 0 : i32
    %dma_wait3A_450 = tpu.memref_slice %arg6[%dma_wait3A_449] : memref<25088xi32, #tpu.memory_space<vmem>> -> memref<1568xi32, #tpu.memory_space<vmem>>
    %dma_wait3A_451 = tpu.memref_slice %arg14[%mul3A_448] : memref<426496xi32, #tpu.memory_space<vmem_shared>> -> memref<1568xi32, #tpu.memory_space<vmem_shared>>
    %dma_wait3A_452 = arith.constant 0 : i32
    %dma_wait3A_453 = tpu.memref_slice %arg6[%dma_wait3A_452] : memref<25088xi32, #tpu.memory_space<vmem>> -> memref<1568xi32, #tpu.memory_space<vmem>>
    %dma_wait3A_454 = tpu.memref_slice %arg14[%mul3A_448] : memref<426496xi32, #tpu.memory_space<vmem_shared>> -> memref<1568xi32, #tpu.memory_space<vmem_shared>>
    tpu.wait_dma2 semaphore(%arg17 : memref<!tpu.dma_semaphore, #tpu.memory_space<semaphore_mem>>) src(%dma_wait3A_454 : memref<1568xi32, #tpu.memory_space<vmem_shared>>) dst(%dma_wait3A_453 : memref<1568xi32, #tpu.memory_space<vmem>>)
    %mul3A_455 = arith.constant 1568 : i32
    %mul3A_456 = arith.muli %arg1, %mul3A_455 : i32
    %dma_wait3A_457 = arith.constant 0 : i32
    %dma_wait3A_458 = tpu.memref_slice %arg6[%dma_wait3A_457] : memref<25088xi32, #tpu.memory_space<vmem>> -> memref<1568xi32, #tpu.memory_space<vmem>>
    %dma_wait3A_459 = tpu.memref_slice %arg14[%mul3A_456] : memref<426496xi32, #tpu.memory_space<vmem_shared>> -> memref<1568xi32, #tpu.memory_space<vmem_shared>>
    %dma_wait3A_460 = arith.constant 0 : i32
    %dma_wait3A_461 = tpu.memref_slice %arg6[%dma_wait3A_460] : memref<25088xi32, #tpu.memory_space<vmem>> -> memref<1568xi32, #tpu.memory_space<vmem>>
    %dma_wait3A_462 = tpu.memref_slice %arg14[%mul3A_456] : memref<426496xi32, #tpu.memory_space<vmem_shared>> -> memref<1568xi32, #tpu.memory_space<vmem_shared>>
    tpu.wait_dma2 semaphore(%arg17 : memref<!tpu.dma_semaphore, #tpu.memory_space<semaphore_mem>>) src(%dma_wait3A_462 : memref<1568xi32, #tpu.memory_space<vmem_shared>>) dst(%dma_wait3A_461 : memref<1568xi32, #tpu.memory_space<vmem>>)
    %mul3A_463 = arith.constant 1568 : i32
    %mul3A_464 = arith.muli %arg1, %mul3A_463 : i32
    %dma_wait3A_465 = arith.constant 0 : i32
    %dma_wait3A_466 = tpu.memref_slice %arg6[%dma_wait3A_465] : memref<25088xi32, #tpu.memory_space<vmem>> -> memref<1568xi32, #tpu.memory_space<vmem>>
    %dma_wait3A_467 = tpu.memref_slice %arg14[%mul3A_464] : memref<426496xi32, #tpu.memory_space<vmem_shared>> -> memref<1568xi32, #tpu.memory_space<vmem_shared>>
    %dma_wait3A_468 = arith.constant 0 : i32
    %dma_wait3A_469 = tpu.memref_slice %arg6[%dma_wait3A_468] : memref<25088xi32, #tpu.memory_space<vmem>> -> memref<1568xi32, #tpu.memory_space<vmem>>
    %dma_wait3A_470 = tpu.memref_slice %arg14[%mul3A_464] : memref<426496xi32, #tpu.memory_space<vmem_shared>> -> memref<1568xi32, #tpu.memory_space<vmem_shared>>
    tpu.wait_dma2 semaphore(%arg17 : memref<!tpu.dma_semaphore, #tpu.memory_space<semaphore_mem>>) src(%dma_wait3A_470 : memref<1568xi32, #tpu.memory_space<vmem_shared>>) dst(%dma_wait3A_469 : memref<1568xi32, #tpu.memory_space<vmem>>)
    %mul3A_471 = arith.constant 1568 : i32
    %mul3A_472 = arith.muli %arg1, %mul3A_471 : i32
    %dma_wait3A_473 = arith.constant 0 : i32
    %dma_wait3A_474 = tpu.memref_slice %arg6[%dma_wait3A_473] : memref<25088xi32, #tpu.memory_space<vmem>> -> memref<1568xi32, #tpu.memory_space<vmem>>
    %dma_wait3A_475 = tpu.memref_slice %arg14[%mul3A_472] : memref<426496xi32, #tpu.memory_space<vmem_shared>> -> memref<1568xi32, #tpu.memory_space<vmem_shared>>
    %dma_wait3A_476 = arith.constant 0 : i32
    %dma_wait3A_477 = tpu.memref_slice %arg6[%dma_wait3A_476] : memref<25088xi32, #tpu.memory_space<vmem>> -> memref<1568xi32, #tpu.memory_space<vmem>>
    %dma_wait3A_478 = tpu.memref_slice %arg14[%mul3A_472] : memref<426496xi32, #tpu.memory_space<vmem_shared>> -> memref<1568xi32, #tpu.memory_space<vmem_shared>>
    tpu.wait_dma2 semaphore(%arg17 : memref<!tpu.dma_semaphore, #tpu.memory_space<semaphore_mem>>) src(%dma_wait3A_478 : memref<1568xi32, #tpu.memory_space<vmem_shared>>) dst(%dma_wait3A_477 : memref<1568xi32, #tpu.memory_space<vmem>>)
    %scan3A_479 = arith.constant 0 : i32
    %scan3A_480 = arith.constant 0 : i32
    %scan3A_481 = arith.constant 98 : i32
    %scan3A_482 = arith.addi %scan3A_480, %scan3A_481 : i32
    %scan3A_483 = arith.constant 1 : i32
    scf.for %scan3A_831 = %scan3A_480 to %scan3A_482 step %scan3A_483  : i32 {
      %mul3A_832 = arith.constant 16 : i32
      %mul3A_833 = arith.muli %scan3A_831, %mul3A_832 : i32
      %get3A = arith.index_cast %mul3A_833 : i32 to index
      %get3A_834 = tpu.vector_load %arg6[%get3A] {strides = array<i32>} : memref<25088xi32, #tpu.memory_space<vmem>>, vector<16xi32>,
      %mul3A_835 = arith.constant 16 : i32
      %mul3A_836 = arith.muli %scan3A_831, %mul3A_835 : i32
      %add3A_837 = arith.constant 1568 : i32
      %add3A_838 = arith.addi %add3A_837, %mul3A_836 : i32
      %get3A_839 = arith.index_cast %add3A_838 : i32 to index
      %get3A_840 = tpu.vector_load %arg6[%get3A_839] {strides = array<i32>} : memref<25088xi32, #tpu.memory_space<vmem>>, vector<16xi32>,
      %ge3A = arith.constant 0 : i32
      %ge3A_841 = vector.broadcast %ge3A : i32 to vector<16xi32>
      %ge3A_842 = arith.cmpi sge, %get3A_840, %ge3A_841 : vector<16xi32>
      %select_n3A_843 = arith.select %ge3A_842, %get3A_840, %get3A_834 : vector<16xi1>, vector<16xi32>
      %mul3A_844 = arith.constant 16 : i32
      %mul3A_845 = arith.muli %scan3A_831, %mul3A_844 : i32
      %add3A_846 = arith.constant 3136 : i32
      %add3A_847 = arith.addi %add3A_846, %mul3A_845 : i32
      %get3A_848 = arith.index_cast %add3A_847 : i32 to index
      %get3A_849 = tpu.vector_load %arg6[%get3A_848] {strides = array<i32>} : memref<25088xi32, #tpu.memory_space<vmem>>, vector<16xi32>,
      %ge3A_850 = arith.constant 0 : i32
      %ge3A_851 = vector.broadcast %ge3A_850 : i32 to vector<16xi32>
      %ge3A_852 = arith.cmpi sge, %get3A_849, %ge3A_851 : vector<16xi32>
      %select_n3A_853 = arith.select %ge3A_852, %get3A_849, %select_n3A_843 : vector<16xi1>, vector<16xi32>
      %mul3A_854 = arith.constant 16 : i32
      %mul3A_855 = arith.muli %scan3A_831, %mul3A_854 : i32
      %add3A_856 = arith.constant 4704 : i32
      %add3A_857 = arith.addi %add3A_856, %mul3A_855 : i32
      %get3A_858 = arith.index_cast %add3A_857 : i32 to index
      %get3A_859 = tpu.vector_load %arg6[%get3A_858] {strides = array<i32>} : memref<25088xi32, #tpu.memory_space<vmem>>, vector<16xi32>,
      %ge3A_860 = arith.constant 0 : i32
      %ge3A_861 = vector.broadcast %ge3A_860 : i32 to vector<16xi32>
      %ge3A_862 = arith.cmpi sge, %get3A_859, %ge3A_861 : vector<16xi32>
      %select_n3A_863 = arith.select %ge3A_862, %get3A_859, %select_n3A_853 : vector<16xi1>, vector<16xi32>
      %mul3A_864 = arith.constant 16 : i32
      %mul3A_865 = arith.muli %scan3A_831, %mul3A_864 : i32
      %add3A_866 = arith.constant 6272 : i32
      %add3A_867 = arith.addi %add3A_866, %mul3A_865 : i32
      %get3A_868 = arith.index_cast %add3A_867 : i32 to index
      %get3A_869 = tpu.vector_load %arg6[%get3A_868] {strides = array<i32>} : memref<25088xi32, #tpu.memory_space<vmem>>, vector<16xi32>,
      %ge3A_870 = arith.constant 0 : i32
      %ge3A_871 = vector.broadcast %ge3A_870 : i32 to vector<16xi32>
      %ge3A_872 = arith.cmpi sge, %get3A_869, %ge3A_871 : vector<16xi32>
      %select_n3A_873 = arith.select %ge3A_872, %get3A_869, %select_n3A_863 : vector<16xi1>, vector<16xi32>
      %mul3A_874 = arith.constant 16 : i32
      %mul3A_875 = arith.muli %scan3A_831, %mul3A_874 : i32
      %add3A_876 = arith.constant 7840 : i32
      %add3A_877 = arith.addi %add3A_876, %mul3A_875 : i32
      %get3A_878 = arith.index_cast %add3A_877 : i32 to index
      %get3A_879 = tpu.vector_load %arg6[%get3A_878] {strides = array<i32>} : memref<25088xi32, #tpu.memory_space<vmem>>, vector<16xi32>,
      %ge3A_880 = arith.constant 0 : i32
      %ge3A_881 = vector.broadcast %ge3A_880 : i32 to vector<16xi32>
      %ge3A_882 = arith.cmpi sge, %get3A_879, %ge3A_881 : vector<16xi32>
      %select_n3A_883 = arith.select %ge3A_882, %get3A_879, %select_n3A_873 : vector<16xi1>, vector<16xi32>
      %mul3A_884 = arith.constant 16 : i32
      %mul3A_885 = arith.muli %scan3A_831, %mul3A_884 : i32
      %add3A_886 = arith.constant 9408 : i32
      %add3A_887 = arith.addi %add3A_886, %mul3A_885 : i32
      %get3A_888 = arith.index_cast %add3A_887 : i32 to index
      %get3A_889 = tpu.vector_load %arg6[%get3A_888] {strides = array<i32>} : memref<25088xi32, #tpu.memory_space<vmem>>, vector<16xi32>,
      %ge3A_890 = arith.constant 0 : i32
      %ge3A_891 = vector.broadcast %ge3A_890 : i32 to vector<16xi32>
      %ge3A_892 = arith.cmpi sge, %get3A_889, %ge3A_891 : vector<16xi32>
      %select_n3A_893 = arith.select %ge3A_892, %get3A_889, %select_n3A_883 : vector<16xi1>, vector<16xi32>
      %mul3A_894 = arith.constant 16 : i32
      %mul3A_895 = arith.muli %scan3A_831, %mul3A_894 : i32
      %add3A_896 = arith.constant 10976 : i32
      %add3A_897 = arith.addi %add3A_896, %mul3A_895 : i32
      %get3A_898 = arith.index_cast %add3A_897 : i32 to index
      %get3A_899 = tpu.vector_load %arg6[%get3A_898] {strides = array<i32>} : memref<25088xi32, #tpu.memory_space<vmem>>, vector<16xi32>,
      %ge3A_900 = arith.constant 0 : i32
      %ge3A_901 = vector.broadcast %ge3A_900 : i32 to vector<16xi32>
      %ge3A_902 = arith.cmpi sge, %get3A_899, %ge3A_901 : vector<16xi32>
      %select_n3A_903 = arith.select %ge3A_902, %get3A_899, %select_n3A_893 : vector<16xi1>, vector<16xi32>
      %mul3A_904 = arith.constant 16 : i32
      %mul3A_905 = arith.muli %scan3A_831, %mul3A_904 : i32
      %add3A_906 = arith.constant 12544 : i32
      %add3A_907 = arith.addi %add3A_906, %mul3A_905 : i32
      %get3A_908 = arith.index_cast %add3A_907 : i32 to index
      %get3A_909 = tpu.vector_load %arg6[%get3A_908] {strides = array<i32>} : memref<25088xi32, #tpu.memory_space<vmem>>, vector<16xi32>,
      %ge3A_910 = arith.constant 0 : i32
      %ge3A_911 = vector.broadcast %ge3A_910 : i32 to vector<16xi32>
      %ge3A_912 = arith.cmpi sge, %get3A_909, %ge3A_911 : vector<16xi32>
      %select_n3A_913 = arith.select %ge3A_912, %get3A_909, %select_n3A_903 : vector<16xi1>, vector<16xi32>
      %mul3A_914 = arith.constant 16 : i32
      %mul3A_915 = arith.muli %scan3A_831, %mul3A_914 : i32
      %add3A_916 = arith.constant 14112 : i32
      %add3A_917 = arith.addi %add3A_916, %mul3A_915 : i32
      %get3A_918 = arith.index_cast %add3A_917 : i32 to index
      %get3A_919 = tpu.vector_load %arg6[%get3A_918] {strides = array<i32>} : memref<25088xi32, #tpu.memory_space<vmem>>, vector<16xi32>,
      %ge3A_920 = arith.constant 0 : i32
      %ge3A_921 = vector.broadcast %ge3A_920 : i32 to vector<16xi32>
      %ge3A_922 = arith.cmpi sge, %get3A_919, %ge3A_921 : vector<16xi32>
      %select_n3A_923 = arith.select %ge3A_922, %get3A_919, %select_n3A_913 : vector<16xi1>, vector<16xi32>
      %mul3A_924 = arith.constant 16 : i32
      %mul3A_925 = arith.muli %scan3A_831, %mul3A_924 : i32
      %add3A_926 = arith.constant 15680 : i32
      %add3A_927 = arith.addi %add3A_926, %mul3A_925 : i32
      %get3A_928 = arith.index_cast %add3A_927 : i32 to index
      %get3A_929 = tpu.vector_load %arg6[%get3A_928] {strides = array<i32>} : memref<25088xi32, #tpu.memory_space<vmem>>, vector<16xi32>,
      %ge3A_930 = arith.constant 0 : i32
      %ge3A_931 = vector.broadcast %ge3A_930 : i32 to vector<16xi32>
      %ge3A_932 = arith.cmpi sge, %get3A_929, %ge3A_931 : vector<16xi32>
      %select_n3A_933 = arith.select %ge3A_932, %get3A_929, %select_n3A_923 : vector<16xi1>, vector<16xi32>
      %mul3A_934 = arith.constant 16 : i32
      %mul3A_935 = arith.muli %scan3A_831, %mul3A_934 : i32
      %add3A_936 = arith.constant 17248 : i32
      %add3A_937 = arith.addi %add3A_936, %mul3A_935 : i32
      %get3A_938 = arith.index_cast %add3A_937 : i32 to index
      %get3A_939 = tpu.vector_load %arg6[%get3A_938] {strides = array<i32>} : memref<25088xi32, #tpu.memory_space<vmem>>, vector<16xi32>,
      %ge3A_940 = arith.constant 0 : i32
      %ge3A_941 = vector.broadcast %ge3A_940 : i32 to vector<16xi32>
      %ge3A_942 = arith.cmpi sge, %get3A_939, %ge3A_941 : vector<16xi32>
      %select_n3A_943 = arith.select %ge3A_942, %get3A_939, %select_n3A_933 : vector<16xi1>, vector<16xi32>
      %mul3A_944 = arith.constant 16 : i32
      %mul3A_945 = arith.muli %scan3A_831, %mul3A_944 : i32
      %add3A_946 = arith.constant 18816 : i32
      %add3A_947 = arith.addi %add3A_946, %mul3A_945 : i32
      %get3A_948 = arith.index_cast %add3A_947 : i32 to index
      %get3A_949 = tpu.vector_load %arg6[%get3A_948] {strides = array<i32>} : memref<25088xi32, #tpu.memory_space<vmem>>, vector<16xi32>,
      %ge3A_950 = arith.constant 0 : i32
      %ge3A_951 = vector.broadcast %ge3A_950 : i32 to vector<16xi32>
      %ge3A_952 = arith.cmpi sge, %get3A_949, %ge3A_951 : vector<16xi32>
      %select_n3A_953 = arith.select %ge3A_952, %get3A_949, %select_n3A_943 : vector<16xi1>, vector<16xi32>
      %mul3A_954 = arith.constant 16 : i32
      %mul3A_955 = arith.muli %scan3A_831, %mul3A_954 : i32
      %add3A_956 = arith.constant 20384 : i32
      %add3A_957 = arith.addi %add3A_956, %mul3A_955 : i32
      %get3A_958 = arith.index_cast %add3A_957 : i32 to index
      %get3A_959 = tpu.vector_load %arg6[%get3A_958] {strides = array<i32>} : memref<25088xi32, #tpu.memory_space<vmem>>, vector<16xi32>,
      %ge3A_960 = arith.constant 0 : i32
      %ge3A_961 = vector.broadcast %ge3A_960 : i32 to vector<16xi32>
      %ge3A_962 = arith.cmpi sge, %get3A_959, %ge3A_961 : vector<16xi32>
      %select_n3A_963 = arith.select %ge3A_962, %get3A_959, %select_n3A_953 : vector<16xi1>, vector<16xi32>
      %mul3A_964 = arith.constant 16 : i32
      %mul3A_965 = arith.muli %scan3A_831, %mul3A_964 : i32
      %add3A_966 = arith.constant 21952 : i32
      %add3A_967 = arith.addi %add3A_966, %mul3A_965 : i32
      %get3A_968 = arith.index_cast %add3A_967 : i32 to index
      %get3A_969 = tpu.vector_load %arg6[%get3A_968] {strides = array<i32>} : memref<25088xi32, #tpu.memory_space<vmem>>, vector<16xi32>,
      %ge3A_970 = arith.constant 0 : i32
      %ge3A_971 = vector.broadcast %ge3A_970 : i32 to vector<16xi32>
      %ge3A_972 = arith.cmpi sge, %get3A_969, %ge3A_971 : vector<16xi32>
      %select_n3A_973 = arith.select %ge3A_972, %get3A_969, %select_n3A_963 : vector<16xi1>, vector<16xi32>
      %mul3A_974 = arith.constant 16 : i32
      %mul3A_975 = arith.muli %scan3A_831, %mul3A_974 : i32
      %add3A_976 = arith.constant 23520 : i32
      %add3A_977 = arith.addi %add3A_976, %mul3A_975 : i32
      %get3A_978 = arith.index_cast %add3A_977 : i32 to index
      %get3A_979 = tpu.vector_load %arg6[%get3A_978] {strides = array<i32>} : memref<25088xi32, #tpu.memory_space<vmem>>, vector<16xi32>,
      %ge3A_980 = arith.constant 0 : i32
      %ge3A_981 = vector.broadcast %ge3A_980 : i32 to vector<16xi32>
      %ge3A_982 = arith.cmpi sge, %get3A_979, %ge3A_981 : vector<16xi32>
      %select_n3A_983 = arith.select %ge3A_982, %get3A_979, %select_n3A_973 : vector<16xi1>, vector<16xi32>
      %mul3A_984 = arith.constant 16 : i32
      %mul3A_985 = arith.muli %scan3A_831, %mul3A_984 : i32
      %swap3A = arith.index_cast %mul3A_985 : i32 to index
      %swap3A_986 = tpu.vector_load %arg5[%swap3A] {strides = array<i32>} : memref<3136xi32, #tpu.memory_space<vmem>>, vector<16xi32>,
      tpu.vector_store %arg5[%swap3A], %select_n3A_983 {strides = array<i32>} : memref<3136xi32, #tpu.memory_space<vmem>>, vector<16xi32>,
    }
    %scan3A_484 = arith.constant 98 : i32
    %mul3A_485 = arith.constant 1568 : i32
    %mul3A_486 = arith.muli %arg1, %mul3A_485 : i32
    %add3A_487 = arith.constant 401408 : i32
    %add3A_488 = arith.addi %add3A_487, %mul3A_486 : i32
    "tpu.region"() ({
      %run_scoped3A = tpu.sem_alloc : memref<!tpu.dma_semaphore, #tpu.memory_space<semaphore_mem>>
      %dma_start3A_831 = arith.constant 0 : i32
      %dma_start3A_832 = tpu.memref_slice %arg5[%dma_start3A_831] : memref<3136xi32, #tpu.memory_space<vmem>> -> memref<1568xi32, #tpu.memory_space<vmem>>
      %dma_start3A_833 = tpu.memref_slice %arg14[%add3A_488] : memref<426496xi32, #tpu.memory_space<vmem_shared>> -> memref<1568xi32, #tpu.memory_space<vmem_shared>>
      %dma_start3A_834 = tpu.memref_slice %arg14[%add3A_488] : memref<426496xi32, #tpu.memory_space<vmem_shared>> -> memref<1568xi32, #tpu.memory_space<vmem_shared>>
      %dma_start3A_835 = arith.constant 0 : i32
      %dma_start3A_836 = tpu.memref_slice %arg5[%dma_start3A_835] : memref<3136xi32, #tpu.memory_space<vmem>> -> memref<1568xi32, #tpu.memory_space<vmem>>
      tpu.enqueue_dma source(%dma_start3A_836 : memref<1568xi32, #tpu.memory_space<vmem>>) target(%dma_start3A_834 : memref<1568xi32, #tpu.memory_space<vmem_shared>>) target_semaphore(%run_scoped3A : memref<!tpu.dma_semaphore, #tpu.memory_space<semaphore_mem>>)
      %dma_wait3A_837 = arith.constant 0 : i32
      %dma_wait3A_838 = tpu.memref_slice %arg5[%dma_wait3A_837] : memref<3136xi32, #tpu.memory_space<vmem>> -> memref<1568xi32, #tpu.memory_space<vmem>>
      %dma_wait3A_839 = tpu.memref_slice %arg14[%add3A_488] : memref<426496xi32, #tpu.memory_space<vmem_shared>> -> memref<1568xi32, #tpu.memory_space<vmem_shared>>
      %dma_wait3A_840 = tpu.memref_slice %arg14[%add3A_488] : memref<426496xi32, #tpu.memory_space<vmem_shared>> -> memref<1568xi32, #tpu.memory_space<vmem_shared>>
      %dma_wait3A_841 = arith.constant 0 : i32
      %dma_wait3A_842 = tpu.memref_slice %arg5[%dma_wait3A_841] : memref<3136xi32, #tpu.memory_space<vmem>> -> memref<1568xi32, #tpu.memory_space<vmem>>
      tpu.wait_dma2 semaphore(%run_scoped3A : memref<!tpu.dma_semaphore, #tpu.memory_space<semaphore_mem>>) src(%dma_wait3A_842 : memref<1568xi32, #tpu.memory_space<vmem>>) dst(%dma_wait3A_840 : memref<1568xi32, #tpu.memory_space<vmem_shared>>)
      tpu.yield
    }) : () -> ()
    %barrier3A_489 = arith.constant 0 : index
    tpu.barrier barrier_id(%barrier3A_489)
    %mul3A_490 = arith.constant 8 : i32
    %mul3A_491 = arith.muli %arg0, %mul3A_490 : i32
    %lt3A_492 = arith.constant 8 : i32
    %lt3A_493 = arith.cmpi slt, %arg1, %lt3A_492 : i32
    %sub3A_494 = arith.constant 8 : i32
    %sub3A_495 = arith.subi %arg1, %sub3A_494 : i32
    %select_n3A_496 = arith.select %lt3A_493, %arg1, %sub3A_495 : i32
    %add3A_497 = arith.addi %mul3A_491, %select_n3A_496 : i32
    %mul3A_498 = arith.constant 195 : i32
    %mul3A_499 = arith.muli %add3A_497, %mul3A_498 : i32
    %min3A_500 = arith.constant 10 : i32
    %min3A_501 = arith.minsi %add3A_497, %min3A_500 : i32
    %add3A_502 = arith.addi %mul3A_499, %min3A_501 : i32
    %lt3A_503 = arith.constant 10 : i32
    %lt3A_504 = arith.cmpi slt, %add3A_497, %lt3A_503 : i32
    %jit3A_505 = arith.constant 1 : i32
    %jit3A_506 = arith.constant 0 : i32
    %select_n3A_507 = arith.select %lt3A_504, %jit3A_505, %jit3A_506 : i32
    %add3A_508 = arith.constant 195 : i32
    %add3A_509 = arith.addi %add3A_508, %select_n3A_507 : i32
    %jit3A_510 = arith.constant 2 : i32
    %div3A_511 = arith.divsi %add3A_509, %jit3A_510 : i32
    %sign3A_512 = arith.constant 0 : i32
    %sign3A_513 = arith.cmpi sgt, %add3A_509, %sign3A_512 : i32
    %sign3A_514 = arith.extui %sign3A_513 : i1 to i32
    %sign3A_515 = arith.constant 0 : i32
    %sign3A_516 = arith.cmpi slt, %add3A_509, %sign3A_515 : i32
    %sign3A_517 = arith.extui %sign3A_516 : i1 to i32
    %sign3A_518 = arith.subi %sign3A_514, %sign3A_517 : i32
    %sign3A_519 = arith.constant 0 : i32
    %sign3A_520 = arith.cmpi sgt, %jit3A_510, %sign3A_519 : i32
    %sign3A_521 = arith.extui %sign3A_520 : i1 to i32
    %sign3A_522 = arith.constant 0 : i32
    %sign3A_523 = arith.cmpi slt, %jit3A_510, %sign3A_522 : i32
    %sign3A_524 = arith.extui %sign3A_523 : i1 to i32
    %sign3A_525 = arith.subi %sign3A_521, %sign3A_524 : i32
    %ne3A_526 = arith.cmpi ne, %sign3A_518, %sign3A_525 : i32
    %rem3A_527 = arith.remsi %add3A_509, %jit3A_510 : i32
    %ne3A_528 = arith.constant 0 : i32
    %ne3A_529 = arith.cmpi ne, %rem3A_527, %ne3A_528 : i32
    %and3A_530 = arith.andi %ne3A_526, %ne3A_529 : i1
    %sub3A_531 = arith.constant 1 : i32
    %sub3A_532 = arith.subi %div3A_511, %sub3A_531 : i32
    %select_n3A_533 = arith.select %and3A_530, %sub3A_532, %div3A_511 : i32
    %lt3A_534 = arith.constant 8 : i32
    %lt3A_535 = arith.cmpi slt, %arg1, %lt3A_534 : i32
    %jit3A_536 = arith.constant 0 : i32
    %select_n3A_537 = arith.select %lt3A_535, %jit3A_536, %select_n3A_533 : i32
    %sub3A_538 = arith.subi %add3A_509, %select_n3A_533 : i32
    %select_n3A_539 = arith.select %lt3A_535, %select_n3A_533, %sub3A_538 : i32
    %add3A_540 = arith.addi %add3A_502, %select_n3A_537 : i32
    %mul3A_541 = arith.constant 16 : i32
    %mul3A_542 = arith.muli %add3A_540, %mul3A_541 : i32
    %mul3A_543 = arith.constant 16 : i32
    %mul3A_544 = arith.muli %add3A_502, %mul3A_543 : i32
    %sub3A_545 = arith.subi %mul3A_544, %mul3A_121 : i32
    %mul3A_546 = arith.constant 16 : i32
    %mul3A_547 = arith.muli %select_n3A_537, %mul3A_546 : i32
    %add3A_548 = arith.addi %sub3A_545, %mul3A_547 : i32
    %add3A_549 = arith.constant 401408 : i32
    %add3A_550 = arith.addi %add3A_549, %add3A_548 : i32
    "tpu.region"() ({
      %run_scoped3A = tpu.sem_alloc : memref<!tpu.dma_semaphore, #tpu.memory_space<semaphore_mem>>
      %dma_start3A_831 = tpu.memref_slice %arg14[%add3A_550] : memref<426496xi32, #tpu.memory_space<vmem_shared>> -> memref<1568xi32, #tpu.memory_space<vmem_shared>>
      %dma_start3A_832 = tpu.memref_slice %arg14[%add3A_550] : memref<426496xi32, #tpu.memory_space<vmem_shared>> -> memref<1568xi32, #tpu.memory_space<vmem_shared>>
      tpu.enqueue_dma source(%dma_start3A_832 : memref<1568xi32, #tpu.memory_space<vmem_shared>>) target(%arg7 : memref<1568xi32, #tpu.memory_space<vmem>>) target_semaphore(%run_scoped3A : memref<!tpu.dma_semaphore, #tpu.memory_space<semaphore_mem>>)
      %dma_wait3A_833 = tpu.memref_slice %arg14[%add3A_550] : memref<426496xi32, #tpu.memory_space<vmem_shared>> -> memref<1568xi32, #tpu.memory_space<vmem_shared>>
      %dma_wait3A_834 = tpu.memref_slice %arg14[%add3A_550] : memref<426496xi32, #tpu.memory_space<vmem_shared>> -> memref<1568xi32, #tpu.memory_space<vmem_shared>>
      tpu.wait_dma2 semaphore(%run_scoped3A : memref<!tpu.dma_semaphore, #tpu.memory_space<semaphore_mem>>) src(%dma_wait3A_834 : memref<1568xi32, #tpu.memory_space<vmem_shared>>) dst(%arg7 : memref<1568xi32, #tpu.memory_space<vmem>>)
      tpu.yield
    }) : () -> ()
    %while3A_551 = arith.constant 0 : i32
    %while3A_552 = arith.constant 0 : i32
    %while3A_553 = arith.constant 0 : i32
    %while3A_554 = arith.subi %select_n3A_539, %while3A_551 : i32
    %while3A_555 = arith.addi %while3A_551, %while3A_554 : i32
    %while3A_556 = arith.constant 1 : i32
    %while3A_557 = arith.divsi %while3A_554, %while3A_556 : i32
    %while3A_558 = arith.muli %while3A_557, %while3A_556 : i32
    %while3A_559 = arith.addi %while3A_551, %while3A_558 : i32
    %while3A_560 = arith.constant 1 : i32
    %while3A_561:2 = scf.for %while3A_831 = %while3A_551 to %while3A_559 step %while3A_560 iter_args(%while3A_832 = %while3A_552, %while3A_833 = %while3A_553) -> (i32, i32)  : i32 {
      %mul3A_834 = arith.constant 16 : i32
      %mul3A_835 = arith.muli %while3A_831, %mul3A_834 : i32
      %get3A = arith.index_cast %mul3A_835 : i32 to index
      %get3A_836 = tpu.vector_load %arg7[%get3A] {strides = array<i32>} : memref<1568xi32, #tpu.memory_space<vmem>>, vector<16xi32>,
      %ge3A = arith.constant 0 : i32
      %ge3A_837 = vector.broadcast %ge3A : i32 to vector<16xi32>
      %ge3A_838 = arith.cmpi sge, %get3A_836, %ge3A_837 : vector<16xi32>
      %mul3A_839 = arith.constant 16 : i32
      %mul3A_840 = arith.muli %while3A_831, %mul3A_839 : i32
      %add3A_841 = arith.addi %mul3A_542, %mul3A_840 : i32
      %add3A_842 = vector.broadcast %add3A_841 : i32 to vector<16xi32>
      %add3A_843 = arith.addi %add3A_842, %iota3A : vector<16xi32>
      %jit3A_844 = arith.constant 1 : i32
      %jit3A_845 = arith.constant 0 : i32
      %broadcast_in_dim3A_846 = vector.broadcast %jit3A_844 : i32 to vector<16xi32>
      %broadcast_in_dim3A_847 = vector.broadcast %jit3A_845 : i32 to vector<16xi32>
      %select_n3A_848 = arith.select %ge3A_838, %broadcast_in_dim3A_846, %broadcast_in_dim3A_847 : vector<16xi1>, vector<16xi32>
      %broadcast_in_dim3A_849 = arith.constant true
      %broadcast_in_dim3A_850 = vector.broadcast %broadcast_in_dim3A_849 : i1 to vector<16xi1>
      %masked_cumsum3A = tpu.scan <sum>, %select_n3A_848 masked %broadcast_in_dim3A_850 : vector<16xi32>, vector<16xi1> -> vector<16xi32>
      %add3A_851 = arith.constant 1 : i32
      %add3A_852 = vector.broadcast %add3A_851 : i32 to vector<16xi32>
      %add3A_853 = arith.addi %iota3A, %add3A_852 : vector<16xi32>
      %sub3A_854 = arith.subi %add3A_853, %masked_cumsum3A : vector<16xi32>
      %reduce_max3A = arith.constant true
      %reduce_max3A_855 = vector.broadcast %reduce_max3A : i1 to vector<16xi1>
      %reduce_max3A_856 = arith.constant -2147483648 : i32
      %reduce_max3A_857 = vector.broadcast %reduce_max3A_856 : i32 to vector<16xi32>
      %reduce_max3A_858 = arith.xori %masked_cumsum3A, %reduce_max3A_857 : vector<16xi32>
      %reduce_max3A_859 = tpu.scan <max>, %reduce_max3A_858 masked %reduce_max3A_855 : vector<16xi32>, vector<16xi1> -> vector<16xi32>
      %reduce_max3A_860 = arith.xori %reduce_max3A_859, %reduce_max3A_857 : vector<16xi32>
      %reduce_max3A_861 = vector.extract %reduce_max3A_860[15] : i32 from vector<16xi32>
      %add3A_862 = vector.broadcast %while3A_832 : i32 to vector<16xi32>
      %add3A_863 = arith.addi %add3A_862, %masked_cumsum3A : vector<16xi32>
      %sub3A_864 = arith.constant 1 : i32
      %sub3A_865 = vector.broadcast %sub3A_864 : i32 to vector<16xi32>
      %sub3A_866 = arith.subi %add3A_863, %sub3A_865 : vector<16xi32>
      tpu.vector_store_idx %arg8[%sub3A_866], %add3A_843 masked %ge3A_838 : memref<1632xi32, #tpu.memory_space<vmem>>[vector<16xi32>], vector<16xi32>, vector<16xi1>
      %add3A_867 = vector.broadcast %while3A_832 : i32 to vector<16xi32>
      %add3A_868 = arith.addi %add3A_867, %masked_cumsum3A : vector<16xi32>
      %sub3A_869 = arith.constant 1 : i32
      %sub3A_870 = vector.broadcast %sub3A_869 : i32 to vector<16xi32>
      %sub3A_871 = arith.subi %add3A_868, %sub3A_870 : vector<16xi32>
      tpu.vector_store_idx %arg9[%sub3A_871], %get3A_836 masked %ge3A_838 : memref<1696xi32, #tpu.memory_space<vmem>>[vector<16xi32>], vector<16xi32>, vector<16xi1>
      %add3A_872 = vector.broadcast %while3A_833 : i32 to vector<16xi32>
      %add3A_873 = arith.addi %add3A_872, %sub3A_854 : vector<16xi32>
      %sub3A_874 = arith.constant 1 : i32
      %sub3A_875 = vector.broadcast %sub3A_874 : i32 to vector<16xi32>
      %sub3A_876 = arith.subi %add3A_873, %sub3A_875 : vector<16xi32>
      %not3A = arith.constant dense<true> : vector<16xi1>
      %not3A_877 = arith.xori %ge3A_838, %not3A : vector<16xi1>
      tpu.vector_store_idx %arg11[%sub3A_876], %add3A_843 masked %not3A_877 : memref<1632xi32, #tpu.memory_space<vmem>>[vector<16xi32>], vector<16xi32>, vector<16xi1>
      %add3A_878 = arith.addi %while3A_832, %reduce_max3A_861 : i32
      %sub3A_879 = arith.constant 16 : i32
      %sub3A_880 = arith.subi %sub3A_879, %reduce_max3A_861 : i32
      %add3A_881 = arith.addi %while3A_833, %sub3A_880 : i32
      scf.yield %add3A_878, %add3A_881 : i32, i32
    }
    %while3A_562 = arith.constant 1 : i32
    %while3A_563:2 = scf.for %while3A_831 = %while3A_559 to %while3A_555 step %while3A_562 iter_args(%while3A_832 = %while3A_561#0, %while3A_833 = %while3A_561#1) -> (i32, i32)  : i32 {
      %mul3A_834 = arith.constant 16 : i32
      %mul3A_835 = arith.muli %while3A_831, %mul3A_834 : i32
      %get3A = arith.index_cast %mul3A_835 : i32 to index
      %get3A_836 = tpu.vector_load %arg7[%get3A] {strides = array<i32>} : memref<1568xi32, #tpu.memory_space<vmem>>, vector<16xi32>,
      %ge3A = arith.constant 0 : i32
      %ge3A_837 = vector.broadcast %ge3A : i32 to vector<16xi32>
      %ge3A_838 = arith.cmpi sge, %get3A_836, %ge3A_837 : vector<16xi32>
      %mul3A_839 = arith.constant 16 : i32
      %mul3A_840 = arith.muli %while3A_831, %mul3A_839 : i32
      %add3A_841 = arith.addi %mul3A_542, %mul3A_840 : i32
      %add3A_842 = vector.broadcast %add3A_841 : i32 to vector<16xi32>
      %add3A_843 = arith.addi %add3A_842, %iota3A : vector<16xi32>
      %jit3A_844 = arith.constant 1 : i32
      %jit3A_845 = arith.constant 0 : i32
      %broadcast_in_dim3A_846 = vector.broadcast %jit3A_844 : i32 to vector<16xi32>
      %broadcast_in_dim3A_847 = vector.broadcast %jit3A_845 : i32 to vector<16xi32>
      %select_n3A_848 = arith.select %ge3A_838, %broadcast_in_dim3A_846, %broadcast_in_dim3A_847 : vector<16xi1>, vector<16xi32>
      %broadcast_in_dim3A_849 = arith.constant true
      %broadcast_in_dim3A_850 = vector.broadcast %broadcast_in_dim3A_849 : i1 to vector<16xi1>
      %masked_cumsum3A = tpu.scan <sum>, %select_n3A_848 masked %broadcast_in_dim3A_850 : vector<16xi32>, vector<16xi1> -> vector<16xi32>
      %add3A_851 = arith.constant 1 : i32
      %add3A_852 = vector.broadcast %add3A_851 : i32 to vector<16xi32>
      %add3A_853 = arith.addi %iota3A, %add3A_852 : vector<16xi32>
      %sub3A_854 = arith.subi %add3A_853, %masked_cumsum3A : vector<16xi32>
      %reduce_max3A = arith.constant true
      %reduce_max3A_855 = vector.broadcast %reduce_max3A : i1 to vector<16xi1>
      %reduce_max3A_856 = arith.constant -2147483648 : i32
      %reduce_max3A_857 = vector.broadcast %reduce_max3A_856 : i32 to vector<16xi32>
      %reduce_max3A_858 = arith.xori %masked_cumsum3A, %reduce_max3A_857 : vector<16xi32>
      %reduce_max3A_859 = tpu.scan <max>, %reduce_max3A_858 masked %reduce_max3A_855 : vector<16xi32>, vector<16xi1> -> vector<16xi32>
      %reduce_max3A_860 = arith.xori %reduce_max3A_859, %reduce_max3A_857 : vector<16xi32>
      %reduce_max3A_861 = vector.extract %reduce_max3A_860[15] : i32 from vector<16xi32>
      %add3A_862 = vector.broadcast %while3A_832 : i32 to vector<16xi32>
      %add3A_863 = arith.addi %add3A_862, %masked_cumsum3A : vector<16xi32>
      %sub3A_864 = arith.constant 1 : i32
      %sub3A_865 = vector.broadcast %sub3A_864 : i32 to vector<16xi32>
      %sub3A_866 = arith.subi %add3A_863, %sub3A_865 : vector<16xi32>
      tpu.vector_store_idx %arg8[%sub3A_866], %add3A_843 masked %ge3A_838 : memref<1632xi32, #tpu.memory_space<vmem>>[vector<16xi32>], vector<16xi32>, vector<16xi1>
      %add3A_867 = vector.broadcast %while3A_832 : i32 to vector<16xi32>
      %add3A_868 = arith.addi %add3A_867, %masked_cumsum3A : vector<16xi32>
      %sub3A_869 = arith.constant 1 : i32
      %sub3A_870 = vector.broadcast %sub3A_869 : i32 to vector<16xi32>
      %sub3A_871 = arith.subi %add3A_868, %sub3A_870 : vector<16xi32>
      tpu.vector_store_idx %arg9[%sub3A_871], %get3A_836 masked %ge3A_838 : memref<1696xi32, #tpu.memory_space<vmem>>[vector<16xi32>], vector<16xi32>, vector<16xi1>
      %add3A_872 = vector.broadcast %while3A_833 : i32 to vector<16xi32>
      %add3A_873 = arith.addi %add3A_872, %sub3A_854 : vector<16xi32>
      %sub3A_874 = arith.constant 1 : i32
      %sub3A_875 = vector.broadcast %sub3A_874 : i32 to vector<16xi32>
      %sub3A_876 = arith.subi %add3A_873, %sub3A_875 : vector<16xi32>
      %not3A = arith.constant dense<true> : vector<16xi1>
      %not3A_877 = arith.xori %ge3A_838, %not3A : vector<16xi1>
      tpu.vector_store_idx %arg11[%sub3A_876], %add3A_843 masked %not3A_877 : memref<1632xi32, #tpu.memory_space<vmem>>[vector<16xi32>], vector<16xi32>, vector<16xi1>
      %add3A_878 = arith.addi %while3A_832, %reduce_max3A_861 : i32
      %sub3A_879 = arith.constant 16 : i32
      %sub3A_880 = arith.subi %sub3A_879, %reduce_max3A_861 : i32
      %add3A_881 = arith.addi %while3A_833, %sub3A_880 : i32
      scf.yield %add3A_878, %add3A_881 : i32, i32
    }
    %add3A_564 = arith.constant 0 : i32
    %add3A_565 = arith.addi %while3A_563#0, %add3A_564 : i32
    %add3A_566 = vector.broadcast %add3A_565 : i32 to vector<16xi32>
    %add3A_567 = arith.addi %add3A_566, %iota3A : vector<16xi32>
    %gather3A = tpu.vector_load_idx %arg8[%broadcast_in_dim3A_4] : memref<1632xi32, #tpu.memory_space<vmem>>[vector<16xi32>], vector<16xi32>,
    tpu.vector_store_idx %arg8[%add3A_567], %gather3A : memref<1632xi32, #tpu.memory_space<vmem>>[vector<16xi32>], vector<16xi32>,
    %add3A_568 = arith.constant 0 : i32
    %add3A_569 = arith.addi %while3A_563#0, %add3A_568 : i32
    %add3A_570 = vector.broadcast %add3A_569 : i32 to vector<16xi32>
    %add3A_571 = arith.addi %add3A_570, %iota3A : vector<16xi32>
    %gather3A_572 = tpu.vector_load_idx %arg9[%broadcast_in_dim3A_4] : memref<1696xi32, #tpu.memory_space<vmem>>[vector<16xi32>], vector<16xi32>,
    tpu.vector_store_idx %arg9[%add3A_571], %gather3A_572 : memref<1696xi32, #tpu.memory_space<vmem>>[vector<16xi32>], vector<16xi32>,
    %add3A_573 = arith.constant 0 : i32
    %add3A_574 = arith.addi %while3A_563#1, %add3A_573 : i32
    %add3A_575 = vector.broadcast %add3A_574 : i32 to vector<16xi32>
    %add3A_576 = arith.addi %add3A_575, %iota3A : vector<16xi32>
    %gather3A_577 = tpu.vector_load_idx %arg11[%broadcast_in_dim3A_4] : memref<1632xi32, #tpu.memory_space<vmem>>[vector<16xi32>], vector<16xi32>,
    tpu.vector_store_idx %arg11[%add3A_576], %gather3A_577 : memref<1632xi32, #tpu.memory_space<vmem>>[vector<16xi32>], vector<16xi32>,
    %add3A_578 = arith.constant 16 : i32
    %add3A_579 = arith.addi %while3A_563#0, %add3A_578 : i32
    %add3A_580 = vector.broadcast %add3A_579 : i32 to vector<16xi32>
    %add3A_581 = arith.addi %add3A_580, %iota3A : vector<16xi32>
    %gather3A_582 = tpu.vector_load_idx %arg8[%broadcast_in_dim3A_4] : memref<1632xi32, #tpu.memory_space<vmem>>[vector<16xi32>], vector<16xi32>,
    tpu.vector_store_idx %arg8[%add3A_581], %gather3A_582 : memref<1632xi32, #tpu.memory_space<vmem>>[vector<16xi32>], vector<16xi32>,
    %add3A_583 = arith.constant 16 : i32
    %add3A_584 = arith.addi %while3A_563#0, %add3A_583 : i32
    %add3A_585 = vector.broadcast %add3A_584 : i32 to vector<16xi32>
    %add3A_586 = arith.addi %add3A_585, %iota3A : vector<16xi32>
    %gather3A_587 = tpu.vector_load_idx %arg9[%broadcast_in_dim3A_4] : memref<1696xi32, #tpu.memory_space<vmem>>[vector<16xi32>], vector<16xi32>,
    tpu.vector_store_idx %arg9[%add3A_586], %gather3A_587 : memref<1696xi32, #tpu.memory_space<vmem>>[vector<16xi32>], vector<16xi32>,
    %add3A_588 = arith.constant 16 : i32
    %add3A_589 = arith.addi %while3A_563#1, %add3A_588 : i32
    %add3A_590 = vector.broadcast %add3A_589 : i32 to vector<16xi32>
    %add3A_591 = arith.addi %add3A_590, %iota3A : vector<16xi32>
    %gather3A_592 = tpu.vector_load_idx %arg11[%broadcast_in_dim3A_4] : memref<1632xi32, #tpu.memory_space<vmem>>[vector<16xi32>], vector<16xi32>,
    tpu.vector_store_idx %arg11[%add3A_591], %gather3A_592 : memref<1632xi32, #tpu.memory_space<vmem>>[vector<16xi32>], vector<16xi32>,
    %add3A_593 = arith.constant 32 : i32
    %add3A_594 = arith.addi %while3A_563#0, %add3A_593 : i32
    %add3A_595 = vector.broadcast %add3A_594 : i32 to vector<16xi32>
    %add3A_596 = arith.addi %add3A_595, %iota3A : vector<16xi32>
    %gather3A_597 = tpu.vector_load_idx %arg8[%broadcast_in_dim3A_4] : memref<1632xi32, #tpu.memory_space<vmem>>[vector<16xi32>], vector<16xi32>,
    tpu.vector_store_idx %arg8[%add3A_596], %gather3A_597 : memref<1632xi32, #tpu.memory_space<vmem>>[vector<16xi32>], vector<16xi32>,
    %add3A_598 = arith.constant 32 : i32
    %add3A_599 = arith.addi %while3A_563#0, %add3A_598 : i32
    %add3A_600 = vector.broadcast %add3A_599 : i32 to vector<16xi32>
    %add3A_601 = arith.addi %add3A_600, %iota3A : vector<16xi32>
    %gather3A_602 = tpu.vector_load_idx %arg9[%broadcast_in_dim3A_4] : memref<1696xi32, #tpu.memory_space<vmem>>[vector<16xi32>], vector<16xi32>,
    tpu.vector_store_idx %arg9[%add3A_601], %gather3A_602 : memref<1696xi32, #tpu.memory_space<vmem>>[vector<16xi32>], vector<16xi32>,
    %add3A_603 = arith.constant 32 : i32
    %add3A_604 = arith.addi %while3A_563#1, %add3A_603 : i32
    %add3A_605 = vector.broadcast %add3A_604 : i32 to vector<16xi32>
    %add3A_606 = arith.addi %add3A_605, %iota3A : vector<16xi32>
    %gather3A_607 = tpu.vector_load_idx %arg11[%broadcast_in_dim3A_4] : memref<1632xi32, #tpu.memory_space<vmem>>[vector<16xi32>], vector<16xi32>,
    tpu.vector_store_idx %arg11[%add3A_606], %gather3A_607 : memref<1632xi32, #tpu.memory_space<vmem>>[vector<16xi32>], vector<16xi32>,
    %add3A_608 = arith.constant 48 : i32
    %add3A_609 = arith.addi %while3A_563#0, %add3A_608 : i32
    %add3A_610 = vector.broadcast %add3A_609 : i32 to vector<16xi32>
    %add3A_611 = arith.addi %add3A_610, %iota3A : vector<16xi32>
    %gather3A_612 = tpu.vector_load_idx %arg8[%broadcast_in_dim3A_4] : memref<1632xi32, #tpu.memory_space<vmem>>[vector<16xi32>], vector<16xi32>,
    tpu.vector_store_idx %arg8[%add3A_611], %gather3A_612 : memref<1632xi32, #tpu.memory_space<vmem>>[vector<16xi32>], vector<16xi32>,
    %add3A_613 = arith.constant 48 : i32
    %add3A_614 = arith.addi %while3A_563#0, %add3A_613 : i32
    %add3A_615 = vector.broadcast %add3A_614 : i32 to vector<16xi32>
    %add3A_616 = arith.addi %add3A_615, %iota3A : vector<16xi32>
    %gather3A_617 = tpu.vector_load_idx %arg9[%broadcast_in_dim3A_4] : memref<1696xi32, #tpu.memory_space<vmem>>[vector<16xi32>], vector<16xi32>,
    tpu.vector_store_idx %arg9[%add3A_616], %gather3A_617 : memref<1696xi32, #tpu.memory_space<vmem>>[vector<16xi32>], vector<16xi32>,
    %add3A_618 = arith.constant 48 : i32
    %add3A_619 = arith.addi %while3A_563#1, %add3A_618 : i32
    %add3A_620 = vector.broadcast %add3A_619 : i32 to vector<16xi32>
    %add3A_621 = arith.addi %add3A_620, %iota3A : vector<16xi32>
    %gather3A_622 = tpu.vector_load_idx %arg11[%broadcast_in_dim3A_4] : memref<1632xi32, #tpu.memory_space<vmem>>[vector<16xi32>], vector<16xi32>,
    tpu.vector_store_idx %arg11[%add3A_621], %gather3A_622 : memref<1632xi32, #tpu.memory_space<vmem>>[vector<16xi32>], vector<16xi32>,
    %add3A_623 = arith.constant 64 : i32
    %add3A_624 = arith.addi %while3A_563#0, %add3A_623 : i32
    %sub3A_625 = arith.constant 1 : i32
    %sub3A_626 = arith.subi %add3A_624, %sub3A_625 : i32
    %jit3A_627 = arith.constant 64 : i32
    %div3A_628 = arith.divsi %sub3A_626, %jit3A_627 : i32
    %sign3A_629 = arith.constant 0 : i32
    %sign3A_630 = arith.cmpi sgt, %sub3A_626, %sign3A_629 : i32
    %sign3A_631 = arith.extui %sign3A_630 : i1 to i32
    %sign3A_632 = arith.constant 0 : i32
    %sign3A_633 = arith.cmpi slt, %sub3A_626, %sign3A_632 : i32
    %sign3A_634 = arith.extui %sign3A_633 : i1 to i32
    %sign3A_635 = arith.subi %sign3A_631, %sign3A_634 : i32
    %sign3A_636 = arith.constant 0 : i32
    %sign3A_637 = arith.cmpi sgt, %jit3A_627, %sign3A_636 : i32
    %sign3A_638 = arith.extui %sign3A_637 : i1 to i32
    %sign3A_639 = arith.constant 0 : i32
    %sign3A_640 = arith.cmpi slt, %jit3A_627, %sign3A_639 : i32
    %sign3A_641 = arith.extui %sign3A_640 : i1 to i32
    %sign3A_642 = arith.subi %sign3A_638, %sign3A_641 : i32
    %ne3A_643 = arith.cmpi ne, %sign3A_635, %sign3A_642 : i32
    %rem3A_644 = arith.remsi %sub3A_626, %jit3A_627 : i32
    %ne3A_645 = arith.constant 0 : i32
    %ne3A_646 = arith.cmpi ne, %rem3A_644, %ne3A_645 : i32
    %and3A_647 = arith.andi %ne3A_643, %ne3A_646 : i1
    %sub3A_648 = arith.constant 1 : i32
    %sub3A_649 = arith.subi %div3A_628, %sub3A_648 : i32
    %select_n3A_650 = arith.select %and3A_647, %sub3A_649, %div3A_628 : i32
    %mul3A_651 = arith.constant 64 : i32
    %mul3A_652 = arith.muli %select_n3A_650, %mul3A_651 : i32
    %add3A_653 = arith.constant 128 : i32
    %add3A_654 = arith.addi %mul3A_652, %add3A_653 : i32
    %sub3A_655 = arith.constant 1 : i32
    %sub3A_656 = arith.subi %add3A_654, %sub3A_655 : i32
    %jit3A_657 = arith.constant 128 : i32
    %div3A_658 = arith.divsi %sub3A_656, %jit3A_657 : i32
    %sign3A_659 = arith.constant 0 : i32
    %sign3A_660 = arith.cmpi sgt, %sub3A_656, %sign3A_659 : i32
    %sign3A_661 = arith.extui %sign3A_660 : i1 to i32
    %sign3A_662 = arith.constant 0 : i32
    %sign3A_663 = arith.cmpi slt, %sub3A_656, %sign3A_662 : i32
    %sign3A_664 = arith.extui %sign3A_663 : i1 to i32
    %sign3A_665 = arith.subi %sign3A_661, %sign3A_664 : i32
    %sign3A_666 = arith.constant 0 : i32
    %sign3A_667 = arith.cmpi sgt, %jit3A_657, %sign3A_666 : i32
    %sign3A_668 = arith.extui %sign3A_667 : i1 to i32
    %sign3A_669 = arith.constant 0 : i32
    %sign3A_670 = arith.cmpi slt, %jit3A_657, %sign3A_669 : i32
    %sign3A_671 = arith.extui %sign3A_670 : i1 to i32
    %sign3A_672 = arith.subi %sign3A_668, %sign3A_671 : i32
    %ne3A_673 = arith.cmpi ne, %sign3A_665, %sign3A_672 : i32
    %rem3A_674 = arith.remsi %sub3A_656, %jit3A_657 : i32
    %ne3A_675 = arith.constant 0 : i32
    %ne3A_676 = arith.cmpi ne, %rem3A_674, %ne3A_675 : i32
    %and3A_677 = arith.andi %ne3A_673, %ne3A_676 : i1
    %sub3A_678 = arith.constant 1 : i32
    %sub3A_679 = arith.subi %div3A_658, %sub3A_678 : i32
    %select_n3A_680 = arith.select %and3A_677, %sub3A_679, %div3A_658 : i32
    %while3A_681 = arith.constant 0 : i32
    %while3A_682 = arith.constant 0 : i32
    %while3A_683 = arith.subi %select_n3A_680, %while3A_682 : i32
    %while3A_684 = arith.addi %while3A_682, %while3A_683 : i32
    %while3A_685 = arith.constant 1 : i32
    %while3A_686 = arith.divsi %while3A_683, %while3A_685 : i32
    %while3A_687 = arith.muli %while3A_686, %while3A_685 : i32
    %while3A_688 = arith.addi %while3A_682, %while3A_687 : i32
    %while3A_689 = arith.constant 1 : i32
    scf.for %while3A_831 = %while3A_682 to %while3A_688 step %while3A_689  : i32 {
      %mul3A_832 = arith.constant 128 : i32
      %mul3A_833 = arith.muli %while3A_831, %mul3A_832 : i32
      %mul3A_834 = arith.constant 128 : i32
      %mul3A_835 = arith.muli %while3A_831, %mul3A_834 : i32
      %dma_start3A_836 = tpu.memref_slice %arg10[%mul3A_835] : memref<1696xi32, #tpu.memory_space<vmem>> -> memref<128xi32, #tpu.memory_space<vmem>>
      %dma_start3A_837 = tpu.memref_slice %arg9[%mul3A_833] : memref<1696xi32, #tpu.memory_space<vmem>> -> memref<128xi32, #tpu.memory_space<vmem>>
      %dma_start3A_838 = arith.constant 0 : i32
      %dma_start3A_839 = tpu.memref_slice %arg3[%dma_start3A_838] : memref<100000xi32, #tpu.memory_space<hbm>> -> memref<100000xi32, #tpu.memory_space<hbm>>
      tpu.enqueue_indirect_dma source(%dma_start3A_839 : memref<100000xi32, #tpu.memory_space<hbm>>) target(%dma_start3A_836 : memref<128xi32, #tpu.memory_space<vmem>>) offsets(%dma_start3A_837 : memref<128xi32, #tpu.memory_space<vmem>>) semaphore(%arg16 : memref<!tpu.dma_semaphore, #tpu.memory_space<semaphore_mem>>)
    }
    %while3A_690 = arith.constant 1 : i32
    scf.for %while3A_831 = %while3A_688 to %while3A_684 step %while3A_690  : i32 {
      %mul3A_832 = arith.constant 128 : i32
      %mul3A_833 = arith.muli %while3A_831, %mul3A_832 : i32
      %mul3A_834 = arith.constant 128 : i32
      %mul3A_835 = arith.muli %while3A_831, %mul3A_834 : i32
      %dma_start3A_836 = tpu.memref_slice %arg10[%mul3A_835] : memref<1696xi32, #tpu.memory_space<vmem>> -> memref<128xi32, #tpu.memory_space<vmem>>
      %dma_start3A_837 = tpu.memref_slice %arg9[%mul3A_833] : memref<1696xi32, #tpu.memory_space<vmem>> -> memref<128xi32, #tpu.memory_space<vmem>>
      %dma_start3A_838 = arith.constant 0 : i32
      %dma_start3A_839 = tpu.memref_slice %arg3[%dma_start3A_838] : memref<100000xi32, #tpu.memory_space<hbm>> -> memref<100000xi32, #tpu.memory_space<hbm>>
      tpu.enqueue_indirect_dma source(%dma_start3A_839 : memref<100000xi32, #tpu.memory_space<hbm>>) target(%dma_start3A_836 : memref<128xi32, #tpu.memory_space<vmem>>) offsets(%dma_start3A_837 : memref<128xi32, #tpu.memory_space<vmem>>) semaphore(%arg16 : memref<!tpu.dma_semaphore, #tpu.memory_space<semaphore_mem>>)
    }
    %while3A_691 = arith.constant 0 : i32
    %while3A_692 = arith.constant 0 : i32
    %while3A_693 = arith.subi %select_n3A_680, %while3A_692 : i32
    %while3A_694 = arith.addi %while3A_692, %while3A_693 : i32
    %while3A_695 = arith.constant 1 : i32
    %while3A_696 = arith.divsi %while3A_693, %while3A_695 : i32
    %while3A_697 = arith.muli %while3A_696, %while3A_695 : i32
    %while3A_698 = arith.addi %while3A_692, %while3A_697 : i32
    %while3A_699 = arith.constant 1 : i32
    scf.for %while3A_831 = %while3A_692 to %while3A_698 step %while3A_699  : i32 {
      %dma_wait3A_832 = arith.constant 0 : i32
      %dma_wait3A_833 = tpu.memref_slice %arg10[%dma_wait3A_832] : memref<1696xi32, #tpu.memory_space<vmem>> -> memref<128xi32, #tpu.memory_space<vmem>>
      %dma_wait3A_834 = arith.constant 0 : i32
      %dma_wait3A_835 = tpu.memref_slice %arg3[%dma_wait3A_834] : memref<100000xi32, #tpu.memory_space<hbm>> -> memref<128xi32, #tpu.memory_space<hbm>>
      %dma_wait3A_836 = arith.constant 0 : i32
      %dma_wait3A_837 = tpu.memref_slice %arg10[%dma_wait3A_836] : memref<1696xi32, #tpu.memory_space<vmem>> -> memref<128xi32, #tpu.memory_space<vmem>>
      %dma_wait3A_838 = arith.constant 0 : i32
      %dma_wait3A_839 = tpu.memref_slice %arg3[%dma_wait3A_838] : memref<100000xi32, #tpu.memory_space<hbm>> -> memref<128xi32, #tpu.memory_space<hbm>>
      tpu.wait_dma2 semaphore(%arg16 : memref<!tpu.dma_semaphore, #tpu.memory_space<semaphore_mem>>) src(%dma_wait3A_839 : memref<128xi32, #tpu.memory_space<hbm>>) dst(%dma_wait3A_837 : memref<128xi32, #tpu.memory_space<vmem>>)
    }
    %while3A_700 = arith.constant 1 : i32
    scf.for %while3A_831 = %while3A_698 to %while3A_694 step %while3A_700  : i32 {
      %dma_wait3A_832 = arith.constant 0 : i32
      %dma_wait3A_833 = tpu.memref_slice %arg10[%dma_wait3A_832] : memref<1696xi32, #tpu.memory_space<vmem>> -> memref<128xi32, #tpu.memory_space<vmem>>
      %dma_wait3A_834 = arith.constant 0 : i32
      %dma_wait3A_835 = tpu.memref_slice %arg3[%dma_wait3A_834] : memref<100000xi32, #tpu.memory_space<hbm>> -> memref<128xi32, #tpu.memory_space<hbm>>
      %dma_wait3A_836 = arith.constant 0 : i32
      %dma_wait3A_837 = tpu.memref_slice %arg10[%dma_wait3A_836] : memref<1696xi32, #tpu.memory_space<vmem>> -> memref<128xi32, #tpu.memory_space<vmem>>
      %dma_wait3A_838 = arith.constant 0 : i32
      %dma_wait3A_839 = tpu.memref_slice %arg3[%dma_wait3A_838] : memref<100000xi32, #tpu.memory_space<hbm>> -> memref<128xi32, #tpu.memory_space<hbm>>
      tpu.wait_dma2 semaphore(%arg16 : memref<!tpu.dma_semaphore, #tpu.memory_space<semaphore_mem>>) src(%dma_wait3A_839 : memref<128xi32, #tpu.memory_space<hbm>>) dst(%dma_wait3A_837 : memref<128xi32, #tpu.memory_space<vmem>>)
    }
    %add3A_701 = arith.constant 16 : i32
    %add3A_702 = arith.addi %while3A_563#1, %add3A_701 : i32
    %sub3A_703 = arith.constant 1 : i32
    %sub3A_704 = arith.subi %add3A_702, %sub3A_703 : i32
    %jit3A_705 = arith.constant 16 : i32
    %div3A_706 = arith.divsi %sub3A_704, %jit3A_705 : i32
    %sign3A_707 = arith.constant 0 : i32
    %sign3A_708 = arith.cmpi sgt, %sub3A_704, %sign3A_707 : i32
    %sign3A_709 = arith.extui %sign3A_708 : i1 to i32
    %sign3A_710 = arith.constant 0 : i32
    %sign3A_711 = arith.cmpi slt, %sub3A_704, %sign3A_710 : i32
    %sign3A_712 = arith.extui %sign3A_711 : i1 to i32
    %sign3A_713 = arith.subi %sign3A_709, %sign3A_712 : i32
    %sign3A_714 = arith.constant 0 : i32
    %sign3A_715 = arith.cmpi sgt, %jit3A_705, %sign3A_714 : i32
    %sign3A_716 = arith.extui %sign3A_715 : i1 to i32
    %sign3A_717 = arith.constant 0 : i32
    %sign3A_718 = arith.cmpi slt, %jit3A_705, %sign3A_717 : i32
    %sign3A_719 = arith.extui %sign3A_718 : i1 to i32
    %sign3A_720 = arith.subi %sign3A_716, %sign3A_719 : i32
    %ne3A_721 = arith.cmpi ne, %sign3A_713, %sign3A_720 : i32
    %rem3A_722 = arith.remsi %sub3A_704, %jit3A_705 : i32
    %ne3A_723 = arith.constant 0 : i32
    %ne3A_724 = arith.cmpi ne, %rem3A_722, %ne3A_723 : i32
    %and3A_725 = arith.andi %ne3A_721, %ne3A_724 : i1
    %sub3A_726 = arith.constant 1 : i32
    %sub3A_727 = arith.subi %div3A_706, %sub3A_726 : i32
    %select_n3A_728 = arith.select %and3A_725, %sub3A_727, %div3A_706 : i32
    %while3A_729 = arith.constant 0 : i32
    %while3A_730 = arith.constant 0 : i32
    %while3A_731 = arith.subi %select_n3A_728, %while3A_730 : i32
    %while3A_732 = arith.addi %while3A_730, %while3A_731 : i32
    %while3A_733 = arith.constant 1 : i32
    %while3A_734 = arith.divsi %while3A_731, %while3A_733 : i32
    %while3A_735 = arith.muli %while3A_734, %while3A_733 : i32
    %while3A_736 = arith.addi %while3A_730, %while3A_735 : i32
    %while3A_737 = arith.constant 1 : i32
    scf.for %while3A_831 = %while3A_730 to %while3A_736 step %while3A_737  : i32 {
      %mul3A_832 = arith.constant 16 : i32
      %mul3A_833 = arith.muli %while3A_831, %mul3A_832 : i32
      %get3A = arith.index_cast %mul3A_833 : i32 to index
      %get3A_834 = tpu.vector_load %arg11[%get3A] {strides = array<i32>} : memref<1632xi32, #tpu.memory_space<vmem>>, vector<16xi32>,
      %dma_start3A_835 = arith.constant 0 : i32
      %dma_start3A_836 = arith.constant 0 : i32
      %dma_start3A_837 = tpu.memref_slice %arg12[%dma_start3A_835, %dma_start3A_836] : memref<64x128xf32, #tpu.memory_space<vmem>> -> memref<16x128xf32, #tpu.memory_space<vmem>>
      %dma_start3A_838 = arith.constant 0 : i32
      %dma_start3A_839 = arith.constant 0 : i32
      %dma_start3A_840 = tpu.memref_slice %arg4[%dma_start3A_838, %dma_start3A_839] : memref<100000x128xf32, #tpu.memory_space<hbm>> -> memref<100000x128xf32, #tpu.memory_space<hbm>>
      tpu.enqueue_indirect_dma source(%dma_start3A_837 : memref<16x128xf32, #tpu.memory_space<vmem>>) target(%dma_start3A_840 : memref<100000x128xf32, #tpu.memory_space<hbm>>) offsets(%get3A_834 : vector<16xi32>) semaphore(%arg18 : memref<!tpu.dma_semaphore, #tpu.memory_space<semaphore_mem>>)
    }
    %while3A_738 = arith.constant 1 : i32
    scf.for %while3A_831 = %while3A_736 to %while3A_732 step %while3A_738  : i32 {
      %mul3A_832 = arith.constant 16 : i32
      %mul3A_833 = arith.muli %while3A_831, %mul3A_832 : i32
      %get3A = arith.index_cast %mul3A_833 : i32 to index
      %get3A_834 = tpu.vector_load %arg11[%get3A] {strides = array<i32>} : memref<1632xi32, #tpu.memory_space<vmem>>, vector<16xi32>,
      %dma_start3A_835 = arith.constant 0 : i32
      %dma_start3A_836 = arith.constant 0 : i32
      %dma_start3A_837 = tpu.memref_slice %arg12[%dma_start3A_835, %dma_start3A_836] : memref<64x128xf32, #tpu.memory_space<vmem>> -> memref<16x128xf32, #tpu.memory_space<vmem>>
      %dma_start3A_838 = arith.constant 0 : i32
      %dma_start3A_839 = arith.constant 0 : i32
      %dma_start3A_840 = tpu.memref_slice %arg4[%dma_start3A_838, %dma_start3A_839] : memref<100000x128xf32, #tpu.memory_space<hbm>> -> memref<100000x128xf32, #tpu.memory_space<hbm>>
      tpu.enqueue_indirect_dma source(%dma_start3A_837 : memref<16x128xf32, #tpu.memory_space<vmem>>) target(%dma_start3A_840 : memref<100000x128xf32, #tpu.memory_space<hbm>>) offsets(%get3A_834 : vector<16xi32>) semaphore(%arg18 : memref<!tpu.dma_semaphore, #tpu.memory_space<semaphore_mem>>)
    }
    %jit3A_739 = arith.constant 4 : i32
    %div3A_740 = arith.divsi %select_n3A_650, %jit3A_739 : i32
    %sign3A_741 = arith.constant 0 : i32
    %sign3A_742 = arith.cmpi sgt, %select_n3A_650, %sign3A_741 : i32
    %sign3A_743 = arith.extui %sign3A_742 : i1 to i32
    %sign3A_744 = arith.constant 0 : i32
    %sign3A_745 = arith.cmpi slt, %select_n3A_650, %sign3A_744 : i32
    %sign3A_746 = arith.extui %sign3A_745 : i1 to i32
    %sign3A_747 = arith.subi %sign3A_743, %sign3A_746 : i32
    %sign3A_748 = arith.constant 0 : i32
    %sign3A_749 = arith.cmpi sgt, %jit3A_739, %sign3A_748 : i32
    %sign3A_750 = arith.extui %sign3A_749 : i1 to i32
    %sign3A_751 = arith.constant 0 : i32
    %sign3A_752 = arith.cmpi slt, %jit3A_739, %sign3A_751 : i32
    %sign3A_753 = arith.extui %sign3A_752 : i1 to i32
    %sign3A_754 = arith.subi %sign3A_750, %sign3A_753 : i32
    %ne3A_755 = arith.cmpi ne, %sign3A_747, %sign3A_754 : i32
    %rem3A_756 = arith.remsi %select_n3A_650, %jit3A_739 : i32
    %ne3A_757 = arith.constant 0 : i32
    %ne3A_758 = arith.cmpi ne, %rem3A_756, %ne3A_757 : i32
    %and3A_759 = arith.andi %ne3A_755, %ne3A_758 : i1
    %sub3A_760 = arith.constant 1 : i32
    %sub3A_761 = arith.subi %div3A_740, %sub3A_760 : i32
    %select_n3A_762 = arith.select %and3A_759, %sub3A_761, %div3A_740 : i32
    %while3A_763 = arith.constant 0 : i32
    %while3A_764 = arith.constant 0 : i32
    %while3A_765 = arith.subi %select_n3A_762, %while3A_764 : i32
    %while3A_766 = arith.addi %while3A_764, %while3A_765 : i32
    %while3A_767 = arith.constant 1 : i32
    %while3A_768 = arith.divsi %while3A_765, %while3A_767 : i32
    %while3A_769 = arith.muli %while3A_768, %while3A_767 : i32
    %while3A_770 = arith.addi %while3A_764, %while3A_769 : i32
    %while3A_771 = arith.constant 1 : i32
    scf.for %while3A_831 = %while3A_764 to %while3A_770 step %while3A_771  : i32 {
      %gt3A_832 = arith.constant 0 : i32
      %gt3A_833 = arith.cmpi sgt, %while3A_831, %gt3A_832 : i32
      %convert_element_type3A_834 = arith.extui %gt3A_833 : i1 to i32
      %cond3A_835 = arith.constant 0 : i32
      %cond3A_836 = arith.cmpi ne, %convert_element_type3A_834, %cond3A_835 : i32
      scf.if %cond3A_836 {
        %dma_wait3A_1211 = arith.constant 0 : i32
        %dma_wait3A_1212 = arith.constant 0 : i32
        %dma_wait3A_1213 = arith.constant 0 : i32
        %dma_wait3A_1214 = tpu.memref_slice %arg13[%dma_wait3A_1211, %dma_wait3A_1212, %dma_wait3A_1213] : memref<4x64x128xf32, #tpu.memory_space<vmem>> -> memref<1x16x128xf32, #tpu.memory_space<vmem>>
        %dma_wait3A_1215 = tpu.memref_squeeze %dma_wait3A_1214 : memref<1x16x128xf32, #tpu.memory_space<vmem>> -> memref<16x128xf32, #tpu.memory_space<vmem>>
        %dma_wait3A_1216 = arith.constant 0 : i32
        %dma_wait3A_1217 = arith.constant 0 : i32
        %dma_wait3A_1218 = tpu.memref_slice %arg4[%dma_wait3A_1216, %dma_wait3A_1217] : memref<100000x128xf32, #tpu.memory_space<hbm>> -> memref<16x128xf32, #tpu.memory_space<hbm>>
        %dma_wait3A_1219 = arith.constant 0 : i32
        %dma_wait3A_1220 = arith.constant 0 : i32
        %dma_wait3A_1221 = tpu.memref_slice %arg4[%dma_wait3A_1219, %dma_wait3A_1220] : memref<100000x128xf32, #tpu.memory_space<hbm>> -> memref<16x128xf32, #tpu.memory_space<hbm>>
        %dma_wait3A_1222 = arith.constant 0 : i32
        %dma_wait3A_1223 = arith.constant 0 : i32
        %dma_wait3A_1224 = tpu.memref_slice %arg13[%dma_wait3A_1211, %dma_wait3A_1222, %dma_wait3A_1223] : memref<4x64x128xf32, #tpu.memory_space<vmem>> -> memref<1x16x128xf32, #tpu.memory_space<vmem>>
        %dma_wait3A_1225 = tpu.memref_squeeze %dma_wait3A_1224 : memref<1x16x128xf32, #tpu.memory_space<vmem>> -> memref<16x128xf32, #tpu.memory_space<vmem>>
        tpu.wait_dma2 semaphore(%arg23 : memref<!tpu.dma_semaphore, #tpu.memory_space<semaphore_mem>>) src(%dma_wait3A_1225 : memref<16x128xf32, #tpu.memory_space<vmem>>) dst(%dma_wait3A_1221 : memref<16x128xf32, #tpu.memory_space<hbm>>)
        %dma_wait3A_1226 = arith.constant 0 : i32
        %dma_wait3A_1227 = arith.constant 0 : i32
        %dma_wait3A_1228 = arith.constant 0 : i32
        %dma_wait3A_1229 = tpu.memref_slice %arg13[%dma_wait3A_1226, %dma_wait3A_1227, %dma_wait3A_1228] : memref<4x64x128xf32, #tpu.memory_space<vmem>> -> memref<1x16x128xf32, #tpu.memory_space<vmem>>
        %dma_wait3A_1230 = tpu.memref_squeeze %dma_wait3A_1229 : memref<1x16x128xf32, #tpu.memory_space<vmem>> -> memref<16x128xf32, #tpu.memory_space<vmem>>
        %dma_wait3A_1231 = arith.constant 0 : i32
        %dma_wait3A_1232 = arith.constant 0 : i32
        %dma_wait3A_1233 = tpu.memref_slice %arg4[%dma_wait3A_1231, %dma_wait3A_1232] : memref<100000x128xf32, #tpu.memory_space<hbm>> -> memref<16x128xf32, #tpu.memory_space<hbm>>
        %dma_wait3A_1234 = arith.constant 0 : i32
        %dma_wait3A_1235 = arith.constant 0 : i32
        %dma_wait3A_1236 = tpu.memref_slice %arg4[%dma_wait3A_1234, %dma_wait3A_1235] : memref<100000x128xf32, #tpu.memory_space<hbm>> -> memref<16x128xf32, #tpu.memory_space<hbm>>
        %dma_wait3A_1237 = arith.constant 0 : i32
        %dma_wait3A_1238 = arith.constant 0 : i32
        %dma_wait3A_1239 = tpu.memref_slice %arg13[%dma_wait3A_1226, %dma_wait3A_1237, %dma_wait3A_1238] : memref<4x64x128xf32, #tpu.memory_space<vmem>> -> memref<1x16x128xf32, #tpu.memory_space<vmem>>
        %dma_wait3A_1240 = tpu.memref_squeeze %dma_wait3A_1239 : memref<1x16x128xf32, #tpu.memory_space<vmem>> -> memref<16x128xf32, #tpu.memory_space<vmem>>
        tpu.wait_dma2 semaphore(%arg23 : memref<!tpu.dma_semaphore, #tpu.memory_space<semaphore_mem>>) src(%dma_wait3A_1240 : memref<16x128xf32, #tpu.memory_space<vmem>>) dst(%dma_wait3A_1236 : memref<16x128xf32, #tpu.memory_space<hbm>>)
        %dma_wait3A_1241 = arith.constant 0 : i32
        %dma_wait3A_1242 = arith.constant 0 : i32
        %dma_wait3A_1243 = arith.constant 0 : i32
        %dma_wait3A_1244 = tpu.memref_slice %arg13[%dma_wait3A_1241, %dma_wait3A_1242, %dma_wait3A_1243] : memref<4x64x128xf32, #tpu.memory_space<vmem>> -> memref<1x16x128xf32, #tpu.memory_space<vmem>>
        %dma_wait3A_1245 = tpu.memref_squeeze %dma_wait3A_1244 : memref<1x16x128xf32, #tpu.memory_space<vmem>> -> memref<16x128xf32, #tpu.memory_space<vmem>>
        %dma_wait3A_1246 = arith.constant 0 : i32
        %dma_wait3A_1247 = arith.constant 0 : i32
        %dma_wait3A_1248 = tpu.memref_slice %arg4[%dma_wait3A_1246, %dma_wait3A_1247] : memref<100000x128xf32, #tpu.memory_space<hbm>> -> memref<16x128xf32, #tpu.memory_space<hbm>>
        %dma_wait3A_1249 = arith.constant 0 : i32
        %dma_wait3A_1250 = arith.constant 0 : i32
        %dma_wait3A_1251 = tpu.memref_slice %arg4[%dma_wait3A_1249, %dma_wait3A_1250] : memref<100000x128xf32, #tpu.memory_space<hbm>> -> memref<16x128xf32, #tpu.memory_space<hbm>>
        %dma_wait3A_1252 = arith.constant 0 : i32
        %dma_wait3A_1253 = arith.constant 0 : i32
        %dma_wait3A_1254 = tpu.memref_slice %arg13[%dma_wait3A_1241, %dma_wait3A_1252, %dma_wait3A_1253] : memref<4x64x128xf32, #tpu.memory_space<vmem>> -> memref<1x16x128xf32, #tpu.memory_space<vmem>>
        %dma_wait3A_1255 = tpu.memref_squeeze %dma_wait3A_1254 : memref<1x16x128xf32, #tpu.memory_space<vmem>> -> memref<16x128xf32, #tpu.memory_space<vmem>>
        tpu.wait_dma2 semaphore(%arg23 : memref<!tpu.dma_semaphore, #tpu.memory_space<semaphore_mem>>) src(%dma_wait3A_1255 : memref<16x128xf32, #tpu.memory_space<vmem>>) dst(%dma_wait3A_1251 : memref<16x128xf32, #tpu.memory_space<hbm>>)
        %dma_wait3A_1256 = arith.constant 0 : i32
        %dma_wait3A_1257 = arith.constant 0 : i32
        %dma_wait3A_1258 = arith.constant 0 : i32
        %dma_wait3A_1259 = tpu.memref_slice %arg13[%dma_wait3A_1256, %dma_wait3A_1257, %dma_wait3A_1258] : memref<4x64x128xf32, #tpu.memory_space<vmem>> -> memref<1x16x128xf32, #tpu.memory_space<vmem>>
        %dma_wait3A_1260 = tpu.memref_squeeze %dma_wait3A_1259 : memref<1x16x128xf32, #tpu.memory_space<vmem>> -> memref<16x128xf32, #tpu.memory_space<vmem>>
        %dma_wait3A_1261 = arith.constant 0 : i32
        %dma_wait3A_1262 = arith.constant 0 : i32
        %dma_wait3A_1263 = tpu.memref_slice %arg4[%dma_wait3A_1261, %dma_wait3A_1262] : memref<100000x128xf32, #tpu.memory_space<hbm>> -> memref<16x128xf32, #tpu.memory_space<hbm>>
        %dma_wait3A_1264 = arith.constant 0 : i32
        %dma_wait3A_1265 = arith.constant 0 : i32
        %dma_wait3A_1266 = tpu.memref_slice %arg4[%dma_wait3A_1264, %dma_wait3A_1265] : memref<100000x128xf32, #tpu.memory_space<hbm>> -> memref<16x128xf32, #tpu.memory_space<hbm>>
        %dma_wait3A_1267 = arith.constant 0 : i32
        %dma_wait3A_1268 = arith.constant 0 : i32
        %dma_wait3A_1269 = tpu.memref_slice %arg13[%dma_wait3A_1256, %dma_wait3A_1267, %dma_wait3A_1268] : memref<4x64x128xf32, #tpu.memory_space<vmem>> -> memref<1x16x128xf32, #tpu.memory_space<vmem>>
        %dma_wait3A_1270 = tpu.memref_squeeze %dma_wait3A_1269 : memref<1x16x128xf32, #tpu.memory_space<vmem>> -> memref<16x128xf32, #tpu.memory_space<vmem>>
        tpu.wait_dma2 semaphore(%arg23 : memref<!tpu.dma_semaphore, #tpu.memory_space<semaphore_mem>>) src(%dma_wait3A_1270 : memref<16x128xf32, #tpu.memory_space<vmem>>) dst(%dma_wait3A_1266 : memref<16x128xf32, #tpu.memory_space<hbm>>)
      } else {
      }
      %mul3A_837 = arith.constant 4 : i32
      %mul3A_838 = arith.muli %while3A_831, %mul3A_837 : i32
      %add3A_839 = arith.constant 0 : i32
      %add3A_840 = arith.addi %mul3A_838, %add3A_839 : i32
      %mul3A_841 = arith.constant 64 : i32
      %mul3A_842 = arith.muli %add3A_840, %mul3A_841 : i32
      %dma_start3A_843 = arith.constant 0 : i32
      %dma_start3A_844 = arith.constant 0 : i32
      %dma_start3A_845 = arith.constant 0 : i32
      %dma_start3A_846 = tpu.memref_slice %arg13[%dma_start3A_843, %dma_start3A_844, %dma_start3A_845] : memref<4x64x128xf32, #tpu.memory_space<vmem>> -> memref<1x64x128xf32, #tpu.memory_space<vmem>>
      %dma_start3A_847 = tpu.memref_squeeze %dma_start3A_846 : memref<1x64x128xf32, #tpu.memory_space<vmem>> -> memref<64x128xf32, #tpu.memory_space<vmem>>
      %dma_start3A_848 = tpu.memref_slice %arg10[%mul3A_842] : memref<1696xi32, #tpu.memory_space<vmem>> -> memref<64xi32, #tpu.memory_space<vmem>>
      %dma_start3A_849 = arith.constant 0 : i32
      %dma_start3A_850 = arith.constant 0 : i32
      %dma_start3A_851 = tpu.memref_slice %arg2[%dma_start3A_849, %dma_start3A_850] : memref<50000x128xf32, #tpu.memory_space<hbm>> -> memref<50000x128xf32, #tpu.memory_space<hbm>>
      tpu.enqueue_indirect_dma source(%dma_start3A_851 : memref<50000x128xf32, #tpu.memory_space<hbm>>) target(%dma_start3A_847 : memref<64x128xf32, #tpu.memory_space<vmem>>) offsets(%dma_start3A_848 : memref<64xi32, #tpu.memory_space<vmem>>) semaphore(%arg19 : memref<!tpu.dma_semaphore, #tpu.memory_space<semaphore_mem>>)
      %gt3A_852 = arith.constant 0 : i32
      %gt3A_853 = arith.cmpi sgt, %while3A_831, %gt3A_852 : i32
      %convert_element_type3A_854 = arith.extui %gt3A_853 : i1 to i32
      %cond3A_855 = arith.constant 0 : i32
      %cond3A_856 = arith.cmpi ne, %convert_element_type3A_854, %cond3A_855 : i32
      scf.if %cond3A_856 {
        %dma_wait3A_1211 = arith.constant 1 : i32
        %dma_wait3A_1212 = arith.constant 0 : i32
        %dma_wait3A_1213 = arith.constant 0 : i32
        %dma_wait3A_1214 = tpu.memref_slice %arg13[%dma_wait3A_1211, %dma_wait3A_1212, %dma_wait3A_1213] : memref<4x64x128xf32, #tpu.memory_space<vmem>> -> memref<1x16x128xf32, #tpu.memory_space<vmem>>
        %dma_wait3A_1215 = tpu.memref_squeeze %dma_wait3A_1214 : memref<1x16x128xf32, #tpu.memory_space<vmem>> -> memref<16x128xf32, #tpu.memory_space<vmem>>
        %dma_wait3A_1216 = arith.constant 0 : i32
        %dma_wait3A_1217 = arith.constant 0 : i32
        %dma_wait3A_1218 = tpu.memref_slice %arg4[%dma_wait3A_1216, %dma_wait3A_1217] : memref<100000x128xf32, #tpu.memory_space<hbm>> -> memref<16x128xf32, #tpu.memory_space<hbm>>
        %dma_wait3A_1219 = arith.constant 0 : i32
        %dma_wait3A_1220 = arith.constant 0 : i32
        %dma_wait3A_1221 = tpu.memref_slice %arg4[%dma_wait3A_1219, %dma_wait3A_1220] : memref<100000x128xf32, #tpu.memory_space<hbm>> -> memref<16x128xf32, #tpu.memory_space<hbm>>
        %dma_wait3A_1222 = arith.constant 0 : i32
        %dma_wait3A_1223 = arith.constant 0 : i32
        %dma_wait3A_1224 = tpu.memref_slice %arg13[%dma_wait3A_1211, %dma_wait3A_1222, %dma_wait3A_1223] : memref<4x64x128xf32, #tpu.memory_space<vmem>> -> memref<1x16x128xf32, #tpu.memory_space<vmem>>
        %dma_wait3A_1225 = tpu.memref_squeeze %dma_wait3A_1224 : memref<1x16x128xf32, #tpu.memory_space<vmem>> -> memref<16x128xf32, #tpu.memory_space<vmem>>
        tpu.wait_dma2 semaphore(%arg24 : memref<!tpu.dma_semaphore, #tpu.memory_space<semaphore_mem>>) src(%dma_wait3A_1225 : memref<16x128xf32, #tpu.memory_space<vmem>>) dst(%dma_wait3A_1221 : memref<16x128xf32, #tpu.memory_space<hbm>>)
        %dma_wait3A_1226 = arith.constant 1 : i32
        %dma_wait3A_1227 = arith.constant 0 : i32
        %dma_wait3A_1228 = arith.constant 0 : i32
        %dma_wait3A_1229 = tpu.memref_slice %arg13[%dma_wait3A_1226, %dma_wait3A_1227, %dma_wait3A_1228] : memref<4x64x128xf32, #tpu.memory_space<vmem>> -> memref<1x16x128xf32, #tpu.memory_space<vmem>>
        %dma_wait3A_1230 = tpu.memref_squeeze %dma_wait3A_1229 : memref<1x16x128xf32, #tpu.memory_space<vmem>> -> memref<16x128xf32, #tpu.memory_space<vmem>>
        %dma_wait3A_1231 = arith.constant 0 : i32
        %dma_wait3A_1232 = arith.constant 0 : i32
        %dma_wait3A_1233 = tpu.memref_slice %arg4[%dma_wait3A_1231, %dma_wait3A_1232] : memref<100000x128xf32, #tpu.memory_space<hbm>> -> memref<16x128xf32, #tpu.memory_space<hbm>>
        %dma_wait3A_1234 = arith.constant 0 : i32
        %dma_wait3A_1235 = arith.constant 0 : i32
        %dma_wait3A_1236 = tpu.memref_slice %arg4[%dma_wait3A_1234, %dma_wait3A_1235] : memref<100000x128xf32, #tpu.memory_space<hbm>> -> memref<16x128xf32, #tpu.memory_space<hbm>>
        %dma_wait3A_1237 = arith.constant 0 : i32
        %dma_wait3A_1238 = arith.constant 0 : i32
        %dma_wait3A_1239 = tpu.memref_slice %arg13[%dma_wait3A_1226, %dma_wait3A_1237, %dma_wait3A_1238] : memref<4x64x128xf32, #tpu.memory_space<vmem>> -> memref<1x16x128xf32, #tpu.memory_space<vmem>>
        %dma_wait3A_1240 = tpu.memref_squeeze %dma_wait3A_1239 : memref<1x16x128xf32, #tpu.memory_space<vmem>> -> memref<16x128xf32, #tpu.memory_space<vmem>>
        tpu.wait_dma2 semaphore(%arg24 : memref<!tpu.dma_semaphore, #tpu.memory_space<semaphore_mem>>) src(%dma_wait3A_1240 : memref<16x128xf32, #tpu.memory_space<vmem>>) dst(%dma_wait3A_1236 : memref<16x128xf32, #tpu.memory_space<hbm>>)
        %dma_wait3A_1241 = arith.constant 1 : i32
        %dma_wait3A_1242 = arith.constant 0 : i32
        %dma_wait3A_1243 = arith.constant 0 : i32
        %dma_wait3A_1244 = tpu.memref_slice %arg13[%dma_wait3A_1241, %dma_wait3A_1242, %dma_wait3A_1243] : memref<4x64x128xf32, #tpu.memory_space<vmem>> -> memref<1x16x128xf32, #tpu.memory_space<vmem>>
        %dma_wait3A_1245 = tpu.memref_squeeze %dma_wait3A_1244 : memref<1x16x128xf32, #tpu.memory_space<vmem>> -> memref<16x128xf32, #tpu.memory_space<vmem>>
        %dma_wait3A_1246 = arith.constant 0 : i32
        %dma_wait3A_1247 = arith.constant 0 : i32
        %dma_wait3A_1248 = tpu.memref_slice %arg4[%dma_wait3A_1246, %dma_wait3A_1247] : memref<100000x128xf32, #tpu.memory_space<hbm>> -> memref<16x128xf32, #tpu.memory_space<hbm>>
        %dma_wait3A_1249 = arith.constant 0 : i32
        %dma_wait3A_1250 = arith.constant 0 : i32
        %dma_wait3A_1251 = tpu.memref_slice %arg4[%dma_wait3A_1249, %dma_wait3A_1250] : memref<100000x128xf32, #tpu.memory_space<hbm>> -> memref<16x128xf32, #tpu.memory_space<hbm>>
        %dma_wait3A_1252 = arith.constant 0 : i32
        %dma_wait3A_1253 = arith.constant 0 : i32
        %dma_wait3A_1254 = tpu.memref_slice %arg13[%dma_wait3A_1241, %dma_wait3A_1252, %dma_wait3A_1253] : memref<4x64x128xf32, #tpu.memory_space<vmem>> -> memref<1x16x128xf32, #tpu.memory_space<vmem>>
        %dma_wait3A_1255 = tpu.memref_squeeze %dma_wait3A_1254 : memref<1x16x128xf32, #tpu.memory_space<vmem>> -> memref<16x128xf32, #tpu.memory_space<vmem>>
        tpu.wait_dma2 semaphore(%arg24 : memref<!tpu.dma_semaphore, #tpu.memory_space<semaphore_mem>>) src(%dma_wait3A_1255 : memref<16x128xf32, #tpu.memory_space<vmem>>) dst(%dma_wait3A_1251 : memref<16x128xf32, #tpu.memory_space<hbm>>)
        %dma_wait3A_1256 = arith.constant 1 : i32
        %dma_wait3A_1257 = arith.constant 0 : i32
        %dma_wait3A_1258 = arith.constant 0 : i32
        %dma_wait3A_1259 = tpu.memref_slice %arg13[%dma_wait3A_1256, %dma_wait3A_1257, %dma_wait3A_1258] : memref<4x64x128xf32, #tpu.memory_space<vmem>> -> memref<1x16x128xf32, #tpu.memory_space<vmem>>
        %dma_wait3A_1260 = tpu.memref_squeeze %dma_wait3A_1259 : memref<1x16x128xf32, #tpu.memory_space<vmem>> -> memref<16x128xf32, #tpu.memory_space<vmem>>
        %dma_wait3A_1261 = arith.constant 0 : i32
        %dma_wait3A_1262 = arith.constant 0 : i32
        %dma_wait3A_1263 = tpu.memref_slice %arg4[%dma_wait3A_1261, %dma_wait3A_1262] : memref<100000x128xf32, #tpu.memory_space<hbm>> -> memref<16x128xf32, #tpu.memory_space<hbm>>
        %dma_wait3A_1264 = arith.constant 0 : i32
        %dma_wait3A_1265 = arith.constant 0 : i32
        %dma_wait3A_1266 = tpu.memref_slice %arg4[%dma_wait3A_1264, %dma_wait3A_1265] : memref<100000x128xf32, #tpu.memory_space<hbm>> -> memref<16x128xf32, #tpu.memory_space<hbm>>
        %dma_wait3A_1267 = arith.constant 0 : i32
        %dma_wait3A_1268 = arith.constant 0 : i32
        %dma_wait3A_1269 = tpu.memref_slice %arg13[%dma_wait3A_1256, %dma_wait3A_1267, %dma_wait3A_1268] : memref<4x64x128xf32, #tpu.memory_space<vmem>> -> memref<1x16x128xf32, #tpu.memory_space<vmem>>
        %dma_wait3A_1270 = tpu.memref_squeeze %dma_wait3A_1269 : memref<1x16x128xf32, #tpu.memory_space<vmem>> -> memref<16x128xf32, #tpu.memory_space<vmem>>
        tpu.wait_dma2 semaphore(%arg24 : memref<!tpu.dma_semaphore, #tpu.memory_space<semaphore_mem>>) src(%dma_wait3A_1270 : memref<16x128xf32, #tpu.memory_space<vmem>>) dst(%dma_wait3A_1266 : memref<16x128xf32, #tpu.memory_space<hbm>>)
      } else {
      }
      %mul3A_857 = arith.constant 4 : i32
      %mul3A_858 = arith.muli %while3A_831, %mul3A_857 : i32
      %add3A_859 = arith.constant 1 : i32
      %add3A_860 = arith.addi %mul3A_858, %add3A_859 : i32
      %mul3A_861 = arith.constant 64 : i32
      %mul3A_862 = arith.muli %add3A_860, %mul3A_861 : i32
      %dma_start3A_863 = arith.constant 1 : i32
      %dma_start3A_864 = arith.constant 0 : i32
      %dma_start3A_865 = arith.constant 0 : i32
      %dma_start3A_866 = tpu.memref_slice %arg13[%dma_start3A_863, %dma_start3A_864, %dma_start3A_865] : memref<4x64x128xf32, #tpu.memory_space<vmem>> -> memref<1x64x128xf32, #tpu.memory_space<vmem>>
      %dma_start3A_867 = tpu.memref_squeeze %dma_start3A_866 : memref<1x64x128xf32, #tpu.memory_space<vmem>> -> memref<64x128xf32, #tpu.memory_space<vmem>>
      %dma_start3A_868 = tpu.memref_slice %arg10[%mul3A_862] : memref<1696xi32, #tpu.memory_space<vmem>> -> memref<64xi32, #tpu.memory_space<vmem>>
      %dma_start3A_869 = arith.constant 0 : i32
      %dma_start3A_870 = arith.constant 0 : i32
      %dma_start3A_871 = tpu.memref_slice %arg2[%dma_start3A_869, %dma_start3A_870] : memref<50000x128xf32, #tpu.memory_space<hbm>> -> memref<50000x128xf32, #tpu.memory_space<hbm>>
      tpu.enqueue_indirect_dma source(%dma_start3A_871 : memref<50000x128xf32, #tpu.memory_space<hbm>>) target(%dma_start3A_867 : memref<64x128xf32, #tpu.memory_space<vmem>>) offsets(%dma_start3A_868 : memref<64xi32, #tpu.memory_space<vmem>>) semaphore(%arg20 : memref<!tpu.dma_semaphore, #tpu.memory_space<semaphore_mem>>)
      %gt3A_872 = arith.constant 0 : i32
      %gt3A_873 = arith.cmpi sgt, %while3A_831, %gt3A_872 : i32
      %convert_element_type3A_874 = arith.extui %gt3A_873 : i1 to i32
      %cond3A_875 = arith.constant 0 : i32
      %cond3A_876 = arith.cmpi ne, %convert_element_type3A_874, %cond3A_875 : i32
      scf.if %cond3A_876 {
        %dma_wait3A_1211 = arith.constant 2 : i32
        %dma_wait3A_1212 = arith.constant 0 : i32
        %dma_wait3A_1213 = arith.constant 0 : i32
        %dma_wait3A_1214 = tpu.memref_slice %arg13[%dma_wait3A_1211, %dma_wait3A_1212, %dma_wait3A_1213] : memref<4x64x128xf32, #tpu.memory_space<vmem>> -> memref<1x16x128xf32, #tpu.memory_space<vmem>>
        %dma_wait3A_1215 = tpu.memref_squeeze %dma_wait3A_1214 : memref<1x16x128xf32, #tpu.memory_space<vmem>> -> memref<16x128xf32, #tpu.memory_space<vmem>>
        %dma_wait3A_1216 = arith.constant 0 : i32
        %dma_wait3A_1217 = arith.constant 0 : i32
        %dma_wait3A_1218 = tpu.memref_slice %arg4[%dma_wait3A_1216, %dma_wait3A_1217] : memref<100000x128xf32, #tpu.memory_space<hbm>> -> memref<16x128xf32, #tpu.memory_space<hbm>>
        %dma_wait3A_1219 = arith.constant 0 : i32
        %dma_wait3A_1220 = arith.constant 0 : i32
        %dma_wait3A_1221 = tpu.memref_slice %arg4[%dma_wait3A_1219, %dma_wait3A_1220] : memref<100000x128xf32, #tpu.memory_space<hbm>> -> memref<16x128xf32, #tpu.memory_space<hbm>>
        %dma_wait3A_1222 = arith.constant 0 : i32
        %dma_wait3A_1223 = arith.constant 0 : i32
        %dma_wait3A_1224 = tpu.memref_slice %arg13[%dma_wait3A_1211, %dma_wait3A_1222, %dma_wait3A_1223] : memref<4x64x128xf32, #tpu.memory_space<vmem>> -> memref<1x16x128xf32, #tpu.memory_space<vmem>>
        %dma_wait3A_1225 = tpu.memref_squeeze %dma_wait3A_1224 : memref<1x16x128xf32, #tpu.memory_space<vmem>> -> memref<16x128xf32, #tpu.memory_space<vmem>>
        tpu.wait_dma2 semaphore(%arg25 : memref<!tpu.dma_semaphore, #tpu.memory_space<semaphore_mem>>) src(%dma_wait3A_1225 : memref<16x128xf32, #tpu.memory_space<vmem>>) dst(%dma_wait3A_1221 : memref<16x128xf32, #tpu.memory_space<hbm>>)
        %dma_wait3A_1226 = arith.constant 2 : i32
        %dma_wait3A_1227 = arith.constant 0 : i32
        %dma_wait3A_1228 = arith.constant 0 : i32
        %dma_wait3A_1229 = tpu.memref_slice %arg13[%dma_wait3A_1226, %dma_wait3A_1227, %dma_wait3A_1228] : memref<4x64x128xf32, #tpu.memory_space<vmem>> -> memref<1x16x128xf32, #tpu.memory_space<vmem>>
        %dma_wait3A_1230 = tpu.memref_squeeze %dma_wait3A_1229 : memref<1x16x128xf32, #tpu.memory_space<vmem>> -> memref<16x128xf32, #tpu.memory_space<vmem>>
        %dma_wait3A_1231 = arith.constant 0 : i32
        %dma_wait3A_1232 = arith.constant 0 : i32
        %dma_wait3A_1233 = tpu.memref_slice %arg4[%dma_wait3A_1231, %dma_wait3A_1232] : memref<100000x128xf32, #tpu.memory_space<hbm>> -> memref<16x128xf32, #tpu.memory_space<hbm>>
        %dma_wait3A_1234 = arith.constant 0 : i32
        %dma_wait3A_1235 = arith.constant 0 : i32
        %dma_wait3A_1236 = tpu.memref_slice %arg4[%dma_wait3A_1234, %dma_wait3A_1235] : memref<100000x128xf32, #tpu.memory_space<hbm>> -> memref<16x128xf32, #tpu.memory_space<hbm>>
        %dma_wait3A_1237 = arith.constant 0 : i32
        %dma_wait3A_1238 = arith.constant 0 : i32
        %dma_wait3A_1239 = tpu.memref_slice %arg13[%dma_wait3A_1226, %dma_wait3A_1237, %dma_wait3A_1238] : memref<4x64x128xf32, #tpu.memory_space<vmem>> -> memref<1x16x128xf32, #tpu.memory_space<vmem>>
        %dma_wait3A_1240 = tpu.memref_squeeze %dma_wait3A_1239 : memref<1x16x128xf32, #tpu.memory_space<vmem>> -> memref<16x128xf32, #tpu.memory_space<vmem>>
        tpu.wait_dma2 semaphore(%arg25 : memref<!tpu.dma_semaphore, #tpu.memory_space<semaphore_mem>>) src(%dma_wait3A_1240 : memref<16x128xf32, #tpu.memory_space<vmem>>) dst(%dma_wait3A_1236 : memref<16x128xf32, #tpu.memory_space<hbm>>)
        %dma_wait3A_1241 = arith.constant 2 : i32
        %dma_wait3A_1242 = arith.constant 0 : i32
        %dma_wait3A_1243 = arith.constant 0 : i32
        %dma_wait3A_1244 = tpu.memref_slice %arg13[%dma_wait3A_1241, %dma_wait3A_1242, %dma_wait3A_1243] : memref<4x64x128xf32, #tpu.memory_space<vmem>> -> memref<1x16x128xf32, #tpu.memory_space<vmem>>
        %dma_wait3A_1245 = tpu.memref_squeeze %dma_wait3A_1244 : memref<1x16x128xf32, #tpu.memory_space<vmem>> -> memref<16x128xf32, #tpu.memory_space<vmem>>
        %dma_wait3A_1246 = arith.constant 0 : i32
        %dma_wait3A_1247 = arith.constant 0 : i32
        %dma_wait3A_1248 = tpu.memref_slice %arg4[%dma_wait3A_1246, %dma_wait3A_1247] : memref<100000x128xf32, #tpu.memory_space<hbm>> -> memref<16x128xf32, #tpu.memory_space<hbm>>
        %dma_wait3A_1249 = arith.constant 0 : i32
        %dma_wait3A_1250 = arith.constant 0 : i32
        %dma_wait3A_1251 = tpu.memref_slice %arg4[%dma_wait3A_1249, %dma_wait3A_1250] : memref<100000x128xf32, #tpu.memory_space<hbm>> -> memref<16x128xf32, #tpu.memory_space<hbm>>
        %dma_wait3A_1252 = arith.constant 0 : i32
        %dma_wait3A_1253 = arith.constant 0 : i32
        %dma_wait3A_1254 = tpu.memref_slice %arg13[%dma_wait3A_1241, %dma_wait3A_1252, %dma_wait3A_1253] : memref<4x64x128xf32, #tpu.memory_space<vmem>> -> memref<1x16x128xf32, #tpu.memory_space<vmem>>
        %dma_wait3A_1255 = tpu.memref_squeeze %dma_wait3A_1254 : memref<1x16x128xf32, #tpu.memory_space<vmem>> -> memref<16x128xf32, #tpu.memory_space<vmem>>
        tpu.wait_dma2 semaphore(%arg25 : memref<!tpu.dma_semaphore, #tpu.memory_space<semaphore_mem>>) src(%dma_wait3A_1255 : memref<16x128xf32, #tpu.memory_space<vmem>>) dst(%dma_wait3A_1251 : memref<16x128xf32, #tpu.memory_space<hbm>>)
        %dma_wait3A_1256 = arith.constant 2 : i32
        %dma_wait3A_1257 = arith.constant 0 : i32
        %dma_wait3A_1258 = arith.constant 0 : i32
        %dma_wait3A_1259 = tpu.memref_slice %arg13[%dma_wait3A_1256, %dma_wait3A_1257, %dma_wait3A_1258] : memref<4x64x128xf32, #tpu.memory_space<vmem>> -> memref<1x16x128xf32, #tpu.memory_space<vmem>>
        %dma_wait3A_1260 = tpu.memref_squeeze %dma_wait3A_1259 : memref<1x16x128xf32, #tpu.memory_space<vmem>> -> memref<16x128xf32, #tpu.memory_space<vmem>>
        %dma_wait3A_1261 = arith.constant 0 : i32
        %dma_wait3A_1262 = arith.constant 0 : i32
        %dma_wait3A_1263 = tpu.memref_slice %arg4[%dma_wait3A_1261, %dma_wait3A_1262] : memref<100000x128xf32, #tpu.memory_space<hbm>> -> memref<16x128xf32, #tpu.memory_space<hbm>>
        %dma_wait3A_1264 = arith.constant 0 : i32
        %dma_wait3A_1265 = arith.constant 0 : i32
        %dma_wait3A_1266 = tpu.memref_slice %arg4[%dma_wait3A_1264, %dma_wait3A_1265] : memref<100000x128xf32, #tpu.memory_space<hbm>> -> memref<16x128xf32, #tpu.memory_space<hbm>>
        %dma_wait3A_1267 = arith.constant 0 : i32
        %dma_wait3A_1268 = arith.constant 0 : i32
        %dma_wait3A_1269 = tpu.memref_slice %arg13[%dma_wait3A_1256, %dma_wait3A_1267, %dma_wait3A_1268] : memref<4x64x128xf32, #tpu.memory_space<vmem>> -> memref<1x16x128xf32, #tpu.memory_space<vmem>>
        %dma_wait3A_1270 = tpu.memref_squeeze %dma_wait3A_1269 : memref<1x16x128xf32, #tpu.memory_space<vmem>> -> memref<16x128xf32, #tpu.memory_space<vmem>>
        tpu.wait_dma2 semaphore(%arg25 : memref<!tpu.dma_semaphore, #tpu.memory_space<semaphore_mem>>) src(%dma_wait3A_1270 : memref<16x128xf32, #tpu.memory_space<vmem>>) dst(%dma_wait3A_1266 : memref<16x128xf32, #tpu.memory_space<hbm>>)
      } else {
      }
      %mul3A_877 = arith.constant 4 : i32
      %mul3A_878 = arith.muli %while3A_831, %mul3A_877 : i32
      %add3A_879 = arith.constant 2 : i32
      %add3A_880 = arith.addi %mul3A_878, %add3A_879 : i32
      %mul3A_881 = arith.constant 64 : i32
      %mul3A_882 = arith.muli %add3A_880, %mul3A_881 : i32
      %dma_start3A_883 = arith.constant 2 : i32
      %dma_start3A_884 = arith.constant 0 : i32
      %dma_start3A_885 = arith.constant 0 : i32
      %dma_start3A_886 = tpu.memref_slice %arg13[%dma_start3A_883, %dma_start3A_884, %dma_start3A_885] : memref<4x64x128xf32, #tpu.memory_space<vmem>> -> memref<1x64x128xf32, #tpu.memory_space<vmem>>
      %dma_start3A_887 = tpu.memref_squeeze %dma_start3A_886 : memref<1x64x128xf32, #tpu.memory_space<vmem>> -> memref<64x128xf32, #tpu.memory_space<vmem>>
      %dma_start3A_888 = tpu.memref_slice %arg10[%mul3A_882] : memref<1696xi32, #tpu.memory_space<vmem>> -> memref<64xi32, #tpu.memory_space<vmem>>
      %dma_start3A_889 = arith.constant 0 : i32
      %dma_start3A_890 = arith.constant 0 : i32
      %dma_start3A_891 = tpu.memref_slice %arg2[%dma_start3A_889, %dma_start3A_890] : memref<50000x128xf32, #tpu.memory_space<hbm>> -> memref<50000x128xf32, #tpu.memory_space<hbm>>
      tpu.enqueue_indirect_dma source(%dma_start3A_891 : memref<50000x128xf32, #tpu.memory_space<hbm>>) target(%dma_start3A_887 : memref<64x128xf32, #tpu.memory_space<vmem>>) offsets(%dma_start3A_888 : memref<64xi32, #tpu.memory_space<vmem>>) semaphore(%arg21 : memref<!tpu.dma_semaphore, #tpu.memory_space<semaphore_mem>>)
      %gt3A_892 = arith.constant 0 : i32
      %gt3A_893 = arith.cmpi sgt, %while3A_831, %gt3A_892 : i32
      %convert_element_type3A_894 = arith.extui %gt3A_893 : i1 to i32
      %cond3A_895 = arith.constant 0 : i32
      %cond3A_896 = arith.cmpi ne, %convert_element_type3A_894, %cond3A_895 : i32
      scf.if %cond3A_896 {
        %dma_wait3A_1211 = arith.constant 3 : i32
        %dma_wait3A_1212 = arith.constant 0 : i32
        %dma_wait3A_1213 = arith.constant 0 : i32
        %dma_wait3A_1214 = tpu.memref_slice %arg13[%dma_wait3A_1211, %dma_wait3A_1212, %dma_wait3A_1213] : memref<4x64x128xf32, #tpu.memory_space<vmem>> -> memref<1x16x128xf32, #tpu.memory_space<vmem>>
        %dma_wait3A_1215 = tpu.memref_squeeze %dma_wait3A_1214 : memref<1x16x128xf32, #tpu.memory_space<vmem>> -> memref<16x128xf32, #tpu.memory_space<vmem>>
        %dma_wait3A_1216 = arith.constant 0 : i32
        %dma_wait3A_1217 = arith.constant 0 : i32
        %dma_wait3A_1218 = tpu.memref_slice %arg4[%dma_wait3A_1216, %dma_wait3A_1217] : memref<100000x128xf32, #tpu.memory_space<hbm>> -> memref<16x128xf32, #tpu.memory_space<hbm>>
        %dma_wait3A_1219 = arith.constant 0 : i32
        %dma_wait3A_1220 = arith.constant 0 : i32
        %dma_wait3A_1221 = tpu.memref_slice %arg4[%dma_wait3A_1219, %dma_wait3A_1220] : memref<100000x128xf32, #tpu.memory_space<hbm>> -> memref<16x128xf32, #tpu.memory_space<hbm>>
        %dma_wait3A_1222 = arith.constant 0 : i32
        %dma_wait3A_1223 = arith.constant 0 : i32
        %dma_wait3A_1224 = tpu.memref_slice %arg13[%dma_wait3A_1211, %dma_wait3A_1222, %dma_wait3A_1223] : memref<4x64x128xf32, #tpu.memory_space<vmem>> -> memref<1x16x128xf32, #tpu.memory_space<vmem>>
        %dma_wait3A_1225 = tpu.memref_squeeze %dma_wait3A_1224 : memref<1x16x128xf32, #tpu.memory_space<vmem>> -> memref<16x128xf32, #tpu.memory_space<vmem>>
        tpu.wait_dma2 semaphore(%arg26 : memref<!tpu.dma_semaphore, #tpu.memory_space<semaphore_mem>>) src(%dma_wait3A_1225 : memref<16x128xf32, #tpu.memory_space<vmem>>) dst(%dma_wait3A_1221 : memref<16x128xf32, #tpu.memory_space<hbm>>)
        %dma_wait3A_1226 = arith.constant 3 : i32
        %dma_wait3A_1227 = arith.constant 0 : i32
        %dma_wait3A_1228 = arith.constant 0 : i32
        %dma_wait3A_1229 = tpu.memref_slice %arg13[%dma_wait3A_1226, %dma_wait3A_1227, %dma_wait3A_1228] : memref<4x64x128xf32, #tpu.memory_space<vmem>> -> memref<1x16x128xf32, #tpu.memory_space<vmem>>
        %dma_wait3A_1230 = tpu.memref_squeeze %dma_wait3A_1229 : memref<1x16x128xf32, #tpu.memory_space<vmem>> -> memref<16x128xf32, #tpu.memory_space<vmem>>
        %dma_wait3A_1231 = arith.constant 0 : i32
        %dma_wait3A_1232 = arith.constant 0 : i32
        %dma_wait3A_1233 = tpu.memref_slice %arg4[%dma_wait3A_1231, %dma_wait3A_1232] : memref<100000x128xf32, #tpu.memory_space<hbm>> -> memref<16x128xf32, #tpu.memory_space<hbm>>
        %dma_wait3A_1234 = arith.constant 0 : i32
        %dma_wait3A_1235 = arith.constant 0 : i32
        %dma_wait3A_1236 = tpu.memref_slice %arg4[%dma_wait3A_1234, %dma_wait3A_1235] : memref<100000x128xf32, #tpu.memory_space<hbm>> -> memref<16x128xf32, #tpu.memory_space<hbm>>
        %dma_wait3A_1237 = arith.constant 0 : i32
        %dma_wait3A_1238 = arith.constant 0 : i32
        %dma_wait3A_1239 = tpu.memref_slice %arg13[%dma_wait3A_1226, %dma_wait3A_1237, %dma_wait3A_1238] : memref<4x64x128xf32, #tpu.memory_space<vmem>> -> memref<1x16x128xf32, #tpu.memory_space<vmem>>
        %dma_wait3A_1240 = tpu.memref_squeeze %dma_wait3A_1239 : memref<1x16x128xf32, #tpu.memory_space<vmem>> -> memref<16x128xf32, #tpu.memory_space<vmem>>
        tpu.wait_dma2 semaphore(%arg26 : memref<!tpu.dma_semaphore, #tpu.memory_space<semaphore_mem>>) src(%dma_wait3A_1240 : memref<16x128xf32, #tpu.memory_space<vmem>>) dst(%dma_wait3A_1236 : memref<16x128xf32, #tpu.memory_space<hbm>>)
        %dma_wait3A_1241 = arith.constant 3 : i32
        %dma_wait3A_1242 = arith.constant 0 : i32
        %dma_wait3A_1243 = arith.constant 0 : i32
        %dma_wait3A_1244 = tpu.memref_slice %arg13[%dma_wait3A_1241, %dma_wait3A_1242, %dma_wait3A_1243] : memref<4x64x128xf32, #tpu.memory_space<vmem>> -> memref<1x16x128xf32, #tpu.memory_space<vmem>>
        %dma_wait3A_1245 = tpu.memref_squeeze %dma_wait3A_1244 : memref<1x16x128xf32, #tpu.memory_space<vmem>> -> memref<16x128xf32, #tpu.memory_space<vmem>>
        %dma_wait3A_1246 = arith.constant 0 : i32
        %dma_wait3A_1247 = arith.constant 0 : i32
        %dma_wait3A_1248 = tpu.memref_slice %arg4[%dma_wait3A_1246, %dma_wait3A_1247] : memref<100000x128xf32, #tpu.memory_space<hbm>> -> memref<16x128xf32, #tpu.memory_space<hbm>>
        %dma_wait3A_1249 = arith.constant 0 : i32
        %dma_wait3A_1250 = arith.constant 0 : i32
        %dma_wait3A_1251 = tpu.memref_slice %arg4[%dma_wait3A_1249, %dma_wait3A_1250] : memref<100000x128xf32, #tpu.memory_space<hbm>> -> memref<16x128xf32, #tpu.memory_space<hbm>>
        %dma_wait3A_1252 = arith.constant 0 : i32
        %dma_wait3A_1253 = arith.constant 0 : i32
        %dma_wait3A_1254 = tpu.memref_slice %arg13[%dma_wait3A_1241, %dma_wait3A_1252, %dma_wait3A_1253] : memref<4x64x128xf32, #tpu.memory_space<vmem>> -> memref<1x16x128xf32, #tpu.memory_space<vmem>>
        %dma_wait3A_1255 = tpu.memref_squeeze %dma_wait3A_1254 : memref<1x16x128xf32, #tpu.memory_space<vmem>> -> memref<16x128xf32, #tpu.memory_space<vmem>>
        tpu.wait_dma2 semaphore(%arg26 : memref<!tpu.dma_semaphore, #tpu.memory_space<semaphore_mem>>) src(%dma_wait3A_1255 : memref<16x128xf32, #tpu.memory_space<vmem>>) dst(%dma_wait3A_1251 : memref<16x128xf32, #tpu.memory_space<hbm>>)
        %dma_wait3A_1256 = arith.constant 3 : i32
        %dma_wait3A_1257 = arith.constant 0 : i32
        %dma_wait3A_1258 = arith.constant 0 : i32
        %dma_wait3A_1259 = tpu.memref_slice %arg13[%dma_wait3A_1256, %dma_wait3A_1257, %dma_wait3A_1258] : memref<4x64x128xf32, #tpu.memory_space<vmem>> -> memref<1x16x128xf32, #tpu.memory_space<vmem>>
        %dma_wait3A_1260 = tpu.memref_squeeze %dma_wait3A_1259 : memref<1x16x128xf32, #tpu.memory_space<vmem>> -> memref<16x128xf32, #tpu.memory_space<vmem>>
        %dma_wait3A_1261 = arith.constant 0 : i32
        %dma_wait3A_1262 = arith.constant 0 : i32
        %dma_wait3A_1263 = tpu.memref_slice %arg4[%dma_wait3A_1261, %dma_wait3A_1262] : memref<100000x128xf32, #tpu.memory_space<hbm>> -> memref<16x128xf32, #tpu.memory_space<hbm>>
        %dma_wait3A_1264 = arith.constant 0 : i32
        %dma_wait3A_1265 = arith.constant 0 : i32
        %dma_wait3A_1266 = tpu.memref_slice %arg4[%dma_wait3A_1264, %dma_wait3A_1265] : memref<100000x128xf32, #tpu.memory_space<hbm>> -> memref<16x128xf32, #tpu.memory_space<hbm>>
        %dma_wait3A_1267 = arith.constant 0 : i32
        %dma_wait3A_1268 = arith.constant 0 : i32
        %dma_wait3A_1269 = tpu.memref_slice %arg13[%dma_wait3A_1256, %dma_wait3A_1267, %dma_wait3A_1268] : memref<4x64x128xf32, #tpu.memory_space<vmem>> -> memref<1x16x128xf32, #tpu.memory_space<vmem>>
        %dma_wait3A_1270 = tpu.memref_squeeze %dma_wait3A_1269 : memref<1x16x128xf32, #tpu.memory_space<vmem>> -> memref<16x128xf32, #tpu.memory_space<vmem>>
        tpu.wait_dma2 semaphore(%arg26 : memref<!tpu.dma_semaphore, #tpu.memory_space<semaphore_mem>>) src(%dma_wait3A_1270 : memref<16x128xf32, #tpu.memory_space<vmem>>) dst(%dma_wait3A_1266 : memref<16x128xf32, #tpu.memory_space<hbm>>)
      } else {
      }
      %mul3A_897 = arith.constant 4 : i32
      %mul3A_898 = arith.muli %while3A_831, %mul3A_897 : i32
      %add3A_899 = arith.constant 3 : i32
      %add3A_900 = arith.addi %mul3A_898, %add3A_899 : i32
      %mul3A_901 = arith.constant 64 : i32
      %mul3A_902 = arith.muli %add3A_900, %mul3A_901 : i32
      %dma_start3A_903 = arith.constant 3 : i32
      %dma_start3A_904 = arith.constant 0 : i32
      %dma_start3A_905 = arith.constant 0 : i32
      %dma_start3A_906 = tpu.memref_slice %arg13[%dma_start3A_903, %dma_start3A_904, %dma_start3A_905] : memref<4x64x128xf32, #tpu.memory_space<vmem>> -> memref<1x64x128xf32, #tpu.memory_space<vmem>>
      %dma_start3A_907 = tpu.memref_squeeze %dma_start3A_906 : memref<1x64x128xf32, #tpu.memory_space<vmem>> -> memref<64x128xf32, #tpu.memory_space<vmem>>
      %dma_start3A_908 = tpu.memref_slice %arg10[%mul3A_902] : memref<1696xi32, #tpu.memory_space<vmem>> -> memref<64xi32, #tpu.memory_space<vmem>>
      %dma_start3A_909 = arith.constant 0 : i32
      %dma_start3A_910 = arith.constant 0 : i32
      %dma_start3A_911 = tpu.memref_slice %arg2[%dma_start3A_909, %dma_start3A_910] : memref<50000x128xf32, #tpu.memory_space<hbm>> -> memref<50000x128xf32, #tpu.memory_space<hbm>>
      tpu.enqueue_indirect_dma source(%dma_start3A_911 : memref<50000x128xf32, #tpu.memory_space<hbm>>) target(%dma_start3A_907 : memref<64x128xf32, #tpu.memory_space<vmem>>) offsets(%dma_start3A_908 : memref<64xi32, #tpu.memory_space<vmem>>) semaphore(%arg22 : memref<!tpu.dma_semaphore, #tpu.memory_space<semaphore_mem>>)
      %dma_wait3A_912 = arith.constant 0 : i32
      %dma_wait3A_913 = arith.constant 0 : i32
      %dma_wait3A_914 = arith.constant 0 : i32
      %dma_wait3A_915 = tpu.memref_slice %arg13[%dma_wait3A_912, %dma_wait3A_913, %dma_wait3A_914] : memref<4x64x128xf32, #tpu.memory_space<vmem>> -> memref<1x64x128xf32, #tpu.memory_space<vmem>>
      %dma_wait3A_916 = tpu.memref_squeeze %dma_wait3A_915 : memref<1x64x128xf32, #tpu.memory_space<vmem>> -> memref<64x128xf32, #tpu.memory_space<vmem>>
      %dma_wait3A_917 = arith.constant 0 : i32
      %dma_wait3A_918 = arith.constant 0 : i32
      %dma_wait3A_919 = tpu.memref_slice %arg2[%dma_wait3A_917, %dma_wait3A_918] : memref<50000x128xf32, #tpu.memory_space<hbm>> -> memref<64x128xf32, #tpu.memory_space<hbm>>
      %dma_wait3A_920 = arith.constant 0 : i32
      %dma_wait3A_921 = arith.constant 0 : i32
      %dma_wait3A_922 = tpu.memref_slice %arg13[%dma_wait3A_912, %dma_wait3A_920, %dma_wait3A_921] : memref<4x64x128xf32, #tpu.memory_space<vmem>> -> memref<1x64x128xf32, #tpu.memory_space<vmem>>
      %dma_wait3A_923 = tpu.memref_squeeze %dma_wait3A_922 : memref<1x64x128xf32, #tpu.memory_space<vmem>> -> memref<64x128xf32, #tpu.memory_space<vmem>>
      %dma_wait3A_924 = arith.constant 0 : i32
      %dma_wait3A_925 = arith.constant 0 : i32
      %dma_wait3A_926 = tpu.memref_slice %arg2[%dma_wait3A_924, %dma_wait3A_925] : memref<50000x128xf32, #tpu.memory_space<hbm>> -> memref<64x128xf32, #tpu.memory_space<hbm>>
      tpu.wait_dma2 semaphore(%arg19 : memref<!tpu.dma_semaphore, #tpu.memory_space<semaphore_mem>>) src(%dma_wait3A_926 : memref<64x128xf32, #tpu.memory_space<hbm>>) dst(%dma_wait3A_923 : memref<64x128xf32, #tpu.memory_space<vmem>>)
      %mul3A_927 = arith.constant 4 : i32
      %mul3A_928 = arith.muli %while3A_831, %mul3A_927 : i32
      %add3A_929 = arith.constant 0 : i32
      %add3A_930 = arith.addi %mul3A_928, %add3A_929 : i32
      %mul3A_931 = arith.constant 64 : i32
      %mul3A_932 = arith.muli %add3A_930, %mul3A_931 : i32
      %add3A_933 = arith.constant 0 : i32
      %add3A_934 = arith.addi %mul3A_932, %add3A_933 : i32
      %get3A = arith.index_cast %add3A_934 : i32 to index
      %get3A_935 = tpu.vector_load %arg8[%get3A] {strides = array<i32>} : memref<1632xi32, #tpu.memory_space<vmem>>, vector<16xi32>,
      %dma_start3A_936 = arith.constant 0 : i32
      %dma_start3A_937 = arith.constant 0 : i32
      %dma_start3A_938 = arith.constant 0 : i32
      %dma_start3A_939 = tpu.memref_slice %arg13[%dma_start3A_936, %dma_start3A_937, %dma_start3A_938] : memref<4x64x128xf32, #tpu.memory_space<vmem>> -> memref<1x16x128xf32, #tpu.memory_space<vmem>>
      %dma_start3A_940 = tpu.memref_squeeze %dma_start3A_939 : memref<1x16x128xf32, #tpu.memory_space<vmem>> -> memref<16x128xf32, #tpu.memory_space<vmem>>
      %dma_start3A_941 = arith.constant 0 : i32
      %dma_start3A_942 = arith.constant 0 : i32
      %dma_start3A_943 = tpu.memref_slice %arg4[%dma_start3A_941, %dma_start3A_942] : memref<100000x128xf32, #tpu.memory_space<hbm>> -> memref<100000x128xf32, #tpu.memory_space<hbm>>
      tpu.enqueue_indirect_dma source(%dma_start3A_940 : memref<16x128xf32, #tpu.memory_space<vmem>>) target(%dma_start3A_943 : memref<100000x128xf32, #tpu.memory_space<hbm>>) offsets(%get3A_935 : vector<16xi32>) semaphore(%arg23 : memref<!tpu.dma_semaphore, #tpu.memory_space<semaphore_mem>>)
      %mul3A_944 = arith.constant 64 : i32
      %mul3A_945 = arith.muli %add3A_930, %mul3A_944 : i32
      %add3A_946 = arith.constant 16 : i32
      %add3A_947 = arith.addi %mul3A_945, %add3A_946 : i32
      %get3A_948 = arith.index_cast %add3A_947 : i32 to index
      %get3A_949 = tpu.vector_load %arg8[%get3A_948] {strides = array<i32>} : memref<1632xi32, #tpu.memory_space<vmem>>, vector<16xi32>,
      %dma_start3A_950 = arith.constant 0 : i32
      %dma_start3A_951 = arith.constant 16 : i32
      %dma_start3A_952 = arith.constant 0 : i32
      %dma_start3A_953 = tpu.memref_slice %arg13[%dma_start3A_950, %dma_start3A_951, %dma_start3A_952] : memref<4x64x128xf32, #tpu.memory_space<vmem>> -> memref<1x16x128xf32, #tpu.memory_space<vmem>>
      %dma_start3A_954 = tpu.memref_squeeze %dma_start3A_953 : memref<1x16x128xf32, #tpu.memory_space<vmem>> -> memref<16x128xf32, #tpu.memory_space<vmem>>
      %dma_start3A_955 = arith.constant 0 : i32
      %dma_start3A_956 = arith.constant 0 : i32
      %dma_start3A_957 = tpu.memref_slice %arg4[%dma_start3A_955, %dma_start3A_956] : memref<100000x128xf32, #tpu.memory_space<hbm>> -> memref<100000x128xf32, #tpu.memory_space<hbm>>
      tpu.enqueue_indirect_dma source(%dma_start3A_954 : memref<16x128xf32, #tpu.memory_space<vmem>>) target(%dma_start3A_957 : memref<100000x128xf32, #tpu.memory_space<hbm>>) offsets(%get3A_949 : vector<16xi32>) semaphore(%arg23 : memref<!tpu.dma_semaphore, #tpu.memory_space<semaphore_mem>>)
      %mul3A_958 = arith.constant 64 : i32
      %mul3A_959 = arith.muli %add3A_930, %mul3A_958 : i32
      %add3A_960 = arith.constant 32 : i32
      %add3A_961 = arith.addi %mul3A_959, %add3A_960 : i32
      %get3A_962 = arith.index_cast %add3A_961 : i32 to index
      %get3A_963 = tpu.vector_load %arg8[%get3A_962] {strides = array<i32>} : memref<1632xi32, #tpu.memory_space<vmem>>, vector<16xi32>,
      %dma_start3A_964 = arith.constant 0 : i32
      %dma_start3A_965 = arith.constant 32 : i32
      %dma_start3A_966 = arith.constant 0 : i32
      %dma_start3A_967 = tpu.memref_slice %arg13[%dma_start3A_964, %dma_start3A_965, %dma_start3A_966] : memref<4x64x128xf32, #tpu.memory_space<vmem>> -> memref<1x16x128xf32, #tpu.memory_space<vmem>>
      %dma_start3A_968 = tpu.memref_squeeze %dma_start3A_967 : memref<1x16x128xf32, #tpu.memory_space<vmem>> -> memref<16x128xf32, #tpu.memory_space<vmem>>
      %dma_start3A_969 = arith.constant 0 : i32
      %dma_start3A_970 = arith.constant 0 : i32
      %dma_start3A_971 = tpu.memref_slice %arg4[%dma_start3A_969, %dma_start3A_970] : memref<100000x128xf32, #tpu.memory_space<hbm>> -> memref<100000x128xf32, #tpu.memory_space<hbm>>
      tpu.enqueue_indirect_dma source(%dma_start3A_968 : memref<16x128xf32, #tpu.memory_space<vmem>>) target(%dma_start3A_971 : memref<100000x128xf32, #tpu.memory_space<hbm>>) offsets(%get3A_963 : vector<16xi32>) semaphore(%arg23 : memref<!tpu.dma_semaphore, #tpu.memory_space<semaphore_mem>>)
      %mul3A_972 = arith.constant 64 : i32
      %mul3A_973 = arith.muli %add3A_930, %mul3A_972 : i32
      %add3A_974 = arith.constant 48 : i32
      %add3A_975 = arith.addi %mul3A_973, %add3A_974 : i32
      %get3A_976 = arith.index_cast %add3A_975 : i32 to index
      %get3A_977 = tpu.vector_load %arg8[%get3A_976] {strides = array<i32>} : memref<1632xi32, #tpu.memory_space<vmem>>, vector<16xi32>,
      %dma_start3A_978 = arith.constant 0 : i32
      %dma_start3A_979 = arith.constant 48 : i32
      %dma_start3A_980 = arith.constant 0 : i32
      %dma_start3A_981 = tpu.memref_slice %arg13[%dma_start3A_978, %dma_start3A_979, %dma_start3A_980] : memref<4x64x128xf32, #tpu.memory_space<vmem>> -> memref<1x16x128xf32, #tpu.memory_space<vmem>>
      %dma_start3A_982 = tpu.memref_squeeze %dma_start3A_981 : memref<1x16x128xf32, #tpu.memory_space<vmem>> -> memref<16x128xf32, #tpu.memory_space<vmem>>
      %dma_start3A_983 = arith.constant 0 : i32
      %dma_start3A_984 = arith.constant 0 : i32
      %dma_start3A_985 = tpu.memref_slice %arg4[%dma_start3A_983, %dma_start3A_984] : memref<100000x128xf32, #tpu.memory_space<hbm>> -> memref<100000x128xf32, #tpu.memory_space<hbm>>
      tpu.enqueue_indirect_dma source(%dma_start3A_982 : memref<16x128xf32, #tpu.memory_space<vmem>>) target(%dma_start3A_985 : memref<100000x128xf32, #tpu.memory_space<hbm>>) offsets(%get3A_977 : vector<16xi32>) semaphore(%arg23 : memref<!tpu.dma_semaphore, #tpu.memory_space<semaphore_mem>>)
      %dma_wait3A_986 = arith.constant 1 : i32
      %dma_wait3A_987 = arith.constant 0 : i32
      %dma_wait3A_988 = arith.constant 0 : i32
      %dma_wait3A_989 = tpu.memref_slice %arg13[%dma_wait3A_986, %dma_wait3A_987, %dma_wait3A_988] : memref<4x64x128xf32, #tpu.memory_space<vmem>> -> memref<1x64x128xf32, #tpu.memory_space<vmem>>
      %dma_wait3A_990 = tpu.memref_squeeze %dma_wait3A_989 : memref<1x64x128xf32, #tpu.memory_space<vmem>> -> memref<64x128xf32, #tpu.memory_space<vmem>>
      %dma_wait3A_991 = arith.constant 0 : i32
      %dma_wait3A_992 = arith.constant 0 : i32
      %dma_wait3A_993 = tpu.memref_slice %arg2[%dma_wait3A_991, %dma_wait3A_992] : memref<50000x128xf32, #tpu.memory_space<hbm>> -> memref<64x128xf32, #tpu.memory_space<hbm>>
      %dma_wait3A_994 = arith.constant 0 : i32
      %dma_wait3A_995 = arith.constant 0 : i32
      %dma_wait3A_996 = tpu.memref_slice %arg13[%dma_wait3A_986, %dma_wait3A_994, %dma_wait3A_995] : memref<4x64x128xf32, #tpu.memory_space<vmem>> -> memref<1x64x128xf32, #tpu.memory_space<vmem>>
      %dma_wait3A_997 = tpu.memref_squeeze %dma_wait3A_996 : memref<1x64x128xf32, #tpu.memory_space<vmem>> -> memref<64x128xf32, #tpu.memory_space<vmem>>
      %dma_wait3A_998 = arith.constant 0 : i32
      %dma_wait3A_999 = arith.constant 0 : i32
      %dma_wait3A_1000 = tpu.memref_slice %arg2[%dma_wait3A_998, %dma_wait3A_999] : memref<50000x128xf32, #tpu.memory_space<hbm>> -> memref<64x128xf32, #tpu.memory_space<hbm>>
      tpu.wait_dma2 semaphore(%arg20 : memref<!tpu.dma_semaphore, #tpu.memory_space<semaphore_mem>>) src(%dma_wait3A_1000 : memref<64x128xf32, #tpu.memory_space<hbm>>) dst(%dma_wait3A_997 : memref<64x128xf32, #tpu.memory_space<vmem>>)
      %mul3A_1001 = arith.constant 4 : i32
      %mul3A_1002 = arith.muli %while3A_831, %mul3A_1001 : i32
      %add3A_1003 = arith.constant 1 : i32
      %add3A_1004 = arith.addi %mul3A_1002, %add3A_1003 : i32
      %mul3A_1005 = arith.constant 64 : i32
      %mul3A_1006 = arith.muli %add3A_1004, %mul3A_1005 : i32
      %add3A_1007 = arith.constant 0 : i32
      %add3A_1008 = arith.addi %mul3A_1006, %add3A_1007 : i32
      %get3A_1009 = arith.index_cast %add3A_1008 : i32 to index
      %get3A_1010 = tpu.vector_load %arg8[%get3A_1009] {strides = array<i32>} : memref<1632xi32, #tpu.memory_space<vmem>>, vector<16xi32>,
      %dma_start3A_1011 = arith.constant 1 : i32
      %dma_start3A_1012 = arith.constant 0 : i32
      %dma_start3A_1013 = arith.constant 0 : i32
      %dma_start3A_1014 = tpu.memref_slice %arg13[%dma_start3A_1011, %dma_start3A_1012, %dma_start3A_1013] : memref<4x64x128xf32, #tpu.memory_space<vmem>> -> memref<1x16x128xf32, #tpu.memory_space<vmem>>
      %dma_start3A_1015 = tpu.memref_squeeze %dma_start3A_1014 : memref<1x16x128xf32, #tpu.memory_space<vmem>> -> memref<16x128xf32, #tpu.memory_space<vmem>>
      %dma_start3A_1016 = arith.constant 0 : i32
      %dma_start3A_1017 = arith.constant 0 : i32
      %dma_start3A_1018 = tpu.memref_slice %arg4[%dma_start3A_1016, %dma_start3A_1017] : memref<100000x128xf32, #tpu.memory_space<hbm>> -> memref<100000x128xf32, #tpu.memory_space<hbm>>
      tpu.enqueue_indirect_dma source(%dma_start3A_1015 : memref<16x128xf32, #tpu.memory_space<vmem>>) target(%dma_start3A_1018 : memref<100000x128xf32, #tpu.memory_space<hbm>>) offsets(%get3A_1010 : vector<16xi32>) semaphore(%arg24 : memref<!tpu.dma_semaphore, #tpu.memory_space<semaphore_mem>>)
      %mul3A_1019 = arith.constant 64 : i32
      %mul3A_1020 = arith.muli %add3A_1004, %mul3A_1019 : i32
      %add3A_1021 = arith.constant 16 : i32
      %add3A_1022 = arith.addi %mul3A_1020, %add3A_1021 : i32
      %get3A_1023 = arith.index_cast %add3A_1022 : i32 to index
      %get3A_1024 = tpu.vector_load %arg8[%get3A_1023] {strides = array<i32>} : memref<1632xi32, #tpu.memory_space<vmem>>, vector<16xi32>,
      %dma_start3A_1025 = arith.constant 1 : i32
      %dma_start3A_1026 = arith.constant 16 : i32
      %dma_start3A_1027 = arith.constant 0 : i32
      %dma_start3A_1028 = tpu.memref_slice %arg13[%dma_start3A_1025, %dma_start3A_1026, %dma_start3A_1027] : memref<4x64x128xf32, #tpu.memory_space<vmem>> -> memref<1x16x128xf32, #tpu.memory_space<vmem>>
      %dma_start3A_1029 = tpu.memref_squeeze %dma_start3A_1028 : memref<1x16x128xf32, #tpu.memory_space<vmem>> -> memref<16x128xf32, #tpu.memory_space<vmem>>
      %dma_start3A_1030 = arith.constant 0 : i32
      %dma_start3A_1031 = arith.constant 0 : i32
      %dma_start3A_1032 = tpu.memref_slice %arg4[%dma_start3A_1030, %dma_start3A_1031] : memref<100000x128xf32, #tpu.memory_space<hbm>> -> memref<100000x128xf32, #tpu.memory_space<hbm>>
      tpu.enqueue_indirect_dma source(%dma_start3A_1029 : memref<16x128xf32, #tpu.memory_space<vmem>>) target(%dma_start3A_1032 : memref<100000x128xf32, #tpu.memory_space<hbm>>) offsets(%get3A_1024 : vector<16xi32>) semaphore(%arg24 : memref<!tpu.dma_semaphore, #tpu.memory_space<semaphore_mem>>)
      %mul3A_1033 = arith.constant 64 : i32
      %mul3A_1034 = arith.muli %add3A_1004, %mul3A_1033 : i32
      %add3A_1035 = arith.constant 32 : i32
      %add3A_1036 = arith.addi %mul3A_1034, %add3A_1035 : i32
      %get3A_1037 = arith.index_cast %add3A_1036 : i32 to index
      %get3A_1038 = tpu.vector_load %arg8[%get3A_1037] {strides = array<i32>} : memref<1632xi32, #tpu.memory_space<vmem>>, vector<16xi32>,
      %dma_start3A_1039 = arith.constant 1 : i32
      %dma_start3A_1040 = arith.constant 32 : i32
      %dma_start3A_1041 = arith.constant 0 : i32
      %dma_start3A_1042 = tpu.memref_slice %arg13[%dma_start3A_1039, %dma_start3A_1040, %dma_start3A_1041] : memref<4x64x128xf32, #tpu.memory_space<vmem>> -> memref<1x16x128xf32, #tpu.memory_space<vmem>>
      %dma_start3A_1043 = tpu.memref_squeeze %dma_start3A_1042 : memref<1x16x128xf32, #tpu.memory_space<vmem>> -> memref<16x128xf32, #tpu.memory_space<vmem>>
      %dma_start3A_1044 = arith.constant 0 : i32
      %dma_start3A_1045 = arith.constant 0 : i32
      %dma_start3A_1046 = tpu.memref_slice %arg4[%dma_start3A_1044, %dma_start3A_1045] : memref<100000x128xf32, #tpu.memory_space<hbm>> -> memref<100000x128xf32, #tpu.memory_space<hbm>>
      tpu.enqueue_indirect_dma source(%dma_start3A_1043 : memref<16x128xf32, #tpu.memory_space<vmem>>) target(%dma_start3A_1046 : memref<100000x128xf32, #tpu.memory_space<hbm>>) offsets(%get3A_1038 : vector<16xi32>) semaphore(%arg24 : memref<!tpu.dma_semaphore, #tpu.memory_space<semaphore_mem>>)
      %mul3A_1047 = arith.constant 64 : i32
      %mul3A_1048 = arith.muli %add3A_1004, %mul3A_1047 : i32
      %add3A_1049 = arith.constant 48 : i32
      %add3A_1050 = arith.addi %mul3A_1048, %add3A_1049 : i32
      %get3A_1051 = arith.index_cast %add3A_1050 : i32 to index
      %get3A_1052 = tpu.vector_load %arg8[%get3A_1051] {strides = array<i32>} : memref<1632xi32, #tpu.memory_space<vmem>>, vector<16xi32>,
      %dma_start3A_1053 = arith.constant 1 : i32
      %dma_start3A_1054 = arith.constant 48 : i32
      %dma_start3A_1055 = arith.constant 0 : i32
      %dma_start3A_1056 = tpu.memref_slice %arg13[%dma_start3A_1053, %dma_start3A_1054, %dma_start3A_1055] : memref<4x64x128xf32, #tpu.memory_space<vmem>> -> memref<1x16x128xf32, #tpu.memory_space<vmem>>
      %dma_start3A_1057 = tpu.memref_squeeze %dma_start3A_1056 : memref<1x16x128xf32, #tpu.memory_space<vmem>> -> memref<16x128xf32, #tpu.memory_space<vmem>>
      %dma_start3A_1058 = arith.constant 0 : i32
      %dma_start3A_1059 = arith.constant 0 : i32
      %dma_start3A_1060 = tpu.memref_slice %arg4[%dma_start3A_1058, %dma_start3A_1059] : memref<100000x128xf32, #tpu.memory_space<hbm>> -> memref<100000x128xf32, #tpu.memory_space<hbm>>
      tpu.enqueue_indirect_dma source(%dma_start3A_1057 : memref<16x128xf32, #tpu.memory_space<vmem>>) target(%dma_start3A_1060 : memref<100000x128xf32, #tpu.memory_space<hbm>>) offsets(%get3A_1052 : vector<16xi32>) semaphore(%arg24 : memref<!tpu.dma_semaphore, #tpu.memory_space<semaphore_mem>>)
      %dma_wait3A_1061 = arith.constant 2 : i32
      %dma_wait3A_1062 = arith.constant 0 : i32
      %dma_wait3A_1063 = arith.constant 0 : i32
      %dma_wait3A_1064 = tpu.memref_slice %arg13[%dma_wait3A_1061, %dma_wait3A_1062, %dma_wait3A_1063] : memref<4x64x128xf32, #tpu.memory_space<vmem>> -> memref<1x64x128xf32, #tpu.memory_space<vmem>>
      %dma_wait3A_1065 = tpu.memref_squeeze %dma_wait3A_1064 : memref<1x64x128xf32, #tpu.memory_space<vmem>> -> memref<64x128xf32, #tpu.memory_space<vmem>>
      %dma_wait3A_1066 = arith.constant 0 : i32
      %dma_wait3A_1067 = arith.constant 0 : i32
      %dma_wait3A_1068 = tpu.memref_slice %arg2[%dma_wait3A_1066, %dma_wait3A_1067] : memref<50000x128xf32, #tpu.memory_space<hbm>> -> memref<64x128xf32, #tpu.memory_space<hbm>>
      %dma_wait3A_1069 = arith.constant 0 : i32
      %dma_wait3A_1070 = arith.constant 0 : i32
      %dma_wait3A_1071 = tpu.memref_slice %arg13[%dma_wait3A_1061, %dma_wait3A_1069, %dma_wait3A_1070] : memref<4x64x128xf32, #tpu.memory_space<vmem>> -> memref<1x64x128xf32, #tpu.memory_space<vmem>>
      %dma_wait3A_1072 = tpu.memref_squeeze %dma_wait3A_1071 : memref<1x64x128xf32, #tpu.memory_space<vmem>> -> memref<64x128xf32, #tpu.memory_space<vmem>>
      %dma_wait3A_1073 = arith.constant 0 : i32
      %dma_wait3A_1074 = arith.constant 0 : i32
      %dma_wait3A_1075 = tpu.memref_slice %arg2[%dma_wait3A_1073, %dma_wait3A_1074] : memref<50000x128xf32, #tpu.memory_space<hbm>> -> memref<64x128xf32, #tpu.memory_space<hbm>>
      tpu.wait_dma2 semaphore(%arg21 : memref<!tpu.dma_semaphore, #tpu.memory_space<semaphore_mem>>) src(%dma_wait3A_1075 : memref<64x128xf32, #tpu.memory_space<hbm>>) dst(%dma_wait3A_1072 : memref<64x128xf32, #tpu.memory_space<vmem>>)
      %mul3A_1076 = arith.constant 4 : i32
      %mul3A_1077 = arith.muli %while3A_831, %mul3A_1076 : i32
      %add3A_1078 = arith.constant 2 : i32
      %add3A_1079 = arith.addi %mul3A_1077, %add3A_1078 : i32
      %mul3A_1080 = arith.constant 64 : i32
      %mul3A_1081 = arith.muli %add3A_1079, %mul3A_1080 : i32
      %add3A_1082 = arith.constant 0 : i32
      %add3A_1083 = arith.addi %mul3A_1081, %add3A_1082 : i32
      %get3A_1084 = arith.index_cast %add3A_1083 : i32 to index
      %get3A_1085 = tpu.vector_load %arg8[%get3A_1084] {strides = array<i32>} : memref<1632xi32, #tpu.memory_space<vmem>>, vector<16xi32>,
      %dma_start3A_1086 = arith.constant 2 : i32
      %dma_start3A_1087 = arith.constant 0 : i32
      %dma_start3A_1088 = arith.constant 0 : i32
      %dma_start3A_1089 = tpu.memref_slice %arg13[%dma_start3A_1086, %dma_start3A_1087, %dma_start3A_1088] : memref<4x64x128xf32, #tpu.memory_space<vmem>> -> memref<1x16x128xf32, #tpu.memory_space<vmem>>
      %dma_start3A_1090 = tpu.memref_squeeze %dma_start3A_1089 : memref<1x16x128xf32, #tpu.memory_space<vmem>> -> memref<16x128xf32, #tpu.memory_space<vmem>>
      %dma_start3A_1091 = arith.constant 0 : i32
      %dma_start3A_1092 = arith.constant 0 : i32
      %dma_start3A_1093 = tpu.memref_slice %arg4[%dma_start3A_1091, %dma_start3A_1092] : memref<100000x128xf32, #tpu.memory_space<hbm>> -> memref<100000x128xf32, #tpu.memory_space<hbm>>
      tpu.enqueue_indirect_dma source(%dma_start3A_1090 : memref<16x128xf32, #tpu.memory_space<vmem>>) target(%dma_start3A_1093 : memref<100000x128xf32, #tpu.memory_space<hbm>>) offsets(%get3A_1085 : vector<16xi32>) semaphore(%arg25 : memref<!tpu.dma_semaphore, #tpu.memory_space<semaphore_mem>>)
      %mul3A_1094 = arith.constant 64 : i32
      %mul3A_1095 = arith.muli %add3A_1079, %mul3A_1094 : i32
      %add3A_1096 = arith.constant 16 : i32
      %add3A_1097 = arith.addi %mul3A_1095, %add3A_1096 : i32
      %get3A_1098 = arith.index_cast %add3A_1097 : i32 to index
      %get3A_1099 = tpu.vector_load %arg8[%get3A_1098] {strides = array<i32>} : memref<1632xi32, #tpu.memory_space<vmem>>, vector<16xi32>,
      %dma_start3A_1100 = arith.constant 2 : i32
      %dma_start3A_1101 = arith.constant 16 : i32
      %dma_start3A_1102 = arith.constant 0 : i32
      %dma_start3A_1103 = tpu.memref_slice %arg13[%dma_start3A_1100, %dma_start3A_1101, %dma_start3A_1102] : memref<4x64x128xf32, #tpu.memory_space<vmem>> -> memref<1x16x128xf32, #tpu.memory_space<vmem>>
      %dma_start3A_1104 = tpu.memref_squeeze %dma_start3A_1103 : memref<1x16x128xf32, #tpu.memory_space<vmem>> -> memref<16x128xf32, #tpu.memory_space<vmem>>
      %dma_start3A_1105 = arith.constant 0 : i32
      %dma_start3A_1106 = arith.constant 0 : i32
      %dma_start3A_1107 = tpu.memref_slice %arg4[%dma_start3A_1105, %dma_start3A_1106] : memref<100000x128xf32, #tpu.memory_space<hbm>> -> memref<100000x128xf32, #tpu.memory_space<hbm>>
      tpu.enqueue_indirect_dma source(%dma_start3A_1104 : memref<16x128xf32, #tpu.memory_space<vmem>>) target(%dma_start3A_1107 : memref<100000x128xf32, #tpu.memory_space<hbm>>) offsets(%get3A_1099 : vector<16xi32>) semaphore(%arg25 : memref<!tpu.dma_semaphore, #tpu.memory_space<semaphore_mem>>)
      %mul3A_1108 = arith.constant 64 : i32
      %mul3A_1109 = arith.muli %add3A_1079, %mul3A_1108 : i32
      %add3A_1110 = arith.constant 32 : i32
      %add3A_1111 = arith.addi %mul3A_1109, %add3A_1110 : i32
      %get3A_1112 = arith.index_cast %add3A_1111 : i32 to index
      %get3A_1113 = tpu.vector_load %arg8[%get3A_1112] {strides = array<i32>} : memref<1632xi32, #tpu.memory_space<vmem>>, vector<16xi32>,
      %dma_start3A_1114 = arith.constant 2 : i32
      %dma_start3A_1115 = arith.constant 32 : i32
      %dma_start3A_1116 = arith.constant 0 : i32
      %dma_start3A_1117 = tpu.memref_slice %arg13[%dma_start3A_1114, %dma_start3A_1115, %dma_start3A_1116] : memref<4x64x128xf32, #tpu.memory_space<vmem>> -> memref<1x16x128xf32, #tpu.memory_space<vmem>>
      %dma_start3A_1118 = tpu.memref_squeeze %dma_start3A_1117 : memref<1x16x128xf32, #tpu.memory_space<vmem>> -> memref<16x128xf32, #tpu.memory_space<vmem>>
      %dma_start3A_1119 = arith.constant 0 : i32
      %dma_start3A_1120 = arith.constant 0 : i32
      %dma_start3A_1121 = tpu.memref_slice %arg4[%dma_start3A_1119, %dma_start3A_1120] : memref<100000x128xf32, #tpu.memory_space<hbm>> -> memref<100000x128xf32, #tpu.memory_space<hbm>>
      tpu.enqueue_indirect_dma source(%dma_start3A_1118 : memref<16x128xf32, #tpu.memory_space<vmem>>) target(%dma_start3A_1121 : memref<100000x128xf32, #tpu.memory_space<hbm>>) offsets(%get3A_1113 : vector<16xi32>) semaphore(%arg25 : memref<!tpu.dma_semaphore, #tpu.memory_space<semaphore_mem>>)
      %mul3A_1122 = arith.constant 64 : i32
      %mul3A_1123 = arith.muli %add3A_1079, %mul3A_1122 : i32
      %add3A_1124 = arith.constant 48 : i32
      %add3A_1125 = arith.addi %mul3A_1123, %add3A_1124 : i32
      %get3A_1126 = arith.index_cast %add3A_1125 : i32 to index
      %get3A_1127 = tpu.vector_load %arg8[%get3A_1126] {strides = array<i32>} : memref<1632xi32, #tpu.memory_space<vmem>>, vector<16xi32>,
      %dma_start3A_1128 = arith.constant 2 : i32
      %dma_start3A_1129 = arith.constant 48 : i32
      %dma_start3A_1130 = arith.constant 0 : i32
      %dma_start3A_1131 = tpu.memref_slice %arg13[%dma_start3A_1128, %dma_start3A_1129, %dma_start3A_1130] : memref<4x64x128xf32, #tpu.memory_space<vmem>> -> memref<1x16x128xf32, #tpu.memory_space<vmem>>
      %dma_start3A_1132 = tpu.memref_squeeze %dma_start3A_1131 : memref<1x16x128xf32, #tpu.memory_space<vmem>> -> memref<16x128xf32, #tpu.memory_space<vmem>>
      %dma_start3A_1133 = arith.constant 0 : i32
      %dma_start3A_1134 = arith.constant 0 : i32
      %dma_start3A_1135 = tpu.memref_slice %arg4[%dma_start3A_1133, %dma_start3A_1134] : memref<100000x128xf32, #tpu.memory_space<hbm>> -> memref<100000x128xf32, #tpu.memory_space<hbm>>
      tpu.enqueue_indirect_dma source(%dma_start3A_1132 : memref<16x128xf32, #tpu.memory_space<vmem>>) target(%dma_start3A_1135 : memref<100000x128xf32, #tpu.memory_space<hbm>>) offsets(%get3A_1127 : vector<16xi32>) semaphore(%arg25 : memref<!tpu.dma_semaphore, #tpu.memory_space<semaphore_mem>>)
      %dma_wait3A_1136 = arith.constant 3 : i32
      %dma_wait3A_1137 = arith.constant 0 : i32
      %dma_wait3A_1138 = arith.constant 0 : i32
      %dma_wait3A_1139 = tpu.memref_slice %arg13[%dma_wait3A_1136, %dma_wait3A_1137, %dma_wait3A_1138] : memref<4x64x128xf32, #tpu.memory_space<vmem>> -> memref<1x64x128xf32, #tpu.memory_space<vmem>>
      %dma_wait3A_1140 = tpu.memref_squeeze %dma_wait3A_1139 : memref<1x64x128xf32, #tpu.memory_space<vmem>> -> memref<64x128xf32, #tpu.memory_space<vmem>>
      %dma_wait3A_1141 = arith.constant 0 : i32
      %dma_wait3A_1142 = arith.constant 0 : i32
      %dma_wait3A_1143 = tpu.memref_slice %arg2[%dma_wait3A_1141, %dma_wait3A_1142] : memref<50000x128xf32, #tpu.memory_space<hbm>> -> memref<64x128xf32, #tpu.memory_space<hbm>>
      %dma_wait3A_1144 = arith.constant 0 : i32
      %dma_wait3A_1145 = arith.constant 0 : i32
      %dma_wait3A_1146 = tpu.memref_slice %arg13[%dma_wait3A_1136, %dma_wait3A_1144, %dma_wait3A_1145] : memref<4x64x128xf32, #tpu.memory_space<vmem>> -> memref<1x64x128xf32, #tpu.memory_space<vmem>>
      %dma_wait3A_1147 = tpu.memref_squeeze %dma_wait3A_1146 : memref<1x64x128xf32, #tpu.memory_space<vmem>> -> memref<64x128xf32, #tpu.memory_space<vmem>>
      %dma_wait3A_1148 = arith.constant 0 : i32
      %dma_wait3A_1149 = arith.constant 0 : i32
      %dma_wait3A_1150 = tpu.memref_slice %arg2[%dma_wait3A_1148, %dma_wait3A_1149] : memref<50000x128xf32, #tpu.memory_space<hbm>> -> memref<64x128xf32, #tpu.memory_space<hbm>>
      tpu.wait_dma2 semaphore(%arg22 : memref<!tpu.dma_semaphore, #tpu.memory_space<semaphore_mem>>) src(%dma_wait3A_1150 : memref<64x128xf32, #tpu.memory_space<hbm>>) dst(%dma_wait3A_1147 : memref<64x128xf32, #tpu.memory_space<vmem>>)
      %mul3A_1151 = arith.constant 4 : i32
      %mul3A_1152 = arith.muli %while3A_831, %mul3A_1151 : i32
      %add3A_1153 = arith.constant 3 : i32
      %add3A_1154 = arith.addi %mul3A_1152, %add3A_1153 : i32
      %mul3A_1155 = arith.constant 64 : i32
      %mul3A_1156 = arith.muli %add3A_1154, %mul3A_1155 : i32
      %add3A_1157 = arith.constant 0 : i32
      %add3A_1158 = arith.addi %mul3A_1156, %add3A_1157 : i32
      %get3A_1159 = arith.index_cast %add3A_1158 : i32 to index
      %get3A_1160 = tpu.vector_load %arg8[%get3A_1159] {strides = array<i32>} : memref<1632xi32, #tpu.memory_space<vmem>>, vector<16xi32>,
      %dma_start3A_1161 = arith.constant 3 : i32
      %dma_start3A_1162 = arith.constant 0 : i32
      %dma_start3A_1163 = arith.constant 0 : i32
      %dma_start3A_1164 = tpu.memref_slice %arg13[%dma_start3A_1161, %dma_start3A_1162, %dma_start3A_1163] : memref<4x64x128xf32, #tpu.memory_space<vmem>> -> memref<1x16x128xf32, #tpu.memory_space<vmem>>
      %dma_start3A_1165 = tpu.memref_squeeze %dma_start3A_1164 : memref<1x16x128xf32, #tpu.memory_space<vmem>> -> memref<16x128xf32, #tpu.memory_space<vmem>>
      %dma_start3A_1166 = arith.constant 0 : i32
      %dma_start3A_1167 = arith.constant 0 : i32
      %dma_start3A_1168 = tpu.memref_slice %arg4[%dma_start3A_1166, %dma_start3A_1167] : memref<100000x128xf32, #tpu.memory_space<hbm>> -> memref<100000x128xf32, #tpu.memory_space<hbm>>
      tpu.enqueue_indirect_dma source(%dma_start3A_1165 : memref<16x128xf32, #tpu.memory_space<vmem>>) target(%dma_start3A_1168 : memref<100000x128xf32, #tpu.memory_space<hbm>>) offsets(%get3A_1160 : vector<16xi32>) semaphore(%arg26 : memref<!tpu.dma_semaphore, #tpu.memory_space<semaphore_mem>>)
      %mul3A_1169 = arith.constant 64 : i32
      %mul3A_1170 = arith.muli %add3A_1154, %mul3A_1169 : i32
      %add3A_1171 = arith.constant 16 : i32
      %add3A_1172 = arith.addi %mul3A_1170, %add3A_1171 : i32
      %get3A_1173 = arith.index_cast %add3A_1172 : i32 to index
      %get3A_1174 = tpu.vector_load %arg8[%get3A_1173] {strides = array<i32>} : memref<1632xi32, #tpu.memory_space<vmem>>, vector<16xi32>,
      %dma_start3A_1175 = arith.constant 3 : i32
      %dma_start3A_1176 = arith.constant 16 : i32
      %dma_start3A_1177 = arith.constant 0 : i32
      %dma_start3A_1178 = tpu.memref_slice %arg13[%dma_start3A_1175, %dma_start3A_1176, %dma_start3A_1177] : memref<4x64x128xf32, #tpu.memory_space<vmem>> -> memref<1x16x128xf32, #tpu.memory_space<vmem>>
      %dma_start3A_1179 = tpu.memref_squeeze %dma_start3A_1178 : memref<1x16x128xf32, #tpu.memory_space<vmem>> -> memref<16x128xf32, #tpu.memory_space<vmem>>
      %dma_start3A_1180 = arith.constant 0 : i32
      %dma_start3A_1181 = arith.constant 0 : i32
      %dma_start3A_1182 = tpu.memref_slice %arg4[%dma_start3A_1180, %dma_start3A_1181] : memref<100000x128xf32, #tpu.memory_space<hbm>> -> memref<100000x128xf32, #tpu.memory_space<hbm>>
      tpu.enqueue_indirect_dma source(%dma_start3A_1179 : memref<16x128xf32, #tpu.memory_space<vmem>>) target(%dma_start3A_1182 : memref<100000x128xf32, #tpu.memory_space<hbm>>) offsets(%get3A_1174 : vector<16xi32>) semaphore(%arg26 : memref<!tpu.dma_semaphore, #tpu.memory_space<semaphore_mem>>)
      %mul3A_1183 = arith.constant 64 : i32
      %mul3A_1184 = arith.muli %add3A_1154, %mul3A_1183 : i32
      %add3A_1185 = arith.constant 32 : i32
      %add3A_1186 = arith.addi %mul3A_1184, %add3A_1185 : i32
      %get3A_1187 = arith.index_cast %add3A_1186 : i32 to index
      %get3A_1188 = tpu.vector_load %arg8[%get3A_1187] {strides = array<i32>} : memref<1632xi32, #tpu.memory_space<vmem>>, vector<16xi32>,
      %dma_start3A_1189 = arith.constant 3 : i32
      %dma_start3A_1190 = arith.constant 32 : i32
      %dma_start3A_1191 = arith.constant 0 : i32
      %dma_start3A_1192 = tpu.memref_slice %arg13[%dma_start3A_1189, %dma_start3A_1190, %dma_start3A_1191] : memref<4x64x128xf32, #tpu.memory_space<vmem>> -> memref<1x16x128xf32, #tpu.memory_space<vmem>>
      %dma_start3A_1193 = tpu.memref_squeeze %dma_start3A_1192 : memref<1x16x128xf32, #tpu.memory_space<vmem>> -> memref<16x128xf32, #tpu.memory_space<vmem>>
      %dma_start3A_1194 = arith.constant 0 : i32
      %dma_start3A_1195 = arith.constant 0 : i32
      %dma_start3A_1196 = tpu.memref_slice %arg4[%dma_start3A_1194, %dma_start3A_1195] : memref<100000x128xf32, #tpu.memory_space<hbm>> -> memref<100000x128xf32, #tpu.memory_space<hbm>>
      tpu.enqueue_indirect_dma source(%dma_start3A_1193 : memref<16x128xf32, #tpu.memory_space<vmem>>) target(%dma_start3A_1196 : memref<100000x128xf32, #tpu.memory_space<hbm>>) offsets(%get3A_1188 : vector<16xi32>) semaphore(%arg26 : memref<!tpu.dma_semaphore, #tpu.memory_space<semaphore_mem>>)
      %mul3A_1197 = arith.constant 64 : i32
      %mul3A_1198 = arith.muli %add3A_1154, %mul3A_1197 : i32
      %add3A_1199 = arith.constant 48 : i32
      %add3A_1200 = arith.addi %mul3A_1198, %add3A_1199 : i32
      %get3A_1201 = arith.index_cast %add3A_1200 : i32 to index
      %get3A_1202 = tpu.vector_load %arg8[%get3A_1201] {strides = array<i32>} : memref<1632xi32, #tpu.memory_space<vmem>>, vector<16xi32>,
      %dma_start3A_1203 = arith.constant 3 : i32
      %dma_start3A_1204 = arith.constant 48 : i32
      %dma_start3A_1205 = arith.constant 0 : i32
      %dma_start3A_1206 = tpu.memref_slice %arg13[%dma_start3A_1203, %dma_start3A_1204, %dma_start3A_1205] : memref<4x64x128xf32, #tpu.memory_space<vmem>> -> memref<1x16x128xf32, #tpu.memory_space<vmem>>
      %dma_start3A_1207 = tpu.memref_squeeze %dma_start3A_1206 : memref<1x16x128xf32, #tpu.memory_space<vmem>> -> memref<16x128xf32, #tpu.memory_space<vmem>>
      %dma_start3A_1208 = arith.constant 0 : i32
      %dma_start3A_1209 = arith.constant 0 : i32
      %dma_start3A_1210 = tpu.memref_slice %arg4[%dma_start3A_1208, %dma_start3A_1209] : memref<100000x128xf32, #tpu.memory_space<hbm>> -> memref<100000x128xf32, #tpu.memory_space<hbm>>
      tpu.enqueue_indirect_dma source(%dma_start3A_1207 : memref<16x128xf32, #tpu.memory_space<vmem>>) target(%dma_start3A_1210 : memref<100000x128xf32, #tpu.memory_space<hbm>>) offsets(%get3A_1202 : vector<16xi32>) semaphore(%arg26 : memref<!tpu.dma_semaphore, #tpu.memory_space<semaphore_mem>>)
    }
    %while3A_772 = arith.constant 1 : i32
    scf.for %while3A_831 = %while3A_770 to %while3A_766 step %while3A_772  : i32 {
      %gt3A_832 = arith.constant 0 : i32
      %gt3A_833 = arith.cmpi sgt, %while3A_831, %gt3A_832 : i32
      %convert_element_type3A_834 = arith.extui %gt3A_833 : i1 to i32
      %cond3A_835 = arith.constant 0 : i32
      %cond3A_836 = arith.cmpi ne, %convert_element_type3A_834, %cond3A_835 : i32
      scf.if %cond3A_836 {
        %dma_wait3A_1211 = arith.constant 0 : i32
        %dma_wait3A_1212 = arith.constant 0 : i32
        %dma_wait3A_1213 = arith.constant 0 : i32
        %dma_wait3A_1214 = tpu.memref_slice %arg13[%dma_wait3A_1211, %dma_wait3A_1212, %dma_wait3A_1213] : memref<4x64x128xf32, #tpu.memory_space<vmem>> -> memref<1x16x128xf32, #tpu.memory_space<vmem>>
        %dma_wait3A_1215 = tpu.memref_squeeze %dma_wait3A_1214 : memref<1x16x128xf32, #tpu.memory_space<vmem>> -> memref<16x128xf32, #tpu.memory_space<vmem>>
        %dma_wait3A_1216 = arith.constant 0 : i32
        %dma_wait3A_1217 = arith.constant 0 : i32
        %dma_wait3A_1218 = tpu.memref_slice %arg4[%dma_wait3A_1216, %dma_wait3A_1217] : memref<100000x128xf32, #tpu.memory_space<hbm>> -> memref<16x128xf32, #tpu.memory_space<hbm>>
        %dma_wait3A_1219 = arith.constant 0 : i32
        %dma_wait3A_1220 = arith.constant 0 : i32
        %dma_wait3A_1221 = tpu.memref_slice %arg4[%dma_wait3A_1219, %dma_wait3A_1220] : memref<100000x128xf32, #tpu.memory_space<hbm>> -> memref<16x128xf32, #tpu.memory_space<hbm>>
        %dma_wait3A_1222 = arith.constant 0 : i32
        %dma_wait3A_1223 = arith.constant 0 : i32
        %dma_wait3A_1224 = tpu.memref_slice %arg13[%dma_wait3A_1211, %dma_wait3A_1222, %dma_wait3A_1223] : memref<4x64x128xf32, #tpu.memory_space<vmem>> -> memref<1x16x128xf32, #tpu.memory_space<vmem>>
        %dma_wait3A_1225 = tpu.memref_squeeze %dma_wait3A_1224 : memref<1x16x128xf32, #tpu.memory_space<vmem>> -> memref<16x128xf32, #tpu.memory_space<vmem>>
        tpu.wait_dma2 semaphore(%arg23 : memref<!tpu.dma_semaphore, #tpu.memory_space<semaphore_mem>>) src(%dma_wait3A_1225 : memref<16x128xf32, #tpu.memory_space<vmem>>) dst(%dma_wait3A_1221 : memref<16x128xf32, #tpu.memory_space<hbm>>)
        %dma_wait3A_1226 = arith.constant 0 : i32
        %dma_wait3A_1227 = arith.constant 0 : i32
        %dma_wait3A_1228 = arith.constant 0 : i32
        %dma_wait3A_1229 = tpu.memref_slice %arg13[%dma_wait3A_1226, %dma_wait3A_1227, %dma_wait3A_1228] : memref<4x64x128xf32, #tpu.memory_space<vmem>> -> memref<1x16x128xf32, #tpu.memory_space<vmem>>
        %dma_wait3A_1230 = tpu.memref_squeeze %dma_wait3A_1229 : memref<1x16x128xf32, #tpu.memory_space<vmem>> -> memref<16x128xf32, #tpu.memory_space<vmem>>
        %dma_wait3A_1231 = arith.constant 0 : i32
        %dma_wait3A_1232 = arith.constant 0 : i32
        %dma_wait3A_1233 = tpu.memref_slice %arg4[%dma_wait3A_1231, %dma_wait3A_1232] : memref<100000x128xf32, #tpu.memory_space<hbm>> -> memref<16x128xf32, #tpu.memory_space<hbm>>
        %dma_wait3A_1234 = arith.constant 0 : i32
        %dma_wait3A_1235 = arith.constant 0 : i32
        %dma_wait3A_1236 = tpu.memref_slice %arg4[%dma_wait3A_1234, %dma_wait3A_1235] : memref<100000x128xf32, #tpu.memory_space<hbm>> -> memref<16x128xf32, #tpu.memory_space<hbm>>
        %dma_wait3A_1237 = arith.constant 0 : i32
        %dma_wait3A_1238 = arith.constant 0 : i32
        %dma_wait3A_1239 = tpu.memref_slice %arg13[%dma_wait3A_1226, %dma_wait3A_1237, %dma_wait3A_1238] : memref<4x64x128xf32, #tpu.memory_space<vmem>> -> memref<1x16x128xf32, #tpu.memory_space<vmem>>
        %dma_wait3A_1240 = tpu.memref_squeeze %dma_wait3A_1239 : memref<1x16x128xf32, #tpu.memory_space<vmem>> -> memref<16x128xf32, #tpu.memory_space<vmem>>
        tpu.wait_dma2 semaphore(%arg23 : memref<!tpu.dma_semaphore, #tpu.memory_space<semaphore_mem>>) src(%dma_wait3A_1240 : memref<16x128xf32, #tpu.memory_space<vmem>>) dst(%dma_wait3A_1236 : memref<16x128xf32, #tpu.memory_space<hbm>>)
        %dma_wait3A_1241 = arith.constant 0 : i32
        %dma_wait3A_1242 = arith.constant 0 : i32
        %dma_wait3A_1243 = arith.constant 0 : i32
        %dma_wait3A_1244 = tpu.memref_slice %arg13[%dma_wait3A_1241, %dma_wait3A_1242, %dma_wait3A_1243] : memref<4x64x128xf32, #tpu.memory_space<vmem>> -> memref<1x16x128xf32, #tpu.memory_space<vmem>>
        %dma_wait3A_1245 = tpu.memref_squeeze %dma_wait3A_1244 : memref<1x16x128xf32, #tpu.memory_space<vmem>> -> memref<16x128xf32, #tpu.memory_space<vmem>>
        %dma_wait3A_1246 = arith.constant 0 : i32
        %dma_wait3A_1247 = arith.constant 0 : i32
        %dma_wait3A_1248 = tpu.memref_slice %arg4[%dma_wait3A_1246, %dma_wait3A_1247] : memref<100000x128xf32, #tpu.memory_space<hbm>> -> memref<16x128xf32, #tpu.memory_space<hbm>>
        %dma_wait3A_1249 = arith.constant 0 : i32
        %dma_wait3A_1250 = arith.constant 0 : i32
        %dma_wait3A_1251 = tpu.memref_slice %arg4[%dma_wait3A_1249, %dma_wait3A_1250] : memref<100000x128xf32, #tpu.memory_space<hbm>> -> memref<16x128xf32, #tpu.memory_space<hbm>>
        %dma_wait3A_1252 = arith.constant 0 : i32
        %dma_wait3A_1253 = arith.constant 0 : i32
        %dma_wait3A_1254 = tpu.memref_slice %arg13[%dma_wait3A_1241, %dma_wait3A_1252, %dma_wait3A_1253] : memref<4x64x128xf32, #tpu.memory_space<vmem>> -> memref<1x16x128xf32, #tpu.memory_space<vmem>>
        %dma_wait3A_1255 = tpu.memref_squeeze %dma_wait3A_1254 : memref<1x16x128xf32, #tpu.memory_space<vmem>> -> memref<16x128xf32, #tpu.memory_space<vmem>>
        tpu.wait_dma2 semaphore(%arg23 : memref<!tpu.dma_semaphore, #tpu.memory_space<semaphore_mem>>) src(%dma_wait3A_1255 : memref<16x128xf32, #tpu.memory_space<vmem>>) dst(%dma_wait3A_1251 : memref<16x128xf32, #tpu.memory_space<hbm>>)
        %dma_wait3A_1256 = arith.constant 0 : i32
        %dma_wait3A_1257 = arith.constant 0 : i32
        %dma_wait3A_1258 = arith.constant 0 : i32
        %dma_wait3A_1259 = tpu.memref_slice %arg13[%dma_wait3A_1256, %dma_wait3A_1257, %dma_wait3A_1258] : memref<4x64x128xf32, #tpu.memory_space<vmem>> -> memref<1x16x128xf32, #tpu.memory_space<vmem>>
        %dma_wait3A_1260 = tpu.memref_squeeze %dma_wait3A_1259 : memref<1x16x128xf32, #tpu.memory_space<vmem>> -> memref<16x128xf32, #tpu.memory_space<vmem>>
        %dma_wait3A_1261 = arith.constant 0 : i32
        %dma_wait3A_1262 = arith.constant 0 : i32
        %dma_wait3A_1263 = tpu.memref_slice %arg4[%dma_wait3A_1261, %dma_wait3A_1262] : memref<100000x128xf32, #tpu.memory_space<hbm>> -> memref<16x128xf32, #tpu.memory_space<hbm>>
        %dma_wait3A_1264 = arith.constant 0 : i32
        %dma_wait3A_1265 = arith.constant 0 : i32
        %dma_wait3A_1266 = tpu.memref_slice %arg4[%dma_wait3A_1264, %dma_wait3A_1265] : memref<100000x128xf32, #tpu.memory_space<hbm>> -> memref<16x128xf32, #tpu.memory_space<hbm>>
        %dma_wait3A_1267 = arith.constant 0 : i32
        %dma_wait3A_1268 = arith.constant 0 : i32
        %dma_wait3A_1269 = tpu.memref_slice %arg13[%dma_wait3A_1256, %dma_wait3A_1267, %dma_wait3A_1268] : memref<4x64x128xf32, #tpu.memory_space<vmem>> -> memref<1x16x128xf32, #tpu.memory_space<vmem>>
        %dma_wait3A_1270 = tpu.memref_squeeze %dma_wait3A_1269 : memref<1x16x128xf32, #tpu.memory_space<vmem>> -> memref<16x128xf32, #tpu.memory_space<vmem>>
        tpu.wait_dma2 semaphore(%arg23 : memref<!tpu.dma_semaphore, #tpu.memory_space<semaphore_mem>>) src(%dma_wait3A_1270 : memref<16x128xf32, #tpu.memory_space<vmem>>) dst(%dma_wait3A_1266 : memref<16x128xf32, #tpu.memory_space<hbm>>)
      } else {
      }
      %mul3A_837 = arith.constant 4 : i32
      %mul3A_838 = arith.muli %while3A_831, %mul3A_837 : i32
      %add3A_839 = arith.constant 0 : i32
      %add3A_840 = arith.addi %mul3A_838, %add3A_839 : i32
      %mul3A_841 = arith.constant 64 : i32
      %mul3A_842 = arith.muli %add3A_840, %mul3A_841 : i32
      %dma_start3A_843 = arith.constant 0 : i32
      %dma_start3A_844 = arith.constant 0 : i32
      %dma_start3A_845 = arith.constant 0 : i32
      %dma_start3A_846 = tpu.memref_slice %arg13[%dma_start3A_843, %dma_start3A_844, %dma_start3A_845] : memref<4x64x128xf32, #tpu.memory_space<vmem>> -> memref<1x64x128xf32, #tpu.memory_space<vmem>>
      %dma_start3A_847 = tpu.memref_squeeze %dma_start3A_846 : memref<1x64x128xf32, #tpu.memory_space<vmem>> -> memref<64x128xf32, #tpu.memory_space<vmem>>
      %dma_start3A_848 = tpu.memref_slice %arg10[%mul3A_842] : memref<1696xi32, #tpu.memory_space<vmem>> -> memref<64xi32, #tpu.memory_space<vmem>>
      %dma_start3A_849 = arith.constant 0 : i32
      %dma_start3A_850 = arith.constant 0 : i32
      %dma_start3A_851 = tpu.memref_slice %arg2[%dma_start3A_849, %dma_start3A_850] : memref<50000x128xf32, #tpu.memory_space<hbm>> -> memref<50000x128xf32, #tpu.memory_space<hbm>>
      tpu.enqueue_indirect_dma source(%dma_start3A_851 : memref<50000x128xf32, #tpu.memory_space<hbm>>) target(%dma_start3A_847 : memref<64x128xf32, #tpu.memory_space<vmem>>) offsets(%dma_start3A_848 : memref<64xi32, #tpu.memory_space<vmem>>) semaphore(%arg19 : memref<!tpu.dma_semaphore, #tpu.memory_space<semaphore_mem>>)
      %gt3A_852 = arith.constant 0 : i32
      %gt3A_853 = arith.cmpi sgt, %while3A_831, %gt3A_852 : i32
      %convert_element_type3A_854 = arith.extui %gt3A_853 : i1 to i32
      %cond3A_855 = arith.constant 0 : i32
      %cond3A_856 = arith.cmpi ne, %convert_element_type3A_854, %cond3A_855 : i32
      scf.if %cond3A_856 {
        %dma_wait3A_1211 = arith.constant 1 : i32
        %dma_wait3A_1212 = arith.constant 0 : i32
        %dma_wait3A_1213 = arith.constant 0 : i32
        %dma_wait3A_1214 = tpu.memref_slice %arg13[%dma_wait3A_1211, %dma_wait3A_1212, %dma_wait3A_1213] : memref<4x64x128xf32, #tpu.memory_space<vmem>> -> memref<1x16x128xf32, #tpu.memory_space<vmem>>
        %dma_wait3A_1215 = tpu.memref_squeeze %dma_wait3A_1214 : memref<1x16x128xf32, #tpu.memory_space<vmem>> -> memref<16x128xf32, #tpu.memory_space<vmem>>
        %dma_wait3A_1216 = arith.constant 0 : i32
        %dma_wait3A_1217 = arith.constant 0 : i32
        %dma_wait3A_1218 = tpu.memref_slice %arg4[%dma_wait3A_1216, %dma_wait3A_1217] : memref<100000x128xf32, #tpu.memory_space<hbm>> -> memref<16x128xf32, #tpu.memory_space<hbm>>
        %dma_wait3A_1219 = arith.constant 0 : i32
        %dma_wait3A_1220 = arith.constant 0 : i32
        %dma_wait3A_1221 = tpu.memref_slice %arg4[%dma_wait3A_1219, %dma_wait3A_1220] : memref<100000x128xf32, #tpu.memory_space<hbm>> -> memref<16x128xf32, #tpu.memory_space<hbm>>
        %dma_wait3A_1222 = arith.constant 0 : i32
        %dma_wait3A_1223 = arith.constant 0 : i32
        %dma_wait3A_1224 = tpu.memref_slice %arg13[%dma_wait3A_1211, %dma_wait3A_1222, %dma_wait3A_1223] : memref<4x64x128xf32, #tpu.memory_space<vmem>> -> memref<1x16x128xf32, #tpu.memory_space<vmem>>
        %dma_wait3A_1225 = tpu.memref_squeeze %dma_wait3A_1224 : memref<1x16x128xf32, #tpu.memory_space<vmem>> -> memref<16x128xf32, #tpu.memory_space<vmem>>
        tpu.wait_dma2 semaphore(%arg24 : memref<!tpu.dma_semaphore, #tpu.memory_space<semaphore_mem>>) src(%dma_wait3A_1225 : memref<16x128xf32, #tpu.memory_space<vmem>>) dst(%dma_wait3A_1221 : memref<16x128xf32, #tpu.memory_space<hbm>>)
        %dma_wait3A_1226 = arith.constant 1 : i32
        %dma_wait3A_1227 = arith.constant 0 : i32
        %dma_wait3A_1228 = arith.constant 0 : i32
        %dma_wait3A_1229 = tpu.memref_slice %arg13[%dma_wait3A_1226, %dma_wait3A_1227, %dma_wait3A_1228] : memref<4x64x128xf32, #tpu.memory_space<vmem>> -> memref<1x16x128xf32, #tpu.memory_space<vmem>>
        %dma_wait3A_1230 = tpu.memref_squeeze %dma_wait3A_1229 : memref<1x16x128xf32, #tpu.memory_space<vmem>> -> memref<16x128xf32, #tpu.memory_space<vmem>>
        %dma_wait3A_1231 = arith.constant 0 : i32
        %dma_wait3A_1232 = arith.constant 0 : i32
        %dma_wait3A_1233 = tpu.memref_slice %arg4[%dma_wait3A_1231, %dma_wait3A_1232] : memref<100000x128xf32, #tpu.memory_space<hbm>> -> memref<16x128xf32, #tpu.memory_space<hbm>>
        %dma_wait3A_1234 = arith.constant 0 : i32
        %dma_wait3A_1235 = arith.constant 0 : i32
        %dma_wait3A_1236 = tpu.memref_slice %arg4[%dma_wait3A_1234, %dma_wait3A_1235] : memref<100000x128xf32, #tpu.memory_space<hbm>> -> memref<16x128xf32, #tpu.memory_space<hbm>>
        %dma_wait3A_1237 = arith.constant 0 : i32
        %dma_wait3A_1238 = arith.constant 0 : i32
        %dma_wait3A_1239 = tpu.memref_slice %arg13[%dma_wait3A_1226, %dma_wait3A_1237, %dma_wait3A_1238] : memref<4x64x128xf32, #tpu.memory_space<vmem>> -> memref<1x16x128xf32, #tpu.memory_space<vmem>>
        %dma_wait3A_1240 = tpu.memref_squeeze %dma_wait3A_1239 : memref<1x16x128xf32, #tpu.memory_space<vmem>> -> memref<16x128xf32, #tpu.memory_space<vmem>>
        tpu.wait_dma2 semaphore(%arg24 : memref<!tpu.dma_semaphore, #tpu.memory_space<semaphore_mem>>) src(%dma_wait3A_1240 : memref<16x128xf32, #tpu.memory_space<vmem>>) dst(%dma_wait3A_1236 : memref<16x128xf32, #tpu.memory_space<hbm>>)
        %dma_wait3A_1241 = arith.constant 1 : i32
        %dma_wait3A_1242 = arith.constant 0 : i32
        %dma_wait3A_1243 = arith.constant 0 : i32
        %dma_wait3A_1244 = tpu.memref_slice %arg13[%dma_wait3A_1241, %dma_wait3A_1242, %dma_wait3A_1243] : memref<4x64x128xf32, #tpu.memory_space<vmem>> -> memref<1x16x128xf32, #tpu.memory_space<vmem>>
        %dma_wait3A_1245 = tpu.memref_squeeze %dma_wait3A_1244 : memref<1x16x128xf32, #tpu.memory_space<vmem>> -> memref<16x128xf32, #tpu.memory_space<vmem>>
        %dma_wait3A_1246 = arith.constant 0 : i32
        %dma_wait3A_1247 = arith.constant 0 : i32
        %dma_wait3A_1248 = tpu.memref_slice %arg4[%dma_wait3A_1246, %dma_wait3A_1247] : memref<100000x128xf32, #tpu.memory_space<hbm>> -> memref<16x128xf32, #tpu.memory_space<hbm>>
        %dma_wait3A_1249 = arith.constant 0 : i32
        %dma_wait3A_1250 = arith.constant 0 : i32
        %dma_wait3A_1251 = tpu.memref_slice %arg4[%dma_wait3A_1249, %dma_wait3A_1250] : memref<100000x128xf32, #tpu.memory_space<hbm>> -> memref<16x128xf32, #tpu.memory_space<hbm>>
        %dma_wait3A_1252 = arith.constant 0 : i32
        %dma_wait3A_1253 = arith.constant 0 : i32
        %dma_wait3A_1254 = tpu.memref_slice %arg13[%dma_wait3A_1241, %dma_wait3A_1252, %dma_wait3A_1253] : memref<4x64x128xf32, #tpu.memory_space<vmem>> -> memref<1x16x128xf32, #tpu.memory_space<vmem>>
        %dma_wait3A_1255 = tpu.memref_squeeze %dma_wait3A_1254 : memref<1x16x128xf32, #tpu.memory_space<vmem>> -> memref<16x128xf32, #tpu.memory_space<vmem>>
        tpu.wait_dma2 semaphore(%arg24 : memref<!tpu.dma_semaphore, #tpu.memory_space<semaphore_mem>>) src(%dma_wait3A_1255 : memref<16x128xf32, #tpu.memory_space<vmem>>) dst(%dma_wait3A_1251 : memref<16x128xf32, #tpu.memory_space<hbm>>)
        %dma_wait3A_1256 = arith.constant 1 : i32
        %dma_wait3A_1257 = arith.constant 0 : i32
        %dma_wait3A_1258 = arith.constant 0 : i32
        %dma_wait3A_1259 = tpu.memref_slice %arg13[%dma_wait3A_1256, %dma_wait3A_1257, %dma_wait3A_1258] : memref<4x64x128xf32, #tpu.memory_space<vmem>> -> memref<1x16x128xf32, #tpu.memory_space<vmem>>
        %dma_wait3A_1260 = tpu.memref_squeeze %dma_wait3A_1259 : memref<1x16x128xf32, #tpu.memory_space<vmem>> -> memref<16x128xf32, #tpu.memory_space<vmem>>
        %dma_wait3A_1261 = arith.constant 0 : i32
        %dma_wait3A_1262 = arith.constant 0 : i32
        %dma_wait3A_1263 = tpu.memref_slice %arg4[%dma_wait3A_1261, %dma_wait3A_1262] : memref<100000x128xf32, #tpu.memory_space<hbm>> -> memref<16x128xf32, #tpu.memory_space<hbm>>
        %dma_wait3A_1264 = arith.constant 0 : i32
        %dma_wait3A_1265 = arith.constant 0 : i32
        %dma_wait3A_1266 = tpu.memref_slice %arg4[%dma_wait3A_1264, %dma_wait3A_1265] : memref<100000x128xf32, #tpu.memory_space<hbm>> -> memref<16x128xf32, #tpu.memory_space<hbm>>
        %dma_wait3A_1267 = arith.constant 0 : i32
        %dma_wait3A_1268 = arith.constant 0 : i32
        %dma_wait3A_1269 = tpu.memref_slice %arg13[%dma_wait3A_1256, %dma_wait3A_1267, %dma_wait3A_1268] : memref<4x64x128xf32, #tpu.memory_space<vmem>> -> memref<1x16x128xf32, #tpu.memory_space<vmem>>
        %dma_wait3A_1270 = tpu.memref_squeeze %dma_wait3A_1269 : memref<1x16x128xf32, #tpu.memory_space<vmem>> -> memref<16x128xf32, #tpu.memory_space<vmem>>
        tpu.wait_dma2 semaphore(%arg24 : memref<!tpu.dma_semaphore, #tpu.memory_space<semaphore_mem>>) src(%dma_wait3A_1270 : memref<16x128xf32, #tpu.memory_space<vmem>>) dst(%dma_wait3A_1266 : memref<16x128xf32, #tpu.memory_space<hbm>>)
      } else {
      }
      %mul3A_857 = arith.constant 4 : i32
      %mul3A_858 = arith.muli %while3A_831, %mul3A_857 : i32
      %add3A_859 = arith.constant 1 : i32
      %add3A_860 = arith.addi %mul3A_858, %add3A_859 : i32
      %mul3A_861 = arith.constant 64 : i32
      %mul3A_862 = arith.muli %add3A_860, %mul3A_861 : i32
      %dma_start3A_863 = arith.constant 1 : i32
      %dma_start3A_864 = arith.constant 0 : i32
      %dma_start3A_865 = arith.constant 0 : i32
      %dma_start3A_866 = tpu.memref_slice %arg13[%dma_start3A_863, %dma_start3A_864, %dma_start3A_865] : memref<4x64x128xf32, #tpu.memory_space<vmem>> -> memref<1x64x128xf32, #tpu.memory_space<vmem>>
      %dma_start3A_867 = tpu.memref_squeeze %dma_start3A_866 : memref<1x64x128xf32, #tpu.memory_space<vmem>> -> memref<64x128xf32, #tpu.memory_space<vmem>>
      %dma_start3A_868 = tpu.memref_slice %arg10[%mul3A_862] : memref<1696xi32, #tpu.memory_space<vmem>> -> memref<64xi32, #tpu.memory_space<vmem>>
      %dma_start3A_869 = arith.constant 0 : i32
      %dma_start3A_870 = arith.constant 0 : i32
      %dma_start3A_871 = tpu.memref_slice %arg2[%dma_start3A_869, %dma_start3A_870] : memref<50000x128xf32, #tpu.memory_space<hbm>> -> memref<50000x128xf32, #tpu.memory_space<hbm>>
      tpu.enqueue_indirect_dma source(%dma_start3A_871 : memref<50000x128xf32, #tpu.memory_space<hbm>>) target(%dma_start3A_867 : memref<64x128xf32, #tpu.memory_space<vmem>>) offsets(%dma_start3A_868 : memref<64xi32, #tpu.memory_space<vmem>>) semaphore(%arg20 : memref<!tpu.dma_semaphore, #tpu.memory_space<semaphore_mem>>)
      %gt3A_872 = arith.constant 0 : i32
      %gt3A_873 = arith.cmpi sgt, %while3A_831, %gt3A_872 : i32
      %convert_element_type3A_874 = arith.extui %gt3A_873 : i1 to i32
      %cond3A_875 = arith.constant 0 : i32
      %cond3A_876 = arith.cmpi ne, %convert_element_type3A_874, %cond3A_875 : i32
      scf.if %cond3A_876 {
        %dma_wait3A_1211 = arith.constant 2 : i32
        %dma_wait3A_1212 = arith.constant 0 : i32
        %dma_wait3A_1213 = arith.constant 0 : i32
        %dma_wait3A_1214 = tpu.memref_slice %arg13[%dma_wait3A_1211, %dma_wait3A_1212, %dma_wait3A_1213] : memref<4x64x128xf32, #tpu.memory_space<vmem>> -> memref<1x16x128xf32, #tpu.memory_space<vmem>>
        %dma_wait3A_1215 = tpu.memref_squeeze %dma_wait3A_1214 : memref<1x16x128xf32, #tpu.memory_space<vmem>> -> memref<16x128xf32, #tpu.memory_space<vmem>>
        %dma_wait3A_1216 = arith.constant 0 : i32
        %dma_wait3A_1217 = arith.constant 0 : i32
        %dma_wait3A_1218 = tpu.memref_slice %arg4[%dma_wait3A_1216, %dma_wait3A_1217] : memref<100000x128xf32, #tpu.memory_space<hbm>> -> memref<16x128xf32, #tpu.memory_space<hbm>>
        %dma_wait3A_1219 = arith.constant 0 : i32
        %dma_wait3A_1220 = arith.constant 0 : i32
        %dma_wait3A_1221 = tpu.memref_slice %arg4[%dma_wait3A_1219, %dma_wait3A_1220] : memref<100000x128xf32, #tpu.memory_space<hbm>> -> memref<16x128xf32, #tpu.memory_space<hbm>>
        %dma_wait3A_1222 = arith.constant 0 : i32
        %dma_wait3A_1223 = arith.constant 0 : i32
        %dma_wait3A_1224 = tpu.memref_slice %arg13[%dma_wait3A_1211, %dma_wait3A_1222, %dma_wait3A_1223] : memref<4x64x128xf32, #tpu.memory_space<vmem>> -> memref<1x16x128xf32, #tpu.memory_space<vmem>>
        %dma_wait3A_1225 = tpu.memref_squeeze %dma_wait3A_1224 : memref<1x16x128xf32, #tpu.memory_space<vmem>> -> memref<16x128xf32, #tpu.memory_space<vmem>>
        tpu.wait_dma2 semaphore(%arg25 : memref<!tpu.dma_semaphore, #tpu.memory_space<semaphore_mem>>) src(%dma_wait3A_1225 : memref<16x128xf32, #tpu.memory_space<vmem>>) dst(%dma_wait3A_1221 : memref<16x128xf32, #tpu.memory_space<hbm>>)
        %dma_wait3A_1226 = arith.constant 2 : i32
        %dma_wait3A_1227 = arith.constant 0 : i32
        %dma_wait3A_1228 = arith.constant 0 : i32
        %dma_wait3A_1229 = tpu.memref_slice %arg13[%dma_wait3A_1226, %dma_wait3A_1227, %dma_wait3A_1228] : memref<4x64x128xf32, #tpu.memory_space<vmem>> -> memref<1x16x128xf32, #tpu.memory_space<vmem>>
        %dma_wait3A_1230 = tpu.memref_squeeze %dma_wait3A_1229 : memref<1x16x128xf32, #tpu.memory_space<vmem>> -> memref<16x128xf32, #tpu.memory_space<vmem>>
        %dma_wait3A_1231 = arith.constant 0 : i32
        %dma_wait3A_1232 = arith.constant 0 : i32
        %dma_wait3A_1233 = tpu.memref_slice %arg4[%dma_wait3A_1231, %dma_wait3A_1232] : memref<100000x128xf32, #tpu.memory_space<hbm>> -> memref<16x128xf32, #tpu.memory_space<hbm>>
        %dma_wait3A_1234 = arith.constant 0 : i32
        %dma_wait3A_1235 = arith.constant 0 : i32
        %dma_wait3A_1236 = tpu.memref_slice %arg4[%dma_wait3A_1234, %dma_wait3A_1235] : memref<100000x128xf32, #tpu.memory_space<hbm>> -> memref<16x128xf32, #tpu.memory_space<hbm>>
        %dma_wait3A_1237 = arith.constant 0 : i32
        %dma_wait3A_1238 = arith.constant 0 : i32
        %dma_wait3A_1239 = tpu.memref_slice %arg13[%dma_wait3A_1226, %dma_wait3A_1237, %dma_wait3A_1238] : memref<4x64x128xf32, #tpu.memory_space<vmem>> -> memref<1x16x128xf32, #tpu.memory_space<vmem>>
        %dma_wait3A_1240 = tpu.memref_squeeze %dma_wait3A_1239 : memref<1x16x128xf32, #tpu.memory_space<vmem>> -> memref<16x128xf32, #tpu.memory_space<vmem>>
        tpu.wait_dma2 semaphore(%arg25 : memref<!tpu.dma_semaphore, #tpu.memory_space<semaphore_mem>>) src(%dma_wait3A_1240 : memref<16x128xf32, #tpu.memory_space<vmem>>) dst(%dma_wait3A_1236 : memref<16x128xf32, #tpu.memory_space<hbm>>)
        %dma_wait3A_1241 = arith.constant 2 : i32
        %dma_wait3A_1242 = arith.constant 0 : i32
        %dma_wait3A_1243 = arith.constant 0 : i32
        %dma_wait3A_1244 = tpu.memref_slice %arg13[%dma_wait3A_1241, %dma_wait3A_1242, %dma_wait3A_1243] : memref<4x64x128xf32, #tpu.memory_space<vmem>> -> memref<1x16x128xf32, #tpu.memory_space<vmem>>
        %dma_wait3A_1245 = tpu.memref_squeeze %dma_wait3A_1244 : memref<1x16x128xf32, #tpu.memory_space<vmem>> -> memref<16x128xf32, #tpu.memory_space<vmem>>
        %dma_wait3A_1246 = arith.constant 0 : i32
        %dma_wait3A_1247 = arith.constant 0 : i32
        %dma_wait3A_1248 = tpu.memref_slice %arg4[%dma_wait3A_1246, %dma_wait3A_1247] : memref<100000x128xf32, #tpu.memory_space<hbm>> -> memref<16x128xf32, #tpu.memory_space<hbm>>
        %dma_wait3A_1249 = arith.constant 0 : i32
        %dma_wait3A_1250 = arith.constant 0 : i32
        %dma_wait3A_1251 = tpu.memref_slice %arg4[%dma_wait3A_1249, %dma_wait3A_1250] : memref<100000x128xf32, #tpu.memory_space<hbm>> -> memref<16x128xf32, #tpu.memory_space<hbm>>
        %dma_wait3A_1252 = arith.constant 0 : i32
        %dma_wait3A_1253 = arith.constant 0 : i32
        %dma_wait3A_1254 = tpu.memref_slice %arg13[%dma_wait3A_1241, %dma_wait3A_1252, %dma_wait3A_1253] : memref<4x64x128xf32, #tpu.memory_space<vmem>> -> memref<1x16x128xf32, #tpu.memory_space<vmem>>
        %dma_wait3A_1255 = tpu.memref_squeeze %dma_wait3A_1254 : memref<1x16x128xf32, #tpu.memory_space<vmem>> -> memref<16x128xf32, #tpu.memory_space<vmem>>
        tpu.wait_dma2 semaphore(%arg25 : memref<!tpu.dma_semaphore, #tpu.memory_space<semaphore_mem>>) src(%dma_wait3A_1255 : memref<16x128xf32, #tpu.memory_space<vmem>>) dst(%dma_wait3A_1251 : memref<16x128xf32, #tpu.memory_space<hbm>>)
        %dma_wait3A_1256 = arith.constant 2 : i32
        %dma_wait3A_1257 = arith.constant 0 : i32
        %dma_wait3A_1258 = arith.constant 0 : i32
        %dma_wait3A_1259 = tpu.memref_slice %arg13[%dma_wait3A_1256, %dma_wait3A_1257, %dma_wait3A_1258] : memref<4x64x128xf32, #tpu.memory_space<vmem>> -> memref<1x16x128xf32, #tpu.memory_space<vmem>>
        %dma_wait3A_1260 = tpu.memref_squeeze %dma_wait3A_1259 : memref<1x16x128xf32, #tpu.memory_space<vmem>> -> memref<16x128xf32, #tpu.memory_space<vmem>>
        %dma_wait3A_1261 = arith.constant 0 : i32
        %dma_wait3A_1262 = arith.constant 0 : i32
        %dma_wait3A_1263 = tpu.memref_slice %arg4[%dma_wait3A_1261, %dma_wait3A_1262] : memref<100000x128xf32, #tpu.memory_space<hbm>> -> memref<16x128xf32, #tpu.memory_space<hbm>>
        %dma_wait3A_1264 = arith.constant 0 : i32
        %dma_wait3A_1265 = arith.constant 0 : i32
        %dma_wait3A_1266 = tpu.memref_slice %arg4[%dma_wait3A_1264, %dma_wait3A_1265] : memref<100000x128xf32, #tpu.memory_space<hbm>> -> memref<16x128xf32, #tpu.memory_space<hbm>>
        %dma_wait3A_1267 = arith.constant 0 : i32
        %dma_wait3A_1268 = arith.constant 0 : i32
        %dma_wait3A_1269 = tpu.memref_slice %arg13[%dma_wait3A_1256, %dma_wait3A_1267, %dma_wait3A_1268] : memref<4x64x128xf32, #tpu.memory_space<vmem>> -> memref<1x16x128xf32, #tpu.memory_space<vmem>>
        %dma_wait3A_1270 = tpu.memref_squeeze %dma_wait3A_1269 : memref<1x16x128xf32, #tpu.memory_space<vmem>> -> memref<16x128xf32, #tpu.memory_space<vmem>>
        tpu.wait_dma2 semaphore(%arg25 : memref<!tpu.dma_semaphore, #tpu.memory_space<semaphore_mem>>) src(%dma_wait3A_1270 : memref<16x128xf32, #tpu.memory_space<vmem>>) dst(%dma_wait3A_1266 : memref<16x128xf32, #tpu.memory_space<hbm>>)
      } else {
      }
      %mul3A_877 = arith.constant 4 : i32
      %mul3A_878 = arith.muli %while3A_831, %mul3A_877 : i32
      %add3A_879 = arith.constant 2 : i32
      %add3A_880 = arith.addi %mul3A_878, %add3A_879 : i32
      %mul3A_881 = arith.constant 64 : i32
      %mul3A_882 = arith.muli %add3A_880, %mul3A_881 : i32
      %dma_start3A_883 = arith.constant 2 : i32
      %dma_start3A_884 = arith.constant 0 : i32
      %dma_start3A_885 = arith.constant 0 : i32
      %dma_start3A_886 = tpu.memref_slice %arg13[%dma_start3A_883, %dma_start3A_884, %dma_start3A_885] : memref<4x64x128xf32, #tpu.memory_space<vmem>> -> memref<1x64x128xf32, #tpu.memory_space<vmem>>
      %dma_start3A_887 = tpu.memref_squeeze %dma_start3A_886 : memref<1x64x128xf32, #tpu.memory_space<vmem>> -> memref<64x128xf32, #tpu.memory_space<vmem>>
      %dma_start3A_888 = tpu.memref_slice %arg10[%mul3A_882] : memref<1696xi32, #tpu.memory_space<vmem>> -> memref<64xi32, #tpu.memory_space<vmem>>
      %dma_start3A_889 = arith.constant 0 : i32
      %dma_start3A_890 = arith.constant 0 : i32
      %dma_start3A_891 = tpu.memref_slice %arg2[%dma_start3A_889, %dma_start3A_890] : memref<50000x128xf32, #tpu.memory_space<hbm>> -> memref<50000x128xf32, #tpu.memory_space<hbm>>
      tpu.enqueue_indirect_dma source(%dma_start3A_891 : memref<50000x128xf32, #tpu.memory_space<hbm>>) target(%dma_start3A_887 : memref<64x128xf32, #tpu.memory_space<vmem>>) offsets(%dma_start3A_888 : memref<64xi32, #tpu.memory_space<vmem>>) semaphore(%arg21 : memref<!tpu.dma_semaphore, #tpu.memory_space<semaphore_mem>>)
      %gt3A_892 = arith.constant 0 : i32
      %gt3A_893 = arith.cmpi sgt, %while3A_831, %gt3A_892 : i32
      %convert_element_type3A_894 = arith.extui %gt3A_893 : i1 to i32
      %cond3A_895 = arith.constant 0 : i32
      %cond3A_896 = arith.cmpi ne, %convert_element_type3A_894, %cond3A_895 : i32
      scf.if %cond3A_896 {
        %dma_wait3A_1211 = arith.constant 3 : i32
        %dma_wait3A_1212 = arith.constant 0 : i32
        %dma_wait3A_1213 = arith.constant 0 : i32
        %dma_wait3A_1214 = tpu.memref_slice %arg13[%dma_wait3A_1211, %dma_wait3A_1212, %dma_wait3A_1213] : memref<4x64x128xf32, #tpu.memory_space<vmem>> -> memref<1x16x128xf32, #tpu.memory_space<vmem>>
        %dma_wait3A_1215 = tpu.memref_squeeze %dma_wait3A_1214 : memref<1x16x128xf32, #tpu.memory_space<vmem>> -> memref<16x128xf32, #tpu.memory_space<vmem>>
        %dma_wait3A_1216 = arith.constant 0 : i32
        %dma_wait3A_1217 = arith.constant 0 : i32
        %dma_wait3A_1218 = tpu.memref_slice %arg4[%dma_wait3A_1216, %dma_wait3A_1217] : memref<100000x128xf32, #tpu.memory_space<hbm>> -> memref<16x128xf32, #tpu.memory_space<hbm>>
        %dma_wait3A_1219 = arith.constant 0 : i32
        %dma_wait3A_1220 = arith.constant 0 : i32
        %dma_wait3A_1221 = tpu.memref_slice %arg4[%dma_wait3A_1219, %dma_wait3A_1220] : memref<100000x128xf32, #tpu.memory_space<hbm>> -> memref<16x128xf32, #tpu.memory_space<hbm>>
        %dma_wait3A_1222 = arith.constant 0 : i32
        %dma_wait3A_1223 = arith.constant 0 : i32
        %dma_wait3A_1224 = tpu.memref_slice %arg13[%dma_wait3A_1211, %dma_wait3A_1222, %dma_wait3A_1223] : memref<4x64x128xf32, #tpu.memory_space<vmem>> -> memref<1x16x128xf32, #tpu.memory_space<vmem>>
        %dma_wait3A_1225 = tpu.memref_squeeze %dma_wait3A_1224 : memref<1x16x128xf32, #tpu.memory_space<vmem>> -> memref<16x128xf32, #tpu.memory_space<vmem>>
        tpu.wait_dma2 semaphore(%arg26 : memref<!tpu.dma_semaphore, #tpu.memory_space<semaphore_mem>>) src(%dma_wait3A_1225 : memref<16x128xf32, #tpu.memory_space<vmem>>) dst(%dma_wait3A_1221 : memref<16x128xf32, #tpu.memory_space<hbm>>)
        %dma_wait3A_1226 = arith.constant 3 : i32
        %dma_wait3A_1227 = arith.constant 0 : i32
        %dma_wait3A_1228 = arith.constant 0 : i32
        %dma_wait3A_1229 = tpu.memref_slice %arg13[%dma_wait3A_1226, %dma_wait3A_1227, %dma_wait3A_1228] : memref<4x64x128xf32, #tpu.memory_space<vmem>> -> memref<1x16x128xf32, #tpu.memory_space<vmem>>
        %dma_wait3A_1230 = tpu.memref_squeeze %dma_wait3A_1229 : memref<1x16x128xf32, #tpu.memory_space<vmem>> -> memref<16x128xf32, #tpu.memory_space<vmem>>
        %dma_wait3A_1231 = arith.constant 0 : i32
        %dma_wait3A_1232 = arith.constant 0 : i32
        %dma_wait3A_1233 = tpu.memref_slice %arg4[%dma_wait3A_1231, %dma_wait3A_1232] : memref<100000x128xf32, #tpu.memory_space<hbm>> -> memref<16x128xf32, #tpu.memory_space<hbm>>
        %dma_wait3A_1234 = arith.constant 0 : i32
        %dma_wait3A_1235 = arith.constant 0 : i32
        %dma_wait3A_1236 = tpu.memref_slice %arg4[%dma_wait3A_1234, %dma_wait3A_1235] : memref<100000x128xf32, #tpu.memory_space<hbm>> -> memref<16x128xf32, #tpu.memory_space<hbm>>
        %dma_wait3A_1237 = arith.constant 0 : i32
        %dma_wait3A_1238 = arith.constant 0 : i32
        %dma_wait3A_1239 = tpu.memref_slice %arg13[%dma_wait3A_1226, %dma_wait3A_1237, %dma_wait3A_1238] : memref<4x64x128xf32, #tpu.memory_space<vmem>> -> memref<1x16x128xf32, #tpu.memory_space<vmem>>
        %dma_wait3A_1240 = tpu.memref_squeeze %dma_wait3A_1239 : memref<1x16x128xf32, #tpu.memory_space<vmem>> -> memref<16x128xf32, #tpu.memory_space<vmem>>
        tpu.wait_dma2 semaphore(%arg26 : memref<!tpu.dma_semaphore, #tpu.memory_space<semaphore_mem>>) src(%dma_wait3A_1240 : memref<16x128xf32, #tpu.memory_space<vmem>>) dst(%dma_wait3A_1236 : memref<16x128xf32, #tpu.memory_space<hbm>>)
        %dma_wait3A_1241 = arith.constant 3 : i32
        %dma_wait3A_1242 = arith.constant 0 : i32
        %dma_wait3A_1243 = arith.constant 0 : i32
        %dma_wait3A_1244 = tpu.memref_slice %arg13[%dma_wait3A_1241, %dma_wait3A_1242, %dma_wait3A_1243] : memref<4x64x128xf32, #tpu.memory_space<vmem>> -> memref<1x16x128xf32, #tpu.memory_space<vmem>>
        %dma_wait3A_1245 = tpu.memref_squeeze %dma_wait3A_1244 : memref<1x16x128xf32, #tpu.memory_space<vmem>> -> memref<16x128xf32, #tpu.memory_space<vmem>>
        %dma_wait3A_1246 = arith.constant 0 : i32
        %dma_wait3A_1247 = arith.constant 0 : i32
        %dma_wait3A_1248 = tpu.memref_slice %arg4[%dma_wait3A_1246, %dma_wait3A_1247] : memref<100000x128xf32, #tpu.memory_space<hbm>> -> memref<16x128xf32, #tpu.memory_space<hbm>>
        %dma_wait3A_1249 = arith.constant 0 : i32
        %dma_wait3A_1250 = arith.constant 0 : i32
        %dma_wait3A_1251 = tpu.memref_slice %arg4[%dma_wait3A_1249, %dma_wait3A_1250] : memref<100000x128xf32, #tpu.memory_space<hbm>> -> memref<16x128xf32, #tpu.memory_space<hbm>>
        %dma_wait3A_1252 = arith.constant 0 : i32
        %dma_wait3A_1253 = arith.constant 0 : i32
        %dma_wait3A_1254 = tpu.memref_slice %arg13[%dma_wait3A_1241, %dma_wait3A_1252, %dma_wait3A_1253] : memref<4x64x128xf32, #tpu.memory_space<vmem>> -> memref<1x16x128xf32, #tpu.memory_space<vmem>>
        %dma_wait3A_1255 = tpu.memref_squeeze %dma_wait3A_1254 : memref<1x16x128xf32, #tpu.memory_space<vmem>> -> memref<16x128xf32, #tpu.memory_space<vmem>>
        tpu.wait_dma2 semaphore(%arg26 : memref<!tpu.dma_semaphore, #tpu.memory_space<semaphore_mem>>) src(%dma_wait3A_1255 : memref<16x128xf32, #tpu.memory_space<vmem>>) dst(%dma_wait3A_1251 : memref<16x128xf32, #tpu.memory_space<hbm>>)
        %dma_wait3A_1256 = arith.constant 3 : i32
        %dma_wait3A_1257 = arith.constant 0 : i32
        %dma_wait3A_1258 = arith.constant 0 : i32
        %dma_wait3A_1259 = tpu.memref_slice %arg13[%dma_wait3A_1256, %dma_wait3A_1257, %dma_wait3A_1258] : memref<4x64x128xf32, #tpu.memory_space<vmem>> -> memref<1x16x128xf32, #tpu.memory_space<vmem>>
        %dma_wait3A_1260 = tpu.memref_squeeze %dma_wait3A_1259 : memref<1x16x128xf32, #tpu.memory_space<vmem>> -> memref<16x128xf32, #tpu.memory_space<vmem>>
        %dma_wait3A_1261 = arith.constant 0 : i32
        %dma_wait3A_1262 = arith.constant 0 : i32
        %dma_wait3A_1263 = tpu.memref_slice %arg4[%dma_wait3A_1261, %dma_wait3A_1262] : memref<100000x128xf32, #tpu.memory_space<hbm>> -> memref<16x128xf32, #tpu.memory_space<hbm>>
        %dma_wait3A_1264 = arith.constant 0 : i32
        %dma_wait3A_1265 = arith.constant 0 : i32
        %dma_wait3A_1266 = tpu.memref_slice %arg4[%dma_wait3A_1264, %dma_wait3A_1265] : memref<100000x128xf32, #tpu.memory_space<hbm>> -> memref<16x128xf32, #tpu.memory_space<hbm>>
        %dma_wait3A_1267 = arith.constant 0 : i32
        %dma_wait3A_1268 = arith.constant 0 : i32
        %dma_wait3A_1269 = tpu.memref_slice %arg13[%dma_wait3A_1256, %dma_wait3A_1267, %dma_wait3A_1268] : memref<4x64x128xf32, #tpu.memory_space<vmem>> -> memref<1x16x128xf32, #tpu.memory_space<vmem>>
        %dma_wait3A_1270 = tpu.memref_squeeze %dma_wait3A_1269 : memref<1x16x128xf32, #tpu.memory_space<vmem>> -> memref<16x128xf32, #tpu.memory_space<vmem>>
        tpu.wait_dma2 semaphore(%arg26 : memref<!tpu.dma_semaphore, #tpu.memory_space<semaphore_mem>>) src(%dma_wait3A_1270 : memref<16x128xf32, #tpu.memory_space<vmem>>) dst(%dma_wait3A_1266 : memref<16x128xf32, #tpu.memory_space<hbm>>)
      } else {
      }
      %mul3A_897 = arith.constant 4 : i32
      %mul3A_898 = arith.muli %while3A_831, %mul3A_897 : i32
      %add3A_899 = arith.constant 3 : i32
      %add3A_900 = arith.addi %mul3A_898, %add3A_899 : i32
      %mul3A_901 = arith.constant 64 : i32
      %mul3A_902 = arith.muli %add3A_900, %mul3A_901 : i32
      %dma_start3A_903 = arith.constant 3 : i32
      %dma_start3A_904 = arith.constant 0 : i32
      %dma_start3A_905 = arith.constant 0 : i32
      %dma_start3A_906 = tpu.memref_slice %arg13[%dma_start3A_903, %dma_start3A_904, %dma_start3A_905] : memref<4x64x128xf32, #tpu.memory_space<vmem>> -> memref<1x64x128xf32, #tpu.memory_space<vmem>>
      %dma_start3A_907 = tpu.memref_squeeze %dma_start3A_906 : memref<1x64x128xf32, #tpu.memory_space<vmem>> -> memref<64x128xf32, #tpu.memory_space<vmem>>
      %dma_start3A_908 = tpu.memref_slice %arg10[%mul3A_902] : memref<1696xi32, #tpu.memory_space<vmem>> -> memref<64xi32, #tpu.memory_space<vmem>>
      %dma_start3A_909 = arith.constant 0 : i32
      %dma_start3A_910 = arith.constant 0 : i32
      %dma_start3A_911 = tpu.memref_slice %arg2[%dma_start3A_909, %dma_start3A_910] : memref<50000x128xf32, #tpu.memory_space<hbm>> -> memref<50000x128xf32, #tpu.memory_space<hbm>>
      tpu.enqueue_indirect_dma source(%dma_start3A_911 : memref<50000x128xf32, #tpu.memory_space<hbm>>) target(%dma_start3A_907 : memref<64x128xf32, #tpu.memory_space<vmem>>) offsets(%dma_start3A_908 : memref<64xi32, #tpu.memory_space<vmem>>) semaphore(%arg22 : memref<!tpu.dma_semaphore, #tpu.memory_space<semaphore_mem>>)
      %dma_wait3A_912 = arith.constant 0 : i32
      %dma_wait3A_913 = arith.constant 0 : i32
      %dma_wait3A_914 = arith.constant 0 : i32
      %dma_wait3A_915 = tpu.memref_slice %arg13[%dma_wait3A_912, %dma_wait3A_913, %dma_wait3A_914] : memref<4x64x128xf32, #tpu.memory_space<vmem>> -> memref<1x64x128xf32, #tpu.memory_space<vmem>>
      %dma_wait3A_916 = tpu.memref_squeeze %dma_wait3A_915 : memref<1x64x128xf32, #tpu.memory_space<vmem>> -> memref<64x128xf32, #tpu.memory_space<vmem>>
      %dma_wait3A_917 = arith.constant 0 : i32
      %dma_wait3A_918 = arith.constant 0 : i32
      %dma_wait3A_919 = tpu.memref_slice %arg2[%dma_wait3A_917, %dma_wait3A_918] : memref<50000x128xf32, #tpu.memory_space<hbm>> -> memref<64x128xf32, #tpu.memory_space<hbm>>
      %dma_wait3A_920 = arith.constant 0 : i32
      %dma_wait3A_921 = arith.constant 0 : i32
      %dma_wait3A_922 = tpu.memref_slice %arg13[%dma_wait3A_912, %dma_wait3A_920, %dma_wait3A_921] : memref<4x64x128xf32, #tpu.memory_space<vmem>> -> memref<1x64x128xf32, #tpu.memory_space<vmem>>
      %dma_wait3A_923 = tpu.memref_squeeze %dma_wait3A_922 : memref<1x64x128xf32, #tpu.memory_space<vmem>> -> memref<64x128xf32, #tpu.memory_space<vmem>>
      %dma_wait3A_924 = arith.constant 0 : i32
      %dma_wait3A_925 = arith.constant 0 : i32
      %dma_wait3A_926 = tpu.memref_slice %arg2[%dma_wait3A_924, %dma_wait3A_925] : memref<50000x128xf32, #tpu.memory_space<hbm>> -> memref<64x128xf32, #tpu.memory_space<hbm>>
      tpu.wait_dma2 semaphore(%arg19 : memref<!tpu.dma_semaphore, #tpu.memory_space<semaphore_mem>>) src(%dma_wait3A_926 : memref<64x128xf32, #tpu.memory_space<hbm>>) dst(%dma_wait3A_923 : memref<64x128xf32, #tpu.memory_space<vmem>>)
      %mul3A_927 = arith.constant 4 : i32
      %mul3A_928 = arith.muli %while3A_831, %mul3A_927 : i32
      %add3A_929 = arith.constant 0 : i32
      %add3A_930 = arith.addi %mul3A_928, %add3A_929 : i32
      %mul3A_931 = arith.constant 64 : i32
      %mul3A_932 = arith.muli %add3A_930, %mul3A_931 : i32
      %add3A_933 = arith.constant 0 : i32
      %add3A_934 = arith.addi %mul3A_932, %add3A_933 : i32
      %get3A = arith.index_cast %add3A_934 : i32 to index
      %get3A_935 = tpu.vector_load %arg8[%get3A] {strides = array<i32>} : memref<1632xi32, #tpu.memory_space<vmem>>, vector<16xi32>,
      %dma_start3A_936 = arith.constant 0 : i32
      %dma_start3A_937 = arith.constant 0 : i32
      %dma_start3A_938 = arith.constant 0 : i32
      %dma_start3A_939 = tpu.memref_slice %arg13[%dma_start3A_936, %dma_start3A_937, %dma_start3A_938] : memref<4x64x128xf32, #tpu.memory_space<vmem>> -> memref<1x16x128xf32, #tpu.memory_space<vmem>>
      %dma_start3A_940 = tpu.memref_squeeze %dma_start3A_939 : memref<1x16x128xf32, #tpu.memory_space<vmem>> -> memref<16x128xf32, #tpu.memory_space<vmem>>
      %dma_start3A_941 = arith.constant 0 : i32
      %dma_start3A_942 = arith.constant 0 : i32
      %dma_start3A_943 = tpu.memref_slice %arg4[%dma_start3A_941, %dma_start3A_942] : memref<100000x128xf32, #tpu.memory_space<hbm>> -> memref<100000x128xf32, #tpu.memory_space<hbm>>
      tpu.enqueue_indirect_dma source(%dma_start3A_940 : memref<16x128xf32, #tpu.memory_space<vmem>>) target(%dma_start3A_943 : memref<100000x128xf32, #tpu.memory_space<hbm>>) offsets(%get3A_935 : vector<16xi32>) semaphore(%arg23 : memref<!tpu.dma_semaphore, #tpu.memory_space<semaphore_mem>>)
      %mul3A_944 = arith.constant 64 : i32
      %mul3A_945 = arith.muli %add3A_930, %mul3A_944 : i32
      %add3A_946 = arith.constant 16 : i32
      %add3A_947 = arith.addi %mul3A_945, %add3A_946 : i32
      %get3A_948 = arith.index_cast %add3A_947 : i32 to index
      %get3A_949 = tpu.vector_load %arg8[%get3A_948] {strides = array<i32>} : memref<1632xi32, #tpu.memory_space<vmem>>, vector<16xi32>,
      %dma_start3A_950 = arith.constant 0 : i32
      %dma_start3A_951 = arith.constant 16 : i32
      %dma_start3A_952 = arith.constant 0 : i32
      %dma_start3A_953 = tpu.memref_slice %arg13[%dma_start3A_950, %dma_start3A_951, %dma_start3A_952] : memref<4x64x128xf32, #tpu.memory_space<vmem>> -> memref<1x16x128xf32, #tpu.memory_space<vmem>>
      %dma_start3A_954 = tpu.memref_squeeze %dma_start3A_953 : memref<1x16x128xf32, #tpu.memory_space<vmem>> -> memref<16x128xf32, #tpu.memory_space<vmem>>
      %dma_start3A_955 = arith.constant 0 : i32
      %dma_start3A_956 = arith.constant 0 : i32
      %dma_start3A_957 = tpu.memref_slice %arg4[%dma_start3A_955, %dma_start3A_956] : memref<100000x128xf32, #tpu.memory_space<hbm>> -> memref<100000x128xf32, #tpu.memory_space<hbm>>
      tpu.enqueue_indirect_dma source(%dma_start3A_954 : memref<16x128xf32, #tpu.memory_space<vmem>>) target(%dma_start3A_957 : memref<100000x128xf32, #tpu.memory_space<hbm>>) offsets(%get3A_949 : vector<16xi32>) semaphore(%arg23 : memref<!tpu.dma_semaphore, #tpu.memory_space<semaphore_mem>>)
      %mul3A_958 = arith.constant 64 : i32
      %mul3A_959 = arith.muli %add3A_930, %mul3A_958 : i32
      %add3A_960 = arith.constant 32 : i32
      %add3A_961 = arith.addi %mul3A_959, %add3A_960 : i32
      %get3A_962 = arith.index_cast %add3A_961 : i32 to index
      %get3A_963 = tpu.vector_load %arg8[%get3A_962] {strides = array<i32>} : memref<1632xi32, #tpu.memory_space<vmem>>, vector<16xi32>,
      %dma_start3A_964 = arith.constant 0 : i32
      %dma_start3A_965 = arith.constant 32 : i32
      %dma_start3A_966 = arith.constant 0 : i32
      %dma_start3A_967 = tpu.memref_slice %arg13[%dma_start3A_964, %dma_start3A_965, %dma_start3A_966] : memref<4x64x128xf32, #tpu.memory_space<vmem>> -> memref<1x16x128xf32, #tpu.memory_space<vmem>>
      %dma_start3A_968 = tpu.memref_squeeze %dma_start3A_967 : memref<1x16x128xf32, #tpu.memory_space<vmem>> -> memref<16x128xf32, #tpu.memory_space<vmem>>
      %dma_start3A_969 = arith.constant 0 : i32
      %dma_start3A_970 = arith.constant 0 : i32
      %dma_start3A_971 = tpu.memref_slice %arg4[%dma_start3A_969, %dma_start3A_970] : memref<100000x128xf32, #tpu.memory_space<hbm>> -> memref<100000x128xf32, #tpu.memory_space<hbm>>
      tpu.enqueue_indirect_dma source(%dma_start3A_968 : memref<16x128xf32, #tpu.memory_space<vmem>>) target(%dma_start3A_971 : memref<100000x128xf32, #tpu.memory_space<hbm>>) offsets(%get3A_963 : vector<16xi32>) semaphore(%arg23 : memref<!tpu.dma_semaphore, #tpu.memory_space<semaphore_mem>>)
      %mul3A_972 = arith.constant 64 : i32
      %mul3A_973 = arith.muli %add3A_930, %mul3A_972 : i32
      %add3A_974 = arith.constant 48 : i32
      %add3A_975 = arith.addi %mul3A_973, %add3A_974 : i32
      %get3A_976 = arith.index_cast %add3A_975 : i32 to index
      %get3A_977 = tpu.vector_load %arg8[%get3A_976] {strides = array<i32>} : memref<1632xi32, #tpu.memory_space<vmem>>, vector<16xi32>,
      %dma_start3A_978 = arith.constant 0 : i32
      %dma_start3A_979 = arith.constant 48 : i32
      %dma_start3A_980 = arith.constant 0 : i32
      %dma_start3A_981 = tpu.memref_slice %arg13[%dma_start3A_978, %dma_start3A_979, %dma_start3A_980] : memref<4x64x128xf32, #tpu.memory_space<vmem>> -> memref<1x16x128xf32, #tpu.memory_space<vmem>>
      %dma_start3A_982 = tpu.memref_squeeze %dma_start3A_981 : memref<1x16x128xf32, #tpu.memory_space<vmem>> -> memref<16x128xf32, #tpu.memory_space<vmem>>
      %dma_start3A_983 = arith.constant 0 : i32
      %dma_start3A_984 = arith.constant 0 : i32
      %dma_start3A_985 = tpu.memref_slice %arg4[%dma_start3A_983, %dma_start3A_984] : memref<100000x128xf32, #tpu.memory_space<hbm>> -> memref<100000x128xf32, #tpu.memory_space<hbm>>
      tpu.enqueue_indirect_dma source(%dma_start3A_982 : memref<16x128xf32, #tpu.memory_space<vmem>>) target(%dma_start3A_985 : memref<100000x128xf32, #tpu.memory_space<hbm>>) offsets(%get3A_977 : vector<16xi32>) semaphore(%arg23 : memref<!tpu.dma_semaphore, #tpu.memory_space<semaphore_mem>>)
      %dma_wait3A_986 = arith.constant 1 : i32
      %dma_wait3A_987 = arith.constant 0 : i32
      %dma_wait3A_988 = arith.constant 0 : i32
      %dma_wait3A_989 = tpu.memref_slice %arg13[%dma_wait3A_986, %dma_wait3A_987, %dma_wait3A_988] : memref<4x64x128xf32, #tpu.memory_space<vmem>> -> memref<1x64x128xf32, #tpu.memory_space<vmem>>
      %dma_wait3A_990 = tpu.memref_squeeze %dma_wait3A_989 : memref<1x64x128xf32, #tpu.memory_space<vmem>> -> memref<64x128xf32, #tpu.memory_space<vmem>>
      %dma_wait3A_991 = arith.constant 0 : i32
      %dma_wait3A_992 = arith.constant 0 : i32
      %dma_wait3A_993 = tpu.memref_slice %arg2[%dma_wait3A_991, %dma_wait3A_992] : memref<50000x128xf32, #tpu.memory_space<hbm>> -> memref<64x128xf32, #tpu.memory_space<hbm>>
      %dma_wait3A_994 = arith.constant 0 : i32
      %dma_wait3A_995 = arith.constant 0 : i32
      %dma_wait3A_996 = tpu.memref_slice %arg13[%dma_wait3A_986, %dma_wait3A_994, %dma_wait3A_995] : memref<4x64x128xf32, #tpu.memory_space<vmem>> -> memref<1x64x128xf32, #tpu.memory_space<vmem>>
      %dma_wait3A_997 = tpu.memref_squeeze %dma_wait3A_996 : memref<1x64x128xf32, #tpu.memory_space<vmem>> -> memref<64x128xf32, #tpu.memory_space<vmem>>
      %dma_wait3A_998 = arith.constant 0 : i32
      %dma_wait3A_999 = arith.constant 0 : i32
      %dma_wait3A_1000 = tpu.memref_slice %arg2[%dma_wait3A_998, %dma_wait3A_999] : memref<50000x128xf32, #tpu.memory_space<hbm>> -> memref<64x128xf32, #tpu.memory_space<hbm>>
      tpu.wait_dma2 semaphore(%arg20 : memref<!tpu.dma_semaphore, #tpu.memory_space<semaphore_mem>>) src(%dma_wait3A_1000 : memref<64x128xf32, #tpu.memory_space<hbm>>) dst(%dma_wait3A_997 : memref<64x128xf32, #tpu.memory_space<vmem>>)
      %mul3A_1001 = arith.constant 4 : i32
      %mul3A_1002 = arith.muli %while3A_831, %mul3A_1001 : i32
      %add3A_1003 = arith.constant 1 : i32
      %add3A_1004 = arith.addi %mul3A_1002, %add3A_1003 : i32
      %mul3A_1005 = arith.constant 64 : i32
      %mul3A_1006 = arith.muli %add3A_1004, %mul3A_1005 : i32
      %add3A_1007 = arith.constant 0 : i32
      %add3A_1008 = arith.addi %mul3A_1006, %add3A_1007 : i32
      %get3A_1009 = arith.index_cast %add3A_1008 : i32 to index
      %get3A_1010 = tpu.vector_load %arg8[%get3A_1009] {strides = array<i32>} : memref<1632xi32, #tpu.memory_space<vmem>>, vector<16xi32>,
      %dma_start3A_1011 = arith.constant 1 : i32
      %dma_start3A_1012 = arith.constant 0 : i32
      %dma_start3A_1013 = arith.constant 0 : i32
      %dma_start3A_1014 = tpu.memref_slice %arg13[%dma_start3A_1011, %dma_start3A_1012, %dma_start3A_1013] : memref<4x64x128xf32, #tpu.memory_space<vmem>> -> memref<1x16x128xf32, #tpu.memory_space<vmem>>
      %dma_start3A_1015 = tpu.memref_squeeze %dma_start3A_1014 : memref<1x16x128xf32, #tpu.memory_space<vmem>> -> memref<16x128xf32, #tpu.memory_space<vmem>>
      %dma_start3A_1016 = arith.constant 0 : i32
      %dma_start3A_1017 = arith.constant 0 : i32
      %dma_start3A_1018 = tpu.memref_slice %arg4[%dma_start3A_1016, %dma_start3A_1017] : memref<100000x128xf32, #tpu.memory_space<hbm>> -> memref<100000x128xf32, #tpu.memory_space<hbm>>
      tpu.enqueue_indirect_dma source(%dma_start3A_1015 : memref<16x128xf32, #tpu.memory_space<vmem>>) target(%dma_start3A_1018 : memref<100000x128xf32, #tpu.memory_space<hbm>>) offsets(%get3A_1010 : vector<16xi32>) semaphore(%arg24 : memref<!tpu.dma_semaphore, #tpu.memory_space<semaphore_mem>>)
      %mul3A_1019 = arith.constant 64 : i32
      %mul3A_1020 = arith.muli %add3A_1004, %mul3A_1019 : i32
      %add3A_1021 = arith.constant 16 : i32
      %add3A_1022 = arith.addi %mul3A_1020, %add3A_1021 : i32
      %get3A_1023 = arith.index_cast %add3A_1022 : i32 to index
      %get3A_1024 = tpu.vector_load %arg8[%get3A_1023] {strides = array<i32>} : memref<1632xi32, #tpu.memory_space<vmem>>, vector<16xi32>,
      %dma_start3A_1025 = arith.constant 1 : i32
      %dma_start3A_1026 = arith.constant 16 : i32
      %dma_start3A_1027 = arith.constant 0 : i32
      %dma_start3A_1028 = tpu.memref_slice %arg13[%dma_start3A_1025, %dma_start3A_1026, %dma_start3A_1027] : memref<4x64x128xf32, #tpu.memory_space<vmem>> -> memref<1x16x128xf32, #tpu.memory_space<vmem>>
      %dma_start3A_1029 = tpu.memref_squeeze %dma_start3A_1028 : memref<1x16x128xf32, #tpu.memory_space<vmem>> -> memref<16x128xf32, #tpu.memory_space<vmem>>
      %dma_start3A_1030 = arith.constant 0 : i32
      %dma_start3A_1031 = arith.constant 0 : i32
      %dma_start3A_1032 = tpu.memref_slice %arg4[%dma_start3A_1030, %dma_start3A_1031] : memref<100000x128xf32, #tpu.memory_space<hbm>> -> memref<100000x128xf32, #tpu.memory_space<hbm>>
      tpu.enqueue_indirect_dma source(%dma_start3A_1029 : memref<16x128xf32, #tpu.memory_space<vmem>>) target(%dma_start3A_1032 : memref<100000x128xf32, #tpu.memory_space<hbm>>) offsets(%get3A_1024 : vector<16xi32>) semaphore(%arg24 : memref<!tpu.dma_semaphore, #tpu.memory_space<semaphore_mem>>)
      %mul3A_1033 = arith.constant 64 : i32
      %mul3A_1034 = arith.muli %add3A_1004, %mul3A_1033 : i32
      %add3A_1035 = arith.constant 32 : i32
      %add3A_1036 = arith.addi %mul3A_1034, %add3A_1035 : i32
      %get3A_1037 = arith.index_cast %add3A_1036 : i32 to index
      %get3A_1038 = tpu.vector_load %arg8[%get3A_1037] {strides = array<i32>} : memref<1632xi32, #tpu.memory_space<vmem>>, vector<16xi32>,
      %dma_start3A_1039 = arith.constant 1 : i32
      %dma_start3A_1040 = arith.constant 32 : i32
      %dma_start3A_1041 = arith.constant 0 : i32
      %dma_start3A_1042 = tpu.memref_slice %arg13[%dma_start3A_1039, %dma_start3A_1040, %dma_start3A_1041] : memref<4x64x128xf32, #tpu.memory_space<vmem>> -> memref<1x16x128xf32, #tpu.memory_space<vmem>>
      %dma_start3A_1043 = tpu.memref_squeeze %dma_start3A_1042 : memref<1x16x128xf32, #tpu.memory_space<vmem>> -> memref<16x128xf32, #tpu.memory_space<vmem>>
      %dma_start3A_1044 = arith.constant 0 : i32
      %dma_start3A_1045 = arith.constant 0 : i32
      %dma_start3A_1046 = tpu.memref_slice %arg4[%dma_start3A_1044, %dma_start3A_1045] : memref<100000x128xf32, #tpu.memory_space<hbm>> -> memref<100000x128xf32, #tpu.memory_space<hbm>>
      tpu.enqueue_indirect_dma source(%dma_start3A_1043 : memref<16x128xf32, #tpu.memory_space<vmem>>) target(%dma_start3A_1046 : memref<100000x128xf32, #tpu.memory_space<hbm>>) offsets(%get3A_1038 : vector<16xi32>) semaphore(%arg24 : memref<!tpu.dma_semaphore, #tpu.memory_space<semaphore_mem>>)
      %mul3A_1047 = arith.constant 64 : i32
      %mul3A_1048 = arith.muli %add3A_1004, %mul3A_1047 : i32
      %add3A_1049 = arith.constant 48 : i32
      %add3A_1050 = arith.addi %mul3A_1048, %add3A_1049 : i32
      %get3A_1051 = arith.index_cast %add3A_1050 : i32 to index
      %get3A_1052 = tpu.vector_load %arg8[%get3A_1051] {strides = array<i32>} : memref<1632xi32, #tpu.memory_space<vmem>>, vector<16xi32>,
      %dma_start3A_1053 = arith.constant 1 : i32
      %dma_start3A_1054 = arith.constant 48 : i32
      %dma_start3A_1055 = arith.constant 0 : i32
      %dma_start3A_1056 = tpu.memref_slice %arg13[%dma_start3A_1053, %dma_start3A_1054, %dma_start3A_1055] : memref<4x64x128xf32, #tpu.memory_space<vmem>> -> memref<1x16x128xf32, #tpu.memory_space<vmem>>
      %dma_start3A_1057 = tpu.memref_squeeze %dma_start3A_1056 : memref<1x16x128xf32, #tpu.memory_space<vmem>> -> memref<16x128xf32, #tpu.memory_space<vmem>>
      %dma_start3A_1058 = arith.constant 0 : i32
      %dma_start3A_1059 = arith.constant 0 : i32
      %dma_start3A_1060 = tpu.memref_slice %arg4[%dma_start3A_1058, %dma_start3A_1059] : memref<100000x128xf32, #tpu.memory_space<hbm>> -> memref<100000x128xf32, #tpu.memory_space<hbm>>
      tpu.enqueue_indirect_dma source(%dma_start3A_1057 : memref<16x128xf32, #tpu.memory_space<vmem>>) target(%dma_start3A_1060 : memref<100000x128xf32, #tpu.memory_space<hbm>>) offsets(%get3A_1052 : vector<16xi32>) semaphore(%arg24 : memref<!tpu.dma_semaphore, #tpu.memory_space<semaphore_mem>>)
      %dma_wait3A_1061 = arith.constant 2 : i32
      %dma_wait3A_1062 = arith.constant 0 : i32
      %dma_wait3A_1063 = arith.constant 0 : i32
      %dma_wait3A_1064 = tpu.memref_slice %arg13[%dma_wait3A_1061, %dma_wait3A_1062, %dma_wait3A_1063] : memref<4x64x128xf32, #tpu.memory_space<vmem>> -> memref<1x64x128xf32, #tpu.memory_space<vmem>>
      %dma_wait3A_1065 = tpu.memref_squeeze %dma_wait3A_1064 : memref<1x64x128xf32, #tpu.memory_space<vmem>> -> memref<64x128xf32, #tpu.memory_space<vmem>>
      %dma_wait3A_1066 = arith.constant 0 : i32
      %dma_wait3A_1067 = arith.constant 0 : i32
      %dma_wait3A_1068 = tpu.memref_slice %arg2[%dma_wait3A_1066, %dma_wait3A_1067] : memref<50000x128xf32, #tpu.memory_space<hbm>> -> memref<64x128xf32, #tpu.memory_space<hbm>>
      %dma_wait3A_1069 = arith.constant 0 : i32
      %dma_wait3A_1070 = arith.constant 0 : i32
      %dma_wait3A_1071 = tpu.memref_slice %arg13[%dma_wait3A_1061, %dma_wait3A_1069, %dma_wait3A_1070] : memref<4x64x128xf32, #tpu.memory_space<vmem>> -> memref<1x64x128xf32, #tpu.memory_space<vmem>>
      %dma_wait3A_1072 = tpu.memref_squeeze %dma_wait3A_1071 : memref<1x64x128xf32, #tpu.memory_space<vmem>> -> memref<64x128xf32, #tpu.memory_space<vmem>>
      %dma_wait3A_1073 = arith.constant 0 : i32
      %dma_wait3A_1074 = arith.constant 0 : i32
      %dma_wait3A_1075 = tpu.memref_slice %arg2[%dma_wait3A_1073, %dma_wait3A_1074] : memref<50000x128xf32, #tpu.memory_space<hbm>> -> memref<64x128xf32, #tpu.memory_space<hbm>>
      tpu.wait_dma2 semaphore(%arg21 : memref<!tpu.dma_semaphore, #tpu.memory_space<semaphore_mem>>) src(%dma_wait3A_1075 : memref<64x128xf32, #tpu.memory_space<hbm>>) dst(%dma_wait3A_1072 : memref<64x128xf32, #tpu.memory_space<vmem>>)
      %mul3A_1076 = arith.constant 4 : i32
      %mul3A_1077 = arith.muli %while3A_831, %mul3A_1076 : i32
      %add3A_1078 = arith.constant 2 : i32
      %add3A_1079 = arith.addi %mul3A_1077, %add3A_1078 : i32
      %mul3A_1080 = arith.constant 64 : i32
      %mul3A_1081 = arith.muli %add3A_1079, %mul3A_1080 : i32
      %add3A_1082 = arith.constant 0 : i32
      %add3A_1083 = arith.addi %mul3A_1081, %add3A_1082 : i32
      %get3A_1084 = arith.index_cast %add3A_1083 : i32 to index
      %get3A_1085 = tpu.vector_load %arg8[%get3A_1084] {strides = array<i32>} : memref<1632xi32, #tpu.memory_space<vmem>>, vector<16xi32>,
      %dma_start3A_1086 = arith.constant 2 : i32
      %dma_start3A_1087 = arith.constant 0 : i32
      %dma_start3A_1088 = arith.constant 0 : i32
      %dma_start3A_1089 = tpu.memref_slice %arg13[%dma_start3A_1086, %dma_start3A_1087, %dma_start3A_1088] : memref<4x64x128xf32, #tpu.memory_space<vmem>> -> memref<1x16x128xf32, #tpu.memory_space<vmem>>
      %dma_start3A_1090 = tpu.memref_squeeze %dma_start3A_1089 : memref<1x16x128xf32, #tpu.memory_space<vmem>> -> memref<16x128xf32, #tpu.memory_space<vmem>>
      %dma_start3A_1091 = arith.constant 0 : i32
      %dma_start3A_1092 = arith.constant 0 : i32
      %dma_start3A_1093 = tpu.memref_slice %arg4[%dma_start3A_1091, %dma_start3A_1092] : memref<100000x128xf32, #tpu.memory_space<hbm>> -> memref<100000x128xf32, #tpu.memory_space<hbm>>
      tpu.enqueue_indirect_dma source(%dma_start3A_1090 : memref<16x128xf32, #tpu.memory_space<vmem>>) target(%dma_start3A_1093 : memref<100000x128xf32, #tpu.memory_space<hbm>>) offsets(%get3A_1085 : vector<16xi32>) semaphore(%arg25 : memref<!tpu.dma_semaphore, #tpu.memory_space<semaphore_mem>>)
      %mul3A_1094 = arith.constant 64 : i32
      %mul3A_1095 = arith.muli %add3A_1079, %mul3A_1094 : i32
      %add3A_1096 = arith.constant 16 : i32
      %add3A_1097 = arith.addi %mul3A_1095, %add3A_1096 : i32
      %get3A_1098 = arith.index_cast %add3A_1097 : i32 to index
      %get3A_1099 = tpu.vector_load %arg8[%get3A_1098] {strides = array<i32>} : memref<1632xi32, #tpu.memory_space<vmem>>, vector<16xi32>,
      %dma_start3A_1100 = arith.constant 2 : i32
      %dma_start3A_1101 = arith.constant 16 : i32
      %dma_start3A_1102 = arith.constant 0 : i32
      %dma_start3A_1103 = tpu.memref_slice %arg13[%dma_start3A_1100, %dma_start3A_1101, %dma_start3A_1102] : memref<4x64x128xf32, #tpu.memory_space<vmem>> -> memref<1x16x128xf32, #tpu.memory_space<vmem>>
      %dma_start3A_1104 = tpu.memref_squeeze %dma_start3A_1103 : memref<1x16x128xf32, #tpu.memory_space<vmem>> -> memref<16x128xf32, #tpu.memory_space<vmem>>
      %dma_start3A_1105 = arith.constant 0 : i32
      %dma_start3A_1106 = arith.constant 0 : i32
      %dma_start3A_1107 = tpu.memref_slice %arg4[%dma_start3A_1105, %dma_start3A_1106] : memref<100000x128xf32, #tpu.memory_space<hbm>> -> memref<100000x128xf32, #tpu.memory_space<hbm>>
      tpu.enqueue_indirect_dma source(%dma_start3A_1104 : memref<16x128xf32, #tpu.memory_space<vmem>>) target(%dma_start3A_1107 : memref<100000x128xf32, #tpu.memory_space<hbm>>) offsets(%get3A_1099 : vector<16xi32>) semaphore(%arg25 : memref<!tpu.dma_semaphore, #tpu.memory_space<semaphore_mem>>)
      %mul3A_1108 = arith.constant 64 : i32
      %mul3A_1109 = arith.muli %add3A_1079, %mul3A_1108 : i32
      %add3A_1110 = arith.constant 32 : i32
      %add3A_1111 = arith.addi %mul3A_1109, %add3A_1110 : i32
      %get3A_1112 = arith.index_cast %add3A_1111 : i32 to index
      %get3A_1113 = tpu.vector_load %arg8[%get3A_1112] {strides = array<i32>} : memref<1632xi32, #tpu.memory_space<vmem>>, vector<16xi32>,
      %dma_start3A_1114 = arith.constant 2 : i32
      %dma_start3A_1115 = arith.constant 32 : i32
      %dma_start3A_1116 = arith.constant 0 : i32
      %dma_start3A_1117 = tpu.memref_slice %arg13[%dma_start3A_1114, %dma_start3A_1115, %dma_start3A_1116] : memref<4x64x128xf32, #tpu.memory_space<vmem>> -> memref<1x16x128xf32, #tpu.memory_space<vmem>>
      %dma_start3A_1118 = tpu.memref_squeeze %dma_start3A_1117 : memref<1x16x128xf32, #tpu.memory_space<vmem>> -> memref<16x128xf32, #tpu.memory_space<vmem>>
      %dma_start3A_1119 = arith.constant 0 : i32
      %dma_start3A_1120 = arith.constant 0 : i32
      %dma_start3A_1121 = tpu.memref_slice %arg4[%dma_start3A_1119, %dma_start3A_1120] : memref<100000x128xf32, #tpu.memory_space<hbm>> -> memref<100000x128xf32, #tpu.memory_space<hbm>>
      tpu.enqueue_indirect_dma source(%dma_start3A_1118 : memref<16x128xf32, #tpu.memory_space<vmem>>) target(%dma_start3A_1121 : memref<100000x128xf32, #tpu.memory_space<hbm>>) offsets(%get3A_1113 : vector<16xi32>) semaphore(%arg25 : memref<!tpu.dma_semaphore, #tpu.memory_space<semaphore_mem>>)
      %mul3A_1122 = arith.constant 64 : i32
      %mul3A_1123 = arith.muli %add3A_1079, %mul3A_1122 : i32
      %add3A_1124 = arith.constant 48 : i32
      %add3A_1125 = arith.addi %mul3A_1123, %add3A_1124 : i32
      %get3A_1126 = arith.index_cast %add3A_1125 : i32 to index
      %get3A_1127 = tpu.vector_load %arg8[%get3A_1126] {strides = array<i32>} : memref<1632xi32, #tpu.memory_space<vmem>>, vector<16xi32>,
      %dma_start3A_1128 = arith.constant 2 : i32
      %dma_start3A_1129 = arith.constant 48 : i32
      %dma_start3A_1130 = arith.constant 0 : i32
      %dma_start3A_1131 = tpu.memref_slice %arg13[%dma_start3A_1128, %dma_start3A_1129, %dma_start3A_1130] : memref<4x64x128xf32, #tpu.memory_space<vmem>> -> memref<1x16x128xf32, #tpu.memory_space<vmem>>
      %dma_start3A_1132 = tpu.memref_squeeze %dma_start3A_1131 : memref<1x16x128xf32, #tpu.memory_space<vmem>> -> memref<16x128xf32, #tpu.memory_space<vmem>>
      %dma_start3A_1133 = arith.constant 0 : i32
      %dma_start3A_1134 = arith.constant 0 : i32
      %dma_start3A_1135 = tpu.memref_slice %arg4[%dma_start3A_1133, %dma_start3A_1134] : memref<100000x128xf32, #tpu.memory_space<hbm>> -> memref<100000x128xf32, #tpu.memory_space<hbm>>
      tpu.enqueue_indirect_dma source(%dma_start3A_1132 : memref<16x128xf32, #tpu.memory_space<vmem>>) target(%dma_start3A_1135 : memref<100000x128xf32, #tpu.memory_space<hbm>>) offsets(%get3A_1127 : vector<16xi32>) semaphore(%arg25 : memref<!tpu.dma_semaphore, #tpu.memory_space<semaphore_mem>>)
      %dma_wait3A_1136 = arith.constant 3 : i32
      %dma_wait3A_1137 = arith.constant 0 : i32
      %dma_wait3A_1138 = arith.constant 0 : i32
      %dma_wait3A_1139 = tpu.memref_slice %arg13[%dma_wait3A_1136, %dma_wait3A_1137, %dma_wait3A_1138] : memref<4x64x128xf32, #tpu.memory_space<vmem>> -> memref<1x64x128xf32, #tpu.memory_space<vmem>>
      %dma_wait3A_1140 = tpu.memref_squeeze %dma_wait3A_1139 : memref<1x64x128xf32, #tpu.memory_space<vmem>> -> memref<64x128xf32, #tpu.memory_space<vmem>>
      %dma_wait3A_1141 = arith.constant 0 : i32
      %dma_wait3A_1142 = arith.constant 0 : i32
      %dma_wait3A_1143 = tpu.memref_slice %arg2[%dma_wait3A_1141, %dma_wait3A_1142] : memref<50000x128xf32, #tpu.memory_space<hbm>> -> memref<64x128xf32, #tpu.memory_space<hbm>>
      %dma_wait3A_1144 = arith.constant 0 : i32
      %dma_wait3A_1145 = arith.constant 0 : i32
      %dma_wait3A_1146 = tpu.memref_slice %arg13[%dma_wait3A_1136, %dma_wait3A_1144, %dma_wait3A_1145] : memref<4x64x128xf32, #tpu.memory_space<vmem>> -> memref<1x64x128xf32, #tpu.memory_space<vmem>>
      %dma_wait3A_1147 = tpu.memref_squeeze %dma_wait3A_1146 : memref<1x64x128xf32, #tpu.memory_space<vmem>> -> memref<64x128xf32, #tpu.memory_space<vmem>>
      %dma_wait3A_1148 = arith.constant 0 : i32
      %dma_wait3A_1149 = arith.constant 0 : i32
      %dma_wait3A_1150 = tpu.memref_slice %arg2[%dma_wait3A_1148, %dma_wait3A_1149] : memref<50000x128xf32, #tpu.memory_space<hbm>> -> memref<64x128xf32, #tpu.memory_space<hbm>>
      tpu.wait_dma2 semaphore(%arg22 : memref<!tpu.dma_semaphore, #tpu.memory_space<semaphore_mem>>) src(%dma_wait3A_1150 : memref<64x128xf32, #tpu.memory_space<hbm>>) dst(%dma_wait3A_1147 : memref<64x128xf32, #tpu.memory_space<vmem>>)
      %mul3A_1151 = arith.constant 4 : i32
      %mul3A_1152 = arith.muli %while3A_831, %mul3A_1151 : i32
      %add3A_1153 = arith.constant 3 : i32
      %add3A_1154 = arith.addi %mul3A_1152, %add3A_1153 : i32
      %mul3A_1155 = arith.constant 64 : i32
      %mul3A_1156 = arith.muli %add3A_1154, %mul3A_1155 : i32
      %add3A_1157 = arith.constant 0 : i32
      %add3A_1158 = arith.addi %mul3A_1156, %add3A_1157 : i32
      %get3A_1159 = arith.index_cast %add3A_1158 : i32 to index
      %get3A_1160 = tpu.vector_load %arg8[%get3A_1159] {strides = array<i32>} : memref<1632xi32, #tpu.memory_space<vmem>>, vector<16xi32>,
      %dma_start3A_1161 = arith.constant 3 : i32
      %dma_start3A_1162 = arith.constant 0 : i32
      %dma_start3A_1163 = arith.constant 0 : i32
      %dma_start3A_1164 = tpu.memref_slice %arg13[%dma_start3A_1161, %dma_start3A_1162, %dma_start3A_1163] : memref<4x64x128xf32, #tpu.memory_space<vmem>> -> memref<1x16x128xf32, #tpu.memory_space<vmem>>
      %dma_start3A_1165 = tpu.memref_squeeze %dma_start3A_1164 : memref<1x16x128xf32, #tpu.memory_space<vmem>> -> memref<16x128xf32, #tpu.memory_space<vmem>>
      %dma_start3A_1166 = arith.constant 0 : i32
      %dma_start3A_1167 = arith.constant 0 : i32
      %dma_start3A_1168 = tpu.memref_slice %arg4[%dma_start3A_1166, %dma_start3A_1167] : memref<100000x128xf32, #tpu.memory_space<hbm>> -> memref<100000x128xf32, #tpu.memory_space<hbm>>
      tpu.enqueue_indirect_dma source(%dma_start3A_1165 : memref<16x128xf32, #tpu.memory_space<vmem>>) target(%dma_start3A_1168 : memref<100000x128xf32, #tpu.memory_space<hbm>>) offsets(%get3A_1160 : vector<16xi32>) semaphore(%arg26 : memref<!tpu.dma_semaphore, #tpu.memory_space<semaphore_mem>>)
      %mul3A_1169 = arith.constant 64 : i32
      %mul3A_1170 = arith.muli %add3A_1154, %mul3A_1169 : i32
      %add3A_1171 = arith.constant 16 : i32
      %add3A_1172 = arith.addi %mul3A_1170, %add3A_1171 : i32
      %get3A_1173 = arith.index_cast %add3A_1172 : i32 to index
      %get3A_1174 = tpu.vector_load %arg8[%get3A_1173] {strides = array<i32>} : memref<1632xi32, #tpu.memory_space<vmem>>, vector<16xi32>,
      %dma_start3A_1175 = arith.constant 3 : i32
      %dma_start3A_1176 = arith.constant 16 : i32
      %dma_start3A_1177 = arith.constant 0 : i32
      %dma_start3A_1178 = tpu.memref_slice %arg13[%dma_start3A_1175, %dma_start3A_1176, %dma_start3A_1177] : memref<4x64x128xf32, #tpu.memory_space<vmem>> -> memref<1x16x128xf32, #tpu.memory_space<vmem>>
      %dma_start3A_1179 = tpu.memref_squeeze %dma_start3A_1178 : memref<1x16x128xf32, #tpu.memory_space<vmem>> -> memref<16x128xf32, #tpu.memory_space<vmem>>
      %dma_start3A_1180 = arith.constant 0 : i32
      %dma_start3A_1181 = arith.constant 0 : i32
      %dma_start3A_1182 = tpu.memref_slice %arg4[%dma_start3A_1180, %dma_start3A_1181] : memref<100000x128xf32, #tpu.memory_space<hbm>> -> memref<100000x128xf32, #tpu.memory_space<hbm>>
      tpu.enqueue_indirect_dma source(%dma_start3A_1179 : memref<16x128xf32, #tpu.memory_space<vmem>>) target(%dma_start3A_1182 : memref<100000x128xf32, #tpu.memory_space<hbm>>) offsets(%get3A_1174 : vector<16xi32>) semaphore(%arg26 : memref<!tpu.dma_semaphore, #tpu.memory_space<semaphore_mem>>)
      %mul3A_1183 = arith.constant 64 : i32
      %mul3A_1184 = arith.muli %add3A_1154, %mul3A_1183 : i32
      %add3A_1185 = arith.constant 32 : i32
      %add3A_1186 = arith.addi %mul3A_1184, %add3A_1185 : i32
      %get3A_1187 = arith.index_cast %add3A_1186 : i32 to index
      %get3A_1188 = tpu.vector_load %arg8[%get3A_1187] {strides = array<i32>} : memref<1632xi32, #tpu.memory_space<vmem>>, vector<16xi32>,
      %dma_start3A_1189 = arith.constant 3 : i32
      %dma_start3A_1190 = arith.constant 32 : i32
      %dma_start3A_1191 = arith.constant 0 : i32
      %dma_start3A_1192 = tpu.memref_slice %arg13[%dma_start3A_1189, %dma_start3A_1190, %dma_start3A_1191] : memref<4x64x128xf32, #tpu.memory_space<vmem>> -> memref<1x16x128xf32, #tpu.memory_space<vmem>>
      %dma_start3A_1193 = tpu.memref_squeeze %dma_start3A_1192 : memref<1x16x128xf32, #tpu.memory_space<vmem>> -> memref<16x128xf32, #tpu.memory_space<vmem>>
      %dma_start3A_1194 = arith.constant 0 : i32
      %dma_start3A_1195 = arith.constant 0 : i32
      %dma_start3A_1196 = tpu.memref_slice %arg4[%dma_start3A_1194, %dma_start3A_1195] : memref<100000x128xf32, #tpu.memory_space<hbm>> -> memref<100000x128xf32, #tpu.memory_space<hbm>>
      tpu.enqueue_indirect_dma source(%dma_start3A_1193 : memref<16x128xf32, #tpu.memory_space<vmem>>) target(%dma_start3A_1196 : memref<100000x128xf32, #tpu.memory_space<hbm>>) offsets(%get3A_1188 : vector<16xi32>) semaphore(%arg26 : memref<!tpu.dma_semaphore, #tpu.memory_space<semaphore_mem>>)
      %mul3A_1197 = arith.constant 64 : i32
      %mul3A_1198 = arith.muli %add3A_1154, %mul3A_1197 : i32
      %add3A_1199 = arith.constant 48 : i32
      %add3A_1200 = arith.addi %mul3A_1198, %add3A_1199 : i32
      %get3A_1201 = arith.index_cast %add3A_1200 : i32 to index
      %get3A_1202 = tpu.vector_load %arg8[%get3A_1201] {strides = array<i32>} : memref<1632xi32, #tpu.memory_space<vmem>>, vector<16xi32>,
      %dma_start3A_1203 = arith.constant 3 : i32
      %dma_start3A_1204 = arith.constant 48 : i32
      %dma_start3A_1205 = arith.constant 0 : i32
      %dma_start3A_1206 = tpu.memref_slice %arg13[%dma_start3A_1203, %dma_start3A_1204, %dma_start3A_1205] : memref<4x64x128xf32, #tpu.memory_space<vmem>> -> memref<1x16x128xf32, #tpu.memory_space<vmem>>
      %dma_start3A_1207 = tpu.memref_squeeze %dma_start3A_1206 : memref<1x16x128xf32, #tpu.memory_space<vmem>> -> memref<16x128xf32, #tpu.memory_space<vmem>>
      %dma_start3A_1208 = arith.constant 0 : i32
      %dma_start3A_1209 = arith.constant 0 : i32
      %dma_start3A_1210 = tpu.memref_slice %arg4[%dma_start3A_1208, %dma_start3A_1209] : memref<100000x128xf32, #tpu.memory_space<hbm>> -> memref<100000x128xf32, #tpu.memory_space<hbm>>
      tpu.enqueue_indirect_dma source(%dma_start3A_1207 : memref<16x128xf32, #tpu.memory_space<vmem>>) target(%dma_start3A_1210 : memref<100000x128xf32, #tpu.memory_space<hbm>>) offsets(%get3A_1202 : vector<16xi32>) semaphore(%arg26 : memref<!tpu.dma_semaphore, #tpu.memory_space<semaphore_mem>>)
    }
    %gt3A = arith.constant 0 : i32
    %gt3A_773 = arith.cmpi sgt, %select_n3A_762, %gt3A : i32
    %convert_element_type3A = arith.extui %gt3A_773 : i1 to i32
    %cond3A = arith.constant 0 : i32
    %cond3A_774 = arith.cmpi ne, %convert_element_type3A, %cond3A : i32
    scf.if %cond3A_774 {
      %dma_wait3A_831 = arith.constant 0 : i32
      %dma_wait3A_832 = arith.constant 0 : i32
      %dma_wait3A_833 = arith.constant 0 : i32
      %dma_wait3A_834 = tpu.memref_slice %arg13[%dma_wait3A_831, %dma_wait3A_832, %dma_wait3A_833] : memref<4x64x128xf32, #tpu.memory_space<vmem>> -> memref<1x16x128xf32, #tpu.memory_space<vmem>>
      %dma_wait3A_835 = tpu.memref_squeeze %dma_wait3A_834 : memref<1x16x128xf32, #tpu.memory_space<vmem>> -> memref<16x128xf32, #tpu.memory_space<vmem>>
      %dma_wait3A_836 = arith.constant 0 : i32
      %dma_wait3A_837 = arith.constant 0 : i32
      %dma_wait3A_838 = tpu.memref_slice %arg4[%dma_wait3A_836, %dma_wait3A_837] : memref<100000x128xf32, #tpu.memory_space<hbm>> -> memref<16x128xf32, #tpu.memory_space<hbm>>
      %dma_wait3A_839 = arith.constant 0 : i32
      %dma_wait3A_840 = arith.constant 0 : i32
      %dma_wait3A_841 = tpu.memref_slice %arg4[%dma_wait3A_839, %dma_wait3A_840] : memref<100000x128xf32, #tpu.memory_space<hbm>> -> memref<16x128xf32, #tpu.memory_space<hbm>>
      %dma_wait3A_842 = arith.constant 0 : i32
      %dma_wait3A_843 = arith.constant 0 : i32
      %dma_wait3A_844 = tpu.memref_slice %arg13[%dma_wait3A_831, %dma_wait3A_842, %dma_wait3A_843] : memref<4x64x128xf32, #tpu.memory_space<vmem>> -> memref<1x16x128xf32, #tpu.memory_space<vmem>>
      %dma_wait3A_845 = tpu.memref_squeeze %dma_wait3A_844 : memref<1x16x128xf32, #tpu.memory_space<vmem>> -> memref<16x128xf32, #tpu.memory_space<vmem>>
      tpu.wait_dma2 semaphore(%arg23 : memref<!tpu.dma_semaphore, #tpu.memory_space<semaphore_mem>>) src(%dma_wait3A_845 : memref<16x128xf32, #tpu.memory_space<vmem>>) dst(%dma_wait3A_841 : memref<16x128xf32, #tpu.memory_space<hbm>>)
      %dma_wait3A_846 = arith.constant 0 : i32
      %dma_wait3A_847 = arith.constant 0 : i32
      %dma_wait3A_848 = arith.constant 0 : i32
      %dma_wait3A_849 = tpu.memref_slice %arg13[%dma_wait3A_846, %dma_wait3A_847, %dma_wait3A_848] : memref<4x64x128xf32, #tpu.memory_space<vmem>> -> memref<1x16x128xf32, #tpu.memory_space<vmem>>
      %dma_wait3A_850 = tpu.memref_squeeze %dma_wait3A_849 : memref<1x16x128xf32, #tpu.memory_space<vmem>> -> memref<16x128xf32, #tpu.memory_space<vmem>>
      %dma_wait3A_851 = arith.constant 0 : i32
      %dma_wait3A_852 = arith.constant 0 : i32
      %dma_wait3A_853 = tpu.memref_slice %arg4[%dma_wait3A_851, %dma_wait3A_852] : memref<100000x128xf32, #tpu.memory_space<hbm>> -> memref<16x128xf32, #tpu.memory_space<hbm>>
      %dma_wait3A_854 = arith.constant 0 : i32
      %dma_wait3A_855 = arith.constant 0 : i32
      %dma_wait3A_856 = tpu.memref_slice %arg4[%dma_wait3A_854, %dma_wait3A_855] : memref<100000x128xf32, #tpu.memory_space<hbm>> -> memref<16x128xf32, #tpu.memory_space<hbm>>
      %dma_wait3A_857 = arith.constant 0 : i32
      %dma_wait3A_858 = arith.constant 0 : i32
      %dma_wait3A_859 = tpu.memref_slice %arg13[%dma_wait3A_846, %dma_wait3A_857, %dma_wait3A_858] : memref<4x64x128xf32, #tpu.memory_space<vmem>> -> memref<1x16x128xf32, #tpu.memory_space<vmem>>
      %dma_wait3A_860 = tpu.memref_squeeze %dma_wait3A_859 : memref<1x16x128xf32, #tpu.memory_space<vmem>> -> memref<16x128xf32, #tpu.memory_space<vmem>>
      tpu.wait_dma2 semaphore(%arg23 : memref<!tpu.dma_semaphore, #tpu.memory_space<semaphore_mem>>) src(%dma_wait3A_860 : memref<16x128xf32, #tpu.memory_space<vmem>>) dst(%dma_wait3A_856 : memref<16x128xf32, #tpu.memory_space<hbm>>)
      %dma_wait3A_861 = arith.constant 0 : i32
      %dma_wait3A_862 = arith.constant 0 : i32
      %dma_wait3A_863 = arith.constant 0 : i32
      %dma_wait3A_864 = tpu.memref_slice %arg13[%dma_wait3A_861, %dma_wait3A_862, %dma_wait3A_863] : memref<4x64x128xf32, #tpu.memory_space<vmem>> -> memref<1x16x128xf32, #tpu.memory_space<vmem>>
      %dma_wait3A_865 = tpu.memref_squeeze %dma_wait3A_864 : memref<1x16x128xf32, #tpu.memory_space<vmem>> -> memref<16x128xf32, #tpu.memory_space<vmem>>
      %dma_wait3A_866 = arith.constant 0 : i32
      %dma_wait3A_867 = arith.constant 0 : i32
      %dma_wait3A_868 = tpu.memref_slice %arg4[%dma_wait3A_866, %dma_wait3A_867] : memref<100000x128xf32, #tpu.memory_space<hbm>> -> memref<16x128xf32, #tpu.memory_space<hbm>>
      %dma_wait3A_869 = arith.constant 0 : i32
      %dma_wait3A_870 = arith.constant 0 : i32
      %dma_wait3A_871 = tpu.memref_slice %arg4[%dma_wait3A_869, %dma_wait3A_870] : memref<100000x128xf32, #tpu.memory_space<hbm>> -> memref<16x128xf32, #tpu.memory_space<hbm>>
      %dma_wait3A_872 = arith.constant 0 : i32
      %dma_wait3A_873 = arith.constant 0 : i32
      %dma_wait3A_874 = tpu.memref_slice %arg13[%dma_wait3A_861, %dma_wait3A_872, %dma_wait3A_873] : memref<4x64x128xf32, #tpu.memory_space<vmem>> -> memref<1x16x128xf32, #tpu.memory_space<vmem>>
      %dma_wait3A_875 = tpu.memref_squeeze %dma_wait3A_874 : memref<1x16x128xf32, #tpu.memory_space<vmem>> -> memref<16x128xf32, #tpu.memory_space<vmem>>
      tpu.wait_dma2 semaphore(%arg23 : memref<!tpu.dma_semaphore, #tpu.memory_space<semaphore_mem>>) src(%dma_wait3A_875 : memref<16x128xf32, #tpu.memory_space<vmem>>) dst(%dma_wait3A_871 : memref<16x128xf32, #tpu.memory_space<hbm>>)
      %dma_wait3A_876 = arith.constant 0 : i32
      %dma_wait3A_877 = arith.constant 0 : i32
      %dma_wait3A_878 = arith.constant 0 : i32
      %dma_wait3A_879 = tpu.memref_slice %arg13[%dma_wait3A_876, %dma_wait3A_877, %dma_wait3A_878] : memref<4x64x128xf32, #tpu.memory_space<vmem>> -> memref<1x16x128xf32, #tpu.memory_space<vmem>>
      %dma_wait3A_880 = tpu.memref_squeeze %dma_wait3A_879 : memref<1x16x128xf32, #tpu.memory_space<vmem>> -> memref<16x128xf32, #tpu.memory_space<vmem>>
      %dma_wait3A_881 = arith.constant 0 : i32
      %dma_wait3A_882 = arith.constant 0 : i32
      %dma_wait3A_883 = tpu.memref_slice %arg4[%dma_wait3A_881, %dma_wait3A_882] : memref<100000x128xf32, #tpu.memory_space<hbm>> -> memref<16x128xf32, #tpu.memory_space<hbm>>
      %dma_wait3A_884 = arith.constant 0 : i32
      %dma_wait3A_885 = arith.constant 0 : i32
      %dma_wait3A_886 = tpu.memref_slice %arg4[%dma_wait3A_884, %dma_wait3A_885] : memref<100000x128xf32, #tpu.memory_space<hbm>> -> memref<16x128xf32, #tpu.memory_space<hbm>>
      %dma_wait3A_887 = arith.constant 0 : i32
      %dma_wait3A_888 = arith.constant 0 : i32
      %dma_wait3A_889 = tpu.memref_slice %arg13[%dma_wait3A_876, %dma_wait3A_887, %dma_wait3A_888] : memref<4x64x128xf32, #tpu.memory_space<vmem>> -> memref<1x16x128xf32, #tpu.memory_space<vmem>>
      %dma_wait3A_890 = tpu.memref_squeeze %dma_wait3A_889 : memref<1x16x128xf32, #tpu.memory_space<vmem>> -> memref<16x128xf32, #tpu.memory_space<vmem>>
      tpu.wait_dma2 semaphore(%arg23 : memref<!tpu.dma_semaphore, #tpu.memory_space<semaphore_mem>>) src(%dma_wait3A_890 : memref<16x128xf32, #tpu.memory_space<vmem>>) dst(%dma_wait3A_886 : memref<16x128xf32, #tpu.memory_space<hbm>>)
    } else {
    }
    %gt3A_775 = arith.constant 0 : i32
    %gt3A_776 = arith.cmpi sgt, %select_n3A_762, %gt3A_775 : i32
    %convert_element_type3A_777 = arith.extui %gt3A_776 : i1 to i32
    %cond3A_778 = arith.constant 0 : i32
    %cond3A_779 = arith.cmpi ne, %convert_element_type3A_777, %cond3A_778 : i32
    scf.if %cond3A_779 {
      %dma_wait3A_831 = arith.constant 1 : i32
      %dma_wait3A_832 = arith.constant 0 : i32
      %dma_wait3A_833 = arith.constant 0 : i32
      %dma_wait3A_834 = tpu.memref_slice %arg13[%dma_wait3A_831, %dma_wait3A_832, %dma_wait3A_833] : memref<4x64x128xf32, #tpu.memory_space<vmem>> -> memref<1x16x128xf32, #tpu.memory_space<vmem>>
      %dma_wait3A_835 = tpu.memref_squeeze %dma_wait3A_834 : memref<1x16x128xf32, #tpu.memory_space<vmem>> -> memref<16x128xf32, #tpu.memory_space<vmem>>
      %dma_wait3A_836 = arith.constant 0 : i32
      %dma_wait3A_837 = arith.constant 0 : i32
      %dma_wait3A_838 = tpu.memref_slice %arg4[%dma_wait3A_836, %dma_wait3A_837] : memref<100000x128xf32, #tpu.memory_space<hbm>> -> memref<16x128xf32, #tpu.memory_space<hbm>>
      %dma_wait3A_839 = arith.constant 0 : i32
      %dma_wait3A_840 = arith.constant 0 : i32
      %dma_wait3A_841 = tpu.memref_slice %arg4[%dma_wait3A_839, %dma_wait3A_840] : memref<100000x128xf32, #tpu.memory_space<hbm>> -> memref<16x128xf32, #tpu.memory_space<hbm>>
      %dma_wait3A_842 = arith.constant 0 : i32
      %dma_wait3A_843 = arith.constant 0 : i32
      %dma_wait3A_844 = tpu.memref_slice %arg13[%dma_wait3A_831, %dma_wait3A_842, %dma_wait3A_843] : memref<4x64x128xf32, #tpu.memory_space<vmem>> -> memref<1x16x128xf32, #tpu.memory_space<vmem>>
      %dma_wait3A_845 = tpu.memref_squeeze %dma_wait3A_844 : memref<1x16x128xf32, #tpu.memory_space<vmem>> -> memref<16x128xf32, #tpu.memory_space<vmem>>
      tpu.wait_dma2 semaphore(%arg24 : memref<!tpu.dma_semaphore, #tpu.memory_space<semaphore_mem>>) src(%dma_wait3A_845 : memref<16x128xf32, #tpu.memory_space<vmem>>) dst(%dma_wait3A_841 : memref<16x128xf32, #tpu.memory_space<hbm>>)
      %dma_wait3A_846 = arith.constant 1 : i32
      %dma_wait3A_847 = arith.constant 0 : i32
      %dma_wait3A_848 = arith.constant 0 : i32
      %dma_wait3A_849 = tpu.memref_slice %arg13[%dma_wait3A_846, %dma_wait3A_847, %dma_wait3A_848] : memref<4x64x128xf32, #tpu.memory_space<vmem>> -> memref<1x16x128xf32, #tpu.memory_space<vmem>>
      %dma_wait3A_850 = tpu.memref_squeeze %dma_wait3A_849 : memref<1x16x128xf32, #tpu.memory_space<vmem>> -> memref<16x128xf32, #tpu.memory_space<vmem>>
      %dma_wait3A_851 = arith.constant 0 : i32
      %dma_wait3A_852 = arith.constant 0 : i32
      %dma_wait3A_853 = tpu.memref_slice %arg4[%dma_wait3A_851, %dma_wait3A_852] : memref<100000x128xf32, #tpu.memory_space<hbm>> -> memref<16x128xf32, #tpu.memory_space<hbm>>
      %dma_wait3A_854 = arith.constant 0 : i32
      %dma_wait3A_855 = arith.constant 0 : i32
      %dma_wait3A_856 = tpu.memref_slice %arg4[%dma_wait3A_854, %dma_wait3A_855] : memref<100000x128xf32, #tpu.memory_space<hbm>> -> memref<16x128xf32, #tpu.memory_space<hbm>>
      %dma_wait3A_857 = arith.constant 0 : i32
      %dma_wait3A_858 = arith.constant 0 : i32
      %dma_wait3A_859 = tpu.memref_slice %arg13[%dma_wait3A_846, %dma_wait3A_857, %dma_wait3A_858] : memref<4x64x128xf32, #tpu.memory_space<vmem>> -> memref<1x16x128xf32, #tpu.memory_space<vmem>>
      %dma_wait3A_860 = tpu.memref_squeeze %dma_wait3A_859 : memref<1x16x128xf32, #tpu.memory_space<vmem>> -> memref<16x128xf32, #tpu.memory_space<vmem>>
      tpu.wait_dma2 semaphore(%arg24 : memref<!tpu.dma_semaphore, #tpu.memory_space<semaphore_mem>>) src(%dma_wait3A_860 : memref<16x128xf32, #tpu.memory_space<vmem>>) dst(%dma_wait3A_856 : memref<16x128xf32, #tpu.memory_space<hbm>>)
      %dma_wait3A_861 = arith.constant 1 : i32
      %dma_wait3A_862 = arith.constant 0 : i32
      %dma_wait3A_863 = arith.constant 0 : i32
      %dma_wait3A_864 = tpu.memref_slice %arg13[%dma_wait3A_861, %dma_wait3A_862, %dma_wait3A_863] : memref<4x64x128xf32, #tpu.memory_space<vmem>> -> memref<1x16x128xf32, #tpu.memory_space<vmem>>
      %dma_wait3A_865 = tpu.memref_squeeze %dma_wait3A_864 : memref<1x16x128xf32, #tpu.memory_space<vmem>> -> memref<16x128xf32, #tpu.memory_space<vmem>>
      %dma_wait3A_866 = arith.constant 0 : i32
      %dma_wait3A_867 = arith.constant 0 : i32
      %dma_wait3A_868 = tpu.memref_slice %arg4[%dma_wait3A_866, %dma_wait3A_867] : memref<100000x128xf32, #tpu.memory_space<hbm>> -> memref<16x128xf32, #tpu.memory_space<hbm>>
      %dma_wait3A_869 = arith.constant 0 : i32
      %dma_wait3A_870 = arith.constant 0 : i32
      %dma_wait3A_871 = tpu.memref_slice %arg4[%dma_wait3A_869, %dma_wait3A_870] : memref<100000x128xf32, #tpu.memory_space<hbm>> -> memref<16x128xf32, #tpu.memory_space<hbm>>
      %dma_wait3A_872 = arith.constant 0 : i32
      %dma_wait3A_873 = arith.constant 0 : i32
      %dma_wait3A_874 = tpu.memref_slice %arg13[%dma_wait3A_861, %dma_wait3A_872, %dma_wait3A_873] : memref<4x64x128xf32, #tpu.memory_space<vmem>> -> memref<1x16x128xf32, #tpu.memory_space<vmem>>
      %dma_wait3A_875 = tpu.memref_squeeze %dma_wait3A_874 : memref<1x16x128xf32, #tpu.memory_space<vmem>> -> memref<16x128xf32, #tpu.memory_space<vmem>>
      tpu.wait_dma2 semaphore(%arg24 : memref<!tpu.dma_semaphore, #tpu.memory_space<semaphore_mem>>) src(%dma_wait3A_875 : memref<16x128xf32, #tpu.memory_space<vmem>>) dst(%dma_wait3A_871 : memref<16x128xf32, #tpu.memory_space<hbm>>)
      %dma_wait3A_876 = arith.constant 1 : i32
      %dma_wait3A_877 = arith.constant 0 : i32
      %dma_wait3A_878 = arith.constant 0 : i32
      %dma_wait3A_879 = tpu.memref_slice %arg13[%dma_wait3A_876, %dma_wait3A_877, %dma_wait3A_878] : memref<4x64x128xf32, #tpu.memory_space<vmem>> -> memref<1x16x128xf32, #tpu.memory_space<vmem>>
      %dma_wait3A_880 = tpu.memref_squeeze %dma_wait3A_879 : memref<1x16x128xf32, #tpu.memory_space<vmem>> -> memref<16x128xf32, #tpu.memory_space<vmem>>
      %dma_wait3A_881 = arith.constant 0 : i32
      %dma_wait3A_882 = arith.constant 0 : i32
      %dma_wait3A_883 = tpu.memref_slice %arg4[%dma_wait3A_881, %dma_wait3A_882] : memref<100000x128xf32, #tpu.memory_space<hbm>> -> memref<16x128xf32, #tpu.memory_space<hbm>>
      %dma_wait3A_884 = arith.constant 0 : i32
      %dma_wait3A_885 = arith.constant 0 : i32
      %dma_wait3A_886 = tpu.memref_slice %arg4[%dma_wait3A_884, %dma_wait3A_885] : memref<100000x128xf32, #tpu.memory_space<hbm>> -> memref<16x128xf32, #tpu.memory_space<hbm>>
      %dma_wait3A_887 = arith.constant 0 : i32
      %dma_wait3A_888 = arith.constant 0 : i32
      %dma_wait3A_889 = tpu.memref_slice %arg13[%dma_wait3A_876, %dma_wait3A_887, %dma_wait3A_888] : memref<4x64x128xf32, #tpu.memory_space<vmem>> -> memref<1x16x128xf32, #tpu.memory_space<vmem>>
      %dma_wait3A_890 = tpu.memref_squeeze %dma_wait3A_889 : memref<1x16x128xf32, #tpu.memory_space<vmem>> -> memref<16x128xf32, #tpu.memory_space<vmem>>
      tpu.wait_dma2 semaphore(%arg24 : memref<!tpu.dma_semaphore, #tpu.memory_space<semaphore_mem>>) src(%dma_wait3A_890 : memref<16x128xf32, #tpu.memory_space<vmem>>) dst(%dma_wait3A_886 : memref<16x128xf32, #tpu.memory_space<hbm>>)
    } else {
    }
    %gt3A_780 = arith.constant 0 : i32
    %gt3A_781 = arith.cmpi sgt, %select_n3A_762, %gt3A_780 : i32
    %convert_element_type3A_782 = arith.extui %gt3A_781 : i1 to i32
    %cond3A_783 = arith.constant 0 : i32
    %cond3A_784 = arith.cmpi ne, %convert_element_type3A_782, %cond3A_783 : i32
    scf.if %cond3A_784 {
      %dma_wait3A_831 = arith.constant 2 : i32
      %dma_wait3A_832 = arith.constant 0 : i32
      %dma_wait3A_833 = arith.constant 0 : i32
      %dma_wait3A_834 = tpu.memref_slice %arg13[%dma_wait3A_831, %dma_wait3A_832, %dma_wait3A_833] : memref<4x64x128xf32, #tpu.memory_space<vmem>> -> memref<1x16x128xf32, #tpu.memory_space<vmem>>
      %dma_wait3A_835 = tpu.memref_squeeze %dma_wait3A_834 : memref<1x16x128xf32, #tpu.memory_space<vmem>> -> memref<16x128xf32, #tpu.memory_space<vmem>>
      %dma_wait3A_836 = arith.constant 0 : i32
      %dma_wait3A_837 = arith.constant 0 : i32
      %dma_wait3A_838 = tpu.memref_slice %arg4[%dma_wait3A_836, %dma_wait3A_837] : memref<100000x128xf32, #tpu.memory_space<hbm>> -> memref<16x128xf32, #tpu.memory_space<hbm>>
      %dma_wait3A_839 = arith.constant 0 : i32
      %dma_wait3A_840 = arith.constant 0 : i32
      %dma_wait3A_841 = tpu.memref_slice %arg4[%dma_wait3A_839, %dma_wait3A_840] : memref<100000x128xf32, #tpu.memory_space<hbm>> -> memref<16x128xf32, #tpu.memory_space<hbm>>
      %dma_wait3A_842 = arith.constant 0 : i32
      %dma_wait3A_843 = arith.constant 0 : i32
      %dma_wait3A_844 = tpu.memref_slice %arg13[%dma_wait3A_831, %dma_wait3A_842, %dma_wait3A_843] : memref<4x64x128xf32, #tpu.memory_space<vmem>> -> memref<1x16x128xf32, #tpu.memory_space<vmem>>
      %dma_wait3A_845 = tpu.memref_squeeze %dma_wait3A_844 : memref<1x16x128xf32, #tpu.memory_space<vmem>> -> memref<16x128xf32, #tpu.memory_space<vmem>>
      tpu.wait_dma2 semaphore(%arg25 : memref<!tpu.dma_semaphore, #tpu.memory_space<semaphore_mem>>) src(%dma_wait3A_845 : memref<16x128xf32, #tpu.memory_space<vmem>>) dst(%dma_wait3A_841 : memref<16x128xf32, #tpu.memory_space<hbm>>)
      %dma_wait3A_846 = arith.constant 2 : i32
      %dma_wait3A_847 = arith.constant 0 : i32
      %dma_wait3A_848 = arith.constant 0 : i32
      %dma_wait3A_849 = tpu.memref_slice %arg13[%dma_wait3A_846, %dma_wait3A_847, %dma_wait3A_848] : memref<4x64x128xf32, #tpu.memory_space<vmem>> -> memref<1x16x128xf32, #tpu.memory_space<vmem>>
      %dma_wait3A_850 = tpu.memref_squeeze %dma_wait3A_849 : memref<1x16x128xf32, #tpu.memory_space<vmem>> -> memref<16x128xf32, #tpu.memory_space<vmem>>
      %dma_wait3A_851 = arith.constant 0 : i32
      %dma_wait3A_852 = arith.constant 0 : i32
      %dma_wait3A_853 = tpu.memref_slice %arg4[%dma_wait3A_851, %dma_wait3A_852] : memref<100000x128xf32, #tpu.memory_space<hbm>> -> memref<16x128xf32, #tpu.memory_space<hbm>>
      %dma_wait3A_854 = arith.constant 0 : i32
      %dma_wait3A_855 = arith.constant 0 : i32
      %dma_wait3A_856 = tpu.memref_slice %arg4[%dma_wait3A_854, %dma_wait3A_855] : memref<100000x128xf32, #tpu.memory_space<hbm>> -> memref<16x128xf32, #tpu.memory_space<hbm>>
      %dma_wait3A_857 = arith.constant 0 : i32
      %dma_wait3A_858 = arith.constant 0 : i32
      %dma_wait3A_859 = tpu.memref_slice %arg13[%dma_wait3A_846, %dma_wait3A_857, %dma_wait3A_858] : memref<4x64x128xf32, #tpu.memory_space<vmem>> -> memref<1x16x128xf32, #tpu.memory_space<vmem>>
      %dma_wait3A_860 = tpu.memref_squeeze %dma_wait3A_859 : memref<1x16x128xf32, #tpu.memory_space<vmem>> -> memref<16x128xf32, #tpu.memory_space<vmem>>
      tpu.wait_dma2 semaphore(%arg25 : memref<!tpu.dma_semaphore, #tpu.memory_space<semaphore_mem>>) src(%dma_wait3A_860 : memref<16x128xf32, #tpu.memory_space<vmem>>) dst(%dma_wait3A_856 : memref<16x128xf32, #tpu.memory_space<hbm>>)
      %dma_wait3A_861 = arith.constant 2 : i32
      %dma_wait3A_862 = arith.constant 0 : i32
      %dma_wait3A_863 = arith.constant 0 : i32
      %dma_wait3A_864 = tpu.memref_slice %arg13[%dma_wait3A_861, %dma_wait3A_862, %dma_wait3A_863] : memref<4x64x128xf32, #tpu.memory_space<vmem>> -> memref<1x16x128xf32, #tpu.memory_space<vmem>>
      %dma_wait3A_865 = tpu.memref_squeeze %dma_wait3A_864 : memref<1x16x128xf32, #tpu.memory_space<vmem>> -> memref<16x128xf32, #tpu.memory_space<vmem>>
      %dma_wait3A_866 = arith.constant 0 : i32
      %dma_wait3A_867 = arith.constant 0 : i32
      %dma_wait3A_868 = tpu.memref_slice %arg4[%dma_wait3A_866, %dma_wait3A_867] : memref<100000x128xf32, #tpu.memory_space<hbm>> -> memref<16x128xf32, #tpu.memory_space<hbm>>
      %dma_wait3A_869 = arith.constant 0 : i32
      %dma_wait3A_870 = arith.constant 0 : i32
      %dma_wait3A_871 = tpu.memref_slice %arg4[%dma_wait3A_869, %dma_wait3A_870] : memref<100000x128xf32, #tpu.memory_space<hbm>> -> memref<16x128xf32, #tpu.memory_space<hbm>>
      %dma_wait3A_872 = arith.constant 0 : i32
      %dma_wait3A_873 = arith.constant 0 : i32
      %dma_wait3A_874 = tpu.memref_slice %arg13[%dma_wait3A_861, %dma_wait3A_872, %dma_wait3A_873] : memref<4x64x128xf32, #tpu.memory_space<vmem>> -> memref<1x16x128xf32, #tpu.memory_space<vmem>>
      %dma_wait3A_875 = tpu.memref_squeeze %dma_wait3A_874 : memref<1x16x128xf32, #tpu.memory_space<vmem>> -> memref<16x128xf32, #tpu.memory_space<vmem>>
      tpu.wait_dma2 semaphore(%arg25 : memref<!tpu.dma_semaphore, #tpu.memory_space<semaphore_mem>>) src(%dma_wait3A_875 : memref<16x128xf32, #tpu.memory_space<vmem>>) dst(%dma_wait3A_871 : memref<16x128xf32, #tpu.memory_space<hbm>>)
      %dma_wait3A_876 = arith.constant 2 : i32
      %dma_wait3A_877 = arith.constant 0 : i32
      %dma_wait3A_878 = arith.constant 0 : i32
      %dma_wait3A_879 = tpu.memref_slice %arg13[%dma_wait3A_876, %dma_wait3A_877, %dma_wait3A_878] : memref<4x64x128xf32, #tpu.memory_space<vmem>> -> memref<1x16x128xf32, #tpu.memory_space<vmem>>
      %dma_wait3A_880 = tpu.memref_squeeze %dma_wait3A_879 : memref<1x16x128xf32, #tpu.memory_space<vmem>> -> memref<16x128xf32, #tpu.memory_space<vmem>>
      %dma_wait3A_881 = arith.constant 0 : i32
      %dma_wait3A_882 = arith.constant 0 : i32
      %dma_wait3A_883 = tpu.memref_slice %arg4[%dma_wait3A_881, %dma_wait3A_882] : memref<100000x128xf32, #tpu.memory_space<hbm>> -> memref<16x128xf32, #tpu.memory_space<hbm>>
      %dma_wait3A_884 = arith.constant 0 : i32
      %dma_wait3A_885 = arith.constant 0 : i32
      %dma_wait3A_886 = tpu.memref_slice %arg4[%dma_wait3A_884, %dma_wait3A_885] : memref<100000x128xf32, #tpu.memory_space<hbm>> -> memref<16x128xf32, #tpu.memory_space<hbm>>
      %dma_wait3A_887 = arith.constant 0 : i32
      %dma_wait3A_888 = arith.constant 0 : i32
      %dma_wait3A_889 = tpu.memref_slice %arg13[%dma_wait3A_876, %dma_wait3A_887, %dma_wait3A_888] : memref<4x64x128xf32, #tpu.memory_space<vmem>> -> memref<1x16x128xf32, #tpu.memory_space<vmem>>
      %dma_wait3A_890 = tpu.memref_squeeze %dma_wait3A_889 : memref<1x16x128xf32, #tpu.memory_space<vmem>> -> memref<16x128xf32, #tpu.memory_space<vmem>>
      tpu.wait_dma2 semaphore(%arg25 : memref<!tpu.dma_semaphore, #tpu.memory_space<semaphore_mem>>) src(%dma_wait3A_890 : memref<16x128xf32, #tpu.memory_space<vmem>>) dst(%dma_wait3A_886 : memref<16x128xf32, #tpu.memory_space<hbm>>)
    } else {
    }
    %gt3A_785 = arith.constant 0 : i32
    %gt3A_786 = arith.cmpi sgt, %select_n3A_762, %gt3A_785 : i32
    %convert_element_type3A_787 = arith.extui %gt3A_786 : i1 to i32
    %cond3A_788 = arith.constant 0 : i32
    %cond3A_789 = arith.cmpi ne, %convert_element_type3A_787, %cond3A_788 : i32
    scf.if %cond3A_789 {
      %dma_wait3A_831 = arith.constant 3 : i32
      %dma_wait3A_832 = arith.constant 0 : i32
      %dma_wait3A_833 = arith.constant 0 : i32
      %dma_wait3A_834 = tpu.memref_slice %arg13[%dma_wait3A_831, %dma_wait3A_832, %dma_wait3A_833] : memref<4x64x128xf32, #tpu.memory_space<vmem>> -> memref<1x16x128xf32, #tpu.memory_space<vmem>>
      %dma_wait3A_835 = tpu.memref_squeeze %dma_wait3A_834 : memref<1x16x128xf32, #tpu.memory_space<vmem>> -> memref<16x128xf32, #tpu.memory_space<vmem>>
      %dma_wait3A_836 = arith.constant 0 : i32
      %dma_wait3A_837 = arith.constant 0 : i32
      %dma_wait3A_838 = tpu.memref_slice %arg4[%dma_wait3A_836, %dma_wait3A_837] : memref<100000x128xf32, #tpu.memory_space<hbm>> -> memref<16x128xf32, #tpu.memory_space<hbm>>
      %dma_wait3A_839 = arith.constant 0 : i32
      %dma_wait3A_840 = arith.constant 0 : i32
      %dma_wait3A_841 = tpu.memref_slice %arg4[%dma_wait3A_839, %dma_wait3A_840] : memref<100000x128xf32, #tpu.memory_space<hbm>> -> memref<16x128xf32, #tpu.memory_space<hbm>>
      %dma_wait3A_842 = arith.constant 0 : i32
      %dma_wait3A_843 = arith.constant 0 : i32
      %dma_wait3A_844 = tpu.memref_slice %arg13[%dma_wait3A_831, %dma_wait3A_842, %dma_wait3A_843] : memref<4x64x128xf32, #tpu.memory_space<vmem>> -> memref<1x16x128xf32, #tpu.memory_space<vmem>>
      %dma_wait3A_845 = tpu.memref_squeeze %dma_wait3A_844 : memref<1x16x128xf32, #tpu.memory_space<vmem>> -> memref<16x128xf32, #tpu.memory_space<vmem>>
      tpu.wait_dma2 semaphore(%arg26 : memref<!tpu.dma_semaphore, #tpu.memory_space<semaphore_mem>>) src(%dma_wait3A_845 : memref<16x128xf32, #tpu.memory_space<vmem>>) dst(%dma_wait3A_841 : memref<16x128xf32, #tpu.memory_space<hbm>>)
      %dma_wait3A_846 = arith.constant 3 : i32
      %dma_wait3A_847 = arith.constant 0 : i32
      %dma_wait3A_848 = arith.constant 0 : i32
      %dma_wait3A_849 = tpu.memref_slice %arg13[%dma_wait3A_846, %dma_wait3A_847, %dma_wait3A_848] : memref<4x64x128xf32, #tpu.memory_space<vmem>> -> memref<1x16x128xf32, #tpu.memory_space<vmem>>
      %dma_wait3A_850 = tpu.memref_squeeze %dma_wait3A_849 : memref<1x16x128xf32, #tpu.memory_space<vmem>> -> memref<16x128xf32, #tpu.memory_space<vmem>>
      %dma_wait3A_851 = arith.constant 0 : i32
      %dma_wait3A_852 = arith.constant 0 : i32
      %dma_wait3A_853 = tpu.memref_slice %arg4[%dma_wait3A_851, %dma_wait3A_852] : memref<100000x128xf32, #tpu.memory_space<hbm>> -> memref<16x128xf32, #tpu.memory_space<hbm>>
      %dma_wait3A_854 = arith.constant 0 : i32
      %dma_wait3A_855 = arith.constant 0 : i32
      %dma_wait3A_856 = tpu.memref_slice %arg4[%dma_wait3A_854, %dma_wait3A_855] : memref<100000x128xf32, #tpu.memory_space<hbm>> -> memref<16x128xf32, #tpu.memory_space<hbm>>
      %dma_wait3A_857 = arith.constant 0 : i32
      %dma_wait3A_858 = arith.constant 0 : i32
      %dma_wait3A_859 = tpu.memref_slice %arg13[%dma_wait3A_846, %dma_wait3A_857, %dma_wait3A_858] : memref<4x64x128xf32, #tpu.memory_space<vmem>> -> memref<1x16x128xf32, #tpu.memory_space<vmem>>
      %dma_wait3A_860 = tpu.memref_squeeze %dma_wait3A_859 : memref<1x16x128xf32, #tpu.memory_space<vmem>> -> memref<16x128xf32, #tpu.memory_space<vmem>>
      tpu.wait_dma2 semaphore(%arg26 : memref<!tpu.dma_semaphore, #tpu.memory_space<semaphore_mem>>) src(%dma_wait3A_860 : memref<16x128xf32, #tpu.memory_space<vmem>>) dst(%dma_wait3A_856 : memref<16x128xf32, #tpu.memory_space<hbm>>)
      %dma_wait3A_861 = arith.constant 3 : i32
      %dma_wait3A_862 = arith.constant 0 : i32
      %dma_wait3A_863 = arith.constant 0 : i32
      %dma_wait3A_864 = tpu.memref_slice %arg13[%dma_wait3A_861, %dma_wait3A_862, %dma_wait3A_863] : memref<4x64x128xf32, #tpu.memory_space<vmem>> -> memref<1x16x128xf32, #tpu.memory_space<vmem>>
      %dma_wait3A_865 = tpu.memref_squeeze %dma_wait3A_864 : memref<1x16x128xf32, #tpu.memory_space<vmem>> -> memref<16x128xf32, #tpu.memory_space<vmem>>
      %dma_wait3A_866 = arith.constant 0 : i32
      %dma_wait3A_867 = arith.constant 0 : i32
      %dma_wait3A_868 = tpu.memref_slice %arg4[%dma_wait3A_866, %dma_wait3A_867] : memref<100000x128xf32, #tpu.memory_space<hbm>> -> memref<16x128xf32, #tpu.memory_space<hbm>>
      %dma_wait3A_869 = arith.constant 0 : i32
      %dma_wait3A_870 = arith.constant 0 : i32
      %dma_wait3A_871 = tpu.memref_slice %arg4[%dma_wait3A_869, %dma_wait3A_870] : memref<100000x128xf32, #tpu.memory_space<hbm>> -> memref<16x128xf32, #tpu.memory_space<hbm>>
      %dma_wait3A_872 = arith.constant 0 : i32
      %dma_wait3A_873 = arith.constant 0 : i32
      %dma_wait3A_874 = tpu.memref_slice %arg13[%dma_wait3A_861, %dma_wait3A_872, %dma_wait3A_873] : memref<4x64x128xf32, #tpu.memory_space<vmem>> -> memref<1x16x128xf32, #tpu.memory_space<vmem>>
      %dma_wait3A_875 = tpu.memref_squeeze %dma_wait3A_874 : memref<1x16x128xf32, #tpu.memory_space<vmem>> -> memref<16x128xf32, #tpu.memory_space<vmem>>
      tpu.wait_dma2 semaphore(%arg26 : memref<!tpu.dma_semaphore, #tpu.memory_space<semaphore_mem>>) src(%dma_wait3A_875 : memref<16x128xf32, #tpu.memory_space<vmem>>) dst(%dma_wait3A_871 : memref<16x128xf32, #tpu.memory_space<hbm>>)
      %dma_wait3A_876 = arith.constant 3 : i32
      %dma_wait3A_877 = arith.constant 0 : i32
      %dma_wait3A_878 = arith.constant 0 : i32
      %dma_wait3A_879 = tpu.memref_slice %arg13[%dma_wait3A_876, %dma_wait3A_877, %dma_wait3A_878] : memref<4x64x128xf32, #tpu.memory_space<vmem>> -> memref<1x16x128xf32, #tpu.memory_space<vmem>>
      %dma_wait3A_880 = tpu.memref_squeeze %dma_wait3A_879 : memref<1x16x128xf32, #tpu.memory_space<vmem>> -> memref<16x128xf32, #tpu.memory_space<vmem>>
      %dma_wait3A_881 = arith.constant 0 : i32
      %dma_wait3A_882 = arith.constant 0 : i32
      %dma_wait3A_883 = tpu.memref_slice %arg4[%dma_wait3A_881, %dma_wait3A_882] : memref<100000x128xf32, #tpu.memory_space<hbm>> -> memref<16x128xf32, #tpu.memory_space<hbm>>
      %dma_wait3A_884 = arith.constant 0 : i32
      %dma_wait3A_885 = arith.constant 0 : i32
      %dma_wait3A_886 = tpu.memref_slice %arg4[%dma_wait3A_884, %dma_wait3A_885] : memref<100000x128xf32, #tpu.memory_space<hbm>> -> memref<16x128xf32, #tpu.memory_space<hbm>>
      %dma_wait3A_887 = arith.constant 0 : i32
      %dma_wait3A_888 = arith.constant 0 : i32
      %dma_wait3A_889 = tpu.memref_slice %arg13[%dma_wait3A_876, %dma_wait3A_887, %dma_wait3A_888] : memref<4x64x128xf32, #tpu.memory_space<vmem>> -> memref<1x16x128xf32, #tpu.memory_space<vmem>>
      %dma_wait3A_890 = tpu.memref_squeeze %dma_wait3A_889 : memref<1x16x128xf32, #tpu.memory_space<vmem>> -> memref<16x128xf32, #tpu.memory_space<vmem>>
      tpu.wait_dma2 semaphore(%arg26 : memref<!tpu.dma_semaphore, #tpu.memory_space<semaphore_mem>>) src(%dma_wait3A_890 : memref<16x128xf32, #tpu.memory_space<vmem>>) dst(%dma_wait3A_886 : memref<16x128xf32, #tpu.memory_space<hbm>>)
    } else {
    }
    %mul3A_790 = arith.constant 4 : i32
    %mul3A_791 = arith.muli %select_n3A_762, %mul3A_790 : i32
    %while3A_792 = arith.constant 0 : i32
    %while3A_793 = arith.subi %select_n3A_650, %mul3A_791 : i32
    %while3A_794 = arith.addi %mul3A_791, %while3A_793 : i32
    %while3A_795 = arith.constant 1 : i32
    %while3A_796 = arith.divsi %while3A_793, %while3A_795 : i32
    %while3A_797 = arith.muli %while3A_796, %while3A_795 : i32
    %while3A_798 = arith.addi %mul3A_791, %while3A_797 : i32
    %while3A_799 = arith.constant 1 : i32
    scf.for %while3A_831 = %mul3A_791 to %while3A_798 step %while3A_799  : i32 {
      %mul3A_832 = arith.constant 64 : i32
      %mul3A_833 = arith.muli %while3A_831, %mul3A_832 : i32
      %dma_start3A_834 = arith.constant 0 : i32
      %dma_start3A_835 = arith.constant 0 : i32
      %dma_start3A_836 = arith.constant 0 : i32
      %dma_start3A_837 = tpu.memref_slice %arg13[%dma_start3A_834, %dma_start3A_835, %dma_start3A_836] : memref<4x64x128xf32, #tpu.memory_space<vmem>> -> memref<1x64x128xf32, #tpu.memory_space<vmem>>
      %dma_start3A_838 = tpu.memref_squeeze %dma_start3A_837 : memref<1x64x128xf32, #tpu.memory_space<vmem>> -> memref<64x128xf32, #tpu.memory_space<vmem>>
      %dma_start3A_839 = tpu.memref_slice %arg10[%mul3A_833] : memref<1696xi32, #tpu.memory_space<vmem>> -> memref<64xi32, #tpu.memory_space<vmem>>
      %dma_start3A_840 = arith.constant 0 : i32
      %dma_start3A_841 = arith.constant 0 : i32
      %dma_start3A_842 = tpu.memref_slice %arg2[%dma_start3A_840, %dma_start3A_841] : memref<50000x128xf32, #tpu.memory_space<hbm>> -> memref<50000x128xf32, #tpu.memory_space<hbm>>
      tpu.enqueue_indirect_dma source(%dma_start3A_842 : memref<50000x128xf32, #tpu.memory_space<hbm>>) target(%dma_start3A_838 : memref<64x128xf32, #tpu.memory_space<vmem>>) offsets(%dma_start3A_839 : memref<64xi32, #tpu.memory_space<vmem>>) semaphore(%arg19 : memref<!tpu.dma_semaphore, #tpu.memory_space<semaphore_mem>>)
      %dma_wait3A_843 = arith.constant 0 : i32
      %dma_wait3A_844 = arith.constant 0 : i32
      %dma_wait3A_845 = arith.constant 0 : i32
      %dma_wait3A_846 = tpu.memref_slice %arg13[%dma_wait3A_843, %dma_wait3A_844, %dma_wait3A_845] : memref<4x64x128xf32, #tpu.memory_space<vmem>> -> memref<1x64x128xf32, #tpu.memory_space<vmem>>
      %dma_wait3A_847 = tpu.memref_squeeze %dma_wait3A_846 : memref<1x64x128xf32, #tpu.memory_space<vmem>> -> memref<64x128xf32, #tpu.memory_space<vmem>>
      %dma_wait3A_848 = tpu.memref_slice %arg10[%mul3A_833] : memref<1696xi32, #tpu.memory_space<vmem>> -> memref<64xi32, #tpu.memory_space<vmem>>
      %dma_wait3A_849 = arith.constant 0 : i32
      %dma_wait3A_850 = arith.constant 0 : i32
      %dma_wait3A_851 = tpu.memref_slice %arg2[%dma_wait3A_849, %dma_wait3A_850] : memref<50000x128xf32, #tpu.memory_space<hbm>> -> memref<50000x128xf32, #tpu.memory_space<hbm>>
      tpu.wait_indirect_dma semaphore(%arg19 : memref<!tpu.dma_semaphore, #tpu.memory_space<semaphore_mem>>) src(%dma_wait3A_851 : memref<50000x128xf32, #tpu.memory_space<hbm>>) dst(%dma_wait3A_847 : memref<64x128xf32, #tpu.memory_space<vmem>>)
      %mul3A_852 = arith.constant 64 : i32
      %mul3A_853 = arith.muli %while3A_831, %mul3A_852 : i32
      %add3A_854 = arith.constant 0 : i32
      %add3A_855 = arith.addi %mul3A_853, %add3A_854 : i32
      %get3A = arith.index_cast %add3A_855 : i32 to index
      %get3A_856 = tpu.vector_load %arg8[%get3A] {strides = array<i32>} : memref<1632xi32, #tpu.memory_space<vmem>>, vector<16xi32>,
      %dma_start3A_857 = arith.constant 0 : i32
      %dma_start3A_858 = arith.constant 0 : i32
      %dma_start3A_859 = arith.constant 0 : i32
      %dma_start3A_860 = tpu.memref_slice %arg13[%dma_start3A_857, %dma_start3A_858, %dma_start3A_859] : memref<4x64x128xf32, #tpu.memory_space<vmem>> -> memref<1x16x128xf32, #tpu.memory_space<vmem>>
      %dma_start3A_861 = tpu.memref_squeeze %dma_start3A_860 : memref<1x16x128xf32, #tpu.memory_space<vmem>> -> memref<16x128xf32, #tpu.memory_space<vmem>>
      %dma_start3A_862 = arith.constant 0 : i32
      %dma_start3A_863 = arith.constant 0 : i32
      %dma_start3A_864 = tpu.memref_slice %arg4[%dma_start3A_862, %dma_start3A_863] : memref<100000x128xf32, #tpu.memory_space<hbm>> -> memref<100000x128xf32, #tpu.memory_space<hbm>>
      tpu.enqueue_indirect_dma source(%dma_start3A_861 : memref<16x128xf32, #tpu.memory_space<vmem>>) target(%dma_start3A_864 : memref<100000x128xf32, #tpu.memory_space<hbm>>) offsets(%get3A_856 : vector<16xi32>) semaphore(%arg23 : memref<!tpu.dma_semaphore, #tpu.memory_space<semaphore_mem>>)
      %mul3A_865 = arith.constant 64 : i32
      %mul3A_866 = arith.muli %while3A_831, %mul3A_865 : i32
      %add3A_867 = arith.constant 16 : i32
      %add3A_868 = arith.addi %mul3A_866, %add3A_867 : i32
      %get3A_869 = arith.index_cast %add3A_868 : i32 to index
      %get3A_870 = tpu.vector_load %arg8[%get3A_869] {strides = array<i32>} : memref<1632xi32, #tpu.memory_space<vmem>>, vector<16xi32>,
      %dma_start3A_871 = arith.constant 0 : i32
      %dma_start3A_872 = arith.constant 16 : i32
      %dma_start3A_873 = arith.constant 0 : i32
      %dma_start3A_874 = tpu.memref_slice %arg13[%dma_start3A_871, %dma_start3A_872, %dma_start3A_873] : memref<4x64x128xf32, #tpu.memory_space<vmem>> -> memref<1x16x128xf32, #tpu.memory_space<vmem>>
      %dma_start3A_875 = tpu.memref_squeeze %dma_start3A_874 : memref<1x16x128xf32, #tpu.memory_space<vmem>> -> memref<16x128xf32, #tpu.memory_space<vmem>>
      %dma_start3A_876 = arith.constant 0 : i32
      %dma_start3A_877 = arith.constant 0 : i32
      %dma_start3A_878 = tpu.memref_slice %arg4[%dma_start3A_876, %dma_start3A_877] : memref<100000x128xf32, #tpu.memory_space<hbm>> -> memref<100000x128xf32, #tpu.memory_space<hbm>>
      tpu.enqueue_indirect_dma source(%dma_start3A_875 : memref<16x128xf32, #tpu.memory_space<vmem>>) target(%dma_start3A_878 : memref<100000x128xf32, #tpu.memory_space<hbm>>) offsets(%get3A_870 : vector<16xi32>) semaphore(%arg23 : memref<!tpu.dma_semaphore, #tpu.memory_space<semaphore_mem>>)
      %mul3A_879 = arith.constant 64 : i32
      %mul3A_880 = arith.muli %while3A_831, %mul3A_879 : i32
      %add3A_881 = arith.constant 32 : i32
      %add3A_882 = arith.addi %mul3A_880, %add3A_881 : i32
      %get3A_883 = arith.index_cast %add3A_882 : i32 to index
      %get3A_884 = tpu.vector_load %arg8[%get3A_883] {strides = array<i32>} : memref<1632xi32, #tpu.memory_space<vmem>>, vector<16xi32>,
      %dma_start3A_885 = arith.constant 0 : i32
      %dma_start3A_886 = arith.constant 32 : i32
      %dma_start3A_887 = arith.constant 0 : i32
      %dma_start3A_888 = tpu.memref_slice %arg13[%dma_start3A_885, %dma_start3A_886, %dma_start3A_887] : memref<4x64x128xf32, #tpu.memory_space<vmem>> -> memref<1x16x128xf32, #tpu.memory_space<vmem>>
      %dma_start3A_889 = tpu.memref_squeeze %dma_start3A_888 : memref<1x16x128xf32, #tpu.memory_space<vmem>> -> memref<16x128xf32, #tpu.memory_space<vmem>>
      %dma_start3A_890 = arith.constant 0 : i32
      %dma_start3A_891 = arith.constant 0 : i32
      %dma_start3A_892 = tpu.memref_slice %arg4[%dma_start3A_890, %dma_start3A_891] : memref<100000x128xf32, #tpu.memory_space<hbm>> -> memref<100000x128xf32, #tpu.memory_space<hbm>>
      tpu.enqueue_indirect_dma source(%dma_start3A_889 : memref<16x128xf32, #tpu.memory_space<vmem>>) target(%dma_start3A_892 : memref<100000x128xf32, #tpu.memory_space<hbm>>) offsets(%get3A_884 : vector<16xi32>) semaphore(%arg23 : memref<!tpu.dma_semaphore, #tpu.memory_space<semaphore_mem>>)
      %mul3A_893 = arith.constant 64 : i32
      %mul3A_894 = arith.muli %while3A_831, %mul3A_893 : i32
      %add3A_895 = arith.constant 48 : i32
      %add3A_896 = arith.addi %mul3A_894, %add3A_895 : i32
      %get3A_897 = arith.index_cast %add3A_896 : i32 to index
      %get3A_898 = tpu.vector_load %arg8[%get3A_897] {strides = array<i32>} : memref<1632xi32, #tpu.memory_space<vmem>>, vector<16xi32>,
      %dma_start3A_899 = arith.constant 0 : i32
      %dma_start3A_900 = arith.constant 48 : i32
      %dma_start3A_901 = arith.constant 0 : i32
      %dma_start3A_902 = tpu.memref_slice %arg13[%dma_start3A_899, %dma_start3A_900, %dma_start3A_901] : memref<4x64x128xf32, #tpu.memory_space<vmem>> -> memref<1x16x128xf32, #tpu.memory_space<vmem>>
      %dma_start3A_903 = tpu.memref_squeeze %dma_start3A_902 : memref<1x16x128xf32, #tpu.memory_space<vmem>> -> memref<16x128xf32, #tpu.memory_space<vmem>>
      %dma_start3A_904 = arith.constant 0 : i32
      %dma_start3A_905 = arith.constant 0 : i32
      %dma_start3A_906 = tpu.memref_slice %arg4[%dma_start3A_904, %dma_start3A_905] : memref<100000x128xf32, #tpu.memory_space<hbm>> -> memref<100000x128xf32, #tpu.memory_space<hbm>>
      tpu.enqueue_indirect_dma source(%dma_start3A_903 : memref<16x128xf32, #tpu.memory_space<vmem>>) target(%dma_start3A_906 : memref<100000x128xf32, #tpu.memory_space<hbm>>) offsets(%get3A_898 : vector<16xi32>) semaphore(%arg23 : memref<!tpu.dma_semaphore, #tpu.memory_space<semaphore_mem>>)
      %dma_wait3A_907 = arith.constant 0 : i32
      %dma_wait3A_908 = arith.constant 0 : i32
      %dma_wait3A_909 = arith.constant 0 : i32
      %dma_wait3A_910 = tpu.memref_slice %arg13[%dma_wait3A_907, %dma_wait3A_908, %dma_wait3A_909] : memref<4x64x128xf32, #tpu.memory_space<vmem>> -> memref<1x16x128xf32, #tpu.memory_space<vmem>>
      %dma_wait3A_911 = tpu.memref_squeeze %dma_wait3A_910 : memref<1x16x128xf32, #tpu.memory_space<vmem>> -> memref<16x128xf32, #tpu.memory_space<vmem>>
      %dma_wait3A_912 = arith.constant 0 : i32
      %dma_wait3A_913 = arith.constant 0 : i32
      %dma_wait3A_914 = tpu.memref_slice %arg4[%dma_wait3A_912, %dma_wait3A_913] : memref<100000x128xf32, #tpu.memory_space<hbm>> -> memref<16x128xf32, #tpu.memory_space<hbm>>
      %dma_wait3A_915 = arith.constant 0 : i32
      %dma_wait3A_916 = arith.constant 0 : i32
      %dma_wait3A_917 = tpu.memref_slice %arg4[%dma_wait3A_915, %dma_wait3A_916] : memref<100000x128xf32, #tpu.memory_space<hbm>> -> memref<16x128xf32, #tpu.memory_space<hbm>>
      %dma_wait3A_918 = arith.constant 0 : i32
      %dma_wait3A_919 = arith.constant 0 : i32
      %dma_wait3A_920 = tpu.memref_slice %arg13[%dma_wait3A_907, %dma_wait3A_918, %dma_wait3A_919] : memref<4x64x128xf32, #tpu.memory_space<vmem>> -> memref<1x16x128xf32, #tpu.memory_space<vmem>>
      %dma_wait3A_921 = tpu.memref_squeeze %dma_wait3A_920 : memref<1x16x128xf32, #tpu.memory_space<vmem>> -> memref<16x128xf32, #tpu.memory_space<vmem>>
      tpu.wait_dma2 semaphore(%arg23 : memref<!tpu.dma_semaphore, #tpu.memory_space<semaphore_mem>>) src(%dma_wait3A_921 : memref<16x128xf32, #tpu.memory_space<vmem>>) dst(%dma_wait3A_917 : memref<16x128xf32, #tpu.memory_space<hbm>>)
      %dma_wait3A_922 = arith.constant 0 : i32
      %dma_wait3A_923 = arith.constant 0 : i32
      %dma_wait3A_924 = arith.constant 0 : i32
      %dma_wait3A_925 = tpu.memref_slice %arg13[%dma_wait3A_922, %dma_wait3A_923, %dma_wait3A_924] : memref<4x64x128xf32, #tpu.memory_space<vmem>> -> memref<1x16x128xf32, #tpu.memory_space<vmem>>
      %dma_wait3A_926 = tpu.memref_squeeze %dma_wait3A_925 : memref<1x16x128xf32, #tpu.memory_space<vmem>> -> memref<16x128xf32, #tpu.memory_space<vmem>>
      %dma_wait3A_927 = arith.constant 0 : i32
      %dma_wait3A_928 = arith.constant 0 : i32
      %dma_wait3A_929 = tpu.memref_slice %arg4[%dma_wait3A_927, %dma_wait3A_928] : memref<100000x128xf32, #tpu.memory_space<hbm>> -> memref<16x128xf32, #tpu.memory_space<hbm>>
      %dma_wait3A_930 = arith.constant 0 : i32
      %dma_wait3A_931 = arith.constant 0 : i32
      %dma_wait3A_932 = tpu.memref_slice %arg4[%dma_wait3A_930, %dma_wait3A_931] : memref<100000x128xf32, #tpu.memory_space<hbm>> -> memref<16x128xf32, #tpu.memory_space<hbm>>
      %dma_wait3A_933 = arith.constant 0 : i32
      %dma_wait3A_934 = arith.constant 0 : i32
      %dma_wait3A_935 = tpu.memref_slice %arg13[%dma_wait3A_922, %dma_wait3A_933, %dma_wait3A_934] : memref<4x64x128xf32, #tpu.memory_space<vmem>> -> memref<1x16x128xf32, #tpu.memory_space<vmem>>
      %dma_wait3A_936 = tpu.memref_squeeze %dma_wait3A_935 : memref<1x16x128xf32, #tpu.memory_space<vmem>> -> memref<16x128xf32, #tpu.memory_space<vmem>>
      tpu.wait_dma2 semaphore(%arg23 : memref<!tpu.dma_semaphore, #tpu.memory_space<semaphore_mem>>) src(%dma_wait3A_936 : memref<16x128xf32, #tpu.memory_space<vmem>>) dst(%dma_wait3A_932 : memref<16x128xf32, #tpu.memory_space<hbm>>)
      %dma_wait3A_937 = arith.constant 0 : i32
      %dma_wait3A_938 = arith.constant 0 : i32
      %dma_wait3A_939 = arith.constant 0 : i32
      %dma_wait3A_940 = tpu.memref_slice %arg13[%dma_wait3A_937, %dma_wait3A_938, %dma_wait3A_939] : memref<4x64x128xf32, #tpu.memory_space<vmem>> -> memref<1x16x128xf32, #tpu.memory_space<vmem>>
      %dma_wait3A_941 = tpu.memref_squeeze %dma_wait3A_940 : memref<1x16x128xf32, #tpu.memory_space<vmem>> -> memref<16x128xf32, #tpu.memory_space<vmem>>
      %dma_wait3A_942 = arith.constant 0 : i32
      %dma_wait3A_943 = arith.constant 0 : i32
      %dma_wait3A_944 = tpu.memref_slice %arg4[%dma_wait3A_942, %dma_wait3A_943] : memref<100000x128xf32, #tpu.memory_space<hbm>> -> memref<16x128xf32, #tpu.memory_space<hbm>>
      %dma_wait3A_945 = arith.constant 0 : i32
      %dma_wait3A_946 = arith.constant 0 : i32
      %dma_wait3A_947 = tpu.memref_slice %arg4[%dma_wait3A_945, %dma_wait3A_946] : memref<100000x128xf32, #tpu.memory_space<hbm>> -> memref<16x128xf32, #tpu.memory_space<hbm>>
      %dma_wait3A_948 = arith.constant 0 : i32
      %dma_wait3A_949 = arith.constant 0 : i32
      %dma_wait3A_950 = tpu.memref_slice %arg13[%dma_wait3A_937, %dma_wait3A_948, %dma_wait3A_949] : memref<4x64x128xf32, #tpu.memory_space<vmem>> -> memref<1x16x128xf32, #tpu.memory_space<vmem>>
      %dma_wait3A_951 = tpu.memref_squeeze %dma_wait3A_950 : memref<1x16x128xf32, #tpu.memory_space<vmem>> -> memref<16x128xf32, #tpu.memory_space<vmem>>
      tpu.wait_dma2 semaphore(%arg23 : memref<!tpu.dma_semaphore, #tpu.memory_space<semaphore_mem>>) src(%dma_wait3A_951 : memref<16x128xf32, #tpu.memory_space<vmem>>) dst(%dma_wait3A_947 : memref<16x128xf32, #tpu.memory_space<hbm>>)
      %dma_wait3A_952 = arith.constant 0 : i32
      %dma_wait3A_953 = arith.constant 0 : i32
      %dma_wait3A_954 = arith.constant 0 : i32
      %dma_wait3A_955 = tpu.memref_slice %arg13[%dma_wait3A_952, %dma_wait3A_953, %dma_wait3A_954] : memref<4x64x128xf32, #tpu.memory_space<vmem>> -> memref<1x16x128xf32, #tpu.memory_space<vmem>>
      %dma_wait3A_956 = tpu.memref_squeeze %dma_wait3A_955 : memref<1x16x128xf32, #tpu.memory_space<vmem>> -> memref<16x128xf32, #tpu.memory_space<vmem>>
      %dma_wait3A_957 = arith.constant 0 : i32
      %dma_wait3A_958 = arith.constant 0 : i32
      %dma_wait3A_959 = tpu.memref_slice %arg4[%dma_wait3A_957, %dma_wait3A_958] : memref<100000x128xf32, #tpu.memory_space<hbm>> -> memref<16x128xf32, #tpu.memory_space<hbm>>
      %dma_wait3A_960 = arith.constant 0 : i32
      %dma_wait3A_961 = arith.constant 0 : i32
      %dma_wait3A_962 = tpu.memref_slice %arg4[%dma_wait3A_960, %dma_wait3A_961] : memref<100000x128xf32, #tpu.memory_space<hbm>> -> memref<16x128xf32, #tpu.memory_space<hbm>>
      %dma_wait3A_963 = arith.constant 0 : i32
      %dma_wait3A_964 = arith.constant 0 : i32
      %dma_wait3A_965 = tpu.memref_slice %arg13[%dma_wait3A_952, %dma_wait3A_963, %dma_wait3A_964] : memref<4x64x128xf32, #tpu.memory_space<vmem>> -> memref<1x16x128xf32, #tpu.memory_space<vmem>>
      %dma_wait3A_966 = tpu.memref_squeeze %dma_wait3A_965 : memref<1x16x128xf32, #tpu.memory_space<vmem>> -> memref<16x128xf32, #tpu.memory_space<vmem>>
      tpu.wait_dma2 semaphore(%arg23 : memref<!tpu.dma_semaphore, #tpu.memory_space<semaphore_mem>>) src(%dma_wait3A_966 : memref<16x128xf32, #tpu.memory_space<vmem>>) dst(%dma_wait3A_962 : memref<16x128xf32, #tpu.memory_space<hbm>>)
    }
    %while3A_800 = arith.constant 1 : i32
    scf.for %while3A_831 = %while3A_798 to %while3A_794 step %while3A_800  : i32 {
      %mul3A_832 = arith.constant 64 : i32
      %mul3A_833 = arith.muli %while3A_831, %mul3A_832 : i32
      %dma_start3A_834 = arith.constant 0 : i32
      %dma_start3A_835 = arith.constant 0 : i32
      %dma_start3A_836 = arith.constant 0 : i32
      %dma_start3A_837 = tpu.memref_slice %arg13[%dma_start3A_834, %dma_start3A_835, %dma_start3A_836] : memref<4x64x128xf32, #tpu.memory_space<vmem>> -> memref<1x64x128xf32, #tpu.memory_space<vmem>>
      %dma_start3A_838 = tpu.memref_squeeze %dma_start3A_837 : memref<1x64x128xf32, #tpu.memory_space<vmem>> -> memref<64x128xf32, #tpu.memory_space<vmem>>
      %dma_start3A_839 = tpu.memref_slice %arg10[%mul3A_833] : memref<1696xi32, #tpu.memory_space<vmem>> -> memref<64xi32, #tpu.memory_space<vmem>>
      %dma_start3A_840 = arith.constant 0 : i32
      %dma_start3A_841 = arith.constant 0 : i32
      %dma_start3A_842 = tpu.memref_slice %arg2[%dma_start3A_840, %dma_start3A_841] : memref<50000x128xf32, #tpu.memory_space<hbm>> -> memref<50000x128xf32, #tpu.memory_space<hbm>>
      tpu.enqueue_indirect_dma source(%dma_start3A_842 : memref<50000x128xf32, #tpu.memory_space<hbm>>) target(%dma_start3A_838 : memref<64x128xf32, #tpu.memory_space<vmem>>) offsets(%dma_start3A_839 : memref<64xi32, #tpu.memory_space<vmem>>) semaphore(%arg19 : memref<!tpu.dma_semaphore, #tpu.memory_space<semaphore_mem>>)
      %dma_wait3A_843 = arith.constant 0 : i32
      %dma_wait3A_844 = arith.constant 0 : i32
      %dma_wait3A_845 = arith.constant 0 : i32
      %dma_wait3A_846 = tpu.memref_slice %arg13[%dma_wait3A_843, %dma_wait3A_844, %dma_wait3A_845] : memref<4x64x128xf32, #tpu.memory_space<vmem>> -> memref<1x64x128xf32, #tpu.memory_space<vmem>>
      %dma_wait3A_847 = tpu.memref_squeeze %dma_wait3A_846 : memref<1x64x128xf32, #tpu.memory_space<vmem>> -> memref<64x128xf32, #tpu.memory_space<vmem>>
      %dma_wait3A_848 = tpu.memref_slice %arg10[%mul3A_833] : memref<1696xi32, #tpu.memory_space<vmem>> -> memref<64xi32, #tpu.memory_space<vmem>>
      %dma_wait3A_849 = arith.constant 0 : i32
      %dma_wait3A_850 = arith.constant 0 : i32
      %dma_wait3A_851 = tpu.memref_slice %arg2[%dma_wait3A_849, %dma_wait3A_850] : memref<50000x128xf32, #tpu.memory_space<hbm>> -> memref<50000x128xf32, #tpu.memory_space<hbm>>
      tpu.wait_indirect_dma semaphore(%arg19 : memref<!tpu.dma_semaphore, #tpu.memory_space<semaphore_mem>>) src(%dma_wait3A_851 : memref<50000x128xf32, #tpu.memory_space<hbm>>) dst(%dma_wait3A_847 : memref<64x128xf32, #tpu.memory_space<vmem>>)
      %mul3A_852 = arith.constant 64 : i32
      %mul3A_853 = arith.muli %while3A_831, %mul3A_852 : i32
      %add3A_854 = arith.constant 0 : i32
      %add3A_855 = arith.addi %mul3A_853, %add3A_854 : i32
      %get3A = arith.index_cast %add3A_855 : i32 to index
      %get3A_856 = tpu.vector_load %arg8[%get3A] {strides = array<i32>} : memref<1632xi32, #tpu.memory_space<vmem>>, vector<16xi32>,
      %dma_start3A_857 = arith.constant 0 : i32
      %dma_start3A_858 = arith.constant 0 : i32
      %dma_start3A_859 = arith.constant 0 : i32
      %dma_start3A_860 = tpu.memref_slice %arg13[%dma_start3A_857, %dma_start3A_858, %dma_start3A_859] : memref<4x64x128xf32, #tpu.memory_space<vmem>> -> memref<1x16x128xf32, #tpu.memory_space<vmem>>
      %dma_start3A_861 = tpu.memref_squeeze %dma_start3A_860 : memref<1x16x128xf32, #tpu.memory_space<vmem>> -> memref<16x128xf32, #tpu.memory_space<vmem>>
      %dma_start3A_862 = arith.constant 0 : i32
      %dma_start3A_863 = arith.constant 0 : i32
      %dma_start3A_864 = tpu.memref_slice %arg4[%dma_start3A_862, %dma_start3A_863] : memref<100000x128xf32, #tpu.memory_space<hbm>> -> memref<100000x128xf32, #tpu.memory_space<hbm>>
      tpu.enqueue_indirect_dma source(%dma_start3A_861 : memref<16x128xf32, #tpu.memory_space<vmem>>) target(%dma_start3A_864 : memref<100000x128xf32, #tpu.memory_space<hbm>>) offsets(%get3A_856 : vector<16xi32>) semaphore(%arg23 : memref<!tpu.dma_semaphore, #tpu.memory_space<semaphore_mem>>)
      %mul3A_865 = arith.constant 64 : i32
      %mul3A_866 = arith.muli %while3A_831, %mul3A_865 : i32
      %add3A_867 = arith.constant 16 : i32
      %add3A_868 = arith.addi %mul3A_866, %add3A_867 : i32
      %get3A_869 = arith.index_cast %add3A_868 : i32 to index
      %get3A_870 = tpu.vector_load %arg8[%get3A_869] {strides = array<i32>} : memref<1632xi32, #tpu.memory_space<vmem>>, vector<16xi32>,
      %dma_start3A_871 = arith.constant 0 : i32
      %dma_start3A_872 = arith.constant 16 : i32
      %dma_start3A_873 = arith.constant 0 : i32
      %dma_start3A_874 = tpu.memref_slice %arg13[%dma_start3A_871, %dma_start3A_872, %dma_start3A_873] : memref<4x64x128xf32, #tpu.memory_space<vmem>> -> memref<1x16x128xf32, #tpu.memory_space<vmem>>
      %dma_start3A_875 = tpu.memref_squeeze %dma_start3A_874 : memref<1x16x128xf32, #tpu.memory_space<vmem>> -> memref<16x128xf32, #tpu.memory_space<vmem>>
      %dma_start3A_876 = arith.constant 0 : i32
      %dma_start3A_877 = arith.constant 0 : i32
      %dma_start3A_878 = tpu.memref_slice %arg4[%dma_start3A_876, %dma_start3A_877] : memref<100000x128xf32, #tpu.memory_space<hbm>> -> memref<100000x128xf32, #tpu.memory_space<hbm>>
      tpu.enqueue_indirect_dma source(%dma_start3A_875 : memref<16x128xf32, #tpu.memory_space<vmem>>) target(%dma_start3A_878 : memref<100000x128xf32, #tpu.memory_space<hbm>>) offsets(%get3A_870 : vector<16xi32>) semaphore(%arg23 : memref<!tpu.dma_semaphore, #tpu.memory_space<semaphore_mem>>)
      %mul3A_879 = arith.constant 64 : i32
      %mul3A_880 = arith.muli %while3A_831, %mul3A_879 : i32
      %add3A_881 = arith.constant 32 : i32
      %add3A_882 = arith.addi %mul3A_880, %add3A_881 : i32
      %get3A_883 = arith.index_cast %add3A_882 : i32 to index
      %get3A_884 = tpu.vector_load %arg8[%get3A_883] {strides = array<i32>} : memref<1632xi32, #tpu.memory_space<vmem>>, vector<16xi32>,
      %dma_start3A_885 = arith.constant 0 : i32
      %dma_start3A_886 = arith.constant 32 : i32
      %dma_start3A_887 = arith.constant 0 : i32
      %dma_start3A_888 = tpu.memref_slice %arg13[%dma_start3A_885, %dma_start3A_886, %dma_start3A_887] : memref<4x64x128xf32, #tpu.memory_space<vmem>> -> memref<1x16x128xf32, #tpu.memory_space<vmem>>
      %dma_start3A_889 = tpu.memref_squeeze %dma_start3A_888 : memref<1x16x128xf32, #tpu.memory_space<vmem>> -> memref<16x128xf32, #tpu.memory_space<vmem>>
      %dma_start3A_890 = arith.constant 0 : i32
      %dma_start3A_891 = arith.constant 0 : i32
      %dma_start3A_892 = tpu.memref_slice %arg4[%dma_start3A_890, %dma_start3A_891] : memref<100000x128xf32, #tpu.memory_space<hbm>> -> memref<100000x128xf32, #tpu.memory_space<hbm>>
      tpu.enqueue_indirect_dma source(%dma_start3A_889 : memref<16x128xf32, #tpu.memory_space<vmem>>) target(%dma_start3A_892 : memref<100000x128xf32, #tpu.memory_space<hbm>>) offsets(%get3A_884 : vector<16xi32>) semaphore(%arg23 : memref<!tpu.dma_semaphore, #tpu.memory_space<semaphore_mem>>)
      %mul3A_893 = arith.constant 64 : i32
      %mul3A_894 = arith.muli %while3A_831, %mul3A_893 : i32
      %add3A_895 = arith.constant 48 : i32
      %add3A_896 = arith.addi %mul3A_894, %add3A_895 : i32
      %get3A_897 = arith.index_cast %add3A_896 : i32 to index
      %get3A_898 = tpu.vector_load %arg8[%get3A_897] {strides = array<i32>} : memref<1632xi32, #tpu.memory_space<vmem>>, vector<16xi32>,
      %dma_start3A_899 = arith.constant 0 : i32
      %dma_start3A_900 = arith.constant 48 : i32
      %dma_start3A_901 = arith.constant 0 : i32
      %dma_start3A_902 = tpu.memref_slice %arg13[%dma_start3A_899, %dma_start3A_900, %dma_start3A_901] : memref<4x64x128xf32, #tpu.memory_space<vmem>> -> memref<1x16x128xf32, #tpu.memory_space<vmem>>
      %dma_start3A_903 = tpu.memref_squeeze %dma_start3A_902 : memref<1x16x128xf32, #tpu.memory_space<vmem>> -> memref<16x128xf32, #tpu.memory_space<vmem>>
      %dma_start3A_904 = arith.constant 0 : i32
      %dma_start3A_905 = arith.constant 0 : i32
      %dma_start3A_906 = tpu.memref_slice %arg4[%dma_start3A_904, %dma_start3A_905] : memref<100000x128xf32, #tpu.memory_space<hbm>> -> memref<100000x128xf32, #tpu.memory_space<hbm>>
      tpu.enqueue_indirect_dma source(%dma_start3A_903 : memref<16x128xf32, #tpu.memory_space<vmem>>) target(%dma_start3A_906 : memref<100000x128xf32, #tpu.memory_space<hbm>>) offsets(%get3A_898 : vector<16xi32>) semaphore(%arg23 : memref<!tpu.dma_semaphore, #tpu.memory_space<semaphore_mem>>)
      %dma_wait3A_907 = arith.constant 0 : i32
      %dma_wait3A_908 = arith.constant 0 : i32
      %dma_wait3A_909 = arith.constant 0 : i32
      %dma_wait3A_910 = tpu.memref_slice %arg13[%dma_wait3A_907, %dma_wait3A_908, %dma_wait3A_909] : memref<4x64x128xf32, #tpu.memory_space<vmem>> -> memref<1x16x128xf32, #tpu.memory_space<vmem>>
      %dma_wait3A_911 = tpu.memref_squeeze %dma_wait3A_910 : memref<1x16x128xf32, #tpu.memory_space<vmem>> -> memref<16x128xf32, #tpu.memory_space<vmem>>
      %dma_wait3A_912 = arith.constant 0 : i32
      %dma_wait3A_913 = arith.constant 0 : i32
      %dma_wait3A_914 = tpu.memref_slice %arg4[%dma_wait3A_912, %dma_wait3A_913] : memref<100000x128xf32, #tpu.memory_space<hbm>> -> memref<16x128xf32, #tpu.memory_space<hbm>>
      %dma_wait3A_915 = arith.constant 0 : i32
      %dma_wait3A_916 = arith.constant 0 : i32
      %dma_wait3A_917 = tpu.memref_slice %arg4[%dma_wait3A_915, %dma_wait3A_916] : memref<100000x128xf32, #tpu.memory_space<hbm>> -> memref<16x128xf32, #tpu.memory_space<hbm>>
      %dma_wait3A_918 = arith.constant 0 : i32
      %dma_wait3A_919 = arith.constant 0 : i32
      %dma_wait3A_920 = tpu.memref_slice %arg13[%dma_wait3A_907, %dma_wait3A_918, %dma_wait3A_919] : memref<4x64x128xf32, #tpu.memory_space<vmem>> -> memref<1x16x128xf32, #tpu.memory_space<vmem>>
      %dma_wait3A_921 = tpu.memref_squeeze %dma_wait3A_920 : memref<1x16x128xf32, #tpu.memory_space<vmem>> -> memref<16x128xf32, #tpu.memory_space<vmem>>
      tpu.wait_dma2 semaphore(%arg23 : memref<!tpu.dma_semaphore, #tpu.memory_space<semaphore_mem>>) src(%dma_wait3A_921 : memref<16x128xf32, #tpu.memory_space<vmem>>) dst(%dma_wait3A_917 : memref<16x128xf32, #tpu.memory_space<hbm>>)
      %dma_wait3A_922 = arith.constant 0 : i32
      %dma_wait3A_923 = arith.constant 0 : i32
      %dma_wait3A_924 = arith.constant 0 : i32
      %dma_wait3A_925 = tpu.memref_slice %arg13[%dma_wait3A_922, %dma_wait3A_923, %dma_wait3A_924] : memref<4x64x128xf32, #tpu.memory_space<vmem>> -> memref<1x16x128xf32, #tpu.memory_space<vmem>>
      %dma_wait3A_926 = tpu.memref_squeeze %dma_wait3A_925 : memref<1x16x128xf32, #tpu.memory_space<vmem>> -> memref<16x128xf32, #tpu.memory_space<vmem>>
      %dma_wait3A_927 = arith.constant 0 : i32
      %dma_wait3A_928 = arith.constant 0 : i32
      %dma_wait3A_929 = tpu.memref_slice %arg4[%dma_wait3A_927, %dma_wait3A_928] : memref<100000x128xf32, #tpu.memory_space<hbm>> -> memref<16x128xf32, #tpu.memory_space<hbm>>
      %dma_wait3A_930 = arith.constant 0 : i32
      %dma_wait3A_931 = arith.constant 0 : i32
      %dma_wait3A_932 = tpu.memref_slice %arg4[%dma_wait3A_930, %dma_wait3A_931] : memref<100000x128xf32, #tpu.memory_space<hbm>> -> memref<16x128xf32, #tpu.memory_space<hbm>>
      %dma_wait3A_933 = arith.constant 0 : i32
      %dma_wait3A_934 = arith.constant 0 : i32
      %dma_wait3A_935 = tpu.memref_slice %arg13[%dma_wait3A_922, %dma_wait3A_933, %dma_wait3A_934] : memref<4x64x128xf32, #tpu.memory_space<vmem>> -> memref<1x16x128xf32, #tpu.memory_space<vmem>>
      %dma_wait3A_936 = tpu.memref_squeeze %dma_wait3A_935 : memref<1x16x128xf32, #tpu.memory_space<vmem>> -> memref<16x128xf32, #tpu.memory_space<vmem>>
      tpu.wait_dma2 semaphore(%arg23 : memref<!tpu.dma_semaphore, #tpu.memory_space<semaphore_mem>>) src(%dma_wait3A_936 : memref<16x128xf32, #tpu.memory_space<vmem>>) dst(%dma_wait3A_932 : memref<16x128xf32, #tpu.memory_space<hbm>>)
      %dma_wait3A_937 = arith.constant 0 : i32
      %dma_wait3A_938 = arith.constant 0 : i32
      %dma_wait3A_939 = arith.constant 0 : i32
      %dma_wait3A_940 = tpu.memref_slice %arg13[%dma_wait3A_937, %dma_wait3A_938, %dma_wait3A_939] : memref<4x64x128xf32, #tpu.memory_space<vmem>> -> memref<1x16x128xf32, #tpu.memory_space<vmem>>
      %dma_wait3A_941 = tpu.memref_squeeze %dma_wait3A_940 : memref<1x16x128xf32, #tpu.memory_space<vmem>> -> memref<16x128xf32, #tpu.memory_space<vmem>>
      %dma_wait3A_942 = arith.constant 0 : i32
      %dma_wait3A_943 = arith.constant 0 : i32
      %dma_wait3A_944 = tpu.memref_slice %arg4[%dma_wait3A_942, %dma_wait3A_943] : memref<100000x128xf32, #tpu.memory_space<hbm>> -> memref<16x128xf32, #tpu.memory_space<hbm>>
      %dma_wait3A_945 = arith.constant 0 : i32
      %dma_wait3A_946 = arith.constant 0 : i32
      %dma_wait3A_947 = tpu.memref_slice %arg4[%dma_wait3A_945, %dma_wait3A_946] : memref<100000x128xf32, #tpu.memory_space<hbm>> -> memref<16x128xf32, #tpu.memory_space<hbm>>
      %dma_wait3A_948 = arith.constant 0 : i32
      %dma_wait3A_949 = arith.constant 0 : i32
      %dma_wait3A_950 = tpu.memref_slice %arg13[%dma_wait3A_937, %dma_wait3A_948, %dma_wait3A_949] : memref<4x64x128xf32, #tpu.memory_space<vmem>> -> memref<1x16x128xf32, #tpu.memory_space<vmem>>
      %dma_wait3A_951 = tpu.memref_squeeze %dma_wait3A_950 : memref<1x16x128xf32, #tpu.memory_space<vmem>> -> memref<16x128xf32, #tpu.memory_space<vmem>>
      tpu.wait_dma2 semaphore(%arg23 : memref<!tpu.dma_semaphore, #tpu.memory_space<semaphore_mem>>) src(%dma_wait3A_951 : memref<16x128xf32, #tpu.memory_space<vmem>>) dst(%dma_wait3A_947 : memref<16x128xf32, #tpu.memory_space<hbm>>)
      %dma_wait3A_952 = arith.constant 0 : i32
      %dma_wait3A_953 = arith.constant 0 : i32
      %dma_wait3A_954 = arith.constant 0 : i32
      %dma_wait3A_955 = tpu.memref_slice %arg13[%dma_wait3A_952, %dma_wait3A_953, %dma_wait3A_954] : memref<4x64x128xf32, #tpu.memory_space<vmem>> -> memref<1x16x128xf32, #tpu.memory_space<vmem>>
      %dma_wait3A_956 = tpu.memref_squeeze %dma_wait3A_955 : memref<1x16x128xf32, #tpu.memory_space<vmem>> -> memref<16x128xf32, #tpu.memory_space<vmem>>
      %dma_wait3A_957 = arith.constant 0 : i32
      %dma_wait3A_958 = arith.constant 0 : i32
      %dma_wait3A_959 = tpu.memref_slice %arg4[%dma_wait3A_957, %dma_wait3A_958] : memref<100000x128xf32, #tpu.memory_space<hbm>> -> memref<16x128xf32, #tpu.memory_space<hbm>>
      %dma_wait3A_960 = arith.constant 0 : i32
      %dma_wait3A_961 = arith.constant 0 : i32
      %dma_wait3A_962 = tpu.memref_slice %arg4[%dma_wait3A_960, %dma_wait3A_961] : memref<100000x128xf32, #tpu.memory_space<hbm>> -> memref<16x128xf32, #tpu.memory_space<hbm>>
      %dma_wait3A_963 = arith.constant 0 : i32
      %dma_wait3A_964 = arith.constant 0 : i32
      %dma_wait3A_965 = tpu.memref_slice %arg13[%dma_wait3A_952, %dma_wait3A_963, %dma_wait3A_964] : memref<4x64x128xf32, #tpu.memory_space<vmem>> -> memref<1x16x128xf32, #tpu.memory_space<vmem>>
      %dma_wait3A_966 = tpu.memref_squeeze %dma_wait3A_965 : memref<1x16x128xf32, #tpu.memory_space<vmem>> -> memref<16x128xf32, #tpu.memory_space<vmem>>
      tpu.wait_dma2 semaphore(%arg23 : memref<!tpu.dma_semaphore, #tpu.memory_space<semaphore_mem>>) src(%dma_wait3A_966 : memref<16x128xf32, #tpu.memory_space<vmem>>) dst(%dma_wait3A_962 : memref<16x128xf32, #tpu.memory_space<hbm>>)
    }
    %while3A_801 = arith.constant 0 : i32
    %while3A_802 = arith.constant 0 : i32
    %while3A_803 = arith.subi %select_n3A_728, %while3A_802 : i32
    %while3A_804 = arith.addi %while3A_802, %while3A_803 : i32
    %while3A_805 = arith.constant 1 : i32
    %while3A_806 = arith.divsi %while3A_803, %while3A_805 : i32
    %while3A_807 = arith.muli %while3A_806, %while3A_805 : i32
    %while3A_808 = arith.addi %while3A_802, %while3A_807 : i32
    %while3A_809 = arith.constant 1 : i32
    scf.for %while3A_831 = %while3A_802 to %while3A_808 step %while3A_809  : i32 {
      %dma_wait3A_832 = arith.constant 0 : i32
      %dma_wait3A_833 = arith.constant 0 : i32
      %dma_wait3A_834 = arith.constant 0 : i32
      %dma_wait3A_835 = tpu.memref_slice %arg13[%dma_wait3A_832, %dma_wait3A_833, %dma_wait3A_834] : memref<4x64x128xf32, #tpu.memory_space<vmem>> -> memref<1x16x128xf32, #tpu.memory_space<vmem>>
      %dma_wait3A_836 = tpu.memref_squeeze %dma_wait3A_835 : memref<1x16x128xf32, #tpu.memory_space<vmem>> -> memref<16x128xf32, #tpu.memory_space<vmem>>
      %dma_wait3A_837 = arith.constant 0 : i32
      %dma_wait3A_838 = arith.constant 0 : i32
      %dma_wait3A_839 = tpu.memref_slice %arg4[%dma_wait3A_837, %dma_wait3A_838] : memref<100000x128xf32, #tpu.memory_space<hbm>> -> memref<16x128xf32, #tpu.memory_space<hbm>>
      %dma_wait3A_840 = arith.constant 0 : i32
      %dma_wait3A_841 = arith.constant 0 : i32
      %dma_wait3A_842 = tpu.memref_slice %arg13[%dma_wait3A_832, %dma_wait3A_840, %dma_wait3A_841] : memref<4x64x128xf32, #tpu.memory_space<vmem>> -> memref<1x16x128xf32, #tpu.memory_space<vmem>>
      %dma_wait3A_843 = tpu.memref_squeeze %dma_wait3A_842 : memref<1x16x128xf32, #tpu.memory_space<vmem>> -> memref<16x128xf32, #tpu.memory_space<vmem>>
      %dma_wait3A_844 = arith.constant 0 : i32
      %dma_wait3A_845 = arith.constant 0 : i32
      %dma_wait3A_846 = tpu.memref_slice %arg4[%dma_wait3A_844, %dma_wait3A_845] : memref<100000x128xf32, #tpu.memory_space<hbm>> -> memref<16x128xf32, #tpu.memory_space<hbm>>
      tpu.wait_dma2 semaphore(%arg18 : memref<!tpu.dma_semaphore, #tpu.memory_space<semaphore_mem>>) src(%dma_wait3A_846 : memref<16x128xf32, #tpu.memory_space<hbm>>) dst(%dma_wait3A_843 : memref<16x128xf32, #tpu.memory_space<vmem>>)
    }
    %while3A_810 = arith.constant 1 : i32
    scf.for %while3A_831 = %while3A_808 to %while3A_804 step %while3A_810  : i32 {
      %dma_wait3A_832 = arith.constant 0 : i32
      %dma_wait3A_833 = arith.constant 0 : i32
      %dma_wait3A_834 = arith.constant 0 : i32
      %dma_wait3A_835 = tpu.memref_slice %arg13[%dma_wait3A_832, %dma_wait3A_833, %dma_wait3A_834] : memref<4x64x128xf32, #tpu.memory_space<vmem>> -> memref<1x16x128xf32, #tpu.memory_space<vmem>>
      %dma_wait3A_836 = tpu.memref_squeeze %dma_wait3A_835 : memref<1x16x128xf32, #tpu.memory_space<vmem>> -> memref<16x128xf32, #tpu.memory_space<vmem>>
      %dma_wait3A_837 = arith.constant 0 : i32
      %dma_wait3A_838 = arith.constant 0 : i32
      %dma_wait3A_839 = tpu.memref_slice %arg4[%dma_wait3A_837, %dma_wait3A_838] : memref<100000x128xf32, #tpu.memory_space<hbm>> -> memref<16x128xf32, #tpu.memory_space<hbm>>
      %dma_wait3A_840 = arith.constant 0 : i32
      %dma_wait3A_841 = arith.constant 0 : i32
      %dma_wait3A_842 = tpu.memref_slice %arg13[%dma_wait3A_832, %dma_wait3A_840, %dma_wait3A_841] : memref<4x64x128xf32, #tpu.memory_space<vmem>> -> memref<1x16x128xf32, #tpu.memory_space<vmem>>
      %dma_wait3A_843 = tpu.memref_squeeze %dma_wait3A_842 : memref<1x16x128xf32, #tpu.memory_space<vmem>> -> memref<16x128xf32, #tpu.memory_space<vmem>>
      %dma_wait3A_844 = arith.constant 0 : i32
      %dma_wait3A_845 = arith.constant 0 : i32
      %dma_wait3A_846 = tpu.memref_slice %arg4[%dma_wait3A_844, %dma_wait3A_845] : memref<100000x128xf32, #tpu.memory_space<hbm>> -> memref<16x128xf32, #tpu.memory_space<hbm>>
      tpu.wait_dma2 semaphore(%arg18 : memref<!tpu.dma_semaphore, #tpu.memory_space<semaphore_mem>>) src(%dma_wait3A_846 : memref<16x128xf32, #tpu.memory_space<hbm>>) dst(%dma_wait3A_843 : memref<16x128xf32, #tpu.memory_space<vmem>>)
    }
    %while3A_811 = arith.constant 0 : i32
    %while3A_812 = arith.constant 0 : i32
    %while3A_813 = arith.subi %select_n3A_40, %while3A_812 : i32
    %while3A_814 = arith.addi %while3A_812, %while3A_813 : i32
    %while3A_815 = arith.constant 1 : i32
    %while3A_816 = arith.divsi %while3A_813, %while3A_815 : i32
    %while3A_817 = arith.muli %while3A_816, %while3A_815 : i32
    %while3A_818 = arith.addi %while3A_812, %while3A_817 : i32
    %while3A_819 = arith.constant 1 : i32
    scf.for %while3A_831 = %while3A_812 to %while3A_818 step %while3A_819  : i32 {
      %dma_wait3A_832 = arith.constant 0 : i32
      %dma_wait3A_833 = arith.constant 0 : i32
      %dma_wait3A_834 = arith.constant 0 : i32
      %dma_wait3A_835 = tpu.memref_slice %arg13[%dma_wait3A_832, %dma_wait3A_833, %dma_wait3A_834] : memref<4x64x128xf32, #tpu.memory_space<vmem>> -> memref<1x64x128xf32, #tpu.memory_space<vmem>>
      %dma_wait3A_836 = tpu.memref_squeeze %dma_wait3A_835 : memref<1x64x128xf32, #tpu.memory_space<vmem>> -> memref<64x128xf32, #tpu.memory_space<vmem>>
      %dma_wait3A_837 = arith.constant 0 : i32
      %dma_wait3A_838 = arith.constant 0 : i32
      %dma_wait3A_839 = tpu.memref_slice %arg4[%dma_wait3A_837, %dma_wait3A_838] : memref<100000x128xf32, #tpu.memory_space<hbm>> -> memref<64x128xf32, #tpu.memory_space<hbm>>
      %dma_wait3A_840 = arith.constant 0 : i32
      %dma_wait3A_841 = arith.constant 0 : i32
      %dma_wait3A_842 = tpu.memref_slice %arg13[%dma_wait3A_832, %dma_wait3A_840, %dma_wait3A_841] : memref<4x64x128xf32, #tpu.memory_space<vmem>> -> memref<1x64x128xf32, #tpu.memory_space<vmem>>
      %dma_wait3A_843 = tpu.memref_squeeze %dma_wait3A_842 : memref<1x64x128xf32, #tpu.memory_space<vmem>> -> memref<64x128xf32, #tpu.memory_space<vmem>>
      %dma_wait3A_844 = arith.constant 0 : i32
      %dma_wait3A_845 = arith.constant 0 : i32
      %dma_wait3A_846 = tpu.memref_slice %arg4[%dma_wait3A_844, %dma_wait3A_845] : memref<100000x128xf32, #tpu.memory_space<hbm>> -> memref<64x128xf32, #tpu.memory_space<hbm>>
      tpu.wait_dma2 semaphore(%arg15 : memref<!tpu.dma_semaphore, #tpu.memory_space<semaphore_mem>>) src(%dma_wait3A_846 : memref<64x128xf32, #tpu.memory_space<hbm>>) dst(%dma_wait3A_843 : memref<64x128xf32, #tpu.memory_space<vmem>>)
    }
    %while3A_820 = arith.constant 1 : i32
    scf.for %while3A_831 = %while3A_818 to %while3A_814 step %while3A_820  : i32 {
      %dma_wait3A_832 = arith.constant 0 : i32
      %dma_wait3A_833 = arith.constant 0 : i32
      %dma_wait3A_834 = arith.constant 0 : i32
      %dma_wait3A_835 = tpu.memref_slice %arg13[%dma_wait3A_832, %dma_wait3A_833, %dma_wait3A_834] : memref<4x64x128xf32, #tpu.memory_space<vmem>> -> memref<1x64x128xf32, #tpu.memory_space<vmem>>
      %dma_wait3A_836 = tpu.memref_squeeze %dma_wait3A_835 : memref<1x64x128xf32, #tpu.memory_space<vmem>> -> memref<64x128xf32, #tpu.memory_space<vmem>>
      %dma_wait3A_837 = arith.constant 0 : i32
      %dma_wait3A_838 = arith.constant 0 : i32
      %dma_wait3A_839 = tpu.memref_slice %arg4[%dma_wait3A_837, %dma_wait3A_838] : memref<100000x128xf32, #tpu.memory_space<hbm>> -> memref<64x128xf32, #tpu.memory_space<hbm>>
      %dma_wait3A_840 = arith.constant 0 : i32
      %dma_wait3A_841 = arith.constant 0 : i32
      %dma_wait3A_842 = tpu.memref_slice %arg13[%dma_wait3A_832, %dma_wait3A_840, %dma_wait3A_841] : memref<4x64x128xf32, #tpu.memory_space<vmem>> -> memref<1x64x128xf32, #tpu.memory_space<vmem>>
      %dma_wait3A_843 = tpu.memref_squeeze %dma_wait3A_842 : memref<1x64x128xf32, #tpu.memory_space<vmem>> -> memref<64x128xf32, #tpu.memory_space<vmem>>
      %dma_wait3A_844 = arith.constant 0 : i32
      %dma_wait3A_845 = arith.constant 0 : i32
      %dma_wait3A_846 = tpu.memref_slice %arg4[%dma_wait3A_844, %dma_wait3A_845] : memref<100000x128xf32, #tpu.memory_space<hbm>> -> memref<64x128xf32, #tpu.memory_space<hbm>>
      tpu.wait_dma2 semaphore(%arg15 : memref<!tpu.dma_semaphore, #tpu.memory_space<semaphore_mem>>) src(%dma_wait3A_846 : memref<64x128xf32, #tpu.memory_space<hbm>>) dst(%dma_wait3A_843 : memref<64x128xf32, #tpu.memory_space<vmem>>)
    }
    %while3A_821 = arith.constant 0 : i32
    %while3A_822 = arith.constant 0 : i32
    %while3A_823 = arith.subi %select_n3A_67, %while3A_822 : i32
    %while3A_824 = arith.addi %while3A_822, %while3A_823 : i32
    %while3A_825 = arith.constant 1 : i32
    %while3A_826 = arith.divsi %while3A_823, %while3A_825 : i32
    %while3A_827 = arith.muli %while3A_826, %while3A_825 : i32
    %while3A_828 = arith.addi %while3A_822, %while3A_827 : i32
    %while3A_829 = arith.constant 1 : i32
    scf.for %while3A_831 = %while3A_822 to %while3A_828 step %while3A_829  : i32 {
      %dma_wait3A_832 = arith.constant 0 : i32
      %dma_wait3A_833 = arith.constant 0 : i32
      %dma_wait3A_834 = arith.constant 0 : i32
      %dma_wait3A_835 = tpu.memref_slice %arg13[%dma_wait3A_832, %dma_wait3A_833, %dma_wait3A_834] : memref<4x64x128xf32, #tpu.memory_space<vmem>> -> memref<1x16x128xf32, #tpu.memory_space<vmem>>
      %dma_wait3A_836 = tpu.memref_squeeze %dma_wait3A_835 : memref<1x16x128xf32, #tpu.memory_space<vmem>> -> memref<16x128xf32, #tpu.memory_space<vmem>>
      %dma_wait3A_837 = arith.constant 0 : i32
      %dma_wait3A_838 = arith.constant 0 : i32
      %dma_wait3A_839 = tpu.memref_slice %arg4[%dma_wait3A_837, %dma_wait3A_838] : memref<100000x128xf32, #tpu.memory_space<hbm>> -> memref<16x128xf32, #tpu.memory_space<hbm>>
      %dma_wait3A_840 = arith.constant 0 : i32
      %dma_wait3A_841 = arith.constant 0 : i32
      %dma_wait3A_842 = tpu.memref_slice %arg13[%dma_wait3A_832, %dma_wait3A_840, %dma_wait3A_841] : memref<4x64x128xf32, #tpu.memory_space<vmem>> -> memref<1x16x128xf32, #tpu.memory_space<vmem>>
      %dma_wait3A_843 = tpu.memref_squeeze %dma_wait3A_842 : memref<1x16x128xf32, #tpu.memory_space<vmem>> -> memref<16x128xf32, #tpu.memory_space<vmem>>
      %dma_wait3A_844 = arith.constant 0 : i32
      %dma_wait3A_845 = arith.constant 0 : i32
      %dma_wait3A_846 = tpu.memref_slice %arg4[%dma_wait3A_844, %dma_wait3A_845] : memref<100000x128xf32, #tpu.memory_space<hbm>> -> memref<16x128xf32, #tpu.memory_space<hbm>>
      tpu.wait_dma2 semaphore(%arg15 : memref<!tpu.dma_semaphore, #tpu.memory_space<semaphore_mem>>) src(%dma_wait3A_846 : memref<16x128xf32, #tpu.memory_space<hbm>>) dst(%dma_wait3A_843 : memref<16x128xf32, #tpu.memory_space<vmem>>)
    }
    %while3A_830 = arith.constant 1 : i32
    scf.for %while3A_831 = %while3A_828 to %while3A_824 step %while3A_830  : i32 {
      %dma_wait3A_832 = arith.constant 0 : i32
      %dma_wait3A_833 = arith.constant 0 : i32
      %dma_wait3A_834 = arith.constant 0 : i32
      %dma_wait3A_835 = tpu.memref_slice %arg13[%dma_wait3A_832, %dma_wait3A_833, %dma_wait3A_834] : memref<4x64x128xf32, #tpu.memory_space<vmem>> -> memref<1x16x128xf32, #tpu.memory_space<vmem>>
      %dma_wait3A_836 = tpu.memref_squeeze %dma_wait3A_835 : memref<1x16x128xf32, #tpu.memory_space<vmem>> -> memref<16x128xf32, #tpu.memory_space<vmem>>
      %dma_wait3A_837 = arith.constant 0 : i32
      %dma_wait3A_838 = arith.constant 0 : i32
      %dma_wait3A_839 = tpu.memref_slice %arg4[%dma_wait3A_837, %dma_wait3A_838] : memref<100000x128xf32, #tpu.memory_space<hbm>> -> memref<16x128xf32, #tpu.memory_space<hbm>>
      %dma_wait3A_840 = arith.constant 0 : i32
      %dma_wait3A_841 = arith.constant 0 : i32
      %dma_wait3A_842 = tpu.memref_slice %arg13[%dma_wait3A_832, %dma_wait3A_840, %dma_wait3A_841] : memref<4x64x128xf32, #tpu.memory_space<vmem>> -> memref<1x16x128xf32, #tpu.memory_space<vmem>>
      %dma_wait3A_843 = tpu.memref_squeeze %dma_wait3A_842 : memref<1x16x128xf32, #tpu.memory_space<vmem>> -> memref<16x128xf32, #tpu.memory_space<vmem>>
      %dma_wait3A_844 = arith.constant 0 : i32
      %dma_wait3A_845 = arith.constant 0 : i32
      %dma_wait3A_846 = tpu.memref_slice %arg4[%dma_wait3A_844, %dma_wait3A_845] : memref<100000x128xf32, #tpu.memory_space<hbm>> -> memref<16x128xf32, #tpu.memory_space<hbm>>
      tpu.wait_dma2 semaphore(%arg15 : memref<!tpu.dma_semaphore, #tpu.memory_space<semaphore_mem>>) src(%dma_wait3A_846 : memref<16x128xf32, #tpu.memory_space<hbm>>) dst(%dma_wait3A_843 : memref<16x128xf32, #tpu.memory_space<vmem>>)
    }
    return
  }
}

</mosaic_0001>

<sc_bundles>
// kernel: kernel.3.cloned.1.call-start
scs
__scs_entry_jumppad:
0x0: {  	(pc) =	sbr.rel $0x88, $3  }
0x1: {  	(tag) =	ssettag $0x0;
	lr =	simm.s32 $0x1  }
0x2: {  	[smem:$0x3F9F] =	sst lr;
	_ =	strace $0xD0000000  }
0x3: {  	_ = 	snop  }
0x4: {  	_ = 	snop  }
0x5: {  	_ = 	snop  }
0x6: {  	_ = 	snop  }
0x7: {  	_ = 	snop  }
__scs_overlays_trampoline_lowered:
0x8: {  	[smem:$0x3FAE] =	sst s0  }
0x9: {  	[smem:$0x3FAF] =	sst s1  }
0xa: {  	[smem:$0x3FB0] =	sst s2  }
0xb: {  	[smem:$0x3FB1] =	sst s3  }
0xc: {  	[smem:$0x3FB2] =	sst s4  }
0xd: {  	[smem:$0x3FB3] =	sst s5  }
0xe: {  	[smem:$0x3FB4] =	sst s6  }
0xf: {  	[smem:$0x3FB5] =	sst s7  }
0x10: {  	[smem:$0x3FB6] =	sst s8  }
0x11: {  	[smem:$0x3FB7] =	sst s9;
	s0 =	simm.s32 @!p0 $0x0  }
0x12: {  	s1 =	sld [smem:$0x3F9D];
	s0 =	simm.s32 @p0 $0x1  }
0x13: {  	[smem:$0x3FB8] =	sst s0;
	s0 =	simm.s32 @!p1 $0x0  }
0x14: {  	s2 =	sld [smem:$0x3F9C];
	s0 =	simm.s32 @p1 $0x1  }
0x15: {  	[smem:$0x3FB9] =	sst s0;
	s0 =	simm.s32 @!p2 $0x0  }
0x16: {  	s3 =	sld [smem:$0x3FDB];
	s0 =	simm.s32 @p2 $0x1  }
0x17: {  	s4 =	simm.s32 $0x1BF5;
	[smem:$0x3FBB] =	sst s0  }
0x18: {  	s0 =	sld [smem:$0x3F9E];
	_ =	swait.ge [sflag:s4], $0x0  }
0x19: {  	s7 =	sld [smem:$0x3F9F]  }
0x1a: {  	s8 =	sadd.s32 $0xFFFFE003, lr  }
0x1b: {  	s9 =	sadd.s32 $0xFFFFFEF7, lr;
	s5 =	simm.s32 $0xFFFFFFFF;
	p2 =	slt.u32 s8, $0xFFFFF086  }
0x1c: {  	p1 =	slt.u32 s9, $0xF7A;
	s5 =	simm.s32 @!p2 $0x0  }
0x1d: {  	s5 =	simm.s32 @p1 $0x1;
	p0 =	seq.s32 s7, s2  }
0x1e: {  	s7 =	smul.u32 @!p0 $0xF7A, s2;
	p2 =	seq.s32 @!p0 s5, $0x0  }
0x1f: {  	s9 =	smul.u32 $0xF7A, s1;
	s8 =	simm.s32 @!p0 $0x1BF5;
	p2 =	por !p2, p0  }
0x20: {  	[sflag:s8] =	ssyncset.s32 @!p0 $0xFFFFF086;
	s6 =	sadd.s32 @!p0 s3, s7;
	s7 =	simm.s32 @!p0 $0x108  }
0x21: {  	s3 =	sadd.s32 s3, s9;
	s6 =	sadd.s32 @!p0 $0x88, s6;
	s7 =	simm.s32 @p2 $0x1082  }
0x22: {  	[simem:s7], [sflag:s8] =	dma.local @!p0 [hbm:s6], $0xF7A  }
0x23: {  	s9 =	sor.u32 $0xD0000000, s2;
	s6 =	simm.s32 $0x108;
	_ =	swait.ge @!p0 [sflag:s8], $0x0  }
0x24: {  	s3 =	sadd.s32 $0x88, s3;
	s6 =	simm.s32 @!p1 $0x1082;
	[sflag:s4] =	ssyncset.s32 $0xFFFFF086  }
0x25: {  	[simem:s6], [sflag:s4] =	dma.local [hbm:s3], $0xF7A  }
0x26: {  	[smem:$0x3F9F] =	sst s1;
	(tag) =	ssettag s2;
	_ =	strace s9  }
0x27: {  	s1 =	sld [smem:$0x3FAF]  }
0x28: {  	s2 =	sld [smem:$0x3FB0]  }
0x29: {  	s4 =	sld [smem:$0x3FB2]  }
0x2a: {  	p0 =	seq.s32 s5, $0x0;
	s5 =	sld [smem:$0x3FB3]  }
0x2b: {  	s6 =	sld [smem:$0x3FB4]  }
0x2c: {  	s7 =	sld [smem:$0x3FB5]  }
0x2d: {  	s3 =	simm.s32 $0x108;
	s8 =	sld [smem:$0x3FB6]  }
0x2e: {  	s3 =	simm.s32 @!p0 $0x1082;
	s9 =	sld [smem:$0x3FB7]  }
0x2f: {  	lr =	sadd.s32 s0, s3;
	s0 =	sld [smem:$0x3FAE]  }
0x30: {  	s3 =	sld [smem:$0x3FB1]  }
0x31: {  	[smem:$0x3FBA] =	sst s10  }
0x32: {  	s10 =	sld [smem:$0x3FB8];
	_ =	sdelay $0x3  }
0x33: {  	p0 =	seq.s32 s10, $0x1;
	s10 =	sld [smem:$0x3FBA];
	_ =	sdelay $0x3  }
0x34: {  	[smem:$0x3FBA] =	sst s10  }
0x35: {  	s10 =	sld [smem:$0x3FB9];
	_ =	sdelay $0x3  }
0x36: {  	p1 =	seq.s32 s10, $0x1;
	s10 =	sld [smem:$0x3FBA];
	_ =	sdelay $0x3  }
0x37: {  	[smem:$0x3FBA] =	sst s10  }
0x38: {  	s10 =	sld [smem:$0x3FBB]  }
0x39: {  	_ = 	snop;
	(pc) =	sbr.ind lr, $3  }
0x3a: {  	_ = 	snop  }
0x3b: {  	_ = 	snop  }
0x3c: {  	p2 =	seq.s32 s10, $0x1;
	s10 =	sld [smem:$0x3FBA]  }
0x3d: {  	_ =	shalt  }
0x3e: {  	_ =	shalt  }
0x3f: {  	_ =	shalt  }
0x40: {  	_ =	shalt  }
0x41: {  	_ =	shalt  }
0x42: {  	_ =	shalt  }
0x43: {  	_ =	shalt  }
0x44: {  	_ =	shalt  }
0x45: {  	_ =	shalt  }
0x46: {  	_ =	shalt  }
0x47: {  	_ =	shalt  }
0x48: {  	_ =	shalt  }
0x49: {  	_ =	shalt  }
0x4a: {  	_ =	shalt  }
0x4b: {  	_ =	shalt  }
0x4c: {  	_ =	shalt  }
0x4d: {  	_ =	shalt  }
0x4e: {  	_ =	shalt  }
0x4f: {  	_ =	shalt  }
0x50: {  	_ =	shalt  }
0x51: {  	_ =	shalt  }
0x52: {  	_ =	shalt  }
0x53: {  	_ =	shalt  }
0x54: {  	_ =	shalt  }
0x55: {  	_ =	shalt  }
0x56: {  	_ =	shalt  }
0x57: {  	_ =	shalt  }
0x58: {  	_ =	shalt  }
0x59: {  	_ =	shalt  }
0x5a: {  	_ =	shalt  }
0x5b: {  	_ =	shalt  }
0x5c: {  	_ =	shalt  }
0x5d: {  	_ =	shalt  }
0x5e: {  	_ =	shalt  }
0x5f: {  	_ =	shalt  }
0x60: {  	_ =	shalt  }
0x61: {  	_ =	shalt  }
0x62: {  	_ =	shalt  }
0x63: {  	_ =	shalt  }
0x64: {  	_ =	shalt  }
0x65: {  	_ =	shalt  }
0x66: {  	_ =	shalt  }
0x67: {  	_ =	shalt  }
0x68: {  	_ =	shalt  }
0x69: {  	_ =	shalt  }
0x6a: {  	_ =	shalt  }
0x6b: {  	_ =	shalt  }
0x6c: {  	_ =	shalt  }
0x6d: {  	_ =	shalt  }
0x6e: {  	_ =	shalt  }
0x6f: {  	_ =	shalt  }
0x70: {  	_ =	shalt  }
0x71: {  	_ =	shalt  }
0x72: {  	_ =	shalt  }
0x73: {  	_ =	shalt  }
0x74: {  	_ =	shalt  }
0x75: {  	_ =	shalt  }
0x76: {  	_ =	shalt  }
0x77: {  	_ =	shalt  }
0x78: {  	_ =	shalt  }
0x79: {  	_ =	shalt  }
0x7a: {  	_ =	shalt  }
0x7b: {  	_ =	shalt  }
0x7c: {  	_ =	shalt  }
0x7d: {  	_ =	shalt  }
0x7e: {  	_ =	shalt  }
0x7f: {  	_ =	shalt  }
0x80: {  	_ =	shalt  }
0x81: {  	_ =	shalt  }
0x82: {  	_ =	shalt  }
0x83: {  	_ =	shalt  }
0x84: {  	_ =	shalt  }
0x85: {  	_ =	shalt  }
0x86: {  	_ =	shalt  }
0x87: {  	_ =	shalt  }
.Lfunc_end0:
.L_simem_size_0:
called_computation_lowered:
.L_overlay_start_0:
0x88: {  	s2 =	sld [smem:$0x3FD9]  }
0x89: {  	s3 =	sld [smem:$0x3FFE];
	_ =	sdelay $0x1  }
0x8a: {  	s1 =	srdreg.scid  }
0x8b: {  	s0 =	sand.u32 $0x1, s1  }
0x8c: {  	s17 =	sshll.u32 s0, $0xA;
	s2 =	sadd.s32 s3, s2  }
0x8d: {  	s2 =	sadd.s32 s2, s17  }
0x8e: {  	[smem:$0x3FC6] =	sst s2  }
0x8f: {  	_ = 	snop  }
0x90: {  	s2 =	sld [smem:$0x3FC9]  }
0x91: {  	s18 =	sld [smem:$0x3FD0];
	(tm) =	ssettm $0x1  }
0x92: {  	s4 =	sld [smem:$0x3FFB];
	_ =	sdelay $0x3  }
0x93: {  	_ =	strace s4  }
0x94: {  	s4 =	sld [smem:$0x3FFC];
	_ =	sdelay $0x3  }
0x95: {  	_ =	strace s4  }
0x96: {  	s4 =	sld [smem:$0x3FFD];
	_ =	sdelay $0x3  }
0x97: {  	_ =	strace s4  }
0x98: {  	_ =	strace $0x8FFFFFFF  }
0x99: {  	s19 =	sld [smem:$0x3FDB];
	_ =	sdelay $0x1  }
0x9a: {  	s5 =	simm.s32 $_scs_section_size  }
0x9b: {  	s6 =	simm.s32 $_size__tile_overlayer_lowered;
	s7 =	simm.s32 $_tile_overlayer_lowered  }
0x9c: {  	s22 =	simm.s32 $0x1BFF;
	s21 =	sshll.u32 s7, $0x1;
	s4 =	sadd.s32 s5, s19  }
0x9d: {  	s8 =	simm.s32 $0x0;
	s20 =	sshll.u32 s6, $0x1;
	s6 =	sadd.s32 s21, s4  }
0x9e: {  	[timem:s8], [sflag:s22] =	dma.local [hbm:s6], s20  }
0x9f: {  	_ =	swait.ge [sflag:s22], s20  }
0xa0: {  	s5 =	ssub.s32 $0x0, s20;
	[sflag:s22] =	ssyncset.done $0x0  }
0xa1: {  	[sflag:s22] =	ssyncadd.s32 s5;
	_ =	sdelay $0x1  }
0xa2: {  	s23 =	simm.s32 $0x1B8B  }
0xa3: {  	_ =	swait.ge [sflag:s23], $0x1  }
0xa4: {  	[sflag:s23] =	ssyncset.done $0x0  }
0xa5: {  	s25 =	simm.s32 $0x1B8E;
	s24 =	sld [smem:$0x3FFE];
	[sflag:s23] =	ssyncadd.s32 $0xFFFFFFFF  }
0xa6: {  	s26 =	simm.s32 $execute0_lowered;
	[smem:$0x3FD2] =	sst s25  }
0xa7: {  	s6 =	sshll.u32 s26, $0x1;
	_ =	strace $0x80000046;
	[dreg:$0x1] =	wrdreg $0xFFFFFFFF  }
0xa8: {  	s28 =	simm.s32 $_size_execute0_lowered;
	s4 =	sadd.s32 s4, s6;
	[dreg:$0x0] =	wrdreg $0x0  }
0xa9: {  	s6 =	sshll.u32 s28, $0x1;
	[dreg:$0x2] =	wrdreg s4  }
0xaa: {  	[dreg:$0x3] =	wrdreg s6  }
0xab: {  	[dreg:$0x4] =	wrdreg $0xC0  }
0xac: {  	_ =	task [dreg:s8], $0x5FFFF  }
0xad: {  	[dreg:$0x1] =	wrdreg $0xFFFFFFFF  }
0xae: {  	[dreg:$0x0] =	wrdreg $0x60  }
0xaf: {  	[dreg:$0x2] =	wrdreg s2  }
0xb0: {  	[dreg:$0x3] =	wrdreg s24  }
0xb1: {  	[dreg:$0x4] =	wrdreg s18  }
0xb2: {  	[dreg:$0x5] =	wrdreg $0x130000  }
0xb3: {  	[dreg:$0x6] =	wrdreg $0x9  }
0xb4: {  	_ =	task.clear_ibuf [dreg:s8], $0x7FFFF;
	_ =	strace $0x90000046  }
0xb5: {  	s29 =	simm.s32 $0x9;
	_ =	strace $0x80000048  }
0xb6: {  	_ =	swait.ge [sflag:s29], $0x1  }
0xb7: {  	[sflag:s29] =	ssyncadd.s32 $0xFFFFFFFF  }
0xb8: {  	_ =	strace $0x90000048  }
0xb9: {  	_ =	sfence  }
0xba: {  	s30 =	sld [smem:$0x0];
	_ =	sdelay $0x2  }
0xbb: {  	s31 =	sshll.u32 s1, $0xD;
	s1 =	sshrl.u32 s1, $0x2  }
0xbc: {  	s3 =	sand.u32 $0x4000, s31;
	s1 =	sadd.s32 s1, s30  }
0xbd: {  	s0 =	sor.u32 s3, s0;
	s1 =	sshll.u32 s1, $0x11  }
0xbe: {  	s0 =	sor.u32 s1, s0  }
0xbf: {  	s0 =	sadd.s32 $0x8F2B, s0  }
0xc0: {  	[sflag:s0] =	ssyncadd.remote.s32 $0x1  }
0xc1: {  	_ =	sfence.sel $0xFFFF  }
0xc2: {  	[dreg:$0x0] =	wrdreg $0xFFFFFFFF;
	(pc) =	sbr.abs _section_cstart, $3  }
0xc3: {  	[dreg:$0x1] =	wrdreg $0xFFFFFFFF  }
0xc4: {  	_ =	task.clear_ibuf [dreg:s8], $0x2FFFF;
	_ =	strace $0x9FFFFFFF  }
0xc5: {  	(tm) =	ssettm $0x7FFFFFFF  }
tec
execute0_lowered:
.L_overlay_start_1:
0x0: {  	(tag) =	ssettag $0x1  }
0x1: {  	s1 =	rddreg [dreg:$0x0]  }
0x2: {  	s0 =	rddreg [dreg:$0x1]  }
0x3: {  	s2 =	rddreg [dreg:$0x2]  }
0x4: {  	s10 =	rddreg [dreg:$0x3];
	s4 =	simm.s32 $0x0;
	s18 =	stileid.u32  }
0x5: {  	s3 =	srdreg.scid;
	s12 =	simm.s32 $0xC4;
	s6 =	smul.u32 $0xC3, s18  }
0x6: {  	[smem:$0x7FF] =	sst s4;
	s5 =	sadd.s32 $0x400, s0;
	s14 =	smul.u32 $0x18800, s18  }
0x7: {  	s8 =	sand.u32 $0x1, s3;
	s20 =	smin.u32 s18, $0x5;
	s16 =	smul.u32 $0x1880, s18  }
0x8: {  	p0 =	slt.u32 s18, $0x5;
	s21 =	sadd.s32 $0xFFFFFFF8, s18;
	s26 =	smul.u32 $0x6100, s18  }
0x9: {  	_ =	strace $0x80000047;
	s11 =	sshll.u32 s8, $0x4;
	s15 =	sshll.u32 s8, $0x3  }
0xa: {  	s9 =	smin.u32 s18, s21;
	s24 =	smul.u32 $0x61000, s8;
	s0 =	sadd.s32 s20, s6  }
0xb: {  	s6 =	simm.s32 $0xC4;
	s15 =	sadd.s32 s15, s9;
	s14 =	sshrl.u32 s14, $0x2  }
0xc: {  	s16 =	sshrl.u32 s16, $0x2;
	s11 =	sor.u32 s11, s18;
	s7 =	sshll.u32 s0, $0x4  }
0xd: {  	s6 =	simm.s32 @!p0 $0xC3;
	p0 =	slt.s32 s15, $0xA;
	s14 =	sadd.s32 s14, s10  }
0xe: {  	s22 =	smul.u32 $0xC3, s15;
	s19 =	sadd.s32 s16, s10;
	[dreg:$0x11] =	wrdreg s7  }
0xf: {  	s11 =	smin.u32 s11, $0x10;
	s13 =	smin.u32 s7, $0xB710;
	[dreg:$0x12] =	wrdreg s14  }
0x10: {  	s12 =	simm.s32 @!p0 $0xC3;
	s15 =	simm.s32 @!p0 $0xA;
	p0 =	slt.u32 s18, $0x8  }
0x11: {  	s18 =	smul.u32 $0x30800, s18;
	s21 =	sshrl.u32 s6, $0x2;
	[dreg:$0x13] =	wrdreg s19  }
0x12: {  	s3 =	ssub.s32 s7, s13;
	s7 =	smul.u32 $0x6200, s8;
	s17 =	sshrl.u32 s12, $0x1  }
0x13: {  	s14 =	sadd.s32 s15, s22;
	s22 =	sshll.u32 s11, $0x8;
	[dreg:$0x15] =	wrdreg s21  }
0x14: {  	s13 =	sshrl.u32 s13, $0x3;
	s16 =	smov.u32 s17;
	s20 =	ssub.s32 s12, s17  }
0x15: {  	s23 =	sshll.u32 s14, $0x4;
	s14 =	sadd.s32 s24, s2;
	s13 =	sadd.s32 s5, s13  }
0x16: {  	s16 =	simm.s32 @p0 $0x0;
	s20 =	smov.u32 @p0 s17;
	s12 =	ssub.s32 s23, s7  }
0x17: {  	s14 =	sadd.s32 s26, s14;
	s26 =	simm.s32 $0xD000;
	[dreg:$0x14] =	wrdreg s20  }
0x18: {  	s23 =	sshll.u32 s3, $0x2;
	s13 =	sadd.s32 $0x186A, s13;
	[dreg:$0x6] =	wrdreg s26  }
0x19: {  	s3 =	sadd.s32 $0x20, s3;
	s10 =	sadd.s32 s12, s10;
	[dreg:$0x17] =	wrdreg s13  }
0x1a: {  	s14 =	sadd.s32 s22, s14;
	s22 =	simm.s32 $0xE000;
	[dreg:$0x1d] =	wrdreg s3  }
0x1b: {  	s25 =	sshll.u32 s16, $0x4;
	s26 =	simm.s32 $0x10000;
	[dreg:$0x8] =	wrdreg s22  }
0x1c: {  	s15 =	sadd.s32 s15, s16;
	s16 =	simm.s32 $0x10800;
	[dreg:$0xc] =	wrdreg s26  }
0x1d: {  	s10 =	sadd.s32 s25, s10;
	s25 =	ssub.s32 $0x2, s8;
	[dreg:$0xd] =	wrdreg s16  }
0x1e: {  	s20 =	smul.u32 $0x308000, s8;
	s22 =	simm.s32 $0x12800;
	[dreg:$0x16] =	wrdreg s25  }
0x1f: {  	s16 =	sadd.s32 $0x31000, s19;
	[dreg:$0x10] =	wrdreg s22  }
0x20: {  	s12 =	sadd.s32 s18, s20;
	s20 =	simm.s32 $0xD800;
	[smem:$0x7F4] =	sst s16  }
0x21: {  	s11 =	sshll.u32 s11, $0xB;
	s18 =	simm.s32 $0x11800;
	[dreg:$0x7] =	wrdreg s20  }
0x22: {  	s24 =	sshll.u32 s21, $0x8;
	s10 =	sadd.s32 $0x62000, s10;
	[dreg:$0xe] =	wrdreg s18  }
0x23: {  	s22 =	sadd.s32 $0x49800, s19;
	s11 =	sadd.s32 s11, s12;
	[dreg:$0x1a] =	wrdreg s10  }
0x24: {  	s12 =	sadd.s32 s23, s24;
	s23 =	simm.s32 $0xE800;
	[smem:$0x7F8] =	sst s22  }
0x25: {  	s21 =	sshrl.u32 s25, $0x1;
	s24 =	simm.s32 $0xF000;
	[dreg:$0x9] =	wrdreg s23  }
0x26: {  	s17 =	ssub.s32 s25, s21;
	s25 =	simm.s32 $0xF800;
	[dreg:$0xa] =	wrdreg s24  }
0x27: {  	s8 =	smul.u32 $0x618, s8;
	s21 =	simm.s32 $0x12000;
	[dreg:$0xb] =	wrdreg s25  }
0x28: {  	s18 =	sadd.s32 $0xC3A00, s14;
	s14 =	sadd.s32 $0x24C00, s19;
	[dreg:$0xf] =	wrdreg s21  }
0x29: {  	s8 =	sadd.s32 s8, s15;
	s15 =	sadd.s32 $0x2AE00, s19;
	[smem:$0x7F2] =	sst s14  }
0x2a: {  	s28 =	simm.s32 $0x8980;
	s24 =	sadd.s32 $0x6200, s19;
	[smem:$0x7F3] =	sst s15  }
0x2b: {  	s29 =	simm.s32 $0x1;
	s26 =	smax.u32 s17, $0x1;
	[dreg:$0x19] =	wrdreg s24  }
0x2c: {  	s3 =	smov.u32 s1;
	s1 =	sshra.s32 s12, $0x2;
	[dreg:$0x1b] =	wrdreg s26  }
0x2d: {  	s30 =	simm.s32 $0x80;
	s23 =	sand.u32 $0xC4, s6;
	[dreg:$0x1f] =	wrdreg s1  }
0x2e: {  	s25 =	sadd.s32 $0x64D000, s11;
	s11 =	sadd.s32 $0x18800, s19;
	[dreg:$0x18] =	wrdreg s23  }
0x2f: {  	s20 =	smul.u32 $0xC3, s9;
	s12 =	sadd.s32 $0x1EA00, s19;
	[smem:$0x7F0] =	sst s11  }
0x30: {  	s31 =	simm.s32 $0x2;
	s17 =	sadd.s32 $0x37200, s19;
	[smem:$0x7F1] =	sst s12  }
0x31: {  	s21 =	sadd.s32 $0x43600, s19;
	s8 =	sadd.s32 s20, s8;
	[smem:$0x7F5] =	sst s17  }
0x32: {  	s0 =	sadd.s32 s23, s0;
	s20 =	sadd.s32 $0x3D400, s19;
	[smem:$0x7F7] =	sst s21  }
0x33: {  	p0 =	seq.s32 s23, s6;
	s23 =	sadd.s32 $0x4FA00, s19;
	[smem:$0x7F6] =	sst s20  }
0x34: {  	s9 =	sadd.s32 $0x6200, s7;
	s24 =	sadd.s32 $0x55C00, s19;
	[smem:$0x7F9] =	sst s23  }
0x35: {  	s10 =	sshrl.u32 s25, $0x3;
	s25 =	sadd.s32 $0x5BE00, s19;
	[smem:$0x7FA] =	sst s24  }
0x36: {  	s22 =	simm.s32 $0xC80;
	s26 =	sadd.s32 $0x62000, s19;
	[smem:$0x7FB] =	sst s25  }
0x37: {  	v1 =	vmov s9;
	s9 =	simm.s32 $0x9;
	s10 =	sadd.s32 s10, s2;
	[smem:$0x7FC] =	sst s26  }
0x38: {  	s11 =	simm.s32 $0x9000;
	s0 =	sshll.u32 s0, $0x4;
	[dreg:$0x1c] =	wrdreg s10  }
0x39: {  	s13 =	sshll.u32 s8, $0x4;
	s8 =	sadd.s32 $0xC400, s19;
	[dreg:$0x1e] =	wrdreg s0  }
0x3a: {  	s17 =	simm.s32 $0x0;
	s25 =	simm.s32 $0x7500;
	[smem:$0x7EE] =	sst s8  }
0x3b: {  	v2 =	vimm.f32 $0.0e+00;
	v3 =	vimm.s32 $0x0;
	v4 =	vimm.s32 $0xFFFFFFFF;
	s26 =	simm.s32 $0x7B80;
	s10 =	sadd.s32 $0x12600, s19;
	[smem:$0x7FD] =	sst s13  }
0x3c: {  	v5 =	vlaneseq.u32;
	vm0 =	vmmov $0xffff;
	v0 =	vmov s7;
	s23 =	simm.s32 $0x4;
	s8 =	simm.s32 $0xD;
	[smem:$0x7EF] =	sst s10  }
.LBB2_1:
0x3d: {  	s7 =	simm.s32 $0x0;
	s10 =	simm.s32 $0x200  }
.LBB2_2:
0x3e: {  	p1 =	sne.s32 s10, $0x7E00;
	[tilespmem:s7+$0x9070] =	vst v2  }
0x3f: {  	[tilespmem:s7+$0x9000] =	vst v2  }
0x40: {  	[tilespmem:s7+$0x9010] =	vst v2  }
.Ltmp0:
0x41: {  	[tilespmem:s7+$0x9020] =	vst v2;
	(pc) =	sbr.rel @p1 .LBB2_2-.Ltmp0, $4  }
0x42: {  	[tilespmem:s7+$0x9030] =	vst v2  }
0x43: {  	[tilespmem:s7+$0x9040] =	vst v2  }
0x44: {  	[tilespmem:s7+$0x9050] =	vst v2  }
0x45: {  	[tilespmem:s7+$0x9060] =	vst v2;
	s7 =	sshra.s32 s10, $0x2;
	s10 =	sadd.s32 $0x200, s10  }
0x46: {  	[tilespmem:s7+$0x9070] =	vst v2  }
0x47: {  	[tilespmem:s7+$0x9000] =	vst v2  }
0x48: {  	[tilespmem:s7+$0x9010] =	vst v2  }
0x49: {  	[tilespmem:s7+$0x9020] =	vst v2  }
0x4a: {  	[tilespmem:s7+$0x9030] =	vst v2  }
0x4b: {  	[tilespmem:s7+$0x9040] =	vst v2  }
0x4c: {  	[tilespmem:s7+$0x9050] =	vst v2  }
0x4d: {  	[tilespmem:s7+$0x9060] =	vst v2;
	s7 =	simm.s32 $0x400;
	s10 =	sadd.s32 $0x0, s18  }
.LBB2_4:
0x4e: {  	[hbm4b:s10+s4] =	stream.linear.scatter [tilespmem:s11], [sflag:$0x1], $0x2000, $0x38;
	[tilespmem:$0x19820] =	vst v63  }
0x4f: {  	s10 =	smov.u32 s7;
	p1 =	sne.s32 s7, $0x5C00  }
.Ltmp1:
0x50: {  	s7 =	sadd.s32 $0x400, s7;
	(pc) =	sbr.rel @p1 .LBB2_4-.Ltmp1, $2  }
0x51: {  	_ =	sdelay $0x2  }
0x52: {  	s10 =	sadd.s32 s10, s18  }
0x53: {  	s0 =	rddreg [dreg:$0x16]  }
0x54: {  	p1 =	sne.s32 s0, $0x1  }
.Ltmp2:
0x55: {  	_ = 	snop;
	(pc) =	sbr.rel @!p1 .LBB2_6-.Ltmp2, $4  }
0x56: {  	_ = 	snop  }
0x57: {  	[hbm4b:s10+s4] =	stream.linear.scatter [tilespmem:s11], [sflag:$0x1], $0x2000, $0x38;
	[tilespmem:$0x19820] =	vst v63  }
0x58: {  	s14 =	rddreg [dreg:$0x1c]  }
0x59: {  	s7 =	simm.s32 $0x0;
	s10 =	sadd.s32 $0xFFFFFFFF, s0;
	s12 =	sadd.s32 $0x100, s14  }
.LBB2_7:
0x5a: {  	[hbm4b:s14+s7] =	stream.linear.scatter [tilespmem:s11], [sflag:$0x1], $0x800, $0x38;
	[tilespmem:$0x19820] =	vst v63  }
0x5b: {  	p2 =	sne.s32 s10, $0x1  }
.Ltmp3:
0x5c: {  	s10 =	sadd.s32 $0xFFFFFFFF, s10;
	(pc) =	sbr.rel @p2 .LBB2_7-.Ltmp3, $2  }
0x5d: {  	s14 =	smov.u32 s12;
	_ =	sdelay $0x2  }
0x5e: {  	s12 =	sadd.s32 $0x100, s12  }
.LBB2_8:
0x5f: {  	p2 =	sne.s32 s7, $0x1A40  }
.Ltmp4:
0x60: {  	_ = 	snop;
	(pc) =	sbr.rel @!p2 .LBB2_10-.Ltmp4, $3  }
0x61: {  	_ =	sdelay $0x1  }
0x62: {  	[hbm4b:s14+s7] =	stream.linear.scatter [tilespmem:s11], [sflag:$0x1], $0x800, $0x38;
	[tilespmem:$0x19820] =	vst v63  }
0x63: {  	s10 =	sadd.s32 $0x40, s7;
	s12 =	sshra.s32 s7, $0x2  }
.LBB2_9:
0x64: {  	p2 =	sne.s32 s10, $0x1A40;
	[tilespmem:s12+$0x7B80] =	vst v3;
	s12 =	smov.u32 s10;
	s10 =	sadd.s32 $0x40, s10  }
.Ltmp5:
0x65: {  	(pc) =	sbr.rel @p2 .LBB2_9-.Ltmp5, $2  }
0x66: {  	_ =	sdelay $0x2  }
0x67: {  	s12 =	sshra.s32 s12, $0x2  }
.LBB2_10:
0x68: {  	p2 =	sne.s32 s7, $0x18600  }
.Ltmp6:
0x69: {  	_ = 	snop;
	(pc) =	sbr.rel @!p2 .LBB2_12-.Ltmp6, $2  }
0x6a: {  	_ =	sdelay $0x2  }
0x6b: {  	[tilespmem:s12+$0x7B80] =	vst v3;
	s10 =	sshra.s32 s7, $0x2;
	s7 =	sadd.s32 $0x200, s7  }
.LBB2_11:
0x6c: {  	p2 =	sne.s32 s7, $0x18600;
	[tilespmem:s10+$0xCF0] =	vst v4  }
0x6d: {  	[tilespmem:s10+$0xC80] =	vst v4  }
0x6e: {  	[tilespmem:s10+$0xC90] =	vst v4  }
.Ltmp7:
0x6f: {  	[tilespmem:s10+$0xCA0] =	vst v4;
	(pc) =	sbr.rel @p2 .LBB2_11-.Ltmp7, $4  }
0x70: {  	[tilespmem:s10+$0xCB0] =	vst v4  }
0x71: {  	[tilespmem:s10+$0xCC0] =	vst v4  }
0x72: {  	[tilespmem:s10+$0xCD0] =	vst v4  }
0x73: {  	[tilespmem:s10+$0xCE0] =	vst v4;
	s10 =	sshra.s32 s7, $0x2;
	s7 =	sadd.s32 $0x200, s7  }
.LBB2_12:
0x74: {  	[tilespmem:s10+$0xCF0] =	vst v4  }
0x75: {  	[tilespmem:s10+$0xC80] =	vst v4  }
0x76: {  	[tilespmem:s10+$0xC90] =	vst v4  }
0x77: {  	[tilespmem:s10+$0xCA0] =	vst v4  }
0x78: {  	[tilespmem:s10+$0xCB0] =	vst v4  }
0x79: {  	[tilespmem:s10+$0xCC0] =	vst v4  }
0x7a: {  	[tilespmem:s10+$0xCD0] =	vst v4  }
0x7b: {  	[tilespmem:s10+$0xCE0] =	vst v4;
	s0 =	rddreg [dreg:$0x17]  }
0x7c: {  	[tilespmem:s4], [sflag:$0xD] =	stream.linear.gather [hbm4b:s0+s4], $0xC40, $0x38;
	[tilespmem:$0x19820] =	vst v63  }
0x7d: {  	_ =	swait.ge [sflag:s8], $0xC40  }
0x7e: {  	s7 =	rddreg [dreg:$0x1d]  }
0x7f: {  	[sflag:s8] =	ssyncset.done $0x0;
	s10 =	rddreg [dreg:$0x11]  }
0x80: {  	s12 =	rddreg [dreg:$0x15];
	[sflag:s8] =	ssyncadd.s32 $0xFFFFF3C0  }
.LBB2_13:
0x81: {  	v6 =	vld [tilespmem:s7+$0xFFFFFFE0];
	_ =	sdelay $0x4  }
0x82: {  	vm1 =	vge.s32 v6, v0;
	vm2 =	vlt.s32 v6, v1  }
0x83: {  	vm1 =	vmand vm1, vm2  }
0x84: {  	(xrf1) =	vunique.msk.u32 vm1, v6;
	_ =	sdelay $0xd  }
0x85: {  	_, v7, vm2 =	vpop (xrf1)  }
0x86: {  	v6 =	vsub.s32 v6, v0;
	vm1 =	vmand vm1, vm2  }
0x87: {  	v6 =	vnsel vm1, $0x0, v6;
	_ =	sdelay $0x3  }
0x88: {  	v7 =	vor.u32 s10, v5  }
0x89: {  	[tilespmem:v6+s22+$0x0] =	vst.idx.msk vm1, v7  }
0x8a: {  	v6 =	vld [tilespmem:s7+$0xFFFFFFF0];
	_ =	sdelay $0x4  }
0x8b: {  	vm1 =	vge.s32 v6, v0;
	vm2 =	vlt.s32 v6, v1  }
0x8c: {  	vm1 =	vmand vm1, vm2  }
0x8d: {  	(xrf1) =	vunique.msk.u32 vm1, v6;
	_ =	sdelay $0xd  }
0x8e: {  	_, v7, vm2 =	vpop (xrf1)  }
0x8f: {  	v6 =	vsub.s32 v6, v0;
	vm1 =	vmand vm1, vm2  }
0x90: {  	v6 =	vnsel vm1, $0x0, v6;
	_ =	sdelay $0x2  }
0x91: {  	s14 =	sadd.s32 $0x10, s10  }
0x92: {  	v7 =	vor.u32 s14, v5  }
0x93: {  	[tilespmem:v6+s22+$0x0] =	vst.idx.msk vm1, v7  }
0x94: {  	v6 =	vld [tilespmem:s7+$0x0];
	_ =	sdelay $0x4  }
0x95: {  	vm1 =	vge.s32 v6, v0;
	vm2 =	vlt.s32 v6, v1  }
0x96: {  	vm1 =	vmand vm1, vm2  }
0x97: {  	(xrf1) =	vunique.msk.u32 vm1, v6;
	_ =	sdelay $0xd  }
0x98: {  	_, v7, vm2 =	vpop (xrf1)  }
0x99: {  	v6 =	vsub.s32 v6, v0;
	vm1 =	vmand vm1, vm2  }
0x9a: {  	v6 =	vnsel vm1, $0x0, v6;
	_ =	sdelay $0x2  }
0x9b: {  	s21 =	sadd.s32 $0x20, s10  }
0x9c: {  	v7 =	vor.u32 s21, v5  }
0x9d: {  	[tilespmem:v6+s22+$0x0] =	vst.idx.msk vm1, v7  }
0x9e: {  	v6 =	vld [tilespmem:s7+$0x10];
	_ =	sdelay $0x4  }
0x9f: {  	vm1 =	vge.s32 v6, v0;
	vm2 =	vlt.s32 v6, v1  }
0xa0: {  	vm1 =	vmand vm1, vm2  }
0xa1: {  	(xrf1) =	vunique.msk.u32 vm1, v6;
	_ =	sdelay $0xd  }
0xa2: {  	_, v7, vm2 =	vpop (xrf1)  }
0xa3: {  	v6 =	vsub.s32 v6, v0;
	vm1 =	vmand vm1, vm2  }
0xa4: {  	p2 =	sne.s32 s12, $0x1;
	v6 =	vnsel vm1, $0x0, v6  }
.Ltmp8:
0xa5: {  	_ = 	snop;
	(pc) =	sbr.rel @p2 .LBB2_13-.Ltmp8, $4  }
0xa6: {  	_ = 	snop  }
0xa7: {  	s24 =	sadd.s32 $0x30, s10  }
0xa8: {  	v7 =	vor.u32 s24, v5  }
0xa9: {  	s12 =	sadd.s32 $0xFFFFFFFF, s12;
	s10 =	sadd.s32 $0x40, s10;
	s7 =	sadd.s32 $0x40, s7;
	[tilespmem:v6+s22+$0x0] =	vst.idx.msk vm1, v7  }
.Ltmp9:
0xaa: {  	(pc) =	sbr.rel @p0 .LBB2_18-.Ltmp9, $1  }
0xab: {  	_ =	sdelay $0x3  }
0xac: {  	s8 =	rddreg [dreg:$0x1f]  }
0xad: {  	v6 =	vld [tilespmem:s8+$0x0];
	_ =	sdelay $0x4  }
0xae: {  	vm1 =	vge.s32 v6, v0;
	vm2 =	vlt.s32 v6, v1  }
0xaf: {  	vm1 =	vmand vm1, vm2  }
0xb0: {  	(xrf1) =	vunique.msk.u32 vm1, v6;
	_ =	sdelay $0xd  }
0xb1: {  	s0 =	rddreg [dreg:$0x18];
	_, v7, vm2 =	vpop (xrf1)  }
0xb2: {  	s7 =	sadd.s32 $0x1, s0;
	v6 =	vsub.s32 v6, v0;
	vm1 =	vmand vm1, vm2  }
0xb3: {  	p2 =	slt.u32 s7, s6;
	v6 =	vnsel vm1, $0x0, v6  }
.Ltmp10:
0xb4: {  	_ = 	snop;
	(pc) =	sbr.rel @!p2 .LBB2_17-.Ltmp10, $4  }
0xb5: {  	_ = 	snop  }
0xb6: {  	s12 =	rddreg [dreg:$0x1e]  }
0xb7: {  	v7 =	vor.u32 s12, v5  }
0xb8: {  	s10 =	sadd.s32 $0x10, s8;
	[tilespmem:v6+s22+$0x0] =	vst.idx.msk vm1, v7  }
.LBB2_16:
0xb9: {  	v6 =	vld [tilespmem:s10+$0x0];
	s7 =	sadd.s32 $0x1, s7  }
0xba: {  	p2 =	slt.u32 s7, s6;
	_ =	sdelay $0x3  }
0xbb: {  	vm1 =	vge.s32 v6, v0;
	vm2 =	vlt.s32 v6, v1  }
0xbc: {  	vm1 =	vmand vm1, vm2  }
0xbd: {  	(xrf1) =	vunique.msk.u32 vm1, v6;
	_ =	sdelay $0xd  }
0xbe: {  	_, v7, vm2 =	vpop (xrf1)  }
0xbf: {  	v6 =	vsub.s32 v6, v0;
	vm1 =	vmand vm1, vm2  }
0xc0: {  	v6 =	vnsel vm1, $0x0, v6  }
.Ltmp11:
0xc1: {  	(pc) =	sbr.rel @p2 .LBB2_16-.Ltmp11, $4  }
0xc2: {  	_ = 	snop  }
0xc3: {  	s12 =	sadd.s32 $0x10, s12  }
0xc4: {  	v7 =	vor.u32 s12, v5  }
0xc5: {  	s10 =	sadd.s32 $0x10, s10;
	[tilespmem:v6+s22+$0x0] =	vst.idx.msk vm1, v7  }
.LBB2_17:
0xc6: {  	s8 =	simm.s32 $0xD  }
.LBB2_18:
0xc7: {  	s0 =	rddreg [dreg:$0x12]  }
0xc8: {  	[spmem:s0] =	stream.linear.scatter [tilespmem:s22], [sflag:$0xD], $0x6200, $0x38;
	[tilespmem:$0x19820] =	vst v63  }
0xc9: {  	_ =	swait.ge [sflag:s8], $0x6200  }
0xca: {  	[sflag:s8] =	ssyncset.done $0x0  }
0xcb: {  	[sflag:s8] =	ssyncadd.s32 $0xFFFF9E00  }
0xcc: {  	[bflag:$0x0] =	sbarrier.arrive $0xFFFF  }
0xcd: {  	s24 =	rddreg [dreg:$0x13]  }
0xce: {  	s1 =	rddreg [dreg:$0x19]  }
0xcf: {  	[tilespmem:s22], [sflag:$0x3] =	stream.linear.gather [spmem:s24], $0x620, $0x38;
	[tilespmem:$0x19820] =	vst v63  }
0xd0: {  	s7 =	simm.s32 $0x12A0;
	s10 =	sld [smem:$0x7EE]  }
0xd1: {  	[tilespmem:s7], [sflag:$0x3] =	stream.linear.gather [spmem:s1], $0x620, $0x38;
	[tilespmem:$0x19820] =	vst v63  }
0xd2: {  	s12 =	simm.s32 $0x18C0;
	s14 =	sld [smem:$0x7EF]  }
0xd3: {  	[tilespmem:s12], [sflag:$0x3] =	stream.linear.gather [spmem:s10], $0x620, $0x38;
	[tilespmem:$0x19820] =	vst v63  }
0xd4: {  	s15 =	simm.s32 $0x1EE0;
	s16 =	sld [smem:$0x7F0]  }
0xd5: {  	[tilespmem:s15], [sflag:$0x3] =	stream.linear.gather [spmem:s14], $0x620, $0x38;
	[tilespmem:$0x19820] =	vst v63  }
0xd6: {  	s19 =	simm.s32 $0x2500;
	s20 =	sld [smem:$0x7F1]  }
0xd7: {  	[tilespmem:s19], [sflag:$0x3] =	stream.linear.gather [spmem:s16], $0x620, $0x38;
	[tilespmem:$0x19820] =	vst v63  }
0xd8: {  	s21 =	simm.s32 $0x2B20;
	s24 =	sld [smem:$0x7F2]  }
0xd9: {  	[tilespmem:s21], [sflag:$0x3] =	stream.linear.gather [spmem:s20], $0x620, $0x38;
	[tilespmem:$0x19820] =	vst v63  }
0xda: {  	s1 =	simm.s32 $0x3140;
	s10 =	sld [smem:$0x7F3]  }
0xdb: {  	[tilespmem:s1], [sflag:$0x3] =	stream.linear.gather [spmem:s24], $0x620, $0x38;
	[tilespmem:$0x19820] =	vst v63  }
0xdc: {  	s12 =	simm.s32 $0x3760;
	s14 =	sld [smem:$0x7F4]  }
0xdd: {  	[tilespmem:s12], [sflag:$0x3] =	stream.linear.gather [spmem:s10], $0x620, $0x38;
	[tilespmem:$0x19820] =	vst v63  }
0xde: {  	s15 =	simm.s32 $0x3D80;
	s16 =	sld [smem:$0x7F5]  }
0xdf: {  	[tilespmem:s15], [sflag:$0x3] =	stream.linear.gather [spmem:s14], $0x620, $0x38;
	[tilespmem:$0x19820] =	vst v63  }
0xe0: {  	s19 =	simm.s32 $0x43A0;
	s20 =	sld [smem:$0x7F6]  }
0xe1: {  	[tilespmem:s19], [sflag:$0x3] =	stream.linear.gather [spmem:s16], $0x620, $0x38;
	[tilespmem:$0x19820] =	vst v63  }
0xe2: {  	s21 =	simm.s32 $0x49C0;
	s24 =	sld [smem:$0x7F7]  }
0xe3: {  	[tilespmem:s21], [sflag:$0x3] =	stream.linear.gather [spmem:s20], $0x620, $0x38;
	[tilespmem:$0x19820] =	vst v63  }
0xe4: {  	s1 =	simm.s32 $0x4FE0;
	s10 =	sld [smem:$0x7F8]  }
0xe5: {  	[tilespmem:s1], [sflag:$0x3] =	stream.linear.gather [spmem:s24], $0x620, $0x38;
	[tilespmem:$0x19820] =	vst v63  }
0xe6: {  	s12 =	simm.s32 $0x5600;
	s14 =	sld [smem:$0x7F9]  }
0xe7: {  	[tilespmem:s12], [sflag:$0x3] =	stream.linear.gather [spmem:s10], $0x620, $0x38;
	[tilespmem:$0x19820] =	vst v63  }
0xe8: {  	s15 =	simm.s32 $0x5C20;
	s16 =	sld [smem:$0x7FA]  }
0xe9: {  	[tilespmem:s15], [sflag:$0x3] =	stream.linear.gather [spmem:s14], $0x620, $0x38;
	[tilespmem:$0x19820] =	vst v63  }
0xea: {  	s19 =	simm.s32 $0x6240;
	s20 =	sld [smem:$0x7FB]  }
0xeb: {  	[tilespmem:s19], [sflag:$0x3] =	stream.linear.gather [spmem:s16], $0x620, $0x38;
	[tilespmem:$0x19820] =	vst v63  }
0xec: {  	s21 =	simm.s32 $0x6860;
	s24 =	simm.s32 $0x3  }
0xed: {  	[tilespmem:s21], [sflag:$0x3] =	stream.linear.gather [spmem:s20], $0x620, $0x38;
	[tilespmem:$0x19820] =	vst v63  }
0xee: {  	_ =	swait.ge [sflag:s24], $0x620  }
0xef: {  	[sflag:s24] =	ssyncset.done $0x0  }
0xf0: {  	[sflag:s24] =	ssyncadd.s32 $0xFFFFF9E0  }
0xf1: {  	_ =	swait.ge [sflag:s24], $0x620  }
0xf2: {  	[sflag:s24] =	ssyncset.done $0x0  }
0xf3: {  	[sflag:s24] =	ssyncadd.s32 $0xFFFFF9E0  }
0xf4: {  	_ =	swait.ge [sflag:s24], $0x620  }
0xf5: {  	[sflag:s24] =	ssyncset.done $0x0  }
0xf6: {  	[sflag:s24] =	ssyncadd.s32 $0xFFFFF9E0  }
0xf7: {  	_ =	swait.ge [sflag:s24], $0x620  }
0xf8: {  	[sflag:s24] =	ssyncset.done $0x0  }
0xf9: {  	[sflag:s24] =	ssyncadd.s32 $0xFFFFF9E0  }
0xfa: {  	_ =	swait.ge [sflag:s24], $0x620  }
0xfb: {  	[sflag:s24] =	ssyncset.done $0x0  }
0xfc: {  	[sflag:s24] =	ssyncadd.s32 $0xFFFFF9E0  }
0xfd: {  	_ =	swait.ge [sflag:s24], $0x620  }
0xfe: {  	[sflag:s24] =	ssyncset.done $0x0  }
0xff: {  	[sflag:s24] =	ssyncadd.s32 $0xFFFFF9E0  }
0x100: {  	_ =	swait.ge [sflag:s24], $0x620  }
0x101: {  	[sflag:s24] =	ssyncset.done $0x0  }
0x102: {  	[sflag:s24] =	ssyncadd.s32 $0xFFFFF9E0  }
0x103: {  	_ =	swait.ge [sflag:s24], $0x620  }
0x104: {  	[sflag:s24] =	ssyncset.done $0x0  }
0x105: {  	[sflag:s24] =	ssyncadd.s32 $0xFFFFF9E0  }
0x106: {  	_ =	swait.ge [sflag:s24], $0x620  }
0x107: {  	[sflag:s24] =	ssyncset.done $0x0  }
0x108: {  	[sflag:s24] =	ssyncadd.s32 $0xFFFFF9E0  }
0x109: {  	_ =	swait.ge [sflag:s24], $0x620  }
0x10a: {  	[sflag:s24] =	ssyncset.done $0x0  }
0x10b: {  	[sflag:s24] =	ssyncadd.s32 $0xFFFFF9E0  }
0x10c: {  	_ =	swait.ge [sflag:s24], $0x620  }
0x10d: {  	[sflag:s24] =	ssyncset.done $0x0  }
0x10e: {  	[sflag:s24] =	ssyncadd.s32 $0xFFFFF9E0  }
0x10f: {  	_ =	swait.ge [sflag:s24], $0x620  }
0x110: {  	[sflag:s24] =	ssyncset.done $0x0  }
0x111: {  	[sflag:s24] =	ssyncadd.s32 $0xFFFFF9E0  }
0x112: {  	_ =	swait.ge [sflag:s24], $0x620  }
0x113: {  	[sflag:s24] =	ssyncset.done $0x0  }
0x114: {  	[sflag:s24] =	ssyncadd.s32 $0xFFFFF9E0  }
0x115: {  	_ =	swait.ge [sflag:s24], $0x620  }
0x116: {  	[sflag:s24] =	ssyncset.done $0x0  }
0x117: {  	[sflag:s24] =	ssyncadd.s32 $0xFFFFF9E0  }
0x118: {  	_ =	swait.ge [sflag:s24], $0x620  }
0x119: {  	[sflag:s24] =	ssyncset.done $0x0  }
0x11a: {  	[sflag:s24] =	ssyncadd.s32 $0xFFFFF9E0  }
0x11b: {  	_ =	swait.ge [sflag:s24], $0x620  }
0x11c: {  	[sflag:s24] =	ssyncset.done $0x0  }
0x11d: {  	s7 =	simm.s32 $0x0;
	[sflag:s24] =	ssyncadd.s32 $0xFFFFF9E0  }
0x11e: {  	v6 =	vld [tilespmem:s7+$0xC80]  }
0x11f: {  	v7 =	vld [tilespmem:s7+$0x12A0]  }
0x120: {  	s10 =	simm.s32 $0x0;
	v8 =	vld [tilespmem:s7+$0x18C0]  }
0x121: {  	s12 =	sand.u32 $0x7F0, s10;
	v9 =	vld [tilespmem:s7+$0x1EE0]  }
0x122: {  	v10 =	vld [tilespmem:s12+$0x2500]  }
0x123: {  	v11 =	vld [tilespmem:s7+$0x2B20]  }
0x124: {  	v12 =	vld [tilespmem:s7+$0x3140];
	vm1 =	vlt.s32 v7, $0x0  }
0x125: {  	v6 =	vsel vm1, v6, v7;
	vm1 =	vlt.s32 v8, $0x0;
	v7 =	vld [tilespmem:s7+$0x3760]  }
0x126: {  	v6 =	vsel vm1, v6, v8;
	vm1 =	vlt.s32 v9, $0x0;
	v8 =	vld [tilespmem:s12+$0x3D80]  }
0x127: {  	v6 =	vsel vm1, v6, v9;
	vm1 =	vlt.s32 v10, $0x0;
	v9 =	vld [tilespmem:s7+$0x43A0]  }
0x128: {  	v6 =	vsel vm1, v6, v10;
	vm1 =	vlt.s32 v11, $0x0;
	v10 =	vld [tilespmem:s7+$0x49C0]  }
0x129: {  	v6 =	vsel vm1, v6, v11;
	vm1 =	vlt.s32 v12, $0x0;
	v11 =	vld [tilespmem:s7+$0x4FE0]  }
0x12a: {  	v63 =	vld [tilespmem:s12+$0x5600];
	v6 =	vsel vm1, v6, v12;
	vm1 =	vlt.s32 v7, $0x0  }
0x12b: {  	v13 =	vld [tilespmem:s7+$0x5C20];
	v6 =	vsel vm1, v6, v7;
	vm1 =	vlt.s32 v8, $0x0  }
0x12c: {  	v7 =	vld [tilespmem:s7+$0x6240];
	v6 =	vsel vm1, v6, v8;
	vm1 =	vlt.s32 v9, $0x0  }
0x12d: {  	v8 =	vld [tilespmem:s7+$0x6860];
	v6 =	vsel vm1, v6, v9;
	vm1 =	vlt.s32 v10, $0x0  }
0x12e: {  	v6 =	vsel vm1, v6, v10;
	vm1 =	vlt.s32 v11, $0x0  }
0x12f: {  	v6 =	vsel vm1, v6, v11;
	vm1 =	vlt.s32 v63, $0x0  }
0x130: {  	s12 =	simm.s32 $0x10;
	v9 =	vsel vm1, v6, v63;
	vm1 =	vlt.s32 v13, $0x0  }
0x131: {  	s14 =	simm.s32 $0x80;
	v6 =	vld [tilespmem:s12+$0xC80];
	v9 =	vsel vm1, v9, v13;
	vm1 =	vlt.s32 v7, $0x0  }
.LBB2_19:
0x132: {  	p2 =	sne.s32 s14, $0x1840;
	v10 =	vld [tilespmem:s12+$0x12A0];
	v7 =	vsel vm1, v9, v7;
	vm1 =	vlt.s32 v8, $0x0  }
0x133: {  	s10 =	sadd.s32 $0x10, s10;
	v9 =	vld [tilespmem:s12+$0x18C0];
	v7 =	vsel vm1, v7, v8  }
0x134: {  	s19 =	sand.u32 $0x7F0, s10;
	v8 =	vld [tilespmem:s12+$0x1EE0];
	[tilespmem:s7+$0x0] =	vst v7;
	s7 =	smov.u32 s12  }
0x135: {  	v7 =	vld [tilespmem:s19+$0x2500]  }
0x136: {  	v11 =	vld [tilespmem:s7+$0x2B20]  }
0x137: {  	vm1 =	vlt.s32 v10, $0x0;
	v12 =	vld [tilespmem:s7+$0x3140]  }
0x138: {  	v6 =	vsel vm1, v6, v10;
	vm1 =	vlt.s32 v9, $0x0;
	v10 =	vld [tilespmem:s7+$0x3760]  }
0x139: {  	v6 =	vsel vm1, v6, v9;
	vm1 =	vlt.s32 v8, $0x0;
	v9 =	vld [tilespmem:s19+$0x3D80]  }
0x13a: {  	v6 =	vsel vm1, v6, v8;
	vm1 =	vlt.s32 v7, $0x0;
	v8 =	vld [tilespmem:s7+$0x43A0]  }
0x13b: {  	v6 =	vsel vm1, v6, v7;
	vm1 =	vlt.s32 v11, $0x0;
	v13 =	vld [tilespmem:s7+$0x49C0]  }
0x13c: {  	v6 =	vsel vm1, v6, v11;
	vm1 =	vlt.s32 v12, $0x0;
	v11 =	vld [tilespmem:s7+$0x4FE0]  }
0x13d: {  	v6 =	vsel vm1, v6, v12;
	vm1 =	vlt.s32 v10, $0x0;
	v12 =	vld [tilespmem:s19+$0x5600]  }
0x13e: {  	v6 =	vsel vm1, v6, v10;
	vm1 =	vlt.s32 v9, $0x0;
	v10 =	vld [tilespmem:s7+$0x5C20]  }
0x13f: {  	v6 =	vsel vm1, v6, v9;
	vm1 =	vlt.s32 v8, $0x0;
	v7 =	vld [tilespmem:s7+$0x6240]  }
.Ltmp12:
0x140: {  	v6 =	vsel vm1, v6, v8;
	vm1 =	vlt.s32 v13, $0x0;
	v8 =	vld [tilespmem:s7+$0x6860];
	(pc) =	sbr.rel @p2 .LBB2_19-.Ltmp12, $4  }
0x141: {  	v6 =	vsel vm1, v6, v13;
	vm1 =	vlt.s32 v11, $0x0  }
0x142: {  	v6 =	vsel vm1, v6, v11;
	vm1 =	vlt.s32 v12, $0x0  }
0x143: {  	s12 =	sshra.s32 s14, $0x2;
	v9 =	vsel vm1, v6, v12;
	vm1 =	vlt.s32 v10, $0x0  }
0x144: {  	s14 =	sadd.s32 $0x40, s14;
	v6 =	vld [tilespmem:s12+$0xC80];
	v9 =	vsel vm1, v9, v10;
	vm1 =	vlt.s32 v7, $0x0  }
0x145: {  	v10 =	vld [tilespmem:s12+$0x12A0];
	v7 =	vsel vm1, v9, v7;
	vm1 =	vlt.s32 v8, $0x0  }
0x146: {  	v57 =	vld [tilespmem:s12+$0x18C0];
	s10 =	sadd.s32 $0x10, s10;
	v7 =	vsel vm1, v7, v8  }
0x147: {  	v8 =	vld [tilespmem:s12+$0x1EE0];
	s10 =	sand.u32 $0x7F0, s10;
	[tilespmem:s7+$0x0] =	vst v7  }
0x148: {  	v7 =	vld [tilespmem:s10+$0x2500]  }
0x149: {  	v11 =	vld [tilespmem:s12+$0x2B20]  }
0x14a: {  	v12 =	vld [tilespmem:s12+$0x3140];
	vm1 =	vlt.s32 v10, $0x0  }
0x14b: {  	v58 =	vld [tilespmem:s12+$0x3760];
	v6 =	vsel vm1, v6, v10;
	vm1 =	vlt.s32 v57, $0x0  }
0x14c: {  	v59 =	vld [tilespmem:s10+$0x3D80];
	v6 =	vsel vm1, v6, v57;
	vm1 =	vlt.s32 v8, $0x0  }
0x14d: {  	v6 =	vsel vm1, v6, v8;
	vm1 =	vlt.s32 v7, $0x0;
	v8 =	vld [tilespmem:s12+$0x43A0]  }
0x14e: {  	v6 =	vsel vm1, v6, v7;
	vm1 =	vlt.s32 v11, $0x0;
	v7 =	vld [tilespmem:s12+$0x49C0]  }
0x14f: {  	v60 =	vld [tilespmem:s12+$0x4FE0];
	v6 =	vsel vm1, v6, v11;
	vm1 =	vlt.s32 v12, $0x0  }
0x150: {  	v61 =	vld [tilespmem:s10+$0x5600];
	v6 =	vsel vm1, v6, v12;
	vm1 =	vlt.s32 v58, $0x0  }
0x151: {  	v62 =	vld [tilespmem:s12+$0x5C20];
	v6 =	vsel vm1, v6, v58;
	vm1 =	vlt.s32 v59, $0x0  }
0x152: {  	v63 =	vld [tilespmem:s12+$0x6240];
	v6 =	vsel vm1, v6, v59;
	vm1 =	vlt.s32 v8, $0x0  }
0x153: {  	v6 =	vsel vm1, v6, v8;
	vm1 =	vlt.s32 v7, $0x0;
	v8 =	vld [tilespmem:s12+$0x6860]  }
0x154: {  	v6 =	vsel vm1, v6, v7;
	vm1 =	vlt.s32 v60, $0x0  }
0x155: {  	v6 =	vsel vm1, v6, v60;
	vm1 =	vlt.s32 v61, $0x0  }
0x156: {  	v6 =	vsel vm1, v6, v61;
	vm1 =	vlt.s32 v62, $0x0  }
0x157: {  	v6 =	vsel vm1, v6, v62;
	vm1 =	vlt.s32 v63, $0x0  }
0x158: {  	s0 =	sld [smem:$0x7FC];
	v6 =	vsel vm1, v6, v63;
	vm1 =	vlt.s32 v8, $0x0  }
0x159: {  	v6 =	vsel vm1, v6, v8  }
0x15a: {  	s7 =	simm.s32 $0x0;
	[tilespmem:s12+$0x0] =	vst v6  }
0x15b: {  	[spmem:s0] =	stream.linear.scatter [tilespmem:s7], [sflag:$0xD], $0x620, $0x38;
	[tilespmem:$0x19820] =	vst v63  }
0x15c: {  	_ =	swait.ge [sflag:s8], $0x620  }
0x15d: {  	[sflag:s8] =	ssyncset.done $0x0  }
0x15e: {  	[sflag:s8] =	ssyncadd.s32 $0xFFFFF9E0  }
0x15f: {  	[bflag:$0x0] =	sbarrier.arrive $0xFFFF  }
0x160: {  	s20 =	simm.s32 $0x6E80;
	s21 =	rddreg [dreg:$0x1a]  }
0x161: {  	[tilespmem:s20], [sflag:$0xD] =	stream.linear.gather [spmem:s21], $0x620, $0x38;
	[tilespmem:$0x19820] =	vst v63  }
0x162: {  	_ =	swait.ge [sflag:s8], $0x620  }
0x163: {  	[sflag:s8] =	ssyncset.done $0x0  }
0x164: {  	[sflag:s8] =	ssyncadd.s32 $0xFFFFF9E0  }
0x165: {  	v6 =	vld [tilespmem:s20+$0x0];
	_ =	sdelay $0x4  }
0x166: {  	vm1 =	vgt.s32 v6, $0xFFFFFFFF  }
0x167: {  	v7 =	vsel vm1, $0x1, v3  }
0x168: {  	s24 =	rddreg [dreg:$0x14];
	(xrf0) =	vadd.scan.msk.s32 $0xffff, v7  }
0x169: {  	p3 =	sne.s32 s24, $0x1  }
.Ltmp13:
0x16a: {  	_ = 	snop;
	(pc) =	sbr.rel @!p3 .LBB2_21-.Ltmp13, $2  }
0x16b: {  	_ =	sdelay $0x2  }
0x16c: {  	p2 =	por $0x0, $0x0;
	s10 =	sadd.s32 $0xFFFFFFFF, s24;
	v7, _, _ =	vpop (xrf0)  }
0x16d: {  	v8 =	vxor.u32 $0x80000000, v7;
	v9 =	vmov s7  }
0x16e: {  	v9 =	vadd.s32 $0xFFFFFFFF, v9;
	(xrf0) =	vmax.scan.msk.u32 $0xffff, v8  }
0x16f: {  	v8 =	vbroadcast v9, $0x0;
	_ =	sdelay $0x1  }
0x170: {  	v8 =	vadd.s32 v7, v8  }
0x171: {  	vm2 =	vle.s32 v6, $0xFFFFFFFF;
	v7 =	vsub.s32 s7, v7  }
0x172: {  	v7 =	vadd.s32 v5, v7  }
0x173: {  	v63, _, _ =	vpop (xrf0)  }
0x174: {  	v10 =	vor.u32 s13, v5;
	(v2sf) =	vpush v63, $0xF  }
0x175: {  	[tilespmem:v8+s25+$0x0] =	vst.idx.msk vm1, v10  }
0x176: {  	[tilespmem:v8+s26+$0x0] =	vst.idx.msk vm1, v6  }
0x177: {  	s14 =	simm.s32 $0x6E90;
	[tilespmem:v7+s28+$0x0] =	vst.idx.msk vm2, v10  }
0x178: {  	v6 =	vld [tilespmem:s14+$0x0];
	_ =	sdelay $0x4  }
0x179: {  	vm1 =	vgt.s32 v6, $0xFFFFFFFF  }
0x17a: {  	v7 =	vsel vm1, $0x1, v3  }
0x17b: {  	(xrf0) =	vadd.scan.msk.s32 $0xffff, v7  }
0x17c: {  	p3 =	sne.s32 s10, $0x1  }
.Ltmp14:
0x17d: {  	_ = 	snop;
	(pc) =	sbr.rel @!p3 .LBB2_23-.Ltmp14, $4  }
0x17e: {  	_ = 	snop  }
0x17f: {  	s12 =	spop (v2sf)  }
0x180: {  	s19 =	sadd.s32 $0xFFFFFFFF, s10;
	p2 =	por $0x1, $0x1;
	s12 =	sxor.u32 $0x80000000, s12  }
0x181: {  	v7, _, _ =	vpop (xrf0);
	s10 =	sadd.s32 $0x0, s12;
	s20 =	ssub.s32 $0x0, s12;
	s12 =	smov.u32 s13  }
.LBB2_24:
0x182: {  	p3 =	sne.s32 s19, $0x1;
	v8 =	vxor.u32 $0x80000000, v7;
	v9 =	vmov s10;
	s20 =	sadd.s32 $0x10, s20;
	s12 =	sadd.s32 $0x10, s12  }
0x183: {  	s19 =	sadd.s32 $0xFFFFFFFF, s19;
	v9 =	vadd.s32 $0xFFFFFFFF, v9;
	v10 =	vsub.s32 s20, v7;
	(xrf0) =	vmax.scan.msk.u32 $0xffff, v8  }
0x184: {  	v8 =	vbroadcast v9, $0x0;
	_ =	sdelay $0x1  }
0x185: {  	v7 =	vadd.s32 v7, v8  }
0x186: {  	vm2 =	vle.s32 v6, $0xFFFFFFFF  }
0x187: {  	v8 =	vadd.s32 v5, v10  }
0x188: {  	v9, _, _ =	vpop (xrf0)  }
0x189: {  	v10 =	vor.u32 s12, v5;
	(v2sf) =	vpush v9, $0xF  }
0x18a: {  	[tilespmem:v7+s25+$0x0] =	vst.idx.msk vm1, v10  }
0x18b: {  	[tilespmem:v7+s26+$0x0] =	vst.idx.msk vm1, v6  }
0x18c: {  	s14 =	sadd.s32 $0x10, s14;
	[tilespmem:v8+s28+$0x0] =	vst.idx.msk vm2, v10  }
0x18d: {  	v6 =	vld [tilespmem:s14+$0x0];
	_ =	sdelay $0x4  }
0x18e: {  	vm1 =	vgt.s32 v6, $0xFFFFFFFF  }
0x18f: {  	v7 =	vsel vm1, $0x1, v3  }
0x190: {  	(xrf0) =	vadd.scan.msk.s32 $0xffff, v7;
	_ =	sdelay $0x1  }
.Ltmp15:
0x191: {  	(pc) =	sbr.rel @p3 .LBB2_24-.Ltmp15, $4  }
0x192: {  	_ = 	snop  }
0x193: {  	s8 =	spop (v2sf)  }
0x194: {  	s8 =	sxor.u32 $0x80000000, s8  }
0x195: {  	v7, _, _ =	vpop (xrf0);
	s10 =	sadd.s32 s10, s8;
	s20 =	ssub.s32 s20, s8  }
.LBB2_25:
0x196: {  	v8 =	vxor.u32 $0x80000000, v7  }
0x197: {  	(xrf0) =	vmax.scan.msk.u32 $0xffff, v8;
	_ =	sdelay $0x5  }
0x198: {  	v8, _, _ =	vpop (xrf0)  }
0x199: {  	(v2sf) =	vpush v8, $0xF;
	_ =	sdelay $0x5  }
0x19a: {  	v63 =	vmov s10  }
0x19b: {  	v8 =	vadd.s32 $0xFFFFFFFF, v63  }
0x19c: {  	v8 =	vbroadcast v8, $0x0  }
0x19d: {  	s8 =	sadd.s32 @p2 $0x10, s20  }
0x19e: {  	s7 =	smov.u32 @p2 s8;
	v8 =	vadd.s32 v7, v8  }
0x19f: {  	vm2 =	vle.s32 v6, $0xFFFFFFFF;
	v7 =	vsub.s32 s7, v7  }
0x1a0: {  	s8 =	sadd.s32 @p2 $0x10, s12;
	s12 =	smov.u32 s13;
	v7 =	vadd.s32 v5, v7  }
0x1a1: {  	s12 =	smov.u32 @p2 s8  }
0x1a2: {  	v9 =	vor.u32 s12, v5  }
0x1a3: {  	[tilespmem:v8+s25+$0x0] =	vst.idx.msk vm1, v9;
	s19 =	spop (v2sf)  }
0x1a4: {  	[tilespmem:v8+s26+$0x0] =	vst.idx.msk vm1, v6;
	s8 =	sxor.u32 $0x80000000, s19  }
0x1a5: {  	[tilespmem:v7+s28+$0x0] =	vst.idx.msk vm2, v9;
	s20 =	sadd.s32 s10, s8  }
0x1a6: {  	v7 =	vld.msk [tilespmem:s25+$0x0], $0xffff;
	v6 =	vadd.s32 s20, v5;
	_ =	sdelay $0x4  }
0x1a7: {  	s10 =	simm.s32 $0x7B80;
	[tilespmem:v6+s25+$0x0] =	vst.idx.msk $0xffff, v7  }
0x1a8: {  	v7 =	vld.msk [tilespmem:s10+$0x0], $0xffff;
	_ =	sdelay $0x3  }
0x1a9: {  	s7 =	ssub.s32 s7, s8  }
0x1aa: {  	s7 =	sadd.s32 $0x10, s7;
	[tilespmem:v6+s10+$0x0] =	vst.idx.msk $0xffff, v7  }
0x1ab: {  	v6 =	vadd.s32 s7, v5;
	v7 =	vld.msk [tilespmem:s28+$0x0], $0xffff;
	_ =	sdelay $0x4  }
0x1ac: {  	s21 =	sadd.s32 $0x10, s20;
	[tilespmem:v6+s28+$0x0] =	vst.idx.msk $0xffff, v7  }
0x1ad: {  	v6 =	vadd.s32 s21, v5;
	v7 =	vld.msk [tilespmem:s25+$0x0], $0xffff;
	_ =	sdelay $0x4  }
0x1ae: {  	[tilespmem:v6+s25+$0x0] =	vst.idx.msk $0xffff, v7  }
0x1af: {  	v7 =	vld.msk [tilespmem:s10+$0x0], $0xffff;
	_ =	sdelay $0x4  }
0x1b0: {  	s24 =	sadd.s32 $0x10, s7;
	[tilespmem:v6+s10+$0x0] =	vst.idx.msk $0xffff, v7  }
0x1b1: {  	v6 =	vadd.s32 s24, v5;
	v7 =	vld.msk [tilespmem:s28+$0x0], $0xffff;
	_ =	sdelay $0x4  }
0x1b2: {  	s0 =	sadd.s32 $0x20, s20;
	[tilespmem:v6+s28+$0x0] =	vst.idx.msk $0xffff, v7  }
0x1b3: {  	v6 =	vadd.s32 s0, v5;
	v7 =	vld.msk [tilespmem:s25+$0x0], $0xffff;
	_ =	sdelay $0x4  }
0x1b4: {  	[tilespmem:v6+s25+$0x0] =	vst.idx.msk $0xffff, v7  }
0x1b5: {  	v7 =	vld.msk [tilespmem:s10+$0x0], $0xffff;
	_ =	sdelay $0x4  }
0x1b6: {  	s1 =	sadd.s32 $0x20, s7;
	[tilespmem:v6+s10+$0x0] =	vst.idx.msk $0xffff, v7  }
0x1b7: {  	v6 =	vadd.s32 s1, v5;
	v7 =	vld.msk [tilespmem:s28+$0x0], $0xffff;
	_ =	sdelay $0x3  }
0x1b8: {  	s15 =	sadd.s32 $0x3F, s20  }
0x1b9: {  	s14 =	sadd.s32 $0x30, s20;
	s12 =	sand.u32 $0x3F, s15;
	[tilespmem:v6+s28+$0x0] =	vst.idx.msk $0xffff, v7  }
0x1ba: {  	p6 =	slt.s32 s15, $0x1;
	p3 =	sne.s32 s12, $0x0;
	v6 =	vadd.s32 s14, v5;
	s14 =	sshra.s32 s15, $0x1F;
	v7 =	vld.msk [tilespmem:s25+$0x0], $0xffff  }
0x1bb: {  	p2 =	por !p6, !p3;
	s16 =	sshrl.u32 s14, $0x1A  }
0x1bc: {  	s12 =	simm.s32 $0x1;
	p2 =	por !p2, !p2;
	s8 =	sadd.s32 s16, s15  }
0x1bd: {  	s12 =	simm.s32 @!p2 $0x0;
	s21 =	sshra.s32 s8, $0x6  }
0x1be: {  	s0 =	ssub.s32 s21, s12  }
0x1bf: {  	s19 =	sshll.u32 s0, $0x6;
	[tilespmem:v6+s25+$0x0] =	vst.idx.msk $0xffff, v7  }
0x1c0: {  	s8 =	sadd.s32 $0x7F, s19;
	v7 =	vld.msk [tilespmem:s10+$0x0], $0xffff  }
0x1c1: {  	s19 =	sshra.s32 s8, $0x1F  }
0x1c2: {  	s24 =	sshrl.u32 s19, $0x19  }
0x1c3: {  	s8 =	sadd.s32 s24, s8  }
0x1c4: {  	s8 =	sshra.s32 s8, $0x7  }
0x1c5: {  	s20 =	sadd.s32 $0x30, s7;
	s14 =	sadd.s32 s19, s8;
	[tilespmem:v6+s10+$0x0] =	vst.idx.msk $0xffff, v7  }
0x1c6: {  	v6 =	vadd.s32 s20, v5;
	p3 =	slt.s32 s14, $0x1;
	v7 =	vld.msk [tilespmem:s28+$0x0], $0xffff  }
.Ltmp16:
0x1c7: {  	_ = 	snop;
	(pc) =	sbr.rel @p3 .LBB2_31-.Ltmp16, $2  }
0x1c8: {  	_ =	sdelay $0x2  }
0x1c9: {  	s19 =	simm.s32 $0x8280;
	[tilespmem:v6+s28+$0x0] =	vst.idx.msk $0xffff, v7  }
0x1ca: {  	p3 =	sne.s32 s14, $0x1  }
.Ltmp17:
0x1cb: {  	_ = 	snop;
	(pc) =	sbr.rel @!p3 .LBB2_28-.Ltmp17, $3  }
0x1cc: {  	_ =	sdelay $0x1  }
0x1cd: {  	[tilespmem:s19], [sflag:$0x2] =	stream.indirect.gather [hbm4b:s5+s30], $0x1, s10, s30, $0xb8;
	[tilespmem:$0x19820] =	vst v63  }
0x1ce: {  	s20 =	sadd.s32 $0xFFFFFFFF, s14  }
.LBB2_27:
0x1cf: {  	p3 =	sne.s32 s20, $0x1  }
.Ltmp18:
0x1d0: {  	_ = 	snop;
	(pc) =	sbr.rel @p3 .LBB2_27-.Ltmp18, $4  }
0x1d1: {  	_ = 	snop  }
0x1d2: {  	s19 =	sadd.s32 $0x80, s19;
	s10 =	sadd.s32 $0x80, s10  }
0x1d3: {  	s20 =	sadd.s32 $0xFFFFFFFF, s20  }
0x1d4: {  	[tilespmem:s19], [sflag:$0x2] =	stream.indirect.gather [hbm4b:s5+s30], $0x1, s10, s30, $0xb8;
	[tilespmem:$0x19820] =	vst v63  }
.LBB2_28:
0x1d5: {  	p3 =	sne.s32 s14, $0x1  }
.Ltmp19:
0x1d6: {  	_ = 	snop;
	(pc) =	sbr.rel @!p3 .LBB2_30-.Ltmp19, $3  }
0x1d7: {  	_ =	sdelay $0x1  }
0x1d8: {  	_ =	swait.ge [sflag:s31], $0x80  }
0x1d9: {  	s10 =	sadd.s32 $0xFFFFFFFF, s14;
	[sflag:s31] =	ssyncset.done $0x0  }
.LBB2_29:
0x1da: {  	p3 =	sne.s32 s10, $0x1;
	s10 =	sadd.s32 $0xFFFFFFFF, s10;
	[sflag:s31] =	ssyncadd.s32 $0xFFFFFF80  }
.Ltmp20:
0x1db: {  	(pc) =	sbr.rel @p3 .LBB2_29-.Ltmp20, $3  }
0x1dc: {  	_ =	sdelay $0x1  }
0x1dd: {  	_ =	swait.ge [sflag:s31], $0x80  }
0x1de: {  	[sflag:s31] =	ssyncset.done $0x0  }
.LBB2_30:
0x1df: {  	[sflag:s31] =	ssyncadd.s32 $0xFFFFFF80  }
.LBB2_31:
0x1e0: {  	s7 =	sadd.s32 $0xF, s7  }
0x1e1: {  	s8 =	sand.u32 $0xF, s7  }
0x1e2: {  	s10 =	sshra.s32 s7, $0x1F;
	p3 =	slt.s32 s7, $0x1;
	p4 =	sne.s32 s8, $0x0  }
0x1e3: {  	s24 =	sshrl.u32 s10, $0x1C;
	p3 =	por !p3, !p4  }
0x1e4: {  	s8 =	simm.s32 $0x1;
	s7 =	sadd.s32 s24, s7;
	p3 =	por !p3, !p3  }
0x1e5: {  	s7 =	sshra.s32 s7, $0x4;
	s8 =	simm.s32 @!p3 $0x0  }
0x1e6: {  	s24 =	ssub.s32 s7, s8  }
0x1e7: {  	p3 =	slt.s32 s24, $0x1  }
.Ltmp21:
0x1e8: {  	_ = 	snop;
	(pc) =	sbr.rel @p3 .LBB2_35-.Ltmp21, $2  }
0x1e9: {  	_ =	sdelay $0x2  }
0x1ea: {  	s10 =	simm.s32 $0x8980  }
0x1eb: {  	p3 =	sne.s32 s24, $0x1  }
.Ltmp22:
0x1ec: {  	_ = 	snop;
	(pc) =	sbr.rel @!p3 .LBB2_34-.Ltmp22, $2  }
0x1ed: {  	_ =	sdelay $0x2  }
0x1ee: {  	v6 =	vld [tilespmem:s10+$0x0];
	s14 =	sadd.s32 $0xFFFFFFFF, s24  }
.LBB2_33:
0x1ef: {  	p3 =	sne.s32 s14, $0x1;
	_ =	sdelay $0x3  }
.Ltmp23:
0x1f0: {  	(pc) =	sbr.rel @p3 .LBB2_33-.Ltmp23, $4  }
0x1f1: {  	_ = 	snop  }
0x1f2: {  	s10 =	sadd.s32 $0x10, s10  }
0x1f3: {  	[hbm4b:s2+s4] =	stream.indirect_vreg.scatter [tilespmem:s11], [sflag:$0x4], $0x80, v6, vm0, $0xb8;
	[tilespmem:$0x19820] =	vst v63  }
0x1f4: {  	s14 =	sadd.s32 $0xFFFFFFFF, s14;
	v6 =	vld [tilespmem:s10+$0x0]  }
.LBB2_34:
0x1f5: {  	_ =	sdelay $0x7  }
0x1f6: {  	[hbm4b:s2+s4] =	stream.indirect_vreg.scatter [tilespmem:s11], [sflag:$0x4], $0x80, v6, vm0, $0xb8;
	[tilespmem:$0x19820] =	vst v63  }
.LBB2_35:
0x1f7: {  	s8 =	sand.u32 $0x3, s0  }
0x1f8: {  	p3 =	slt.s32 s0, $0x1;
	p4 =	sne.s32 s8, $0x0  }
0x1f9: {  	s20 =	sshrl.u32 s0, $0x1E;
	p3 =	por !p3, !p4  }
0x1fa: {  	s10 =	simm.s32 $0x1;
	s8 =	sadd.s32 s20, s0;
	p3 =	por !p3, !p3  }
0x1fb: {  	s8 =	sshra.s32 s8, $0x2;
	s10 =	simm.s32 @!p3 $0x0  }
0x1fc: {  	s7 =	ssub.s32 s8, s10  }
0x1fd: {  	p3 =	slt.s32 s7, $0x1  }
.Ltmp24:
0x1fe: {  	_ = 	snop;
	(pc) =	sbr.rel @p3 .LBB2_39-.Ltmp24, $1  }
0x1ff: {  	_ =	sdelay $0x3  }
0x200: {  	[smem:$0x7E9] =	sst s24  }
0x201: {  	[smem:$0x7EA] =	sst s0  }
0x202: {  	[smem:$0x7EB] =	sst s21  }
0x203: {  	[smem:$0x7EC] =	sst s17  }
0x204: {  	[smem:$0x7ED] =	sst s7;
	s8 =	ssub.s32 $0x0, s7  }
0x205: {  	s19 =	simm.s32 $0x80;
	s20 =	simm.s32 $0x8300;
	s14 =	simm.s32 $0x0  }
0x206: {  	s24 =	simm.s32 $0x11000;
	s10 =	simm.s32 $0x7;
	s12 =	simm.s32 $0x8  }
0x207: {  	s17 =	simm.s32 $0x6;
	s21 =	simm.s32 $0xC000;
	s15 =	simm.s32 $0xB000  }
0x208: {  	s16 =	simm.s32 $0xC800;
	s1 =	simm.s32 $0x5;
	[dreg:$0x5] =	wrdreg s8  }
.LBB2_37:
0x209: {  	p3 =	sne.s32 s14, $0x0  }
0x20a: {  	s8 =	simm.s32 @p3 $0x9  }
0x20b: {  	_ =	swait.ge @p3 [sflag:s8], $0x800  }
0x20c: {  	[sflag:s8] =	ssyncset.done @p3 $0x0  }
0x20d: {  	[sflag:s8] =	ssyncadd.s32 @p3 $0xFFFFF800  }
0x20e: {  	_ =	swait.ge @p3 [sflag:s8], $0x800  }
0x20f: {  	[sflag:s8] =	ssyncset.done @p3 $0x0  }
0x210: {  	[sflag:s8] =	ssyncadd.s32 @p3 $0xFFFFF800  }
0x211: {  	_ =	swait.ge @p3 [sflag:s8], $0x800  }
0x212: {  	[sflag:s8] =	ssyncset.done @p3 $0x0  }
0x213: {  	[sflag:s8] =	ssyncadd.s32 @p3 $0xFFFFF800  }
0x214: {  	_ =	swait.ge @p3 [sflag:s8], $0x800  }
0x215: {  	s13 =	simm.s32 @p3 $0x40;
	[sflag:s8] =	ssyncset.done @p3 $0x0  }
0x216: {  	s0 =	simm.s32 @p3 $0xB000;
	[sflag:s8] =	ssyncadd.s32 @p3 $0xFFFFF800;
	s8 =	sadd.s32 @p3 $0xFFFFFF80, s20  }
0x217: {  	[tilespmem:s0], [sflag:$0x5] =	stream.indirect.gather @p3 [hbm4b:s3+s13], $0x80, s8, s13, $0xb8;
	[tilespmem:$0x19820] =	vst v63  }
0x218: {  	s0 =	simm.s32 @p3 $0xA  }
0x219: {  	_ =	swait.ge @p3 [sflag:s0], $0x800  }
0x21a: {  	[sflag:s0] =	ssyncset.done @p3 $0x0  }
0x21b: {  	[sflag:s0] =	ssyncadd.s32 @p3 $0xFFFFF800  }
0x21c: {  	_ =	swait.ge @p3 [sflag:s0], $0x800  }
0x21d: {  	[sflag:s0] =	ssyncset.done @p3 $0x0  }
0x21e: {  	[sflag:s0] =	ssyncadd.s32 @p3 $0xFFFFF800  }
0x21f: {  	_ =	swait.ge @p3 [sflag:s0], $0x800  }
0x220: {  	[sflag:s0] =	ssyncset.done @p3 $0x0  }
0x221: {  	[sflag:s0] =	ssyncadd.s32 @p3 $0xFFFFF800  }
0x222: {  	_ =	swait.ge @p3 [sflag:s0], $0x800  }
0x223: {  	[sflag:s0] =	ssyncset.done @p3 $0x0  }
0x224: {  	s7 =	simm.s32 @p3 $0xD000;
	[sflag:s0] =	ssyncadd.s32 @p3 $0xFFFFF800;
	s0 =	sadd.s32 @p3 $0xFFFFFFC0, s20  }
0x225: {  	[tilespmem:s7], [sflag:$0x6] =	stream.indirect.gather @p3 [hbm4b:s3+s13], $0x80, s0, s13, $0xb8;
	[tilespmem:$0x19820] =	vst v63  }
0x226: {  	s0 =	simm.s32 @p3 $0xB  }
0x227: {  	_ =	swait.ge @p3 [sflag:s0], $0x800  }
0x228: {  	[sflag:s0] =	ssyncset.done @p3 $0x0  }
0x229: {  	[sflag:s0] =	ssyncadd.s32 @p3 $0xFFFFF800  }
0x22a: {  	_ =	swait.ge @p3 [sflag:s0], $0x800  }
0x22b: {  	[sflag:s0] =	ssyncset.done @p3 $0x0  }
0x22c: {  	[sflag:s0] =	ssyncadd.s32 @p3 $0xFFFFF800  }
0x22d: {  	_ =	swait.ge @p3 [sflag:s0], $0x800  }
0x22e: {  	[sflag:s0] =	ssyncset.done @p3 $0x0  }
0x22f: {  	[sflag:s0] =	ssyncadd.s32 @p3 $0xFFFFF800  }
0x230: {  	_ =	swait.ge @p3 [sflag:s0], $0x800  }
0x231: {  	[sflag:s0] =	ssyncset.done @p3 $0x0  }
0x232: {  	[sflag:s0] =	ssyncadd.s32 @p3 $0xFFFFF800;
	s0 =	simm.s32 @p3 $0xF000  }
0x233: {  	[tilespmem:s0], [sflag:$0x7] =	stream.indirect.gather @p3 [hbm4b:s3+s13], $0x80, s20, s13, $0xb8;
	[tilespmem:$0x19820] =	vst v63  }
0x234: {  	s0 =	simm.s32 @p3 $0xC  }
0x235: {  	_ =	swait.ge @p3 [sflag:s0], $0x800  }
0x236: {  	[sflag:s0] =	ssyncset.done @p3 $0x0  }
0x237: {  	[sflag:s0] =	ssyncadd.s32 @p3 $0xFFFFF800  }
0x238: {  	_ =	swait.ge @p3 [sflag:s0], $0x800  }
0x239: {  	[sflag:s0] =	ssyncset.done @p3 $0x0  }
0x23a: {  	[sflag:s0] =	ssyncadd.s32 @p3 $0xFFFFF800  }
0x23b: {  	_ =	swait.ge @p3 [sflag:s0], $0x800  }
0x23c: {  	[sflag:s0] =	ssyncset.done @p3 $0x0  }
0x23d: {  	[sflag:s0] =	ssyncadd.s32 @p3 $0xFFFFF800  }
0x23e: {  	_ =	swait.ge @p3 [sflag:s0], $0x800  }
0x23f: {  	s7 =	simm.s32 @!p3 $0x8280;
	[sflag:s0] =	ssyncset.done @p3 $0x0  }
0x240: {  	s13 =	simm.s32 @!p3 $0xB000;
	[sflag:s0] =	ssyncadd.s32 @p3 $0xFFFFF800;
	s0 =	simm.s32 @!p3 $0x40  }
0x241: {  	[tilespmem:s13], [sflag:$0x5] =	stream.indirect.gather @!p3 [hbm4b:s3+s0], $0x80, s7, s0, $0xb8;
	[tilespmem:$0x19820] =	vst v63  }
0x242: {  	s7 =	simm.s32 @!p3 $0x82C0;
	s13 =	simm.s32 @!p3 $0xD000  }
0x243: {  	[tilespmem:s13], [sflag:$0x6] =	stream.indirect.gather @!p3 [hbm4b:s3+s0], $0x80, s7, s0, $0xb8;
	[tilespmem:$0x19820] =	vst v63  }
0x244: {  	s8 =	simm.s32 @!p3 $0x8280;
	s7 =	simm.s32 @!p3 $0x8300;
	s13 =	simm.s32 @!p3 $0xF000  }
0x245: {  	[tilespmem:s13], [sflag:$0x7] =	stream.indirect.gather @!p3 [hbm4b:s3+s0], $0x80, s7, s0, $0xb8;
	[tilespmem:$0x19820] =	vst v63  }
0x246: {  	s7 =	sadd.s32 $0xC0, s8;
	s8 =	simm.s32 $0x40  }
0x247: {  	[tilespmem:s24], [sflag:$0x8] =	stream.indirect.gather [hbm4b:s3+s8], $0x80, s7, s8, $0xb8;
	[tilespmem:$0x19820] =	vst v63  }
0x248: {  	_ =	swait.ge [sflag:s1], $0x2000  }
0x249: {  	s0 =	sadd.s32 @p3 $0xFFFFFF80, s19;
	[sflag:s1] =	ssyncset.done $0x0  }
0x24a: {  	s0 =	simm.s32 @!p3 $0x0;
	[sflag:s1] =	ssyncadd.s32 $0xFFFFE000  }
0x24b: {  	v6 =	vld [tilespmem:s0+$0x7500];
	_ =	sdelay $0x7  }
0x24c: {  	[hbm4b:s2+s4] =	stream.indirect_vreg.scatter [tilespmem:s15], [sflag:$0x9], $0x80, v6, vm0, $0xb8;
	[tilespmem:$0x19820] =	vst v63  }
0x24d: {  	v6 =	vld [tilespmem:s0+$0x7510];
	_ =	sdelay $0x6  }
0x24e: {  	s13 =	simm.s32 $0xB800  }
0x24f: {  	[hbm4b:s2+s4] =	stream.indirect_vreg.scatter [tilespmem:s13], [sflag:$0x9], $0x80, v6, vm0, $0xb8;
	[tilespmem:$0x19820] =	vst v63  }
0x250: {  	v6 =	vld [tilespmem:s0+$0x7520];
	_ =	sdelay $0x7  }
0x251: {  	[hbm4b:s2+s4] =	stream.indirect_vreg.scatter [tilespmem:s21], [sflag:$0x9], $0x80, v6, vm0, $0xb8;
	[tilespmem:$0x19820] =	vst v63  }
0x252: {  	v6 =	vld [tilespmem:s0+$0x7530];
	_ =	sdelay $0x7  }
0x253: {  	[hbm4b:s2+s4] =	stream.indirect_vreg.scatter [tilespmem:s16], [sflag:$0x9], $0x80, v6, vm0, $0xb8;
	[tilespmem:$0x19820] =	vst v63  }
0x254: {  	_ =	swait.ge [sflag:s17], $0x2000  }
0x255: {  	[sflag:s17] =	ssyncset.done $0x0  }
0x256: {  	[sflag:s17] =	ssyncadd.s32 $0xFFFFE000  }
0x257: {  	v6 =	vld [tilespmem:s0+$0x7540];
	_ =	sdelay $0x6  }
0x258: {  	s8 =	rddreg [dreg:$0x6]  }
0x259: {  	[hbm4b:s2+s4] =	stream.indirect_vreg.scatter [tilespmem:s8], [sflag:$0xA], $0x80, v6, vm0, $0xb8;
	[tilespmem:$0x19820] =	vst v63  }
0x25a: {  	v6 =	vld [tilespmem:s0+$0x7550];
	_ =	sdelay $0x6  }
0x25b: {  	s13 =	rddreg [dreg:$0x7]  }
0x25c: {  	[hbm4b:s2+s4] =	stream.indirect_vreg.scatter [tilespmem:s13], [sflag:$0xA], $0x80, v6, vm0, $0xb8;
	[tilespmem:$0x19820] =	vst v63  }
0x25d: {  	v6 =	vld [tilespmem:s0+$0x7560];
	_ =	sdelay $0x6  }
0x25e: {  	s8 =	rddreg [dreg:$0x8]  }
0x25f: {  	[hbm4b:s2+s4] =	stream.indirect_vreg.scatter [tilespmem:s8], [sflag:$0xA], $0x80, v6, vm0, $0xb8;
	[tilespmem:$0x19820] =	vst v63  }
0x260: {  	v6 =	vld [tilespmem:s0+$0x7570];
	_ =	sdelay $0x6  }
0x261: {  	s13 =	rddreg [dreg:$0x9]  }
0x262: {  	[hbm4b:s2+s4] =	stream.indirect_vreg.scatter [tilespmem:s13], [sflag:$0xA], $0x80, v6, vm0, $0xb8;
	[tilespmem:$0x19820] =	vst v63  }
0x263: {  	_ =	swait.ge [sflag:s10], $0x2000  }
0x264: {  	s7 =	smov.u32 s19;
	[sflag:s10] =	ssyncset.done $0x0  }
0x265: {  	s7 =	simm.s32 @!p3 $0x80;
	[sflag:s10] =	ssyncadd.s32 $0xFFFFE000  }
0x266: {  	v6 =	vld [tilespmem:s7+$0x7500];
	_ =	sdelay $0x6  }
0x267: {  	s8 =	rddreg [dreg:$0xa]  }
0x268: {  	[hbm4b:s2+s4] =	stream.indirect_vreg.scatter [tilespmem:s8], [sflag:$0xB], $0x80, v6, vm0, $0xb8;
	[tilespmem:$0x19820] =	vst v63  }
0x269: {  	v6 =	vld [tilespmem:s0+$0x7590];
	_ =	sdelay $0x6  }
0x26a: {  	s13 =	rddreg [dreg:$0xb]  }
0x26b: {  	[hbm4b:s2+s4] =	stream.indirect_vreg.scatter [tilespmem:s13], [sflag:$0xB], $0x80, v6, vm0, $0xb8;
	[tilespmem:$0x19820] =	vst v63  }
0x26c: {  	v6 =	vld [tilespmem:s0+$0x75A0];
	_ =	sdelay $0x6  }
0x26d: {  	s8 =	rddreg [dreg:$0xc]  }
0x26e: {  	[hbm4b:s2+s4] =	stream.indirect_vreg.scatter [tilespmem:s8], [sflag:$0xB], $0x80, v6, vm0, $0xb8;
	[tilespmem:$0x19820] =	vst v63  }
0x26f: {  	v6 =	vld [tilespmem:s0+$0x75B0];
	_ =	sdelay $0x6  }
0x270: {  	s13 =	rddreg [dreg:$0xd]  }
0x271: {  	[hbm4b:s2+s4] =	stream.indirect_vreg.scatter [tilespmem:s13], [sflag:$0xB], $0x80, v6, vm0, $0xb8;
	[tilespmem:$0x19820] =	vst v63  }
0x272: {  	_ =	swait.ge [sflag:s12], $0x2000  }
0x273: {  	[sflag:s12] =	ssyncset.done $0x0  }
0x274: {  	[sflag:s12] =	ssyncadd.s32 $0xFFFFE000  }
0x275: {  	v6 =	vld [tilespmem:s0+$0x75C0];
	_ =	sdelay $0x7  }
0x276: {  	[hbm4b:s2+s4] =	stream.indirect_vreg.scatter [tilespmem:s24], [sflag:$0xC], $0x80, v6, vm0, $0xb8;
	[tilespmem:$0x19820] =	vst v63  }
0x277: {  	v6 =	vld [tilespmem:s0+$0x75D0];
	_ =	sdelay $0x6  }
0x278: {  	s8 =	rddreg [dreg:$0xe]  }
0x279: {  	[hbm4b:s2+s4] =	stream.indirect_vreg.scatter [tilespmem:s8], [sflag:$0xC], $0x80, v6, vm0, $0xb8;
	[tilespmem:$0x19820] =	vst v63  }
0x27a: {  	v6 =	vld [tilespmem:s0+$0x75E0];
	_ =	sdelay $0x6  }
0x27b: {  	s13 =	rddreg [dreg:$0xf]  }
0x27c: {  	[hbm4b:s2+s4] =	stream.indirect_vreg.scatter [tilespmem:s13], [sflag:$0xC], $0x80, v6, vm0, $0xb8;
	[tilespmem:$0x19820] =	vst v63  }
0x27d: {  	v6 =	vld [tilespmem:s0+$0x75F0];
	_ =	sdelay $0x1  }
0x27e: {  	s14 =	sadd.s32 $0xFFFFFFFF, s14;
	s13 =	rddreg [dreg:$0x5]  }
0x27f: {  	p3 =	sne.s32 s13, s14  }
.Ltmp25:
0x280: {  	_ = 	snop;
	(pc) =	sbr.rel @p3 .LBB2_37-.Ltmp25, $3  }
0x281: {  	_ =	sdelay $0x1  }
0x282: {  	s20 =	sadd.s32 $0x100, s20;
	s19 =	sadd.s32 $0x100, s19;
	s8 =	rddreg [dreg:$0x10]  }
0x283: {  	[hbm4b:s2+s4] =	stream.indirect_vreg.scatter [tilespmem:s8], [sflag:$0xC], $0x80, v6, vm0, $0xb8;
	[tilespmem:$0x19820] =	vst v63  }
0x284: {  	_ =	swait.ge [sflag:s9], $0x800  }
0x285: {  	[sflag:s9] =	ssyncset.done $0x0  }
0x286: {  	[sflag:s9] =	ssyncadd.s32 $0xFFFFF800  }
0x287: {  	_ =	swait.ge [sflag:s9], $0x800  }
0x288: {  	[sflag:s9] =	ssyncset.done $0x0  }
0x289: {  	[sflag:s9] =	ssyncadd.s32 $0xFFFFF800  }
0x28a: {  	_ =	swait.ge [sflag:s9], $0x800  }
0x28b: {  	[sflag:s9] =	ssyncset.done $0x0  }
0x28c: {  	[sflag:s9] =	ssyncadd.s32 $0xFFFFF800  }
0x28d: {  	_ =	swait.ge [sflag:s9], $0x800  }
0x28e: {  	[sflag:s9] =	ssyncset.done $0x0  }
0x28f: {  	s0 =	simm.s32 $0xA;
	[sflag:s9] =	ssyncadd.s32 $0xFFFFF800  }
0x290: {  	_ =	swait.ge [sflag:s0], $0x800  }
0x291: {  	[sflag:s0] =	ssyncset.done $0x0  }
0x292: {  	[sflag:s0] =	ssyncadd.s32 $0xFFFFF800  }
0x293: {  	_ =	swait.ge [sflag:s0], $0x800  }
0x294: {  	[sflag:s0] =	ssyncset.done $0x0  }
0x295: {  	[sflag:s0] =	ssyncadd.s32 $0xFFFFF800  }
0x296: {  	_ =	swait.ge [sflag:s0], $0x800  }
0x297: {  	[sflag:s0] =	ssyncset.done $0x0  }
0x298: {  	[sflag:s0] =	ssyncadd.s32 $0xFFFFF800  }
0x299: {  	_ =	swait.ge [sflag:s0], $0x800  }
0x29a: {  	[sflag:s0] =	ssyncset.done $0x0  }
0x29b: {  	s21 =	simm.s32 $0xB;
	[sflag:s0] =	ssyncadd.s32 $0xFFFFF800  }
0x29c: {  	_ =	swait.ge [sflag:s21], $0x800  }
0x29d: {  	[sflag:s21] =	ssyncset.done $0x0  }
0x29e: {  	[sflag:s21] =	ssyncadd.s32 $0xFFFFF800  }
0x29f: {  	_ =	swait.ge [sflag:s21], $0x800  }
0x2a0: {  	[sflag:s21] =	ssyncset.done $0x0  }
0x2a1: {  	[sflag:s21] =	ssyncadd.s32 $0xFFFFF800  }
0x2a2: {  	_ =	swait.ge [sflag:s21], $0x800  }
0x2a3: {  	[sflag:s21] =	ssyncset.done $0x0  }
0x2a4: {  	[sflag:s21] =	ssyncadd.s32 $0xFFFFF800  }
0x2a5: {  	_ =	swait.ge [sflag:s21], $0x800  }
0x2a6: {  	[sflag:s21] =	ssyncset.done $0x0  }
0x2a7: {  	s24 =	simm.s32 $0xC;
	[sflag:s21] =	ssyncadd.s32 $0xFFFFF800  }
0x2a8: {  	_ =	swait.ge [sflag:s24], $0x800  }
0x2a9: {  	[sflag:s24] =	ssyncset.done $0x0  }
0x2aa: {  	[sflag:s24] =	ssyncadd.s32 $0xFFFFF800  }
0x2ab: {  	_ =	swait.ge [sflag:s24], $0x800  }
0x2ac: {  	[sflag:s24] =	ssyncset.done $0x0  }
0x2ad: {  	[sflag:s24] =	ssyncadd.s32 $0xFFFFF800  }
0x2ae: {  	_ =	swait.ge [sflag:s24], $0x800  }
0x2af: {  	[sflag:s24] =	ssyncset.done $0x0  }
0x2b0: {  	[sflag:s24] =	ssyncadd.s32 $0xFFFFF800  }
0x2b1: {  	_ =	swait.ge [sflag:s24], $0x800  }
0x2b2: {  	s13 =	sld [smem:$0x7FD]  }
0x2b3: {  	s17 =	sld [smem:$0x7EC]  }
0x2b4: {  	s21 =	sld [smem:$0x7EB]  }
0x2b5: {  	s0 =	sld [smem:$0x7EA]  }
0x2b6: {  	[sflag:s24] =	ssyncset.done $0x0;
	s7 =	sld [smem:$0x7ED]  }
0x2b7: {  	[sflag:s24] =	ssyncadd.s32 $0xFFFFF800;
	s24 =	sld [smem:$0x7E9]  }
.LBB2_39:
0x2b8: {  	_ = 	snop  }
0x2b9: {  	s14 =	sshll.u32 s7, $0x2  }
0x2ba: {  	p3 =	sge.s32 s14, s0  }
.Ltmp26:
0x2bb: {  	_ = 	snop;
	(pc) =	sbr.rel @p3 .LBB2_42-.Ltmp26, $3  }
0x2bc: {  	_ =	sdelay $0x1  }
0x2bd: {  	s8 =	simm.s32 $0x40;
	s19 =	simm.s32 $0xB800;
	s20 =	simm.s32 $0xC000  }
0x2be: {  	s15 =	simm.s32 $0xB000;
	s16 =	simm.s32 $0xC800;
	s1 =	simm.s32 $0x5  }
0x2bf: {  	s0 =	simm.s32 $0xFFFFFFFF  }
0x2c0: {  	s7 =	sshll.u32 s7, $0xA;
	s0 =	simm.s32 @!p2 $0x0  }
0x2c1: {  	s7 =	sshra.s32 s7, $0x2;
	s0 =	sadd.s32 s0, s21  }
0x2c2: {  	s12 =	sadd.s32 $0x8280, s7;
	s10 =	ssub.s32 s0, s14;
	s14 =	sadd.s32 $0x7520, s7  }
.LBB2_41:
0x2c3: {  	[tilespmem:s15], [sflag:$0x5] =	stream.indirect.gather [hbm4b:s3+s8], $0x80, s12, s8, $0xb8;
	[tilespmem:$0x19820] =	vst v63  }
0x2c4: {  	_ =	swait.ge [sflag:s1], $0x2000  }
0x2c5: {  	[sflag:s1] =	ssyncset.done $0x0  }
0x2c6: {  	[sflag:s1] =	ssyncadd.s32 $0xFFFFE000  }
0x2c7: {  	v6 =	vld [tilespmem:s14+$0xFFFFFFE0];
	_ =	sdelay $0x7  }
0x2c8: {  	[hbm4b:s2+s4] =	stream.indirect_vreg.scatter [tilespmem:s15], [sflag:$0x9], $0x80, v6, vm0, $0xb8;
	[tilespmem:$0x19820] =	vst v63  }
0x2c9: {  	v6 =	vld [tilespmem:s14+$0xFFFFFFF0];
	_ =	sdelay $0x7  }
0x2ca: {  	[hbm4b:s2+s4] =	stream.indirect_vreg.scatter [tilespmem:s19], [sflag:$0x9], $0x80, v6, vm0, $0xb8;
	[tilespmem:$0x19820] =	vst v63  }
0x2cb: {  	v6 =	vld [tilespmem:s14+$0x0];
	_ =	sdelay $0x7  }
0x2cc: {  	[hbm4b:s2+s4] =	stream.indirect_vreg.scatter [tilespmem:s20], [sflag:$0x9], $0x80, v6, vm0, $0xb8;
	[tilespmem:$0x19820] =	vst v63  }
0x2cd: {  	v6 =	vld [tilespmem:s14+$0x10];
	_ =	sdelay $0x7  }
0x2ce: {  	[hbm4b:s2+s4] =	stream.indirect_vreg.scatter [tilespmem:s16], [sflag:$0x9], $0x80, v6, vm0, $0xb8;
	[tilespmem:$0x19820] =	vst v63  }
0x2cf: {  	_ =	swait.ge [sflag:s9], $0x800  }
0x2d0: {  	[sflag:s9] =	ssyncset.done $0x0  }
0x2d1: {  	[sflag:s9] =	ssyncadd.s32 $0xFFFFF800  }
0x2d2: {  	_ =	swait.ge [sflag:s9], $0x800  }
0x2d3: {  	[sflag:s9] =	ssyncset.done $0x0  }
0x2d4: {  	[sflag:s9] =	ssyncadd.s32 $0xFFFFF800  }
0x2d5: {  	p2 =	seq.s32 s10, $0x1;
	_ =	swait.ge [sflag:s9], $0x800  }
.Ltmp27:
0x2d6: {  	[sflag:s9] =	ssyncset.done $0x0;
	(pc) =	sbr.rel @!p2 .LBB2_41-.Ltmp27, $4  }
0x2d7: {  	[sflag:s9] =	ssyncadd.s32 $0xFFFFF800  }
0x2d8: {  	_ =	swait.ge [sflag:s9], $0x800  }
0x2d9: {  	s12 =	sadd.s32 $0x40, s12;
	[sflag:s9] =	ssyncset.done $0x0  }
0x2da: {  	s10 =	sadd.s32 $0xFFFFFFFF, s10;
	s14 =	sadd.s32 $0x40, s14;
	[sflag:s9] =	ssyncadd.s32 $0xFFFFF800  }
.LBB2_42:
0x2db: {  	p2 =	sgt.s32 s24, $0x0  }
.Ltmp28:
0x2dc: {  	_ = 	snop;
	(pc) =	sbr.rel @!p2 .LBB2_43-.Ltmp28, $2  }
0x2dd: {  	_ =	sdelay $0x2  }
0x2de: {  	s8 =	simm.s32 $0xD  }
0x2df: {  	p2 =	seq.s32 s24, $0x1  }
.Ltmp29:
0x2e0: {  	_ = 	snop;
	(pc) =	sbr.rel @p2 .LBB2_49-.Ltmp29, $3  }
0x2e1: {  	_ =	sdelay $0x1  }
0x2e2: {  	_ =	swait.ge [sflag:s23], $0x800  }
0x2e3: {  	s7 =	sadd.s32 $0xFFFFFFFF, s24;
	[sflag:s23] =	ssyncset.done $0x0  }
.LBB2_48:
0x2e4: {  	p2 =	seq.s32 s7, $0x1;
	s7 =	sadd.s32 $0xFFFFFFFF, s7;
	[sflag:s23] =	ssyncadd.s32 $0xFFFFF800  }
.Ltmp30:
0x2e5: {  	(pc) =	sbr.rel @!p2 .LBB2_48-.Ltmp30, $3  }
0x2e6: {  	_ =	sdelay $0x1  }
0x2e7: {  	_ =	swait.ge [sflag:s23], $0x800  }
0x2e8: {  	[sflag:s23] =	ssyncset.done $0x0  }
.LBB2_49:
0x2e9: {  	[sflag:s23] =	ssyncadd.s32 $0xFFFFF800  }
.LBB2_43:
0x2ea: {  	_ =	swait.ge [sflag:s29], $0x2000  }
0x2eb: {  	[sflag:s29] =	ssyncset.done $0x0  }
0x2ec: {  	[sflag:s29] =	ssyncadd.s32 $0xFFFFE000  }
0x2ed: {  	_ =	swait.ge [sflag:s29], $0x2000  }
0x2ee: {  	[sflag:s29] =	ssyncset.done $0x0  }
0x2ef: {  	[sflag:s29] =	ssyncadd.s32 $0xFFFFE000  }
0x2f0: {  	_ =	swait.ge [sflag:s29], $0x2000  }
0x2f1: {  	[sflag:s29] =	ssyncset.done $0x0  }
0x2f2: {  	[sflag:s29] =	ssyncadd.s32 $0xFFFFE000  }
0x2f3: {  	_ =	swait.ge [sflag:s29], $0x2000  }
0x2f4: {  	[sflag:s29] =	ssyncset.done $0x0  }
0x2f5: {  	[sflag:s29] =	ssyncadd.s32 $0xFFFFE000  }
0x2f6: {  	_ =	swait.ge [sflag:s29], $0x2000  }
0x2f7: {  	[sflag:s29] =	ssyncset.done $0x0  }
0x2f8: {  	[sflag:s29] =	ssyncadd.s32 $0xFFFFE000  }
0x2f9: {  	_ =	swait.ge [sflag:s29], $0x2000  }
0x2fa: {  	[sflag:s29] =	ssyncset.done $0x0  }
0x2fb: {  	[sflag:s29] =	ssyncadd.s32 $0xFFFFE000  }
0x2fc: {  	_ =	swait.ge [sflag:s29], $0x2000  }
0x2fd: {  	[sflag:s29] =	ssyncset.done $0x0  }
0x2fe: {  	[sflag:s29] =	ssyncadd.s32 $0xFFFFE000  }
0x2ff: {  	_ =	swait.ge [sflag:s29], $0x2000  }
0x300: {  	[sflag:s29] =	ssyncset.done $0x0  }
0x301: {  	[sflag:s29] =	ssyncadd.s32 $0xFFFFE000  }
0x302: {  	_ =	swait.ge [sflag:s29], $0x2000  }
0x303: {  	[sflag:s29] =	ssyncset.done $0x0  }
0x304: {  	[sflag:s29] =	ssyncadd.s32 $0xFFFFE000  }
0x305: {  	_ =	swait.ge [sflag:s29], $0x2000  }
0x306: {  	[sflag:s29] =	ssyncset.done $0x0  }
0x307: {  	[sflag:s29] =	ssyncadd.s32 $0xFFFFE000  }
0x308: {  	_ =	swait.ge [sflag:s29], $0x2000  }
0x309: {  	[sflag:s29] =	ssyncset.done $0x0  }
0x30a: {  	[sflag:s29] =	ssyncadd.s32 $0xFFFFE000  }
0x30b: {  	_ =	swait.ge [sflag:s29], $0x2000  }
0x30c: {  	[sflag:s29] =	ssyncset.done $0x0  }
0x30d: {  	[sflag:s29] =	ssyncadd.s32 $0xFFFFE000  }
0x30e: {  	_ =	swait.ge [sflag:s29], $0x2000  }
0x30f: {  	[sflag:s29] =	ssyncset.done $0x0  }
0x310: {  	[sflag:s29] =	ssyncadd.s32 $0xFFFFE000  }
0x311: {  	_ =	swait.ge [sflag:s29], $0x2000  }
0x312: {  	[sflag:s29] =	ssyncset.done $0x0  }
0x313: {  	[sflag:s29] =	ssyncadd.s32 $0xFFFFE000  }
0x314: {  	_ =	swait.ge [sflag:s29], $0x2000  }
0x315: {  	[sflag:s29] =	ssyncset.done $0x0  }
0x316: {  	[sflag:s29] =	ssyncadd.s32 $0xFFFFE000  }
0x317: {  	_ =	swait.ge [sflag:s29], $0x2000  }
0x318: {  	[sflag:s29] =	ssyncset.done $0x0  }
0x319: {  	[sflag:s29] =	ssyncadd.s32 $0xFFFFE000  }
0x31a: {  	_ =	swait.ge [sflag:s29], $0x2000  }
0x31b: {  	[sflag:s29] =	ssyncset.done $0x0  }
0x31c: {  	[sflag:s29] =	ssyncadd.s32 $0xFFFFE000  }
0x31d: {  	_ =	swait.ge [sflag:s29], $0x2000  }
0x31e: {  	[sflag:s29] =	ssyncset.done $0x0  }
0x31f: {  	[sflag:s29] =	ssyncadd.s32 $0xFFFFE000  }
0x320: {  	_ =	swait.ge [sflag:s29], $0x2000  }
0x321: {  	[sflag:s29] =	ssyncset.done $0x0  }
0x322: {  	[sflag:s29] =	ssyncadd.s32 $0xFFFFE000  }
0x323: {  	_ =	swait.ge [sflag:s29], $0x2000  }
0x324: {  	[sflag:s29] =	ssyncset.done $0x0  }
0x325: {  	[sflag:s29] =	ssyncadd.s32 $0xFFFFE000  }
0x326: {  	_ =	swait.ge [sflag:s29], $0x2000  }
0x327: {  	[sflag:s29] =	ssyncset.done $0x0  }
0x328: {  	[sflag:s29] =	ssyncadd.s32 $0xFFFFE000  }
0x329: {  	_ =	swait.ge [sflag:s29], $0x2000  }
0x32a: {  	[sflag:s29] =	ssyncset.done $0x0  }
0x32b: {  	[sflag:s29] =	ssyncadd.s32 $0xFFFFE000  }
0x32c: {  	_ =	swait.ge [sflag:s29], $0x2000  }
0x32d: {  	[sflag:s29] =	ssyncset.done $0x0  }
0x32e: {  	[sflag:s29] =	ssyncadd.s32 $0xFFFFE000  }
0x32f: {  	_ =	swait.ge [sflag:s29], $0x2000  }
.Ltmp31:
0x330: {  	[sflag:s29] =	ssyncset.done $0x0;
	(pc) =	sbr.rel @!p1 .LBB2_45-.Ltmp31, $4  }
0x331: {  	[sflag:s29] =	ssyncadd.s32 $0xFFFFE000  }
0x332: {  	_ =	swait.ge [sflag:s29], $0x800  }
0x333: {  	s0 =	rddreg [dreg:$0x16]  }
0x334: {  	[sflag:s29] =	ssyncset.done $0x0;
	s7 =	sadd.s32 $0xFFFFFFFF, s0  }
.LBB2_44:
0x335: {  	p1 =	sne.s32 s7, $0x1;
	s7 =	sadd.s32 $0xFFFFFFFF, s7;
	[sflag:s29] =	ssyncadd.s32 $0xFFFFF800  }
.Ltmp32:
0x336: {  	(pc) =	sbr.rel @p1 .LBB2_44-.Ltmp32, $3  }
0x337: {  	_ =	sdelay $0x1  }
0x338: {  	_ =	swait.ge [sflag:s29], $0x800  }
0x339: {  	[sflag:s29] =	ssyncset.done $0x0  }
.LBB2_45:
0x33a: {  	s17 =	sadd.s32 $0x1, s17;
	s0 =	rddreg [dreg:$0x1b]  }
0x33b: {  	p1 =	sne.s32 s17, s0  }
.Ltmp33:
0x33c: {  	_ = 	snop;
	(pc) =	sbr.rel @p1 .LBB2_1-.Ltmp33, $4  }
.Ltmp34:
0x33d: {  	_ = 	snop;
	(pc) =	sbr.rel @!p1 .LBB2_46-.Ltmp34, $4  }
0x33e: {  	_ = 	snop  }
0x33f: {  	_ = 	snop  }
0x340: {  	[sflag:s29] =	ssyncadd.s32 $0xFFFFF800  }
0x341: {  	_ = 	snop  }
.LBB2_6:
.Ltmp35:
0x342: {  	(pc) =	sbr.rel .LBB2_8-.Ltmp35, $2  }
0x343: {  	_ =	sdelay $0x2  }
0x344: {  	s14 =	rddreg [dreg:$0x1c]  }
.LBB2_21:
.Ltmp36:
0x345: {  	(pc) =	sbr.rel .LBB2_25-.Ltmp36, $2  }
0x346: {  	_ =	sdelay $0x2  }
0x347: {  	s10 =	simm.s32 $0x0;
	s12 =	smov.u32 s13  }
.LBB2_23:
.Ltmp37:
0x348: {  	(pc) =	sbr.rel .LBB2_25-.Ltmp37, $2  }
0x349: {  	_ =	sdelay $0x2  }
0x34a: {  	s12 =	smov.u32 s13  }
.LBB2_46:
0x34b: {  	_ =	sfence.sel $0x180000  }
0x34c: {  	[bflag:$0x0] =	sbarrier.arrive $0xFFFF  }
0x34d: {  	_ =	strace $0x90000047  }
0x34e: {  	s0 =	stileid.u32;
	[bflag:$0x2] =	sbarrier.arrive $0xFFFF  }
0x34f: {  	p0 =	sne.s32 s0, $0x0;
	s0 =	rddreg [dreg:$0x4]  }
0x350: {  	s0 =	sadd.s32 @!p0 $0x100000, s0  }
0x351: {  	[sflag:s0] =	ssyncadd.tile.s32 @!p0 $0x1;
	_ =	shalt  }
.Lfunc_end2:
_tile_overlayer_lowered:
.L_overlay_start_2:
0x352: {  	(tag) =	ssettag $0x2  }
0x353: {  	s0 =	rddreg [dreg:$0x0];
	s2 =	stileid.u32  }
0x354: {  	s1 =	rddreg [dreg:$0x1];
	p0 =	sne.s32 s2, $0x0  }
0x355: {  	s3 =	rddreg [dreg:$0x2];
	[bflag:$0x3] =	sbarrier.arrive $0xFFFF;
	s2 =	simm.s32 @!p0 $0x1C0D  }
0x356: {  	[timem:s3], [sflag:s2] =	dma.local @!p0 [hbm:s0], s1  }
0x357: {  	s0 =	simm.s32 @!p0 $0xD  }
0x358: {  	_ =	swait.ge @!p0 [sflag:s0], s1  }
0x359: {  	s1 =	ssub.s32 @!p0 $0x0, s1;
	[sflag:s0] =	ssyncset.done @!p0 $0x0  }
0x35a: {  	[sflag:s0] =	ssyncadd.s32 @!p0 s1  }
0x35b: {  	[bflag:$0x3] =	sbarrier.arrive $0xFFFF  }
0x35c: {  	_ =	shalt  }

</sc_bundles>
